<compile_context>
chip_gen: v7x
topology: tpu7x:2x2x1
jax: 0.10.2.dev20260603
libtpu: 0.0.44.dev20260713+nightly
codegen_flags: <defaults>
</compile_context>

<pallas_src>
import functools

import jax
import jax.numpy as jnp
from jax import lax
from jax.experimental import pallas as pl
from jax.experimental.pallas import tpu as pltpu
from jax.experimental.pallas import tpu_sc as plsc

_EPS = 1e-5
_OFFSET_RANGE = 2.0
_SEG = 8
_TC_T = 8192
_CH = 1024
_LANES = 16


def _mlp_seg_kernel(nblk, nvox, x_ref, vb_ref, pts_ref, w1_ref, w2_ref, wf_ref,
                    wh_ref, g1_ref, b1_ref, g2_ref, b2_ref, bf_ref, bh_ref,
                    mean_ref, cnt_ref, loss_ref, pb_ref):
    i = pl.program_id(0)
    pb_ref[...] = pts_ref[0, :]
    inv_std = 1.0 / jnp.sqrt(1.0 + _EPS)
    x = x_ref[...]
    h = jnp.dot(w1_ref[...], x, preferred_element_type=jnp.float32)
    h = jnp.maximum(h * (g1_ref[...] * inv_std) + b1_ref[...], 0.0)
    h = jnp.dot(w2_ref[...], h, preferred_element_type=jnp.float32)
    h = jnp.maximum(h * (g2_ref[...] * inv_std) + b2_ref[...], 0.0)
    col = lax.broadcasted_iota(jnp.int32, (1, _TC_T), 1) + i * _TC_T
    valid = col < nvox
    off = jnp.tanh(jnp.dot(wh_ref[...], h, preferred_element_type=jnp.float32)
                   + bh_ref[...]) * _OFFSET_RANGE
    loss_part = jnp.sum(jnp.abs(jnp.where(valid, off, 0.0)))
    aligned = jnp.dot(wf_ref[...], h, preferred_element_type=jnp.float32) + bf_ref[...]
    aligned = jnp.where(valid, aligned, 0.0)
    vb = vb_ref[0:1, :]
    seg_iota = lax.broadcasted_iota(jnp.int32, (_SEG, _TC_T), 0)
    oh = ((vb == seg_iota) & valid).astype(jnp.float32)
    dnums = (((1,), (1,)), ((), ()))
    part_sums = lax.dot_general(aligned, oh, dnums,
                                preferred_element_type=jnp.float32)
    part_cnt = lax.dot_general(jnp.ones((64, _TC_T), jnp.float32), oh, dnums,
                               preferred_element_type=jnp.float32)

    @pl.when(i == 0)
    def _init():
        mean_ref[...] = jnp.zeros_like(mean_ref)
        cnt_ref[...] = jnp.zeros_like(cnt_ref)
        loss_ref[...] = jnp.zeros_like(loss_ref)

    mean_ref[...] += part_sums
    cnt_ref[...] += part_cnt
    loss_ref[...] += loss_part

    @pl.when(i == nblk - 1)
    def _fin():
        c = cnt_ref[...]
        s = mean_ref[...]
        mean_ref[...] = jnp.where(c > 0.0, s / jnp.maximum(c, 1.0), 0.0)
        loss_ref[...] = loss_ref[...] / (nvox * 3.0)


def _run_mlp_seg(xt, vbt, ptst, w1, w2, wf, whp, g1, b1, g2, b2, bf, bhp):
    nvox = xt.shape[1]
    npoint = ptst.shape[1]
    nblk = (nvox + _TC_T - 1) // _TC_T
    pt_t = (npoint // nblk + 1023) // 1024 * 1024
    col = lambda: pl.BlockSpec((64, 1), lambda i: (0, 0))
    wspec = lambda shp: pl.BlockSpec(shp, lambda i: (0, 0))
    return pl.pallas_call(
        functools.partial(_mlp_seg_kernel, nblk, nvox),
        grid=(nblk,),
        in_specs=[
            pl.BlockSpec((64, _TC_T), lambda i: (0, i)),
            pl.BlockSpec((4, _TC_T), lambda i: (0, i)),
            pl.BlockSpec((3, pt_t), lambda i: (0, i)),
            wspec((64, 64)), wspec((64, 64)), wspec((64, 64)), wspec((_SEG, 64)),
            col(), col(), col(), col(), col(),
            wspec((_SEG, 1)),
        ],
        out_specs=[
            pl.BlockSpec((64, _SEG), lambda i: (0, 0)),
            pl.BlockSpec((64, _SEG), lambda i: (0, 0)),
            pl.BlockSpec((_SEG, 128), lambda i: (0, 0)),
            pl.BlockSpec((pt_t,), lambda i: (i,)),
        ],
        out_shape=[
            jax.ShapeDtypeStruct((64, _SEG), jnp.float32),
            jax.ShapeDtypeStruct((64, _SEG), jnp.float32),
            jax.ShapeDtypeStruct((_SEG, 128), jnp.float32),
            jax.ShapeDtypeStruct((npoint,), jnp.int32),
        ],
    )(xt, vbt, ptst, w1, w2, wf, whp, g1, b1, g2, b2, bf, bhp)


def _sc_scatter_body(covered, mean_hbm, pb_hbm, out_hbm, mean_v, idx_v, buf_v):
    nch = covered // _CH
    rem = covered % _CH
    nw = 32
    q, r = nch // nw, nch % nw
    cidx = lax.axis_index("c")
    sidx = lax.axis_index("s")
    w = sidx * 2 + cidx
    start = w * q + jnp.minimum(w, r)
    n_my = q + jnp.where(w < r, 1, 0)
    pltpu.sync_copy(mean_hbm, mean_v)
    lanes = lax.broadcasted_iota(jnp.int32, (_LANES,), 0)

    def _fill_uniform(b):
        for qq in range(4):
            mv = plsc.load_gather(mean_v, [(qq * 16 + lanes) * _SEG + b])
            for l in range(16):
                row = qq * 16 + l
                vs = jnp.broadcast_to(mv[l], (_LANES,))

                @pl.loop(0, _CH // _LANES)
                def _fc(g):
                    buf_v[row, pl.ds(g * _LANES, _LANES)] = vs

    def _fill_mixed(ngroups):
        @pl.loop(0, ngroups)
        def _fg(g):
            pbv = idx_v[pl.ds(g * _LANES, _LANES)]

            @pl.loop(0, 64)
            def _fj(f):
                vals = plsc.load_gather(mean_v, [pbv + f * _SEG])
                buf_v[f, pl.ds(g * _LANES, _LANES)] = vals

    @pl.loop(0, n_my, init_carry=jnp.int32(-1))
    def _chunk(k, cur_b):
        c = start + k
        base = c * _CH
        pltpu.sync_copy(pb_hbm.at[pl.ds(base, _CH)], idx_v)
        b0 = idx_v[pl.ds(0, _LANES)][0]
        b1 = idx_v[pl.ds(_CH - _LANES, _LANES)][_LANES - 1]
        uniform = b0 == b1

        @pl.when(uniform & (b0 != cur_b))
        def _():
            _fill_uniform(b0)

        @pl.when(jnp.logical_not(uniform))
        def _():
            _fill_mixed(_CH // _LANES)

        pltpu.sync_copy(buf_v, out_hbm.at[:, pl.ds(base, _CH)])
        return jnp.where(uniform, b0, jnp.int32(-1))

    if rem:
        @pl.when(w == nw - 1)
        def _tail():
            base = nch * _CH
            pltpu.sync_copy(pb_hbm.at[pl.ds(base, rem)],
                            idx_v.at[pl.ds(0, rem)])
            b0 = idx_v[pl.ds(0, _LANES)][0]
            b1 = idx_v[pl.ds(rem - _LANES, _LANES)][_LANES - 1]
            uniform = b0 == b1

            @pl.when(uniform & (b0 != _chunk))
            def _():
                _fill_uniform(b0)

            @pl.when(jnp.logical_not(uniform))
            def _():
                _fill_mixed(rem // _LANES)

            pltpu.sync_copy(buf_v.at[:, pl.ds(0, rem)],
                            out_hbm.at[:, pl.ds(base, rem)])


def _run_scatter(mean_flat, pb, npoint, covered):
    mesh = plsc.VectorSubcoreMesh(core_axis_name="c", subcore_axis_name="s")
    return pl.kernel(
        functools.partial(_sc_scatter_body, covered),
        out_type=jax.ShapeDtypeStruct((64, npoint), jnp.float32),
        mesh=mesh,
        scratch_types=[
            pltpu.VMEM((_SEG * 64,), jnp.float32),
            pltpu.VMEM((_CH,), jnp.int32),
            pltpu.VMEM((64, _CH), jnp.float32),
        ],
        compiler_params=pltpu.CompilerParams(
            needs_layout_passes=False, use_tc_tiling_on_sc=True),
    )(mean_flat, pb)


def kernel(voxel_feats, voxel_coors, pts_coors, voxel_shape, stride,
           W1, g1, b1, W2, g2, b2, Wh, bh, Wf, bf):
    nvox = voxel_feats.shape[0]
    npoint = pts_coors.shape[0]
    xt = voxel_feats.T
    vbt = voxel_coors.T
    whp = jnp.zeros((_SEG, 64), jnp.float32).at[:3, :].set(Wh)
    bhp = jnp.zeros((_SEG, 1), jnp.float32).at[:3, 0].set(bh)
    c1 = lambda v: v.reshape(64, 1)
    mean_t, _cnt, loss_o, pb2 = _run_mlp_seg(
        xt, vbt, pts_coors.T, W1, W2, Wf, whp,
        c1(g1), c1(b1), c1(g2), c1(b2), c1(bf), bhp)
    mean_flat = mean_t.reshape(-1)
    pb = pb2
    covered = (npoint // 128) * 128
    point_t = _run_scatter(mean_flat, pb, npoint, covered)
    if covered < npoint:
        tail = jnp.take(mean_t, pb[covered:], axis=1)
        point_t = lax.dynamic_update_slice(point_t, tail, (0, covered))
    point_feats = point_t.T
    offset_reg_loss = loss_o[0, 0]
    return (point_feats, offset_reg_loss)

# --- scband reference (transcript-rebuilt; emitter-appended) ---
"""Pipeline reference for scband-voxel-offset-network-30700426232356 (READ-ONLY COPY).

The authoritative reference and input builder live on the scoring server;
editing this copy changes nothing except your own understanding.
"""

import jax, jax.numpy as jnp
import numpy as np

C = 64
N_VOXEL = 200000
N_POINT = 1000000
B = 4
OFFSET_RANGE = 2.0
EPS = 1e-5


def setup_inputs(seed: int = 0) -> dict:
    key = jax.random.key(seed)
    ks = jax.random.split(key, 12)
    voxel_feats = jax.random.normal(ks[0], (N_VOXEL, C), dtype=jnp.float32)
    vb = jax.random.randint(ks[1], (N_VOXEL, 1), 0, B)
    vxyz = jax.random.randint(ks[2], (N_VOXEL, 3), 0, 4)
    voxel_coors = jnp.concatenate([vb, vxyz], axis=1).astype(jnp.int32)
    pb = jnp.sort(jax.random.randint(ks[3], (N_POINT,), 0, B))
    pxy = jax.random.randint(ks[4], (N_POINT, 2), 0, 4)
    pts_coors = jnp.concatenate([pb[:, None], pxy], axis=1).astype(jnp.int32)
    scale = 1.0 / np.sqrt(C)
    W1 = jax.random.uniform(ks[5], (C, C), minval=-scale, maxval=scale, dtype=jnp.float32)
    W2 = jax.random.uniform(ks[6], (C, C), minval=-scale, maxval=scale, dtype=jnp.float32)
    Wh = jax.random.uniform(ks[7], (3, C), minval=-scale, maxval=scale, dtype=jnp.float32)
    bh = jax.random.uniform(ks[8], (3,), minval=-scale, maxval=scale, dtype=jnp.float32)
    Wf = jax.random.uniform(ks[9], (C, C), minval=-scale, maxval=scale, dtype=jnp.float32)
    bf = jax.random.uniform(ks[10], (C,), minval=-scale, maxval=scale, dtype=jnp.float32)
    g1 = jnp.ones((C,), jnp.float32)
    b1 = jnp.zeros((C,), jnp.float32)
    g2 = jnp.ones((C,), jnp.float32)
    b2 = jnp.zeros((C,), jnp.float32)
    return {"voxel_feats": voxel_feats, "voxel_coors": voxel_coors, "pts_coors": pts_coors,
            "voxel_shape": (1408, 1600, 40), "stride": 1,
            "W1": W1, "g1": g1, "b1": b1, "W2": W2, "g2": g2, "b2": b2,
            "Wh": Wh, "bh": bh, "Wf": Wf, "bf": bf}


def reference(voxel_feats, voxel_coors, pts_coors, voxel_shape, stride,
              W1, g1, b1, W2, g2, b2, Wh, bh, Wf, bf):
    # offset_net: Linear(no bias) -> BN1d(eval: running_mean=0, running_var=1) -> ReLU, twice
    inv_std = 1.0 / jnp.sqrt(1.0 + EPS)
    h = voxel_feats @ W1.T
    h = g1 * h * inv_std + b1
    h = jax.nn.relu(h)
    h = h @ W2.T
    h = g2 * h * inv_std + b2
    h = jax.nn.relu(h)
    offsets = jnp.tanh(h @ Wh.T + bh) * OFFSET_RANGE
    aligned = h @ Wf.T + bf
    vb = voxel_coors[:, 0]
    sums = jax.ops.segment_sum(aligned, vb, num_segments=B)
    counts = jax.ops.segment_sum(jnp.ones((aligned.shape[0],), aligned.dtype), vb, num_segments=B)
    mean = jnp.where(counts[:, None] > 0, sums / jnp.maximum(counts, 1.0)[:, None], 0.0)
    point_feats = jnp.take(mean, pts_coors[:, 0], axis=0)
    offset_reg_loss = jnp.mean(jnp.abs(offsets))
    return (point_feats, offset_reg_loss)

if __name__ == "__main__":
    import jax
    _d = setup_inputs()
    print(jax.jit(kernel)(*tuple(_d.values())))

</pallas_src>

<mosaic_0001>
#map = affine_map<(d0, d1) -> (0)>
#map1 = affine_map<(d0, d1) -> (0, 0)>
module attributes {stable_mosaic.version = 14 : i64} {
  func.func @_sc_scatter_body(%arg0: i32, %arg1: i32, %arg2: memref<512xf32, #tpu.memory_space<hbm>>, %arg3: memref<1000000xi32, #tpu.memory_space<hbm>>, %arg4: memref<64x1000000xf32, #tpu.memory_space<hbm>>, %arg5: memref<512xf32, #tpu.memory_space<vmem>>, %arg6: memref<1024xi32, #tpu.memory_space<vmem>>, %arg7: memref<64x1024xf32, #tpu.memory_space<vmem>>) attributes {dimension_semantics = [#tpu.dimension_semantics<core_parallel>, #tpu.dimension_semantics<subcore_parallel>], iteration_bounds = array<i64: 2, 16>, scalar_prefetch = 0 : i64, scratch_operands = 3 : i64, tpu.core_type = #tpu.core_type<sc_vector_subcore>, window_params = [{transform_indices = #map}, {transform_indices = #map}, {transform_indices = #map1}]} {
    %mul3A = arith.constant 2 : i32
    %mul3A_0 = arith.muli %arg1, %mul3A : i32
    %add3A = arith.addi %mul3A_0, %arg0 : i32
    %mul3A_1 = arith.constant 30 : i32
    %mul3A_2 = arith.muli %add3A, %mul3A_1 : i32
    %min3A = arith.constant 16 : i32
    %min3A_3 = arith.minsi %add3A, %min3A : i32
    %add3A_4 = arith.addi %mul3A_2, %min3A_3 : i32
    %lt3A = arith.constant 16 : i32
    %lt3A_5 = arith.cmpi slt, %add3A, %lt3A : i32
    %jit3A = arith.constant 1 : i32
    %jit3A_6 = arith.constant 0 : i32
    %select_n3A = arith.select %lt3A_5, %jit3A, %jit3A_6 : i32
    %add3A_7 = arith.constant 30 : i32
    %add3A_8 = arith.addi %add3A_7, %select_n3A : i32
    "tpu.region"() ({
      %run_scoped3A = tpu.sem_alloc : memref<!tpu.dma_semaphore, #tpu.memory_space<semaphore_mem>>
      tpu.enqueue_dma source(%arg2 : memref<512xf32, #tpu.memory_space<hbm>>) target(%arg5 : memref<512xf32, #tpu.memory_space<vmem>>) target_semaphore(%run_scoped3A : memref<!tpu.dma_semaphore, #tpu.memory_space<semaphore_mem>>)
      tpu.wait_dma2 semaphore(%run_scoped3A : memref<!tpu.dma_semaphore, #tpu.memory_space<semaphore_mem>>) src(%arg2 : memref<512xf32, #tpu.memory_space<hbm>>) dst(%arg5 : memref<512xf32, #tpu.memory_space<vmem>>)
      tpu.yield
    }) : () -> ()
    %iota3A = tpu.iota {dimensions = array<i32: 0>} : vector<16xi32>
    %sub3A = arith.constant 0 : i32
    %sub3A_9 = arith.subi %add3A_8, %sub3A : i32
    %sub3A_10 = arith.constant 1 : i32
    %sub3A_11 = arith.constant 1 : i32
    %sub3A_12 = arith.subi %sub3A_10, %sub3A_11 : i32
    %add3A_13 = arith.addi %sub3A_9, %sub3A_12 : i32
    %div3A = arith.constant 1 : i32
    %div3A_14 = arith.divsi %add3A_13, %div3A : i32
    %while3A = arith.constant 1 : i32
    %while3A_15 = arith.constant 0 : i32
    %while3A_16 = arith.constant 0 : i32
    %while3A_17 = arith.constant -1 : i32
    %while3A_18 = arith.subi %div3A_14, %while3A_16 : i32
    %while3A_19 = arith.addi %while3A_16, %while3A_18 : i32
    %while3A_20 = arith.constant 1 : i32
    %while3A_21 = arith.divsi %while3A_18, %while3A_20 : i32
    %while3A_22 = arith.muli %while3A_21, %while3A_20 : i32
    %while3A_23 = arith.addi %while3A_16, %while3A_22 : i32
    %while3A_24 = arith.constant 1 : i32
    %while3A_25 = scf.for %while3A_30 = %while3A_16 to %while3A_23 step %while3A_24 iter_args(%while3A_31 = %while3A_17) -> (i32)  : i32 {
      %mul3A_32 = arith.muli %while3A_30, %while3A : i32
      %add3A_33 = arith.addi %while3A_15, %mul3A_32 : i32
      %add3A_34 = arith.addi %add3A_4, %add3A_33 : i32
      %mul3A_35 = arith.constant 1024 : i32
      %mul3A_36 = arith.muli %add3A_34, %mul3A_35 : i32
      "tpu.region"() ({
        %run_scoped3A = tpu.sem_alloc : memref<!tpu.dma_semaphore, #tpu.memory_space<semaphore_mem>>
        %dma_start3A = tpu.memref_slice %arg3[%mul3A_36] : memref<1000000xi32, #tpu.memory_space<hbm>> -> memref<1024xi32, #tpu.memory_space<hbm>>
        %dma_start3A_52 = tpu.memref_slice %arg3[%mul3A_36] : memref<1000000xi32, #tpu.memory_space<hbm>> -> memref<1024xi32, #tpu.memory_space<hbm>>
        tpu.enqueue_dma source(%dma_start3A_52 : memref<1024xi32, #tpu.memory_space<hbm>>) target(%arg6 : memref<1024xi32, #tpu.memory_space<vmem>>) target_semaphore(%run_scoped3A : memref<!tpu.dma_semaphore, #tpu.memory_space<semaphore_mem>>)
        %dma_wait3A = tpu.memref_slice %arg3[%mul3A_36] : memref<1000000xi32, #tpu.memory_space<hbm>> -> memref<1024xi32, #tpu.memory_space<hbm>>
        %dma_wait3A_53 = tpu.memref_slice %arg3[%mul3A_36] : memref<1000000xi32, #tpu.memory_space<hbm>> -> memref<1024xi32, #tpu.memory_space<hbm>>
        tpu.wait_dma2 semaphore(%run_scoped3A : memref<!tpu.dma_semaphore, #tpu.memory_space<semaphore_mem>>) src(%dma_wait3A_53 : memref<1024xi32, #tpu.memory_space<hbm>>) dst(%arg6 : memref<1024xi32, #tpu.memory_space<vmem>>)
        tpu.yield
      }) : () -> ()
      %get3A = arith.constant 0 : index
      %get3A_37 = tpu.vector_load %arg6[%get3A] {strides = array<i32>} : memref<1024xi32, #tpu.memory_space<vmem>>, vector<16xi32>,
      %slice3A = vector.extract_strided_slice %get3A_37 {offsets = [0], sizes = [1], strides = [1]} : vector<16xi32> to vector<1xi32>
      %squeeze3A = vector.extract %slice3A[0] : i32 from vector<1xi32>
      %get3A_38 = arith.constant 1008 : index
      %get3A_39 = tpu.vector_load %arg6[%get3A_38] {strides = array<i32>} : memref<1024xi32, #tpu.memory_space<vmem>>, vector<16xi32>,
      %slice3A_40 = vector.extract_strided_slice %get3A_39 {offsets = [15], sizes = [1], strides = [1]} : vector<16xi32> to vector<1xi32>
      %squeeze3A_41 = vector.extract %slice3A_40[0] : i32 from vector<1xi32>
      %eq3A_42 = arith.cmpi eq, %squeeze3A, %squeeze3A_41 : i32
      %ne3A = arith.cmpi ne, %squeeze3A, %while3A_31 : i32
      %and3A = arith.andi %eq3A_42, %ne3A : i1
      %convert_element_type3A_43 = arith.extui %and3A : i1 to i32
      %cond3A_44 = arith.constant 0 : i32
      %cond3A_45 = arith.cmpi ne, %convert_element_type3A_43, %cond3A_44 : i32
      scf.if %cond3A_45 {
        %add3A_52 = arith.constant 0 : i32
        %add3A_53 = vector.broadcast %add3A_52 : i32 to vector<16xi32>
        %add3A_54 = arith.addi %add3A_53, %iota3A : vector<16xi32>
        %mul3A_55 = arith.constant 8 : i32
        %mul3A_56 = vector.broadcast %mul3A_55 : i32 to vector<16xi32>
        %mul3A_57 = arith.muli %add3A_54, %mul3A_56 : vector<16xi32>
        %add3A_58 = vector.broadcast %squeeze3A : i32 to vector<16xi32>
        %add3A_59 = arith.addi %mul3A_57, %add3A_58 : vector<16xi32>
        %gather3A = tpu.vector_load_idx %arg5[%add3A_59] : memref<512xf32, #tpu.memory_space<vmem>>[vector<16xi32>], vector<16xf32>,
        %slice3A_60 = vector.extract_strided_slice %gather3A {offsets = [0], sizes = [1], strides = [1]} : vector<16xf32> to vector<1xf32>
        %squeeze3A_61 = vector.extract %slice3A_60[0] : f32 from vector<1xf32>
        %broadcast_in_dim3A = vector.broadcast %squeeze3A_61 : f32 to vector<16xf32>
        %scan3A = arith.constant 0 : i32
        %scan3A_62 = arith.constant 64 : i32
        %scan3A_63 = arith.addi %scan3A, %scan3A_62 : i32
        %scan3A_64 = arith.constant 1 : i32
        scf.for %scan3A_597 = %scan3A to %scan3A_63 step %scan3A_64  : i32 {
          %mul3A_598 = arith.constant 1 : i32
          %mul3A_599 = arith.muli %scan3A_597, %mul3A_598 : i32
          %add3A_600 = arith.constant 0 : i32
          %add3A_601 = arith.addi %add3A_600, %mul3A_599 : i32
          %mul3A_602 = arith.constant 16 : i32
          %mul3A_603 = arith.muli %add3A_601, %mul3A_602 : i32
          %swap3A = arith.constant 0 : i32
          %swap3A_604 = arith.index_cast %swap3A : i32 to index
          %swap3A_605 = arith.index_cast %mul3A_603 : i32 to index
          %swap3A_606 = tpu.vector_load %arg7[%swap3A_604, %swap3A_605] {strides = array<i32>} : memref<64x1024xf32, #tpu.memory_space<vmem>>, vector<16xf32>,
          tpu.vector_store %arg7[%swap3A_604, %swap3A_605], %broadcast_in_dim3A {strides = array<i32>} : memref<64x1024xf32, #tpu.memory_space<vmem>>, vector<16xf32>,
        }
        %scan3A_65 = arith.constant 64 : i32
        %slice3A_66 = vector.extract_strided_slice %gather3A {offsets = [1], sizes = [1], strides = [1]} : vector<16xf32> to vector<1xf32>
        %squeeze3A_67 = vector.extract %slice3A_66[0] : f32 from vector<1xf32>
        %broadcast_in_dim3A_68 = vector.broadcast %squeeze3A_67 : f32 to vector<16xf32>
        %scan3A_69 = arith.constant 0 : i32
        %scan3A_70 = arith.constant 64 : i32
        %scan3A_71 = arith.addi %scan3A_69, %scan3A_70 : i32
        %scan3A_72 = arith.constant 1 : i32
        scf.for %scan3A_597 = %scan3A_69 to %scan3A_71 step %scan3A_72  : i32 {
          %mul3A_598 = arith.constant 1 : i32
          %mul3A_599 = arith.muli %scan3A_597, %mul3A_598 : i32
          %add3A_600 = arith.constant 0 : i32
          %add3A_601 = arith.addi %add3A_600, %mul3A_599 : i32
          %mul3A_602 = arith.constant 16 : i32
          %mul3A_603 = arith.muli %add3A_601, %mul3A_602 : i32
          %swap3A = arith.constant 1 : i32
          %swap3A_604 = arith.index_cast %swap3A : i32 to index
          %swap3A_605 = arith.index_cast %mul3A_603 : i32 to index
          %swap3A_606 = tpu.vector_load %arg7[%swap3A_604, %swap3A_605] {strides = array<i32>} : memref<64x1024xf32, #tpu.memory_space<vmem>>, vector<16xf32>,
          tpu.vector_store %arg7[%swap3A_604, %swap3A_605], %broadcast_in_dim3A_68 {strides = array<i32>} : memref<64x1024xf32, #tpu.memory_space<vmem>>, vector<16xf32>,
        }
        %scan3A_73 = arith.constant 64 : i32
        %slice3A_74 = vector.extract_strided_slice %gather3A {offsets = [2], sizes = [1], strides = [1]} : vector<16xf32> to vector<1xf32>
        %squeeze3A_75 = vector.extract %slice3A_74[0] : f32 from vector<1xf32>
        %broadcast_in_dim3A_76 = vector.broadcast %squeeze3A_75 : f32 to vector<16xf32>
        %scan3A_77 = arith.constant 0 : i32
        %scan3A_78 = arith.constant 64 : i32
        %scan3A_79 = arith.addi %scan3A_77, %scan3A_78 : i32
        %scan3A_80 = arith.constant 1 : i32
        scf.for %scan3A_597 = %scan3A_77 to %scan3A_79 step %scan3A_80  : i32 {
          %mul3A_598 = arith.constant 1 : i32
          %mul3A_599 = arith.muli %scan3A_597, %mul3A_598 : i32
          %add3A_600 = arith.constant 0 : i32
          %add3A_601 = arith.addi %add3A_600, %mul3A_599 : i32
          %mul3A_602 = arith.constant 16 : i32
          %mul3A_603 = arith.muli %add3A_601, %mul3A_602 : i32
          %swap3A = arith.constant 2 : i32
          %swap3A_604 = arith.index_cast %swap3A : i32 to index
          %swap3A_605 = arith.index_cast %mul3A_603 : i32 to index
          %swap3A_606 = tpu.vector_load %arg7[%swap3A_604, %swap3A_605] {strides = array<i32>} : memref<64x1024xf32, #tpu.memory_space<vmem>>, vector<16xf32>,
          tpu.vector_store %arg7[%swap3A_604, %swap3A_605], %broadcast_in_dim3A_76 {strides = array<i32>} : memref<64x1024xf32, #tpu.memory_space<vmem>>, vector<16xf32>,
        }
        %scan3A_81 = arith.constant 64 : i32
        %slice3A_82 = vector.extract_strided_slice %gather3A {offsets = [3], sizes = [1], strides = [1]} : vector<16xf32> to vector<1xf32>
        %squeeze3A_83 = vector.extract %slice3A_82[0] : f32 from vector<1xf32>
        %broadcast_in_dim3A_84 = vector.broadcast %squeeze3A_83 : f32 to vector<16xf32>
        %scan3A_85 = arith.constant 0 : i32
        %scan3A_86 = arith.constant 64 : i32
        %scan3A_87 = arith.addi %scan3A_85, %scan3A_86 : i32
        %scan3A_88 = arith.constant 1 : i32
        scf.for %scan3A_597 = %scan3A_85 to %scan3A_87 step %scan3A_88  : i32 {
          %mul3A_598 = arith.constant 1 : i32
          %mul3A_599 = arith.muli %scan3A_597, %mul3A_598 : i32
          %add3A_600 = arith.constant 0 : i32
          %add3A_601 = arith.addi %add3A_600, %mul3A_599 : i32
          %mul3A_602 = arith.constant 16 : i32
          %mul3A_603 = arith.muli %add3A_601, %mul3A_602 : i32
          %swap3A = arith.constant 3 : i32
          %swap3A_604 = arith.index_cast %swap3A : i32 to index
          %swap3A_605 = arith.index_cast %mul3A_603 : i32 to index
          %swap3A_606 = tpu.vector_load %arg7[%swap3A_604, %swap3A_605] {strides = array<i32>} : memref<64x1024xf32, #tpu.memory_space<vmem>>, vector<16xf32>,
          tpu.vector_store %arg7[%swap3A_604, %swap3A_605], %broadcast_in_dim3A_84 {strides = array<i32>} : memref<64x1024xf32, #tpu.memory_space<vmem>>, vector<16xf32>,
        }
        %scan3A_89 = arith.constant 64 : i32
        %slice3A_90 = vector.extract_strided_slice %gather3A {offsets = [4], sizes = [1], strides = [1]} : vector<16xf32> to vector<1xf32>
        %squeeze3A_91 = vector.extract %slice3A_90[0] : f32 from vector<1xf32>
        %broadcast_in_dim3A_92 = vector.broadcast %squeeze3A_91 : f32 to vector<16xf32>
        %scan3A_93 = arith.constant 0 : i32
        %scan3A_94 = arith.constant 64 : i32
        %scan3A_95 = arith.addi %scan3A_93, %scan3A_94 : i32
        %scan3A_96 = arith.constant 1 : i32
        scf.for %scan3A_597 = %scan3A_93 to %scan3A_95 step %scan3A_96  : i32 {
          %mul3A_598 = arith.constant 1 : i32
          %mul3A_599 = arith.muli %scan3A_597, %mul3A_598 : i32
          %add3A_600 = arith.constant 0 : i32
          %add3A_601 = arith.addi %add3A_600, %mul3A_599 : i32
          %mul3A_602 = arith.constant 16 : i32
          %mul3A_603 = arith.muli %add3A_601, %mul3A_602 : i32
          %swap3A = arith.constant 4 : i32
          %swap3A_604 = arith.index_cast %swap3A : i32 to index
          %swap3A_605 = arith.index_cast %mul3A_603 : i32 to index
          %swap3A_606 = tpu.vector_load %arg7[%swap3A_604, %swap3A_605] {strides = array<i32>} : memref<64x1024xf32, #tpu.memory_space<vmem>>, vector<16xf32>,
          tpu.vector_store %arg7[%swap3A_604, %swap3A_605], %broadcast_in_dim3A_92 {strides = array<i32>} : memref<64x1024xf32, #tpu.memory_space<vmem>>, vector<16xf32>,
        }
        %scan3A_97 = arith.constant 64 : i32
        %slice3A_98 = vector.extract_strided_slice %gather3A {offsets = [5], sizes = [1], strides = [1]} : vector<16xf32> to vector<1xf32>
        %squeeze3A_99 = vector.extract %slice3A_98[0] : f32 from vector<1xf32>
        %broadcast_in_dim3A_100 = vector.broadcast %squeeze3A_99 : f32 to vector<16xf32>
        %scan3A_101 = arith.constant 0 : i32
        %scan3A_102 = arith.constant 64 : i32
        %scan3A_103 = arith.addi %scan3A_101, %scan3A_102 : i32
        %scan3A_104 = arith.constant 1 : i32
        scf.for %scan3A_597 = %scan3A_101 to %scan3A_103 step %scan3A_104  : i32 {
          %mul3A_598 = arith.constant 1 : i32
          %mul3A_599 = arith.muli %scan3A_597, %mul3A_598 : i32
          %add3A_600 = arith.constant 0 : i32
          %add3A_601 = arith.addi %add3A_600, %mul3A_599 : i32
          %mul3A_602 = arith.constant 16 : i32
          %mul3A_603 = arith.muli %add3A_601, %mul3A_602 : i32
          %swap3A = arith.constant 5 : i32
          %swap3A_604 = arith.index_cast %swap3A : i32 to index
          %swap3A_605 = arith.index_cast %mul3A_603 : i32 to index
          %swap3A_606 = tpu.vector_load %arg7[%swap3A_604, %swap3A_605] {strides = array<i32>} : memref<64x1024xf32, #tpu.memory_space<vmem>>, vector<16xf32>,
          tpu.vector_store %arg7[%swap3A_604, %swap3A_605], %broadcast_in_dim3A_100 {strides = array<i32>} : memref<64x1024xf32, #tpu.memory_space<vmem>>, vector<16xf32>,
        }
        %scan3A_105 = arith.constant 64 : i32
        %slice3A_106 = vector.extract_strided_slice %gather3A {offsets = [6], sizes = [1], strides = [1]} : vector<16xf32> to vector<1xf32>
        %squeeze3A_107 = vector.extract %slice3A_106[0] : f32 from vector<1xf32>
        %broadcast_in_dim3A_108 = vector.broadcast %squeeze3A_107 : f32 to vector<16xf32>
        %scan3A_109 = arith.constant 0 : i32
        %scan3A_110 = arith.constant 64 : i32
        %scan3A_111 = arith.addi %scan3A_109, %scan3A_110 : i32
        %scan3A_112 = arith.constant 1 : i32
        scf.for %scan3A_597 = %scan3A_109 to %scan3A_111 step %scan3A_112  : i32 {
          %mul3A_598 = arith.constant 1 : i32
          %mul3A_599 = arith.muli %scan3A_597, %mul3A_598 : i32
          %add3A_600 = arith.constant 0 : i32
          %add3A_601 = arith.addi %add3A_600, %mul3A_599 : i32
          %mul3A_602 = arith.constant 16 : i32
          %mul3A_603 = arith.muli %add3A_601, %mul3A_602 : i32
          %swap3A = arith.constant 6 : i32
          %swap3A_604 = arith.index_cast %swap3A : i32 to index
          %swap3A_605 = arith.index_cast %mul3A_603 : i32 to index
          %swap3A_606 = tpu.vector_load %arg7[%swap3A_604, %swap3A_605] {strides = array<i32>} : memref<64x1024xf32, #tpu.memory_space<vmem>>, vector<16xf32>,
          tpu.vector_store %arg7[%swap3A_604, %swap3A_605], %broadcast_in_dim3A_108 {strides = array<i32>} : memref<64x1024xf32, #tpu.memory_space<vmem>>, vector<16xf32>,
        }
        %scan3A_113 = arith.constant 64 : i32
        %slice3A_114 = vector.extract_strided_slice %gather3A {offsets = [7], sizes = [1], strides = [1]} : vector<16xf32> to vector<1xf32>
        %squeeze3A_115 = vector.extract %slice3A_114[0] : f32 from vector<1xf32>
        %broadcast_in_dim3A_116 = vector.broadcast %squeeze3A_115 : f32 to vector<16xf32>
        %scan3A_117 = arith.constant 0 : i32
        %scan3A_118 = arith.constant 64 : i32
        %scan3A_119 = arith.addi %scan3A_117, %scan3A_118 : i32
        %scan3A_120 = arith.constant 1 : i32
        scf.for %scan3A_597 = %scan3A_117 to %scan3A_119 step %scan3A_120  : i32 {
          %mul3A_598 = arith.constant 1 : i32
          %mul3A_599 = arith.muli %scan3A_597, %mul3A_598 : i32
          %add3A_600 = arith.constant 0 : i32
          %add3A_601 = arith.addi %add3A_600, %mul3A_599 : i32
          %mul3A_602 = arith.constant 16 : i32
          %mul3A_603 = arith.muli %add3A_601, %mul3A_602 : i32
          %swap3A = arith.constant 7 : i32
          %swap3A_604 = arith.index_cast %swap3A : i32 to index
          %swap3A_605 = arith.index_cast %mul3A_603 : i32 to index
          %swap3A_606 = tpu.vector_load %arg7[%swap3A_604, %swap3A_605] {strides = array<i32>} : memref<64x1024xf32, #tpu.memory_space<vmem>>, vector<16xf32>,
          tpu.vector_store %arg7[%swap3A_604, %swap3A_605], %broadcast_in_dim3A_116 {strides = array<i32>} : memref<64x1024xf32, #tpu.memory_space<vmem>>, vector<16xf32>,
        }
        %scan3A_121 = arith.constant 64 : i32
        %slice3A_122 = vector.extract_strided_slice %gather3A {offsets = [8], sizes = [1], strides = [1]} : vector<16xf32> to vector<1xf32>
        %squeeze3A_123 = vector.extract %slice3A_122[0] : f32 from vector<1xf32>
        %broadcast_in_dim3A_124 = vector.broadcast %squeeze3A_123 : f32 to vector<16xf32>
        %scan3A_125 = arith.constant 0 : i32
        %scan3A_126 = arith.constant 64 : i32
        %scan3A_127 = arith.addi %scan3A_125, %scan3A_126 : i32
        %scan3A_128 = arith.constant 1 : i32
        scf.for %scan3A_597 = %scan3A_125 to %scan3A_127 step %scan3A_128  : i32 {
          %mul3A_598 = arith.constant 1 : i32
          %mul3A_599 = arith.muli %scan3A_597, %mul3A_598 : i32
          %add3A_600 = arith.constant 0 : i32
          %add3A_601 = arith.addi %add3A_600, %mul3A_599 : i32
          %mul3A_602 = arith.constant 16 : i32
          %mul3A_603 = arith.muli %add3A_601, %mul3A_602 : i32
          %swap3A = arith.constant 8 : i32
          %swap3A_604 = arith.index_cast %swap3A : i32 to index
          %swap3A_605 = arith.index_cast %mul3A_603 : i32 to index
          %swap3A_606 = tpu.vector_load %arg7[%swap3A_604, %swap3A_605] {strides = array<i32>} : memref<64x1024xf32, #tpu.memory_space<vmem>>, vector<16xf32>,
          tpu.vector_store %arg7[%swap3A_604, %swap3A_605], %broadcast_in_dim3A_124 {strides = array<i32>} : memref<64x1024xf32, #tpu.memory_space<vmem>>, vector<16xf32>,
        }
        %scan3A_129 = arith.constant 64 : i32
        %slice3A_130 = vector.extract_strided_slice %gather3A {offsets = [9], sizes = [1], strides = [1]} : vector<16xf32> to vector<1xf32>
        %squeeze3A_131 = vector.extract %slice3A_130[0] : f32 from vector<1xf32>
        %broadcast_in_dim3A_132 = vector.broadcast %squeeze3A_131 : f32 to vector<16xf32>
        %scan3A_133 = arith.constant 0 : i32
        %scan3A_134 = arith.constant 64 : i32
        %scan3A_135 = arith.addi %scan3A_133, %scan3A_134 : i32
        %scan3A_136 = arith.constant 1 : i32
        scf.for %scan3A_597 = %scan3A_133 to %scan3A_135 step %scan3A_136  : i32 {
          %mul3A_598 = arith.constant 1 : i32
          %mul3A_599 = arith.muli %scan3A_597, %mul3A_598 : i32
          %add3A_600 = arith.constant 0 : i32
          %add3A_601 = arith.addi %add3A_600, %mul3A_599 : i32
          %mul3A_602 = arith.constant 16 : i32
          %mul3A_603 = arith.muli %add3A_601, %mul3A_602 : i32
          %swap3A = arith.constant 9 : i32
          %swap3A_604 = arith.index_cast %swap3A : i32 to index
          %swap3A_605 = arith.index_cast %mul3A_603 : i32 to index
          %swap3A_606 = tpu.vector_load %arg7[%swap3A_604, %swap3A_605] {strides = array<i32>} : memref<64x1024xf32, #tpu.memory_space<vmem>>, vector<16xf32>,
          tpu.vector_store %arg7[%swap3A_604, %swap3A_605], %broadcast_in_dim3A_132 {strides = array<i32>} : memref<64x1024xf32, #tpu.memory_space<vmem>>, vector<16xf32>,
        }
        %scan3A_137 = arith.constant 64 : i32
        %slice3A_138 = vector.extract_strided_slice %gather3A {offsets = [10], sizes = [1], strides = [1]} : vector<16xf32> to vector<1xf32>
        %squeeze3A_139 = vector.extract %slice3A_138[0] : f32 from vector<1xf32>
        %broadcast_in_dim3A_140 = vector.broadcast %squeeze3A_139 : f32 to vector<16xf32>
        %scan3A_141 = arith.constant 0 : i32
        %scan3A_142 = arith.constant 64 : i32
        %scan3A_143 = arith.addi %scan3A_141, %scan3A_142 : i32
        %scan3A_144 = arith.constant 1 : i32
        scf.for %scan3A_597 = %scan3A_141 to %scan3A_143 step %scan3A_144  : i32 {
          %mul3A_598 = arith.constant 1 : i32
          %mul3A_599 = arith.muli %scan3A_597, %mul3A_598 : i32
          %add3A_600 = arith.constant 0 : i32
          %add3A_601 = arith.addi %add3A_600, %mul3A_599 : i32
          %mul3A_602 = arith.constant 16 : i32
          %mul3A_603 = arith.muli %add3A_601, %mul3A_602 : i32
          %swap3A = arith.constant 10 : i32
          %swap3A_604 = arith.index_cast %swap3A : i32 to index
          %swap3A_605 = arith.index_cast %mul3A_603 : i32 to index
          %swap3A_606 = tpu.vector_load %arg7[%swap3A_604, %swap3A_605] {strides = array<i32>} : memref<64x1024xf32, #tpu.memory_space<vmem>>, vector<16xf32>,
          tpu.vector_store %arg7[%swap3A_604, %swap3A_605], %broadcast_in_dim3A_140 {strides = array<i32>} : memref<64x1024xf32, #tpu.memory_space<vmem>>, vector<16xf32>,
        }
        %scan3A_145 = arith.constant 64 : i32
        %slice3A_146 = vector.extract_strided_slice %gather3A {offsets = [11], sizes = [1], strides = [1]} : vector<16xf32> to vector<1xf32>
        %squeeze3A_147 = vector.extract %slice3A_146[0] : f32 from vector<1xf32>
        %broadcast_in_dim3A_148 = vector.broadcast %squeeze3A_147 : f32 to vector<16xf32>
        %scan3A_149 = arith.constant 0 : i32
        %scan3A_150 = arith.constant 64 : i32
        %scan3A_151 = arith.addi %scan3A_149, %scan3A_150 : i32
        %scan3A_152 = arith.constant 1 : i32
        scf.for %scan3A_597 = %scan3A_149 to %scan3A_151 step %scan3A_152  : i32 {
          %mul3A_598 = arith.constant 1 : i32
          %mul3A_599 = arith.muli %scan3A_597, %mul3A_598 : i32
          %add3A_600 = arith.constant 0 : i32
          %add3A_601 = arith.addi %add3A_600, %mul3A_599 : i32
          %mul3A_602 = arith.constant 16 : i32
          %mul3A_603 = arith.muli %add3A_601, %mul3A_602 : i32
          %swap3A = arith.constant 11 : i32
          %swap3A_604 = arith.index_cast %swap3A : i32 to index
          %swap3A_605 = arith.index_cast %mul3A_603 : i32 to index
          %swap3A_606 = tpu.vector_load %arg7[%swap3A_604, %swap3A_605] {strides = array<i32>} : memref<64x1024xf32, #tpu.memory_space<vmem>>, vector<16xf32>,
          tpu.vector_store %arg7[%swap3A_604, %swap3A_605], %broadcast_in_dim3A_148 {strides = array<i32>} : memref<64x1024xf32, #tpu.memory_space<vmem>>, vector<16xf32>,
        }
        %scan3A_153 = arith.constant 64 : i32
        %slice3A_154 = vector.extract_strided_slice %gather3A {offsets = [12], sizes = [1], strides = [1]} : vector<16xf32> to vector<1xf32>
        %squeeze3A_155 = vector.extract %slice3A_154[0] : f32 from vector<1xf32>
        %broadcast_in_dim3A_156 = vector.broadcast %squeeze3A_155 : f32 to vector<16xf32>
        %scan3A_157 = arith.constant 0 : i32
        %scan3A_158 = arith.constant 64 : i32
        %scan3A_159 = arith.addi %scan3A_157, %scan3A_158 : i32
        %scan3A_160 = arith.constant 1 : i32
        scf.for %scan3A_597 = %scan3A_157 to %scan3A_159 step %scan3A_160  : i32 {
          %mul3A_598 = arith.constant 1 : i32
          %mul3A_599 = arith.muli %scan3A_597, %mul3A_598 : i32
          %add3A_600 = arith.constant 0 : i32
          %add3A_601 = arith.addi %add3A_600, %mul3A_599 : i32
          %mul3A_602 = arith.constant 16 : i32
          %mul3A_603 = arith.muli %add3A_601, %mul3A_602 : i32
          %swap3A = arith.constant 12 : i32
          %swap3A_604 = arith.index_cast %swap3A : i32 to index
          %swap3A_605 = arith.index_cast %mul3A_603 : i32 to index
          %swap3A_606 = tpu.vector_load %arg7[%swap3A_604, %swap3A_605] {strides = array<i32>} : memref<64x1024xf32, #tpu.memory_space<vmem>>, vector<16xf32>,
          tpu.vector_store %arg7[%swap3A_604, %swap3A_605], %broadcast_in_dim3A_156 {strides = array<i32>} : memref<64x1024xf32, #tpu.memory_space<vmem>>, vector<16xf32>,
        }
        %scan3A_161 = arith.constant 64 : i32
        %slice3A_162 = vector.extract_strided_slice %gather3A {offsets = [13], sizes = [1], strides = [1]} : vector<16xf32> to vector<1xf32>
        %squeeze3A_163 = vector.extract %slice3A_162[0] : f32 from vector<1xf32>
        %broadcast_in_dim3A_164 = vector.broadcast %squeeze3A_163 : f32 to vector<16xf32>
        %scan3A_165 = arith.constant 0 : i32
        %scan3A_166 = arith.constant 64 : i32
        %scan3A_167 = arith.addi %scan3A_165, %scan3A_166 : i32
        %scan3A_168 = arith.constant 1 : i32
        scf.for %scan3A_597 = %scan3A_165 to %scan3A_167 step %scan3A_168  : i32 {
          %mul3A_598 = arith.constant 1 : i32
          %mul3A_599 = arith.muli %scan3A_597, %mul3A_598 : i32
          %add3A_600 = arith.constant 0 : i32
          %add3A_601 = arith.addi %add3A_600, %mul3A_599 : i32
          %mul3A_602 = arith.constant 16 : i32
          %mul3A_603 = arith.muli %add3A_601, %mul3A_602 : i32
          %swap3A = arith.constant 13 : i32
          %swap3A_604 = arith.index_cast %swap3A : i32 to index
          %swap3A_605 = arith.index_cast %mul3A_603 : i32 to index
          %swap3A_606 = tpu.vector_load %arg7[%swap3A_604, %swap3A_605] {strides = array<i32>} : memref<64x1024xf32, #tpu.memory_space<vmem>>, vector<16xf32>,
          tpu.vector_store %arg7[%swap3A_604, %swap3A_605], %broadcast_in_dim3A_164 {strides = array<i32>} : memref<64x1024xf32, #tpu.memory_space<vmem>>, vector<16xf32>,
        }
        %scan3A_169 = arith.constant 64 : i32
        %slice3A_170 = vector.extract_strided_slice %gather3A {offsets = [14], sizes = [1], strides = [1]} : vector<16xf32> to vector<1xf32>
        %squeeze3A_171 = vector.extract %slice3A_170[0] : f32 from vector<1xf32>
        %broadcast_in_dim3A_172 = vector.broadcast %squeeze3A_171 : f32 to vector<16xf32>
        %scan3A_173 = arith.constant 0 : i32
        %scan3A_174 = arith.constant 64 : i32
        %scan3A_175 = arith.addi %scan3A_173, %scan3A_174 : i32
        %scan3A_176 = arith.constant 1 : i32
        scf.for %scan3A_597 = %scan3A_173 to %scan3A_175 step %scan3A_176  : i32 {
          %mul3A_598 = arith.constant 1 : i32
          %mul3A_599 = arith.muli %scan3A_597, %mul3A_598 : i32
          %add3A_600 = arith.constant 0 : i32
          %add3A_601 = arith.addi %add3A_600, %mul3A_599 : i32
          %mul3A_602 = arith.constant 16 : i32
          %mul3A_603 = arith.muli %add3A_601, %mul3A_602 : i32
          %swap3A = arith.constant 14 : i32
          %swap3A_604 = arith.index_cast %swap3A : i32 to index
          %swap3A_605 = arith.index_cast %mul3A_603 : i32 to index
          %swap3A_606 = tpu.vector_load %arg7[%swap3A_604, %swap3A_605] {strides = array<i32>} : memref<64x1024xf32, #tpu.memory_space<vmem>>, vector<16xf32>,
          tpu.vector_store %arg7[%swap3A_604, %swap3A_605], %broadcast_in_dim3A_172 {strides = array<i32>} : memref<64x1024xf32, #tpu.memory_space<vmem>>, vector<16xf32>,
        }
        %scan3A_177 = arith.constant 64 : i32
        %slice3A_178 = vector.extract_strided_slice %gather3A {offsets = [15], sizes = [1], strides = [1]} : vector<16xf32> to vector<1xf32>
        %squeeze3A_179 = vector.extract %slice3A_178[0] : f32 from vector<1xf32>
        %broadcast_in_dim3A_180 = vector.broadcast %squeeze3A_179 : f32 to vector<16xf32>
        %scan3A_181 = arith.constant 0 : i32
        %scan3A_182 = arith.constant 64 : i32
        %scan3A_183 = arith.addi %scan3A_181, %scan3A_182 : i32
        %scan3A_184 = arith.constant 1 : i32
        scf.for %scan3A_597 = %scan3A_181 to %scan3A_183 step %scan3A_184  : i32 {
          %mul3A_598 = arith.constant 1 : i32
          %mul3A_599 = arith.muli %scan3A_597, %mul3A_598 : i32
          %add3A_600 = arith.constant 0 : i32
          %add3A_601 = arith.addi %add3A_600, %mul3A_599 : i32
          %mul3A_602 = arith.constant 16 : i32
          %mul3A_603 = arith.muli %add3A_601, %mul3A_602 : i32
          %swap3A = arith.constant 15 : i32
          %swap3A_604 = arith.index_cast %swap3A : i32 to index
          %swap3A_605 = arith.index_cast %mul3A_603 : i32 to index
          %swap3A_606 = tpu.vector_load %arg7[%swap3A_604, %swap3A_605] {strides = array<i32>} : memref<64x1024xf32, #tpu.memory_space<vmem>>, vector<16xf32>,
          tpu.vector_store %arg7[%swap3A_604, %swap3A_605], %broadcast_in_dim3A_180 {strides = array<i32>} : memref<64x1024xf32, #tpu.memory_space<vmem>>, vector<16xf32>,
        }
        %scan3A_185 = arith.constant 64 : i32
        %add3A_186 = arith.constant 16 : i32
        %add3A_187 = vector.broadcast %add3A_186 : i32 to vector<16xi32>
        %add3A_188 = arith.addi %add3A_187, %iota3A : vector<16xi32>
        %mul3A_189 = arith.constant 8 : i32
        %mul3A_190 = vector.broadcast %mul3A_189 : i32 to vector<16xi32>
        %mul3A_191 = arith.muli %add3A_188, %mul3A_190 : vector<16xi32>
        %add3A_192 = vector.broadcast %squeeze3A : i32 to vector<16xi32>
        %add3A_193 = arith.addi %mul3A_191, %add3A_192 : vector<16xi32>
        %gather3A_194 = tpu.vector_load_idx %arg5[%add3A_193] : memref<512xf32, #tpu.memory_space<vmem>>[vector<16xi32>], vector<16xf32>,
        %slice3A_195 = vector.extract_strided_slice %gather3A_194 {offsets = [0], sizes = [1], strides = [1]} : vector<16xf32> to vector<1xf32>
        %squeeze3A_196 = vector.extract %slice3A_195[0] : f32 from vector<1xf32>
        %broadcast_in_dim3A_197 = vector.broadcast %squeeze3A_196 : f32 to vector<16xf32>
        %scan3A_198 = arith.constant 0 : i32
        %scan3A_199 = arith.constant 64 : i32
        %scan3A_200 = arith.addi %scan3A_198, %scan3A_199 : i32
        %scan3A_201 = arith.constant 1 : i32
        scf.for %scan3A_597 = %scan3A_198 to %scan3A_200 step %scan3A_201  : i32 {
          %mul3A_598 = arith.constant 1 : i32
          %mul3A_599 = arith.muli %scan3A_597, %mul3A_598 : i32
          %add3A_600 = arith.constant 0 : i32
          %add3A_601 = arith.addi %add3A_600, %mul3A_599 : i32
          %mul3A_602 = arith.constant 16 : i32
          %mul3A_603 = arith.muli %add3A_601, %mul3A_602 : i32
          %swap3A = arith.constant 16 : i32
          %swap3A_604 = arith.index_cast %swap3A : i32 to index
          %swap3A_605 = arith.index_cast %mul3A_603 : i32 to index
          %swap3A_606 = tpu.vector_load %arg7[%swap3A_604, %swap3A_605] {strides = array<i32>} : memref<64x1024xf32, #tpu.memory_space<vmem>>, vector<16xf32>,
          tpu.vector_store %arg7[%swap3A_604, %swap3A_605], %broadcast_in_dim3A_197 {strides = array<i32>} : memref<64x1024xf32, #tpu.memory_space<vmem>>, vector<16xf32>,
        }
        %scan3A_202 = arith.constant 64 : i32
        %slice3A_203 = vector.extract_strided_slice %gather3A_194 {offsets = [1], sizes = [1], strides = [1]} : vector<16xf32> to vector<1xf32>
        %squeeze3A_204 = vector.extract %slice3A_203[0] : f32 from vector<1xf32>
        %broadcast_in_dim3A_205 = vector.broadcast %squeeze3A_204 : f32 to vector<16xf32>
        %scan3A_206 = arith.constant 0 : i32
        %scan3A_207 = arith.constant 64 : i32
        %scan3A_208 = arith.addi %scan3A_206, %scan3A_207 : i32
        %scan3A_209 = arith.constant 1 : i32
        scf.for %scan3A_597 = %scan3A_206 to %scan3A_208 step %scan3A_209  : i32 {
          %mul3A_598 = arith.constant 1 : i32
          %mul3A_599 = arith.muli %scan3A_597, %mul3A_598 : i32
          %add3A_600 = arith.constant 0 : i32
          %add3A_601 = arith.addi %add3A_600, %mul3A_599 : i32
          %mul3A_602 = arith.constant 16 : i32
          %mul3A_603 = arith.muli %add3A_601, %mul3A_602 : i32
          %swap3A = arith.constant 17 : i32
          %swap3A_604 = arith.index_cast %swap3A : i32 to index
          %swap3A_605 = arith.index_cast %mul3A_603 : i32 to index
          %swap3A_606 = tpu.vector_load %arg7[%swap3A_604, %swap3A_605] {strides = array<i32>} : memref<64x1024xf32, #tpu.memory_space<vmem>>, vector<16xf32>,
          tpu.vector_store %arg7[%swap3A_604, %swap3A_605], %broadcast_in_dim3A_205 {strides = array<i32>} : memref<64x1024xf32, #tpu.memory_space<vmem>>, vector<16xf32>,
        }
        %scan3A_210 = arith.constant 64 : i32
        %slice3A_211 = vector.extract_strided_slice %gather3A_194 {offsets = [2], sizes = [1], strides = [1]} : vector<16xf32> to vector<1xf32>
        %squeeze3A_212 = vector.extract %slice3A_211[0] : f32 from vector<1xf32>
        %broadcast_in_dim3A_213 = vector.broadcast %squeeze3A_212 : f32 to vector<16xf32>
        %scan3A_214 = arith.constant 0 : i32
        %scan3A_215 = arith.constant 64 : i32
        %scan3A_216 = arith.addi %scan3A_214, %scan3A_215 : i32
        %scan3A_217 = arith.constant 1 : i32
        scf.for %scan3A_597 = %scan3A_214 to %scan3A_216 step %scan3A_217  : i32 {
          %mul3A_598 = arith.constant 1 : i32
          %mul3A_599 = arith.muli %scan3A_597, %mul3A_598 : i32
          %add3A_600 = arith.constant 0 : i32
          %add3A_601 = arith.addi %add3A_600, %mul3A_599 : i32
          %mul3A_602 = arith.constant 16 : i32
          %mul3A_603 = arith.muli %add3A_601, %mul3A_602 : i32
          %swap3A = arith.constant 18 : i32
          %swap3A_604 = arith.index_cast %swap3A : i32 to index
          %swap3A_605 = arith.index_cast %mul3A_603 : i32 to index
          %swap3A_606 = tpu.vector_load %arg7[%swap3A_604, %swap3A_605] {strides = array<i32>} : memref<64x1024xf32, #tpu.memory_space<vmem>>, vector<16xf32>,
          tpu.vector_store %arg7[%swap3A_604, %swap3A_605], %broadcast_in_dim3A_213 {strides = array<i32>} : memref<64x1024xf32, #tpu.memory_space<vmem>>, vector<16xf32>,
        }
        %scan3A_218 = arith.constant 64 : i32
        %slice3A_219 = vector.extract_strided_slice %gather3A_194 {offsets = [3], sizes = [1], strides = [1]} : vector<16xf32> to vector<1xf32>
        %squeeze3A_220 = vector.extract %slice3A_219[0] : f32 from vector<1xf32>
        %broadcast_in_dim3A_221 = vector.broadcast %squeeze3A_220 : f32 to vector<16xf32>
        %scan3A_222 = arith.constant 0 : i32
        %scan3A_223 = arith.constant 64 : i32
        %scan3A_224 = arith.addi %scan3A_222, %scan3A_223 : i32
        %scan3A_225 = arith.constant 1 : i32
        scf.for %scan3A_597 = %scan3A_222 to %scan3A_224 step %scan3A_225  : i32 {
          %mul3A_598 = arith.constant 1 : i32
          %mul3A_599 = arith.muli %scan3A_597, %mul3A_598 : i32
          %add3A_600 = arith.constant 0 : i32
          %add3A_601 = arith.addi %add3A_600, %mul3A_599 : i32
          %mul3A_602 = arith.constant 16 : i32
          %mul3A_603 = arith.muli %add3A_601, %mul3A_602 : i32
          %swap3A = arith.constant 19 : i32
          %swap3A_604 = arith.index_cast %swap3A : i32 to index
          %swap3A_605 = arith.index_cast %mul3A_603 : i32 to index
          %swap3A_606 = tpu.vector_load %arg7[%swap3A_604, %swap3A_605] {strides = array<i32>} : memref<64x1024xf32, #tpu.memory_space<vmem>>, vector<16xf32>,
          tpu.vector_store %arg7[%swap3A_604, %swap3A_605], %broadcast_in_dim3A_221 {strides = array<i32>} : memref<64x1024xf32, #tpu.memory_space<vmem>>, vector<16xf32>,
        }
        %scan3A_226 = arith.constant 64 : i32
        %slice3A_227 = vector.extract_strided_slice %gather3A_194 {offsets = [4], sizes = [1], strides = [1]} : vector<16xf32> to vector<1xf32>
        %squeeze3A_228 = vector.extract %slice3A_227[0] : f32 from vector<1xf32>
        %broadcast_in_dim3A_229 = vector.broadcast %squeeze3A_228 : f32 to vector<16xf32>
        %scan3A_230 = arith.constant 0 : i32
        %scan3A_231 = arith.constant 64 : i32
        %scan3A_232 = arith.addi %scan3A_230, %scan3A_231 : i32
        %scan3A_233 = arith.constant 1 : i32
        scf.for %scan3A_597 = %scan3A_230 to %scan3A_232 step %scan3A_233  : i32 {
          %mul3A_598 = arith.constant 1 : i32
          %mul3A_599 = arith.muli %scan3A_597, %mul3A_598 : i32
          %add3A_600 = arith.constant 0 : i32
          %add3A_601 = arith.addi %add3A_600, %mul3A_599 : i32
          %mul3A_602 = arith.constant 16 : i32
          %mul3A_603 = arith.muli %add3A_601, %mul3A_602 : i32
          %swap3A = arith.constant 20 : i32
          %swap3A_604 = arith.index_cast %swap3A : i32 to index
          %swap3A_605 = arith.index_cast %mul3A_603 : i32 to index
          %swap3A_606 = tpu.vector_load %arg7[%swap3A_604, %swap3A_605] {strides = array<i32>} : memref<64x1024xf32, #tpu.memory_space<vmem>>, vector<16xf32>,
          tpu.vector_store %arg7[%swap3A_604, %swap3A_605], %broadcast_in_dim3A_229 {strides = array<i32>} : memref<64x1024xf32, #tpu.memory_space<vmem>>, vector<16xf32>,
        }
        %scan3A_234 = arith.constant 64 : i32
        %slice3A_235 = vector.extract_strided_slice %gather3A_194 {offsets = [5], sizes = [1], strides = [1]} : vector<16xf32> to vector<1xf32>
        %squeeze3A_236 = vector.extract %slice3A_235[0] : f32 from vector<1xf32>
        %broadcast_in_dim3A_237 = vector.broadcast %squeeze3A_236 : f32 to vector<16xf32>
        %scan3A_238 = arith.constant 0 : i32
        %scan3A_239 = arith.constant 64 : i32
        %scan3A_240 = arith.addi %scan3A_238, %scan3A_239 : i32
        %scan3A_241 = arith.constant 1 : i32
        scf.for %scan3A_597 = %scan3A_238 to %scan3A_240 step %scan3A_241  : i32 {
          %mul3A_598 = arith.constant 1 : i32
          %mul3A_599 = arith.muli %scan3A_597, %mul3A_598 : i32
          %add3A_600 = arith.constant 0 : i32
          %add3A_601 = arith.addi %add3A_600, %mul3A_599 : i32
          %mul3A_602 = arith.constant 16 : i32
          %mul3A_603 = arith.muli %add3A_601, %mul3A_602 : i32
          %swap3A = arith.constant 21 : i32
          %swap3A_604 = arith.index_cast %swap3A : i32 to index
          %swap3A_605 = arith.index_cast %mul3A_603 : i32 to index
          %swap3A_606 = tpu.vector_load %arg7[%swap3A_604, %swap3A_605] {strides = array<i32>} : memref<64x1024xf32, #tpu.memory_space<vmem>>, vector<16xf32>,
          tpu.vector_store %arg7[%swap3A_604, %swap3A_605], %broadcast_in_dim3A_237 {strides = array<i32>} : memref<64x1024xf32, #tpu.memory_space<vmem>>, vector<16xf32>,
        }
        %scan3A_242 = arith.constant 64 : i32
        %slice3A_243 = vector.extract_strided_slice %gather3A_194 {offsets = [6], sizes = [1], strides = [1]} : vector<16xf32> to vector<1xf32>
        %squeeze3A_244 = vector.extract %slice3A_243[0] : f32 from vector<1xf32>
        %broadcast_in_dim3A_245 = vector.broadcast %squeeze3A_244 : f32 to vector<16xf32>
        %scan3A_246 = arith.constant 0 : i32
        %scan3A_247 = arith.constant 64 : i32
        %scan3A_248 = arith.addi %scan3A_246, %scan3A_247 : i32
        %scan3A_249 = arith.constant 1 : i32
        scf.for %scan3A_597 = %scan3A_246 to %scan3A_248 step %scan3A_249  : i32 {
          %mul3A_598 = arith.constant 1 : i32
          %mul3A_599 = arith.muli %scan3A_597, %mul3A_598 : i32
          %add3A_600 = arith.constant 0 : i32
          %add3A_601 = arith.addi %add3A_600, %mul3A_599 : i32
          %mul3A_602 = arith.constant 16 : i32
          %mul3A_603 = arith.muli %add3A_601, %mul3A_602 : i32
          %swap3A = arith.constant 22 : i32
          %swap3A_604 = arith.index_cast %swap3A : i32 to index
          %swap3A_605 = arith.index_cast %mul3A_603 : i32 to index
          %swap3A_606 = tpu.vector_load %arg7[%swap3A_604, %swap3A_605] {strides = array<i32>} : memref<64x1024xf32, #tpu.memory_space<vmem>>, vector<16xf32>,
          tpu.vector_store %arg7[%swap3A_604, %swap3A_605], %broadcast_in_dim3A_245 {strides = array<i32>} : memref<64x1024xf32, #tpu.memory_space<vmem>>, vector<16xf32>,
        }
        %scan3A_250 = arith.constant 64 : i32
        %slice3A_251 = vector.extract_strided_slice %gather3A_194 {offsets = [7], sizes = [1], strides = [1]} : vector<16xf32> to vector<1xf32>
        %squeeze3A_252 = vector.extract %slice3A_251[0] : f32 from vector<1xf32>
        %broadcast_in_dim3A_253 = vector.broadcast %squeeze3A_252 : f32 to vector<16xf32>
        %scan3A_254 = arith.constant 0 : i32
        %scan3A_255 = arith.constant 64 : i32
        %scan3A_256 = arith.addi %scan3A_254, %scan3A_255 : i32
        %scan3A_257 = arith.constant 1 : i32
        scf.for %scan3A_597 = %scan3A_254 to %scan3A_256 step %scan3A_257  : i32 {
          %mul3A_598 = arith.constant 1 : i32
          %mul3A_599 = arith.muli %scan3A_597, %mul3A_598 : i32
          %add3A_600 = arith.constant 0 : i32
          %add3A_601 = arith.addi %add3A_600, %mul3A_599 : i32
          %mul3A_602 = arith.constant 16 : i32
          %mul3A_603 = arith.muli %add3A_601, %mul3A_602 : i32
          %swap3A = arith.constant 23 : i32
          %swap3A_604 = arith.index_cast %swap3A : i32 to index
          %swap3A_605 = arith.index_cast %mul3A_603 : i32 to index
          %swap3A_606 = tpu.vector_load %arg7[%swap3A_604, %swap3A_605] {strides = array<i32>} : memref<64x1024xf32, #tpu.memory_space<vmem>>, vector<16xf32>,
          tpu.vector_store %arg7[%swap3A_604, %swap3A_605], %broadcast_in_dim3A_253 {strides = array<i32>} : memref<64x1024xf32, #tpu.memory_space<vmem>>, vector<16xf32>,
        }
        %scan3A_258 = arith.constant 64 : i32
        %slice3A_259 = vector.extract_strided_slice %gather3A_194 {offsets = [8], sizes = [1], strides = [1]} : vector<16xf32> to vector<1xf32>
        %squeeze3A_260 = vector.extract %slice3A_259[0] : f32 from vector<1xf32>
        %broadcast_in_dim3A_261 = vector.broadcast %squeeze3A_260 : f32 to vector<16xf32>
        %scan3A_262 = arith.constant 0 : i32
        %scan3A_263 = arith.constant 64 : i32
        %scan3A_264 = arith.addi %scan3A_262, %scan3A_263 : i32
        %scan3A_265 = arith.constant 1 : i32
        scf.for %scan3A_597 = %scan3A_262 to %scan3A_264 step %scan3A_265  : i32 {
          %mul3A_598 = arith.constant 1 : i32
          %mul3A_599 = arith.muli %scan3A_597, %mul3A_598 : i32
          %add3A_600 = arith.constant 0 : i32
          %add3A_601 = arith.addi %add3A_600, %mul3A_599 : i32
          %mul3A_602 = arith.constant 16 : i32
          %mul3A_603 = arith.muli %add3A_601, %mul3A_602 : i32
          %swap3A = arith.constant 24 : i32
          %swap3A_604 = arith.index_cast %swap3A : i32 to index
          %swap3A_605 = arith.index_cast %mul3A_603 : i32 to index
          %swap3A_606 = tpu.vector_load %arg7[%swap3A_604, %swap3A_605] {strides = array<i32>} : memref<64x1024xf32, #tpu.memory_space<vmem>>, vector<16xf32>,
          tpu.vector_store %arg7[%swap3A_604, %swap3A_605], %broadcast_in_dim3A_261 {strides = array<i32>} : memref<64x1024xf32, #tpu.memory_space<vmem>>, vector<16xf32>,
        }
        %scan3A_266 = arith.constant 64 : i32
        %slice3A_267 = vector.extract_strided_slice %gather3A_194 {offsets = [9], sizes = [1], strides = [1]} : vector<16xf32> to vector<1xf32>
        %squeeze3A_268 = vector.extract %slice3A_267[0] : f32 from vector<1xf32>
        %broadcast_in_dim3A_269 = vector.broadcast %squeeze3A_268 : f32 to vector<16xf32>
        %scan3A_270 = arith.constant 0 : i32
        %scan3A_271 = arith.constant 64 : i32
        %scan3A_272 = arith.addi %scan3A_270, %scan3A_271 : i32
        %scan3A_273 = arith.constant 1 : i32
        scf.for %scan3A_597 = %scan3A_270 to %scan3A_272 step %scan3A_273  : i32 {
          %mul3A_598 = arith.constant 1 : i32
          %mul3A_599 = arith.muli %scan3A_597, %mul3A_598 : i32
          %add3A_600 = arith.constant 0 : i32
          %add3A_601 = arith.addi %add3A_600, %mul3A_599 : i32
          %mul3A_602 = arith.constant 16 : i32
          %mul3A_603 = arith.muli %add3A_601, %mul3A_602 : i32
          %swap3A = arith.constant 25 : i32
          %swap3A_604 = arith.index_cast %swap3A : i32 to index
          %swap3A_605 = arith.index_cast %mul3A_603 : i32 to index
          %swap3A_606 = tpu.vector_load %arg7[%swap3A_604, %swap3A_605] {strides = array<i32>} : memref<64x1024xf32, #tpu.memory_space<vmem>>, vector<16xf32>,
          tpu.vector_store %arg7[%swap3A_604, %swap3A_605], %broadcast_in_dim3A_269 {strides = array<i32>} : memref<64x1024xf32, #tpu.memory_space<vmem>>, vector<16xf32>,
        }
        %scan3A_274 = arith.constant 64 : i32
        %slice3A_275 = vector.extract_strided_slice %gather3A_194 {offsets = [10], sizes = [1], strides = [1]} : vector<16xf32> to vector<1xf32>
        %squeeze3A_276 = vector.extract %slice3A_275[0] : f32 from vector<1xf32>
        %broadcast_in_dim3A_277 = vector.broadcast %squeeze3A_276 : f32 to vector<16xf32>
        %scan3A_278 = arith.constant 0 : i32
        %scan3A_279 = arith.constant 64 : i32
        %scan3A_280 = arith.addi %scan3A_278, %scan3A_279 : i32
        %scan3A_281 = arith.constant 1 : i32
        scf.for %scan3A_597 = %scan3A_278 to %scan3A_280 step %scan3A_281  : i32 {
          %mul3A_598 = arith.constant 1 : i32
          %mul3A_599 = arith.muli %scan3A_597, %mul3A_598 : i32
          %add3A_600 = arith.constant 0 : i32
          %add3A_601 = arith.addi %add3A_600, %mul3A_599 : i32
          %mul3A_602 = arith.constant 16 : i32
          %mul3A_603 = arith.muli %add3A_601, %mul3A_602 : i32
          %swap3A = arith.constant 26 : i32
          %swap3A_604 = arith.index_cast %swap3A : i32 to index
          %swap3A_605 = arith.index_cast %mul3A_603 : i32 to index
          %swap3A_606 = tpu.vector_load %arg7[%swap3A_604, %swap3A_605] {strides = array<i32>} : memref<64x1024xf32, #tpu.memory_space<vmem>>, vector<16xf32>,
          tpu.vector_store %arg7[%swap3A_604, %swap3A_605], %broadcast_in_dim3A_277 {strides = array<i32>} : memref<64x1024xf32, #tpu.memory_space<vmem>>, vector<16xf32>,
        }
        %scan3A_282 = arith.constant 64 : i32
        %slice3A_283 = vector.extract_strided_slice %gather3A_194 {offsets = [11], sizes = [1], strides = [1]} : vector<16xf32> to vector<1xf32>
        %squeeze3A_284 = vector.extract %slice3A_283[0] : f32 from vector<1xf32>
        %broadcast_in_dim3A_285 = vector.broadcast %squeeze3A_284 : f32 to vector<16xf32>
        %scan3A_286 = arith.constant 0 : i32
        %scan3A_287 = arith.constant 64 : i32
        %scan3A_288 = arith.addi %scan3A_286, %scan3A_287 : i32
        %scan3A_289 = arith.constant 1 : i32
        scf.for %scan3A_597 = %scan3A_286 to %scan3A_288 step %scan3A_289  : i32 {
          %mul3A_598 = arith.constant 1 : i32
          %mul3A_599 = arith.muli %scan3A_597, %mul3A_598 : i32
          %add3A_600 = arith.constant 0 : i32
          %add3A_601 = arith.addi %add3A_600, %mul3A_599 : i32
          %mul3A_602 = arith.constant 16 : i32
          %mul3A_603 = arith.muli %add3A_601, %mul3A_602 : i32
          %swap3A = arith.constant 27 : i32
          %swap3A_604 = arith.index_cast %swap3A : i32 to index
          %swap3A_605 = arith.index_cast %mul3A_603 : i32 to index
          %swap3A_606 = tpu.vector_load %arg7[%swap3A_604, %swap3A_605] {strides = array<i32>} : memref<64x1024xf32, #tpu.memory_space<vmem>>, vector<16xf32>,
          tpu.vector_store %arg7[%swap3A_604, %swap3A_605], %broadcast_in_dim3A_285 {strides = array<i32>} : memref<64x1024xf32, #tpu.memory_space<vmem>>, vector<16xf32>,
        }
        %scan3A_290 = arith.constant 64 : i32
        %slice3A_291 = vector.extract_strided_slice %gather3A_194 {offsets = [12], sizes = [1], strides = [1]} : vector<16xf32> to vector<1xf32>
        %squeeze3A_292 = vector.extract %slice3A_291[0] : f32 from vector<1xf32>
        %broadcast_in_dim3A_293 = vector.broadcast %squeeze3A_292 : f32 to vector<16xf32>
        %scan3A_294 = arith.constant 0 : i32
        %scan3A_295 = arith.constant 64 : i32
        %scan3A_296 = arith.addi %scan3A_294, %scan3A_295 : i32
        %scan3A_297 = arith.constant 1 : i32
        scf.for %scan3A_597 = %scan3A_294 to %scan3A_296 step %scan3A_297  : i32 {
          %mul3A_598 = arith.constant 1 : i32
          %mul3A_599 = arith.muli %scan3A_597, %mul3A_598 : i32
          %add3A_600 = arith.constant 0 : i32
          %add3A_601 = arith.addi %add3A_600, %mul3A_599 : i32
          %mul3A_602 = arith.constant 16 : i32
          %mul3A_603 = arith.muli %add3A_601, %mul3A_602 : i32
          %swap3A = arith.constant 28 : i32
          %swap3A_604 = arith.index_cast %swap3A : i32 to index
          %swap3A_605 = arith.index_cast %mul3A_603 : i32 to index
          %swap3A_606 = tpu.vector_load %arg7[%swap3A_604, %swap3A_605] {strides = array<i32>} : memref<64x1024xf32, #tpu.memory_space<vmem>>, vector<16xf32>,
          tpu.vector_store %arg7[%swap3A_604, %swap3A_605], %broadcast_in_dim3A_293 {strides = array<i32>} : memref<64x1024xf32, #tpu.memory_space<vmem>>, vector<16xf32>,
        }
        %scan3A_298 = arith.constant 64 : i32
        %slice3A_299 = vector.extract_strided_slice %gather3A_194 {offsets = [13], sizes = [1], strides = [1]} : vector<16xf32> to vector<1xf32>
        %squeeze3A_300 = vector.extract %slice3A_299[0] : f32 from vector<1xf32>
        %broadcast_in_dim3A_301 = vector.broadcast %squeeze3A_300 : f32 to vector<16xf32>
        %scan3A_302 = arith.constant 0 : i32
        %scan3A_303 = arith.constant 64 : i32
        %scan3A_304 = arith.addi %scan3A_302, %scan3A_303 : i32
        %scan3A_305 = arith.constant 1 : i32
        scf.for %scan3A_597 = %scan3A_302 to %scan3A_304 step %scan3A_305  : i32 {
          %mul3A_598 = arith.constant 1 : i32
          %mul3A_599 = arith.muli %scan3A_597, %mul3A_598 : i32
          %add3A_600 = arith.constant 0 : i32
          %add3A_601 = arith.addi %add3A_600, %mul3A_599 : i32
          %mul3A_602 = arith.constant 16 : i32
          %mul3A_603 = arith.muli %add3A_601, %mul3A_602 : i32
          %swap3A = arith.constant 29 : i32
          %swap3A_604 = arith.index_cast %swap3A : i32 to index
          %swap3A_605 = arith.index_cast %mul3A_603 : i32 to index
          %swap3A_606 = tpu.vector_load %arg7[%swap3A_604, %swap3A_605] {strides = array<i32>} : memref<64x1024xf32, #tpu.memory_space<vmem>>, vector<16xf32>,
          tpu.vector_store %arg7[%swap3A_604, %swap3A_605], %broadcast_in_dim3A_301 {strides = array<i32>} : memref<64x1024xf32, #tpu.memory_space<vmem>>, vector<16xf32>,
        }
        %scan3A_306 = arith.constant 64 : i32
        %slice3A_307 = vector.extract_strided_slice %gather3A_194 {offsets = [14], sizes = [1], strides = [1]} : vector<16xf32> to vector<1xf32>
        %squeeze3A_308 = vector.extract %slice3A_307[0] : f32 from vector<1xf32>
        %broadcast_in_dim3A_309 = vector.broadcast %squeeze3A_308 : f32 to vector<16xf32>
        %scan3A_310 = arith.constant 0 : i32
        %scan3A_311 = arith.constant 64 : i32
        %scan3A_312 = arith.addi %scan3A_310, %scan3A_311 : i32
        %scan3A_313 = arith.constant 1 : i32
        scf.for %scan3A_597 = %scan3A_310 to %scan3A_312 step %scan3A_313  : i32 {
          %mul3A_598 = arith.constant 1 : i32
          %mul3A_599 = arith.muli %scan3A_597, %mul3A_598 : i32
          %add3A_600 = arith.constant 0 : i32
          %add3A_601 = arith.addi %add3A_600, %mul3A_599 : i32
          %mul3A_602 = arith.constant 16 : i32
          %mul3A_603 = arith.muli %add3A_601, %mul3A_602 : i32
          %swap3A = arith.constant 30 : i32
          %swap3A_604 = arith.index_cast %swap3A : i32 to index
          %swap3A_605 = arith.index_cast %mul3A_603 : i32 to index
          %swap3A_606 = tpu.vector_load %arg7[%swap3A_604, %swap3A_605] {strides = array<i32>} : memref<64x1024xf32, #tpu.memory_space<vmem>>, vector<16xf32>,
          tpu.vector_store %arg7[%swap3A_604, %swap3A_605], %broadcast_in_dim3A_309 {strides = array<i32>} : memref<64x1024xf32, #tpu.memory_space<vmem>>, vector<16xf32>,
        }
        %scan3A_314 = arith.constant 64 : i32
        %slice3A_315 = vector.extract_strided_slice %gather3A_194 {offsets = [15], sizes = [1], strides = [1]} : vector<16xf32> to vector<1xf32>
        %squeeze3A_316 = vector.extract %slice3A_315[0] : f32 from vector<1xf32>
        %broadcast_in_dim3A_317 = vector.broadcast %squeeze3A_316 : f32 to vector<16xf32>
        %scan3A_318 = arith.constant 0 : i32
        %scan3A_319 = arith.constant 64 : i32
        %scan3A_320 = arith.addi %scan3A_318, %scan3A_319 : i32
        %scan3A_321 = arith.constant 1 : i32
        scf.for %scan3A_597 = %scan3A_318 to %scan3A_320 step %scan3A_321  : i32 {
          %mul3A_598 = arith.constant 1 : i32
          %mul3A_599 = arith.muli %scan3A_597, %mul3A_598 : i32
          %add3A_600 = arith.constant 0 : i32
          %add3A_601 = arith.addi %add3A_600, %mul3A_599 : i32
          %mul3A_602 = arith.constant 16 : i32
          %mul3A_603 = arith.muli %add3A_601, %mul3A_602 : i32
          %swap3A = arith.constant 31 : i32
          %swap3A_604 = arith.index_cast %swap3A : i32 to index
          %swap3A_605 = arith.index_cast %mul3A_603 : i32 to index
          %swap3A_606 = tpu.vector_load %arg7[%swap3A_604, %swap3A_605] {strides = array<i32>} : memref<64x1024xf32, #tpu.memory_space<vmem>>, vector<16xf32>,
          tpu.vector_store %arg7[%swap3A_604, %swap3A_605], %broadcast_in_dim3A_317 {strides = array<i32>} : memref<64x1024xf32, #tpu.memory_space<vmem>>, vector<16xf32>,
        }
        %scan3A_322 = arith.constant 64 : i32
        %add3A_323 = arith.constant 32 : i32
        %add3A_324 = vector.broadcast %add3A_323 : i32 to vector<16xi32>
        %add3A_325 = arith.addi %add3A_324, %iota3A : vector<16xi32>
        %mul3A_326 = arith.constant 8 : i32
        %mul3A_327 = vector.broadcast %mul3A_326 : i32 to vector<16xi32>
        %mul3A_328 = arith.muli %add3A_325, %mul3A_327 : vector<16xi32>
        %add3A_329 = vector.broadcast %squeeze3A : i32 to vector<16xi32>
        %add3A_330 = arith.addi %mul3A_328, %add3A_329 : vector<16xi32>
        %gather3A_331 = tpu.vector_load_idx %arg5[%add3A_330] : memref<512xf32, #tpu.memory_space<vmem>>[vector<16xi32>], vector<16xf32>,
        %slice3A_332 = vector.extract_strided_slice %gather3A_331 {offsets = [0], sizes = [1], strides = [1]} : vector<16xf32> to vector<1xf32>
        %squeeze3A_333 = vector.extract %slice3A_332[0] : f32 from vector<1xf32>
        %broadcast_in_dim3A_334 = vector.broadcast %squeeze3A_333 : f32 to vector<16xf32>
        %scan3A_335 = arith.constant 0 : i32
        %scan3A_336 = arith.constant 64 : i32
        %scan3A_337 = arith.addi %scan3A_335, %scan3A_336 : i32
        %scan3A_338 = arith.constant 1 : i32
        scf.for %scan3A_597 = %scan3A_335 to %scan3A_337 step %scan3A_338  : i32 {
          %mul3A_598 = arith.constant 1 : i32
          %mul3A_599 = arith.muli %scan3A_597, %mul3A_598 : i32
          %add3A_600 = arith.constant 0 : i32
          %add3A_601 = arith.addi %add3A_600, %mul3A_599 : i32
          %mul3A_602 = arith.constant 16 : i32
          %mul3A_603 = arith.muli %add3A_601, %mul3A_602 : i32
          %swap3A = arith.constant 32 : i32
          %swap3A_604 = arith.index_cast %swap3A : i32 to index
          %swap3A_605 = arith.index_cast %mul3A_603 : i32 to index
          %swap3A_606 = tpu.vector_load %arg7[%swap3A_604, %swap3A_605] {strides = array<i32>} : memref<64x1024xf32, #tpu.memory_space<vmem>>, vector<16xf32>,
          tpu.vector_store %arg7[%swap3A_604, %swap3A_605], %broadcast_in_dim3A_334 {strides = array<i32>} : memref<64x1024xf32, #tpu.memory_space<vmem>>, vector<16xf32>,
        }
        %scan3A_339 = arith.constant 64 : i32
        %slice3A_340 = vector.extract_strided_slice %gather3A_331 {offsets = [1], sizes = [1], strides = [1]} : vector<16xf32> to vector<1xf32>
        %squeeze3A_341 = vector.extract %slice3A_340[0] : f32 from vector<1xf32>
        %broadcast_in_dim3A_342 = vector.broadcast %squeeze3A_341 : f32 to vector<16xf32>
        %scan3A_343 = arith.constant 0 : i32
        %scan3A_344 = arith.constant 64 : i32
        %scan3A_345 = arith.addi %scan3A_343, %scan3A_344 : i32
        %scan3A_346 = arith.constant 1 : i32
        scf.for %scan3A_597 = %scan3A_343 to %scan3A_345 step %scan3A_346  : i32 {
          %mul3A_598 = arith.constant 1 : i32
          %mul3A_599 = arith.muli %scan3A_597, %mul3A_598 : i32
          %add3A_600 = arith.constant 0 : i32
          %add3A_601 = arith.addi %add3A_600, %mul3A_599 : i32
          %mul3A_602 = arith.constant 16 : i32
          %mul3A_603 = arith.muli %add3A_601, %mul3A_602 : i32
          %swap3A = arith.constant 33 : i32
          %swap3A_604 = arith.index_cast %swap3A : i32 to index
          %swap3A_605 = arith.index_cast %mul3A_603 : i32 to index
          %swap3A_606 = tpu.vector_load %arg7[%swap3A_604, %swap3A_605] {strides = array<i32>} : memref<64x1024xf32, #tpu.memory_space<vmem>>, vector<16xf32>,
          tpu.vector_store %arg7[%swap3A_604, %swap3A_605], %broadcast_in_dim3A_342 {strides = array<i32>} : memref<64x1024xf32, #tpu.memory_space<vmem>>, vector<16xf32>,
        }
        %scan3A_347 = arith.constant 64 : i32
        %slice3A_348 = vector.extract_strided_slice %gather3A_331 {offsets = [2], sizes = [1], strides = [1]} : vector<16xf32> to vector<1xf32>
        %squeeze3A_349 = vector.extract %slice3A_348[0] : f32 from vector<1xf32>
        %broadcast_in_dim3A_350 = vector.broadcast %squeeze3A_349 : f32 to vector<16xf32>
        %scan3A_351 = arith.constant 0 : i32
        %scan3A_352 = arith.constant 64 : i32
        %scan3A_353 = arith.addi %scan3A_351, %scan3A_352 : i32
        %scan3A_354 = arith.constant 1 : i32
        scf.for %scan3A_597 = %scan3A_351 to %scan3A_353 step %scan3A_354  : i32 {
          %mul3A_598 = arith.constant 1 : i32
          %mul3A_599 = arith.muli %scan3A_597, %mul3A_598 : i32
          %add3A_600 = arith.constant 0 : i32
          %add3A_601 = arith.addi %add3A_600, %mul3A_599 : i32
          %mul3A_602 = arith.constant 16 : i32
          %mul3A_603 = arith.muli %add3A_601, %mul3A_602 : i32
          %swap3A = arith.constant 34 : i32
          %swap3A_604 = arith.index_cast %swap3A : i32 to index
          %swap3A_605 = arith.index_cast %mul3A_603 : i32 to index
          %swap3A_606 = tpu.vector_load %arg7[%swap3A_604, %swap3A_605] {strides = array<i32>} : memref<64x1024xf32, #tpu.memory_space<vmem>>, vector<16xf32>,
          tpu.vector_store %arg7[%swap3A_604, %swap3A_605], %broadcast_in_dim3A_350 {strides = array<i32>} : memref<64x1024xf32, #tpu.memory_space<vmem>>, vector<16xf32>,
        }
        %scan3A_355 = arith.constant 64 : i32
        %slice3A_356 = vector.extract_strided_slice %gather3A_331 {offsets = [3], sizes = [1], strides = [1]} : vector<16xf32> to vector<1xf32>
        %squeeze3A_357 = vector.extract %slice3A_356[0] : f32 from vector<1xf32>
        %broadcast_in_dim3A_358 = vector.broadcast %squeeze3A_357 : f32 to vector<16xf32>
        %scan3A_359 = arith.constant 0 : i32
        %scan3A_360 = arith.constant 64 : i32
        %scan3A_361 = arith.addi %scan3A_359, %scan3A_360 : i32
        %scan3A_362 = arith.constant 1 : i32
        scf.for %scan3A_597 = %scan3A_359 to %scan3A_361 step %scan3A_362  : i32 {
          %mul3A_598 = arith.constant 1 : i32
          %mul3A_599 = arith.muli %scan3A_597, %mul3A_598 : i32
          %add3A_600 = arith.constant 0 : i32
          %add3A_601 = arith.addi %add3A_600, %mul3A_599 : i32
          %mul3A_602 = arith.constant 16 : i32
          %mul3A_603 = arith.muli %add3A_601, %mul3A_602 : i32
          %swap3A = arith.constant 35 : i32
          %swap3A_604 = arith.index_cast %swap3A : i32 to index
          %swap3A_605 = arith.index_cast %mul3A_603 : i32 to index
          %swap3A_606 = tpu.vector_load %arg7[%swap3A_604, %swap3A_605] {strides = array<i32>} : memref<64x1024xf32, #tpu.memory_space<vmem>>, vector<16xf32>,
          tpu.vector_store %arg7[%swap3A_604, %swap3A_605], %broadcast_in_dim3A_358 {strides = array<i32>} : memref<64x1024xf32, #tpu.memory_space<vmem>>, vector<16xf32>,
        }
        %scan3A_363 = arith.constant 64 : i32
        %slice3A_364 = vector.extract_strided_slice %gather3A_331 {offsets = [4], sizes = [1], strides = [1]} : vector<16xf32> to vector<1xf32>
        %squeeze3A_365 = vector.extract %slice3A_364[0] : f32 from vector<1xf32>
        %broadcast_in_dim3A_366 = vector.broadcast %squeeze3A_365 : f32 to vector<16xf32>
        %scan3A_367 = arith.constant 0 : i32
        %scan3A_368 = arith.constant 64 : i32
        %scan3A_369 = arith.addi %scan3A_367, %scan3A_368 : i32
        %scan3A_370 = arith.constant 1 : i32
        scf.for %scan3A_597 = %scan3A_367 to %scan3A_369 step %scan3A_370  : i32 {
          %mul3A_598 = arith.constant 1 : i32
          %mul3A_599 = arith.muli %scan3A_597, %mul3A_598 : i32
          %add3A_600 = arith.constant 0 : i32
          %add3A_601 = arith.addi %add3A_600, %mul3A_599 : i32
          %mul3A_602 = arith.constant 16 : i32
          %mul3A_603 = arith.muli %add3A_601, %mul3A_602 : i32
          %swap3A = arith.constant 36 : i32
          %swap3A_604 = arith.index_cast %swap3A : i32 to index
          %swap3A_605 = arith.index_cast %mul3A_603 : i32 to index
          %swap3A_606 = tpu.vector_load %arg7[%swap3A_604, %swap3A_605] {strides = array<i32>} : memref<64x1024xf32, #tpu.memory_space<vmem>>, vector<16xf32>,
          tpu.vector_store %arg7[%swap3A_604, %swap3A_605], %broadcast_in_dim3A_366 {strides = array<i32>} : memref<64x1024xf32, #tpu.memory_space<vmem>>, vector<16xf32>,
        }
        %scan3A_371 = arith.constant 64 : i32
        %slice3A_372 = vector.extract_strided_slice %gather3A_331 {offsets = [5], sizes = [1], strides = [1]} : vector<16xf32> to vector<1xf32>
        %squeeze3A_373 = vector.extract %slice3A_372[0] : f32 from vector<1xf32>
        %broadcast_in_dim3A_374 = vector.broadcast %squeeze3A_373 : f32 to vector<16xf32>
        %scan3A_375 = arith.constant 0 : i32
        %scan3A_376 = arith.constant 64 : i32
        %scan3A_377 = arith.addi %scan3A_375, %scan3A_376 : i32
        %scan3A_378 = arith.constant 1 : i32
        scf.for %scan3A_597 = %scan3A_375 to %scan3A_377 step %scan3A_378  : i32 {
          %mul3A_598 = arith.constant 1 : i32
          %mul3A_599 = arith.muli %scan3A_597, %mul3A_598 : i32
          %add3A_600 = arith.constant 0 : i32
          %add3A_601 = arith.addi %add3A_600, %mul3A_599 : i32
          %mul3A_602 = arith.constant 16 : i32
          %mul3A_603 = arith.muli %add3A_601, %mul3A_602 : i32
          %swap3A = arith.constant 37 : i32
          %swap3A_604 = arith.index_cast %swap3A : i32 to index
          %swap3A_605 = arith.index_cast %mul3A_603 : i32 to index
          %swap3A_606 = tpu.vector_load %arg7[%swap3A_604, %swap3A_605] {strides = array<i32>} : memref<64x1024xf32, #tpu.memory_space<vmem>>, vector<16xf32>,
          tpu.vector_store %arg7[%swap3A_604, %swap3A_605], %broadcast_in_dim3A_374 {strides = array<i32>} : memref<64x1024xf32, #tpu.memory_space<vmem>>, vector<16xf32>,
        }
        %scan3A_379 = arith.constant 64 : i32
        %slice3A_380 = vector.extract_strided_slice %gather3A_331 {offsets = [6], sizes = [1], strides = [1]} : vector<16xf32> to vector<1xf32>
        %squeeze3A_381 = vector.extract %slice3A_380[0] : f32 from vector<1xf32>
        %broadcast_in_dim3A_382 = vector.broadcast %squeeze3A_381 : f32 to vector<16xf32>
        %scan3A_383 = arith.constant 0 : i32
        %scan3A_384 = arith.constant 64 : i32
        %scan3A_385 = arith.addi %scan3A_383, %scan3A_384 : i32
        %scan3A_386 = arith.constant 1 : i32
        scf.for %scan3A_597 = %scan3A_383 to %scan3A_385 step %scan3A_386  : i32 {
          %mul3A_598 = arith.constant 1 : i32
          %mul3A_599 = arith.muli %scan3A_597, %mul3A_598 : i32
          %add3A_600 = arith.constant 0 : i32
          %add3A_601 = arith.addi %add3A_600, %mul3A_599 : i32
          %mul3A_602 = arith.constant 16 : i32
          %mul3A_603 = arith.muli %add3A_601, %mul3A_602 : i32
          %swap3A = arith.constant 38 : i32
          %swap3A_604 = arith.index_cast %swap3A : i32 to index
          %swap3A_605 = arith.index_cast %mul3A_603 : i32 to index
          %swap3A_606 = tpu.vector_load %arg7[%swap3A_604, %swap3A_605] {strides = array<i32>} : memref<64x1024xf32, #tpu.memory_space<vmem>>, vector<16xf32>,
          tpu.vector_store %arg7[%swap3A_604, %swap3A_605], %broadcast_in_dim3A_382 {strides = array<i32>} : memref<64x1024xf32, #tpu.memory_space<vmem>>, vector<16xf32>,
        }
        %scan3A_387 = arith.constant 64 : i32
        %slice3A_388 = vector.extract_strided_slice %gather3A_331 {offsets = [7], sizes = [1], strides = [1]} : vector<16xf32> to vector<1xf32>
        %squeeze3A_389 = vector.extract %slice3A_388[0] : f32 from vector<1xf32>
        %broadcast_in_dim3A_390 = vector.broadcast %squeeze3A_389 : f32 to vector<16xf32>
        %scan3A_391 = arith.constant 0 : i32
        %scan3A_392 = arith.constant 64 : i32
        %scan3A_393 = arith.addi %scan3A_391, %scan3A_392 : i32
        %scan3A_394 = arith.constant 1 : i32
        scf.for %scan3A_597 = %scan3A_391 to %scan3A_393 step %scan3A_394  : i32 {
          %mul3A_598 = arith.constant 1 : i32
          %mul3A_599 = arith.muli %scan3A_597, %mul3A_598 : i32
          %add3A_600 = arith.constant 0 : i32
          %add3A_601 = arith.addi %add3A_600, %mul3A_599 : i32
          %mul3A_602 = arith.constant 16 : i32
          %mul3A_603 = arith.muli %add3A_601, %mul3A_602 : i32
          %swap3A = arith.constant 39 : i32
          %swap3A_604 = arith.index_cast %swap3A : i32 to index
          %swap3A_605 = arith.index_cast %mul3A_603 : i32 to index
          %swap3A_606 = tpu.vector_load %arg7[%swap3A_604, %swap3A_605] {strides = array<i32>} : memref<64x1024xf32, #tpu.memory_space<vmem>>, vector<16xf32>,
          tpu.vector_store %arg7[%swap3A_604, %swap3A_605], %broadcast_in_dim3A_390 {strides = array<i32>} : memref<64x1024xf32, #tpu.memory_space<vmem>>, vector<16xf32>,
        }
        %scan3A_395 = arith.constant 64 : i32
        %slice3A_396 = vector.extract_strided_slice %gather3A_331 {offsets = [8], sizes = [1], strides = [1]} : vector<16xf32> to vector<1xf32>
        %squeeze3A_397 = vector.extract %slice3A_396[0] : f32 from vector<1xf32>
        %broadcast_in_dim3A_398 = vector.broadcast %squeeze3A_397 : f32 to vector<16xf32>
        %scan3A_399 = arith.constant 0 : i32
        %scan3A_400 = arith.constant 64 : i32
        %scan3A_401 = arith.addi %scan3A_399, %scan3A_400 : i32
        %scan3A_402 = arith.constant 1 : i32
        scf.for %scan3A_597 = %scan3A_399 to %scan3A_401 step %scan3A_402  : i32 {
          %mul3A_598 = arith.constant 1 : i32
          %mul3A_599 = arith.muli %scan3A_597, %mul3A_598 : i32
          %add3A_600 = arith.constant 0 : i32
          %add3A_601 = arith.addi %add3A_600, %mul3A_599 : i32
          %mul3A_602 = arith.constant 16 : i32
          %mul3A_603 = arith.muli %add3A_601, %mul3A_602 : i32
          %swap3A = arith.constant 40 : i32
          %swap3A_604 = arith.index_cast %swap3A : i32 to index
          %swap3A_605 = arith.index_cast %mul3A_603 : i32 to index
          %swap3A_606 = tpu.vector_load %arg7[%swap3A_604, %swap3A_605] {strides = array<i32>} : memref<64x1024xf32, #tpu.memory_space<vmem>>, vector<16xf32>,
          tpu.vector_store %arg7[%swap3A_604, %swap3A_605], %broadcast_in_dim3A_398 {strides = array<i32>} : memref<64x1024xf32, #tpu.memory_space<vmem>>, vector<16xf32>,
        }
        %scan3A_403 = arith.constant 64 : i32
        %slice3A_404 = vector.extract_strided_slice %gather3A_331 {offsets = [9], sizes = [1], strides = [1]} : vector<16xf32> to vector<1xf32>
        %squeeze3A_405 = vector.extract %slice3A_404[0] : f32 from vector<1xf32>
        %broadcast_in_dim3A_406 = vector.broadcast %squeeze3A_405 : f32 to vector<16xf32>
        %scan3A_407 = arith.constant 0 : i32
        %scan3A_408 = arith.constant 64 : i32
        %scan3A_409 = arith.addi %scan3A_407, %scan3A_408 : i32
        %scan3A_410 = arith.constant 1 : i32
        scf.for %scan3A_597 = %scan3A_407 to %scan3A_409 step %scan3A_410  : i32 {
          %mul3A_598 = arith.constant 1 : i32
          %mul3A_599 = arith.muli %scan3A_597, %mul3A_598 : i32
          %add3A_600 = arith.constant 0 : i32
          %add3A_601 = arith.addi %add3A_600, %mul3A_599 : i32
          %mul3A_602 = arith.constant 16 : i32
          %mul3A_603 = arith.muli %add3A_601, %mul3A_602 : i32
          %swap3A = arith.constant 41 : i32
          %swap3A_604 = arith.index_cast %swap3A : i32 to index
          %swap3A_605 = arith.index_cast %mul3A_603 : i32 to index
          %swap3A_606 = tpu.vector_load %arg7[%swap3A_604, %swap3A_605] {strides = array<i32>} : memref<64x1024xf32, #tpu.memory_space<vmem>>, vector<16xf32>,
          tpu.vector_store %arg7[%swap3A_604, %swap3A_605], %broadcast_in_dim3A_406 {strides = array<i32>} : memref<64x1024xf32, #tpu.memory_space<vmem>>, vector<16xf32>,
        }
        %scan3A_411 = arith.constant 64 : i32
        %slice3A_412 = vector.extract_strided_slice %gather3A_331 {offsets = [10], sizes = [1], strides = [1]} : vector<16xf32> to vector<1xf32>
        %squeeze3A_413 = vector.extract %slice3A_412[0] : f32 from vector<1xf32>
        %broadcast_in_dim3A_414 = vector.broadcast %squeeze3A_413 : f32 to vector<16xf32>
        %scan3A_415 = arith.constant 0 : i32
        %scan3A_416 = arith.constant 64 : i32
        %scan3A_417 = arith.addi %scan3A_415, %scan3A_416 : i32
        %scan3A_418 = arith.constant 1 : i32
        scf.for %scan3A_597 = %scan3A_415 to %scan3A_417 step %scan3A_418  : i32 {
          %mul3A_598 = arith.constant 1 : i32
          %mul3A_599 = arith.muli %scan3A_597, %mul3A_598 : i32
          %add3A_600 = arith.constant 0 : i32
          %add3A_601 = arith.addi %add3A_600, %mul3A_599 : i32
          %mul3A_602 = arith.constant 16 : i32
          %mul3A_603 = arith.muli %add3A_601, %mul3A_602 : i32
          %swap3A = arith.constant 42 : i32
          %swap3A_604 = arith.index_cast %swap3A : i32 to index
          %swap3A_605 = arith.index_cast %mul3A_603 : i32 to index
          %swap3A_606 = tpu.vector_load %arg7[%swap3A_604, %swap3A_605] {strides = array<i32>} : memref<64x1024xf32, #tpu.memory_space<vmem>>, vector<16xf32>,
          tpu.vector_store %arg7[%swap3A_604, %swap3A_605], %broadcast_in_dim3A_414 {strides = array<i32>} : memref<64x1024xf32, #tpu.memory_space<vmem>>, vector<16xf32>,
        }
        %scan3A_419 = arith.constant 64 : i32
        %slice3A_420 = vector.extract_strided_slice %gather3A_331 {offsets = [11], sizes = [1], strides = [1]} : vector<16xf32> to vector<1xf32>
        %squeeze3A_421 = vector.extract %slice3A_420[0] : f32 from vector<1xf32>
        %broadcast_in_dim3A_422 = vector.broadcast %squeeze3A_421 : f32 to vector<16xf32>
        %scan3A_423 = arith.constant 0 : i32
        %scan3A_424 = arith.constant 64 : i32
        %scan3A_425 = arith.addi %scan3A_423, %scan3A_424 : i32
        %scan3A_426 = arith.constant 1 : i32
        scf.for %scan3A_597 = %scan3A_423 to %scan3A_425 step %scan3A_426  : i32 {
          %mul3A_598 = arith.constant 1 : i32
          %mul3A_599 = arith.muli %scan3A_597, %mul3A_598 : i32
          %add3A_600 = arith.constant 0 : i32
          %add3A_601 = arith.addi %add3A_600, %mul3A_599 : i32
          %mul3A_602 = arith.constant 16 : i32
          %mul3A_603 = arith.muli %add3A_601, %mul3A_602 : i32
          %swap3A = arith.constant 43 : i32
          %swap3A_604 = arith.index_cast %swap3A : i32 to index
          %swap3A_605 = arith.index_cast %mul3A_603 : i32 to index
          %swap3A_606 = tpu.vector_load %arg7[%swap3A_604, %swap3A_605] {strides = array<i32>} : memref<64x1024xf32, #tpu.memory_space<vmem>>, vector<16xf32>,
          tpu.vector_store %arg7[%swap3A_604, %swap3A_605], %broadcast_in_dim3A_422 {strides = array<i32>} : memref<64x1024xf32, #tpu.memory_space<vmem>>, vector<16xf32>,
        }
        %scan3A_427 = arith.constant 64 : i32
        %slice3A_428 = vector.extract_strided_slice %gather3A_331 {offsets = [12], sizes = [1], strides = [1]} : vector<16xf32> to vector<1xf32>
        %squeeze3A_429 = vector.extract %slice3A_428[0] : f32 from vector<1xf32>
        %broadcast_in_dim3A_430 = vector.broadcast %squeeze3A_429 : f32 to vector<16xf32>
        %scan3A_431 = arith.constant 0 : i32
        %scan3A_432 = arith.constant 64 : i32
        %scan3A_433 = arith.addi %scan3A_431, %scan3A_432 : i32
        %scan3A_434 = arith.constant 1 : i32
        scf.for %scan3A_597 = %scan3A_431 to %scan3A_433 step %scan3A_434  : i32 {
          %mul3A_598 = arith.constant 1 : i32
          %mul3A_599 = arith.muli %scan3A_597, %mul3A_598 : i32
          %add3A_600 = arith.constant 0 : i32
          %add3A_601 = arith.addi %add3A_600, %mul3A_599 : i32
          %mul3A_602 = arith.constant 16 : i32
          %mul3A_603 = arith.muli %add3A_601, %mul3A_602 : i32
          %swap3A = arith.constant 44 : i32
          %swap3A_604 = arith.index_cast %swap3A : i32 to index
          %swap3A_605 = arith.index_cast %mul3A_603 : i32 to index
          %swap3A_606 = tpu.vector_load %arg7[%swap3A_604, %swap3A_605] {strides = array<i32>} : memref<64x1024xf32, #tpu.memory_space<vmem>>, vector<16xf32>,
          tpu.vector_store %arg7[%swap3A_604, %swap3A_605], %broadcast_in_dim3A_430 {strides = array<i32>} : memref<64x1024xf32, #tpu.memory_space<vmem>>, vector<16xf32>,
        }
        %scan3A_435 = arith.constant 64 : i32
        %slice3A_436 = vector.extract_strided_slice %gather3A_331 {offsets = [13], sizes = [1], strides = [1]} : vector<16xf32> to vector<1xf32>
        %squeeze3A_437 = vector.extract %slice3A_436[0] : f32 from vector<1xf32>
        %broadcast_in_dim3A_438 = vector.broadcast %squeeze3A_437 : f32 to vector<16xf32>
        %scan3A_439 = arith.constant 0 : i32
        %scan3A_440 = arith.constant 64 : i32
        %scan3A_441 = arith.addi %scan3A_439, %scan3A_440 : i32
        %scan3A_442 = arith.constant 1 : i32
        scf.for %scan3A_597 = %scan3A_439 to %scan3A_441 step %scan3A_442  : i32 {
          %mul3A_598 = arith.constant 1 : i32
          %mul3A_599 = arith.muli %scan3A_597, %mul3A_598 : i32
          %add3A_600 = arith.constant 0 : i32
          %add3A_601 = arith.addi %add3A_600, %mul3A_599 : i32
          %mul3A_602 = arith.constant 16 : i32
          %mul3A_603 = arith.muli %add3A_601, %mul3A_602 : i32
          %swap3A = arith.constant 45 : i32
          %swap3A_604 = arith.index_cast %swap3A : i32 to index
          %swap3A_605 = arith.index_cast %mul3A_603 : i32 to index
          %swap3A_606 = tpu.vector_load %arg7[%swap3A_604, %swap3A_605] {strides = array<i32>} : memref<64x1024xf32, #tpu.memory_space<vmem>>, vector<16xf32>,
          tpu.vector_store %arg7[%swap3A_604, %swap3A_605], %broadcast_in_dim3A_438 {strides = array<i32>} : memref<64x1024xf32, #tpu.memory_space<vmem>>, vector<16xf32>,
        }
        %scan3A_443 = arith.constant 64 : i32
        %slice3A_444 = vector.extract_strided_slice %gather3A_331 {offsets = [14], sizes = [1], strides = [1]} : vector<16xf32> to vector<1xf32>
        %squeeze3A_445 = vector.extract %slice3A_444[0] : f32 from vector<1xf32>
        %broadcast_in_dim3A_446 = vector.broadcast %squeeze3A_445 : f32 to vector<16xf32>
        %scan3A_447 = arith.constant 0 : i32
        %scan3A_448 = arith.constant 64 : i32
        %scan3A_449 = arith.addi %scan3A_447, %scan3A_448 : i32
        %scan3A_450 = arith.constant 1 : i32
        scf.for %scan3A_597 = %scan3A_447 to %scan3A_449 step %scan3A_450  : i32 {
          %mul3A_598 = arith.constant 1 : i32
          %mul3A_599 = arith.muli %scan3A_597, %mul3A_598 : i32
          %add3A_600 = arith.constant 0 : i32
          %add3A_601 = arith.addi %add3A_600, %mul3A_599 : i32
          %mul3A_602 = arith.constant 16 : i32
          %mul3A_603 = arith.muli %add3A_601, %mul3A_602 : i32
          %swap3A = arith.constant 46 : i32
          %swap3A_604 = arith.index_cast %swap3A : i32 to index
          %swap3A_605 = arith.index_cast %mul3A_603 : i32 to index
          %swap3A_606 = tpu.vector_load %arg7[%swap3A_604, %swap3A_605] {strides = array<i32>} : memref<64x1024xf32, #tpu.memory_space<vmem>>, vector<16xf32>,
          tpu.vector_store %arg7[%swap3A_604, %swap3A_605], %broadcast_in_dim3A_446 {strides = array<i32>} : memref<64x1024xf32, #tpu.memory_space<vmem>>, vector<16xf32>,
        }
        %scan3A_451 = arith.constant 64 : i32
        %slice3A_452 = vector.extract_strided_slice %gather3A_331 {offsets = [15], sizes = [1], strides = [1]} : vector<16xf32> to vector<1xf32>
        %squeeze3A_453 = vector.extract %slice3A_452[0] : f32 from vector<1xf32>
        %broadcast_in_dim3A_454 = vector.broadcast %squeeze3A_453 : f32 to vector<16xf32>
        %scan3A_455 = arith.constant 0 : i32
        %scan3A_456 = arith.constant 64 : i32
        %scan3A_457 = arith.addi %scan3A_455, %scan3A_456 : i32
        %scan3A_458 = arith.constant 1 : i32
        scf.for %scan3A_597 = %scan3A_455 to %scan3A_457 step %scan3A_458  : i32 {
          %mul3A_598 = arith.constant 1 : i32
          %mul3A_599 = arith.muli %scan3A_597, %mul3A_598 : i32
          %add3A_600 = arith.constant 0 : i32
          %add3A_601 = arith.addi %add3A_600, %mul3A_599 : i32
          %mul3A_602 = arith.constant 16 : i32
          %mul3A_603 = arith.muli %add3A_601, %mul3A_602 : i32
          %swap3A = arith.constant 47 : i32
          %swap3A_604 = arith.index_cast %swap3A : i32 to index
          %swap3A_605 = arith.index_cast %mul3A_603 : i32 to index
          %swap3A_606 = tpu.vector_load %arg7[%swap3A_604, %swap3A_605] {strides = array<i32>} : memref<64x1024xf32, #tpu.memory_space<vmem>>, vector<16xf32>,
          tpu.vector_store %arg7[%swap3A_604, %swap3A_605], %broadcast_in_dim3A_454 {strides = array<i32>} : memref<64x1024xf32, #tpu.memory_space<vmem>>, vector<16xf32>,
        }
        %scan3A_459 = arith.constant 64 : i32
        %add3A_460 = arith.constant 48 : i32
        %add3A_461 = vector.broadcast %add3A_460 : i32 to vector<16xi32>
        %add3A_462 = arith.addi %add3A_461, %iota3A : vector<16xi32>
        %mul3A_463 = arith.constant 8 : i32
        %mul3A_464 = vector.broadcast %mul3A_463 : i32 to vector<16xi32>
        %mul3A_465 = arith.muli %add3A_462, %mul3A_464 : vector<16xi32>
        %add3A_466 = vector.broadcast %squeeze3A : i32 to vector<16xi32>
        %add3A_467 = arith.addi %mul3A_465, %add3A_466 : vector<16xi32>
        %gather3A_468 = tpu.vector_load_idx %arg5[%add3A_467] : memref<512xf32, #tpu.memory_space<vmem>>[vector<16xi32>], vector<16xf32>,
        %slice3A_469 = vector.extract_strided_slice %gather3A_468 {offsets = [0], sizes = [1], strides = [1]} : vector<16xf32> to vector<1xf32>
        %squeeze3A_470 = vector.extract %slice3A_469[0] : f32 from vector<1xf32>
        %broadcast_in_dim3A_471 = vector.broadcast %squeeze3A_470 : f32 to vector<16xf32>
        %scan3A_472 = arith.constant 0 : i32
        %scan3A_473 = arith.constant 64 : i32
        %scan3A_474 = arith.addi %scan3A_472, %scan3A_473 : i32
        %scan3A_475 = arith.constant 1 : i32
        scf.for %scan3A_597 = %scan3A_472 to %scan3A_474 step %scan3A_475  : i32 {
          %mul3A_598 = arith.constant 1 : i32
          %mul3A_599 = arith.muli %scan3A_597, %mul3A_598 : i32
          %add3A_600 = arith.constant 0 : i32
          %add3A_601 = arith.addi %add3A_600, %mul3A_599 : i32
          %mul3A_602 = arith.constant 16 : i32
          %mul3A_603 = arith.muli %add3A_601, %mul3A_602 : i32
          %swap3A = arith.constant 48 : i32
          %swap3A_604 = arith.index_cast %swap3A : i32 to index
          %swap3A_605 = arith.index_cast %mul3A_603 : i32 to index
          %swap3A_606 = tpu.vector_load %arg7[%swap3A_604, %swap3A_605] {strides = array<i32>} : memref<64x1024xf32, #tpu.memory_space<vmem>>, vector<16xf32>,
          tpu.vector_store %arg7[%swap3A_604, %swap3A_605], %broadcast_in_dim3A_471 {strides = array<i32>} : memref<64x1024xf32, #tpu.memory_space<vmem>>, vector<16xf32>,
        }
        %scan3A_476 = arith.constant 64 : i32
        %slice3A_477 = vector.extract_strided_slice %gather3A_468 {offsets = [1], sizes = [1], strides = [1]} : vector<16xf32> to vector<1xf32>
        %squeeze3A_478 = vector.extract %slice3A_477[0] : f32 from vector<1xf32>
        %broadcast_in_dim3A_479 = vector.broadcast %squeeze3A_478 : f32 to vector<16xf32>
        %scan3A_480 = arith.constant 0 : i32
        %scan3A_481 = arith.constant 64 : i32
        %scan3A_482 = arith.addi %scan3A_480, %scan3A_481 : i32
        %scan3A_483 = arith.constant 1 : i32
        scf.for %scan3A_597 = %scan3A_480 to %scan3A_482 step %scan3A_483  : i32 {
          %mul3A_598 = arith.constant 1 : i32
          %mul3A_599 = arith.muli %scan3A_597, %mul3A_598 : i32
          %add3A_600 = arith.constant 0 : i32
          %add3A_601 = arith.addi %add3A_600, %mul3A_599 : i32
          %mul3A_602 = arith.constant 16 : i32
          %mul3A_603 = arith.muli %add3A_601, %mul3A_602 : i32
          %swap3A = arith.constant 49 : i32
          %swap3A_604 = arith.index_cast %swap3A : i32 to index
          %swap3A_605 = arith.index_cast %mul3A_603 : i32 to index
          %swap3A_606 = tpu.vector_load %arg7[%swap3A_604, %swap3A_605] {strides = array<i32>} : memref<64x1024xf32, #tpu.memory_space<vmem>>, vector<16xf32>,
          tpu.vector_store %arg7[%swap3A_604, %swap3A_605], %broadcast_in_dim3A_479 {strides = array<i32>} : memref<64x1024xf32, #tpu.memory_space<vmem>>, vector<16xf32>,
        }
        %scan3A_484 = arith.constant 64 : i32
        %slice3A_485 = vector.extract_strided_slice %gather3A_468 {offsets = [2], sizes = [1], strides = [1]} : vector<16xf32> to vector<1xf32>
        %squeeze3A_486 = vector.extract %slice3A_485[0] : f32 from vector<1xf32>
        %broadcast_in_dim3A_487 = vector.broadcast %squeeze3A_486 : f32 to vector<16xf32>
        %scan3A_488 = arith.constant 0 : i32
        %scan3A_489 = arith.constant 64 : i32
        %scan3A_490 = arith.addi %scan3A_488, %scan3A_489 : i32
        %scan3A_491 = arith.constant 1 : i32
        scf.for %scan3A_597 = %scan3A_488 to %scan3A_490 step %scan3A_491  : i32 {
          %mul3A_598 = arith.constant 1 : i32
          %mul3A_599 = arith.muli %scan3A_597, %mul3A_598 : i32
          %add3A_600 = arith.constant 0 : i32
          %add3A_601 = arith.addi %add3A_600, %mul3A_599 : i32
          %mul3A_602 = arith.constant 16 : i32
          %mul3A_603 = arith.muli %add3A_601, %mul3A_602 : i32
          %swap3A = arith.constant 50 : i32
          %swap3A_604 = arith.index_cast %swap3A : i32 to index
          %swap3A_605 = arith.index_cast %mul3A_603 : i32 to index
          %swap3A_606 = tpu.vector_load %arg7[%swap3A_604, %swap3A_605] {strides = array<i32>} : memref<64x1024xf32, #tpu.memory_space<vmem>>, vector<16xf32>,
          tpu.vector_store %arg7[%swap3A_604, %swap3A_605], %broadcast_in_dim3A_487 {strides = array<i32>} : memref<64x1024xf32, #tpu.memory_space<vmem>>, vector<16xf32>,
        }
        %scan3A_492 = arith.constant 64 : i32
        %slice3A_493 = vector.extract_strided_slice %gather3A_468 {offsets = [3], sizes = [1], strides = [1]} : vector<16xf32> to vector<1xf32>
        %squeeze3A_494 = vector.extract %slice3A_493[0] : f32 from vector<1xf32>
        %broadcast_in_dim3A_495 = vector.broadcast %squeeze3A_494 : f32 to vector<16xf32>
        %scan3A_496 = arith.constant 0 : i32
        %scan3A_497 = arith.constant 64 : i32
        %scan3A_498 = arith.addi %scan3A_496, %scan3A_497 : i32
        %scan3A_499 = arith.constant 1 : i32
        scf.for %scan3A_597 = %scan3A_496 to %scan3A_498 step %scan3A_499  : i32 {
          %mul3A_598 = arith.constant 1 : i32
          %mul3A_599 = arith.muli %scan3A_597, %mul3A_598 : i32
          %add3A_600 = arith.constant 0 : i32
          %add3A_601 = arith.addi %add3A_600, %mul3A_599 : i32
          %mul3A_602 = arith.constant 16 : i32
          %mul3A_603 = arith.muli %add3A_601, %mul3A_602 : i32
          %swap3A = arith.constant 51 : i32
          %swap3A_604 = arith.index_cast %swap3A : i32 to index
          %swap3A_605 = arith.index_cast %mul3A_603 : i32 to index
          %swap3A_606 = tpu.vector_load %arg7[%swap3A_604, %swap3A_605] {strides = array<i32>} : memref<64x1024xf32, #tpu.memory_space<vmem>>, vector<16xf32>,
          tpu.vector_store %arg7[%swap3A_604, %swap3A_605], %broadcast_in_dim3A_495 {strides = array<i32>} : memref<64x1024xf32, #tpu.memory_space<vmem>>, vector<16xf32>,
        }
        %scan3A_500 = arith.constant 64 : i32
        %slice3A_501 = vector.extract_strided_slice %gather3A_468 {offsets = [4], sizes = [1], strides = [1]} : vector<16xf32> to vector<1xf32>
        %squeeze3A_502 = vector.extract %slice3A_501[0] : f32 from vector<1xf32>
        %broadcast_in_dim3A_503 = vector.broadcast %squeeze3A_502 : f32 to vector<16xf32>
        %scan3A_504 = arith.constant 0 : i32
        %scan3A_505 = arith.constant 64 : i32
        %scan3A_506 = arith.addi %scan3A_504, %scan3A_505 : i32
        %scan3A_507 = arith.constant 1 : i32
        scf.for %scan3A_597 = %scan3A_504 to %scan3A_506 step %scan3A_507  : i32 {
          %mul3A_598 = arith.constant 1 : i32
          %mul3A_599 = arith.muli %scan3A_597, %mul3A_598 : i32
          %add3A_600 = arith.constant 0 : i32
          %add3A_601 = arith.addi %add3A_600, %mul3A_599 : i32
          %mul3A_602 = arith.constant 16 : i32
          %mul3A_603 = arith.muli %add3A_601, %mul3A_602 : i32
          %swap3A = arith.constant 52 : i32
          %swap3A_604 = arith.index_cast %swap3A : i32 to index
          %swap3A_605 = arith.index_cast %mul3A_603 : i32 to index
          %swap3A_606 = tpu.vector_load %arg7[%swap3A_604, %swap3A_605] {strides = array<i32>} : memref<64x1024xf32, #tpu.memory_space<vmem>>, vector<16xf32>,
          tpu.vector_store %arg7[%swap3A_604, %swap3A_605], %broadcast_in_dim3A_503 {strides = array<i32>} : memref<64x1024xf32, #tpu.memory_space<vmem>>, vector<16xf32>,
        }
        %scan3A_508 = arith.constant 64 : i32
        %slice3A_509 = vector.extract_strided_slice %gather3A_468 {offsets = [5], sizes = [1], strides = [1]} : vector<16xf32> to vector<1xf32>
        %squeeze3A_510 = vector.extract %slice3A_509[0] : f32 from vector<1xf32>
        %broadcast_in_dim3A_511 = vector.broadcast %squeeze3A_510 : f32 to vector<16xf32>
        %scan3A_512 = arith.constant 0 : i32
        %scan3A_513 = arith.constant 64 : i32
        %scan3A_514 = arith.addi %scan3A_512, %scan3A_513 : i32
        %scan3A_515 = arith.constant 1 : i32
        scf.for %scan3A_597 = %scan3A_512 to %scan3A_514 step %scan3A_515  : i32 {
          %mul3A_598 = arith.constant 1 : i32
          %mul3A_599 = arith.muli %scan3A_597, %mul3A_598 : i32
          %add3A_600 = arith.constant 0 : i32
          %add3A_601 = arith.addi %add3A_600, %mul3A_599 : i32
          %mul3A_602 = arith.constant 16 : i32
          %mul3A_603 = arith.muli %add3A_601, %mul3A_602 : i32
          %swap3A = arith.constant 53 : i32
          %swap3A_604 = arith.index_cast %swap3A : i32 to index
          %swap3A_605 = arith.index_cast %mul3A_603 : i32 to index
          %swap3A_606 = tpu.vector_load %arg7[%swap3A_604, %swap3A_605] {strides = array<i32>} : memref<64x1024xf32, #tpu.memory_space<vmem>>, vector<16xf32>,
          tpu.vector_store %arg7[%swap3A_604, %swap3A_605], %broadcast_in_dim3A_511 {strides = array<i32>} : memref<64x1024xf32, #tpu.memory_space<vmem>>, vector<16xf32>,
        }
        %scan3A_516 = arith.constant 64 : i32
        %slice3A_517 = vector.extract_strided_slice %gather3A_468 {offsets = [6], sizes = [1], strides = [1]} : vector<16xf32> to vector<1xf32>
        %squeeze3A_518 = vector.extract %slice3A_517[0] : f32 from vector<1xf32>
        %broadcast_in_dim3A_519 = vector.broadcast %squeeze3A_518 : f32 to vector<16xf32>
        %scan3A_520 = arith.constant 0 : i32
        %scan3A_521 = arith.constant 64 : i32
        %scan3A_522 = arith.addi %scan3A_520, %scan3A_521 : i32
        %scan3A_523 = arith.constant 1 : i32
        scf.for %scan3A_597 = %scan3A_520 to %scan3A_522 step %scan3A_523  : i32 {
          %mul3A_598 = arith.constant 1 : i32
          %mul3A_599 = arith.muli %scan3A_597, %mul3A_598 : i32
          %add3A_600 = arith.constant 0 : i32
          %add3A_601 = arith.addi %add3A_600, %mul3A_599 : i32
          %mul3A_602 = arith.constant 16 : i32
          %mul3A_603 = arith.muli %add3A_601, %mul3A_602 : i32
          %swap3A = arith.constant 54 : i32
          %swap3A_604 = arith.index_cast %swap3A : i32 to index
          %swap3A_605 = arith.index_cast %mul3A_603 : i32 to index
          %swap3A_606 = tpu.vector_load %arg7[%swap3A_604, %swap3A_605] {strides = array<i32>} : memref<64x1024xf32, #tpu.memory_space<vmem>>, vector<16xf32>,
          tpu.vector_store %arg7[%swap3A_604, %swap3A_605], %broadcast_in_dim3A_519 {strides = array<i32>} : memref<64x1024xf32, #tpu.memory_space<vmem>>, vector<16xf32>,
        }
        %scan3A_524 = arith.constant 64 : i32
        %slice3A_525 = vector.extract_strided_slice %gather3A_468 {offsets = [7], sizes = [1], strides = [1]} : vector<16xf32> to vector<1xf32>
        %squeeze3A_526 = vector.extract %slice3A_525[0] : f32 from vector<1xf32>
        %broadcast_in_dim3A_527 = vector.broadcast %squeeze3A_526 : f32 to vector<16xf32>
        %scan3A_528 = arith.constant 0 : i32
        %scan3A_529 = arith.constant 64 : i32
        %scan3A_530 = arith.addi %scan3A_528, %scan3A_529 : i32
        %scan3A_531 = arith.constant 1 : i32
        scf.for %scan3A_597 = %scan3A_528 to %scan3A_530 step %scan3A_531  : i32 {
          %mul3A_598 = arith.constant 1 : i32
          %mul3A_599 = arith.muli %scan3A_597, %mul3A_598 : i32
          %add3A_600 = arith.constant 0 : i32
          %add3A_601 = arith.addi %add3A_600, %mul3A_599 : i32
          %mul3A_602 = arith.constant 16 : i32
          %mul3A_603 = arith.muli %add3A_601, %mul3A_602 : i32
          %swap3A = arith.constant 55 : i32
          %swap3A_604 = arith.index_cast %swap3A : i32 to index
          %swap3A_605 = arith.index_cast %mul3A_603 : i32 to index
          %swap3A_606 = tpu.vector_load %arg7[%swap3A_604, %swap3A_605] {strides = array<i32>} : memref<64x1024xf32, #tpu.memory_space<vmem>>, vector<16xf32>,
          tpu.vector_store %arg7[%swap3A_604, %swap3A_605], %broadcast_in_dim3A_527 {strides = array<i32>} : memref<64x1024xf32, #tpu.memory_space<vmem>>, vector<16xf32>,
        }
        %scan3A_532 = arith.constant 64 : i32
        %slice3A_533 = vector.extract_strided_slice %gather3A_468 {offsets = [8], sizes = [1], strides = [1]} : vector<16xf32> to vector<1xf32>
        %squeeze3A_534 = vector.extract %slice3A_533[0] : f32 from vector<1xf32>
        %broadcast_in_dim3A_535 = vector.broadcast %squeeze3A_534 : f32 to vector<16xf32>
        %scan3A_536 = arith.constant 0 : i32
        %scan3A_537 = arith.constant 64 : i32
        %scan3A_538 = arith.addi %scan3A_536, %scan3A_537 : i32
        %scan3A_539 = arith.constant 1 : i32
        scf.for %scan3A_597 = %scan3A_536 to %scan3A_538 step %scan3A_539  : i32 {
          %mul3A_598 = arith.constant 1 : i32
          %mul3A_599 = arith.muli %scan3A_597, %mul3A_598 : i32
          %add3A_600 = arith.constant 0 : i32
          %add3A_601 = arith.addi %add3A_600, %mul3A_599 : i32
          %mul3A_602 = arith.constant 16 : i32
          %mul3A_603 = arith.muli %add3A_601, %mul3A_602 : i32
          %swap3A = arith.constant 56 : i32
          %swap3A_604 = arith.index_cast %swap3A : i32 to index
          %swap3A_605 = arith.index_cast %mul3A_603 : i32 to index
          %swap3A_606 = tpu.vector_load %arg7[%swap3A_604, %swap3A_605] {strides = array<i32>} : memref<64x1024xf32, #tpu.memory_space<vmem>>, vector<16xf32>,
          tpu.vector_store %arg7[%swap3A_604, %swap3A_605], %broadcast_in_dim3A_535 {strides = array<i32>} : memref<64x1024xf32, #tpu.memory_space<vmem>>, vector<16xf32>,
        }
        %scan3A_540 = arith.constant 64 : i32
        %slice3A_541 = vector.extract_strided_slice %gather3A_468 {offsets = [9], sizes = [1], strides = [1]} : vector<16xf32> to vector<1xf32>
        %squeeze3A_542 = vector.extract %slice3A_541[0] : f32 from vector<1xf32>
        %broadcast_in_dim3A_543 = vector.broadcast %squeeze3A_542 : f32 to vector<16xf32>
        %scan3A_544 = arith.constant 0 : i32
        %scan3A_545 = arith.constant 64 : i32
        %scan3A_546 = arith.addi %scan3A_544, %scan3A_545 : i32
        %scan3A_547 = arith.constant 1 : i32
        scf.for %scan3A_597 = %scan3A_544 to %scan3A_546 step %scan3A_547  : i32 {
          %mul3A_598 = arith.constant 1 : i32
          %mul3A_599 = arith.muli %scan3A_597, %mul3A_598 : i32
          %add3A_600 = arith.constant 0 : i32
          %add3A_601 = arith.addi %add3A_600, %mul3A_599 : i32
          %mul3A_602 = arith.constant 16 : i32
          %mul3A_603 = arith.muli %add3A_601, %mul3A_602 : i32
          %swap3A = arith.constant 57 : i32
          %swap3A_604 = arith.index_cast %swap3A : i32 to index
          %swap3A_605 = arith.index_cast %mul3A_603 : i32 to index
          %swap3A_606 = tpu.vector_load %arg7[%swap3A_604, %swap3A_605] {strides = array<i32>} : memref<64x1024xf32, #tpu.memory_space<vmem>>, vector<16xf32>,
          tpu.vector_store %arg7[%swap3A_604, %swap3A_605], %broadcast_in_dim3A_543 {strides = array<i32>} : memref<64x1024xf32, #tpu.memory_space<vmem>>, vector<16xf32>,
        }
        %scan3A_548 = arith.constant 64 : i32
        %slice3A_549 = vector.extract_strided_slice %gather3A_468 {offsets = [10], sizes = [1], strides = [1]} : vector<16xf32> to vector<1xf32>
        %squeeze3A_550 = vector.extract %slice3A_549[0] : f32 from vector<1xf32>
        %broadcast_in_dim3A_551 = vector.broadcast %squeeze3A_550 : f32 to vector<16xf32>
        %scan3A_552 = arith.constant 0 : i32
        %scan3A_553 = arith.constant 64 : i32
        %scan3A_554 = arith.addi %scan3A_552, %scan3A_553 : i32
        %scan3A_555 = arith.constant 1 : i32
        scf.for %scan3A_597 = %scan3A_552 to %scan3A_554 step %scan3A_555  : i32 {
          %mul3A_598 = arith.constant 1 : i32
          %mul3A_599 = arith.muli %scan3A_597, %mul3A_598 : i32
          %add3A_600 = arith.constant 0 : i32
          %add3A_601 = arith.addi %add3A_600, %mul3A_599 : i32
          %mul3A_602 = arith.constant 16 : i32
          %mul3A_603 = arith.muli %add3A_601, %mul3A_602 : i32
          %swap3A = arith.constant 58 : i32
          %swap3A_604 = arith.index_cast %swap3A : i32 to index
          %swap3A_605 = arith.index_cast %mul3A_603 : i32 to index
          %swap3A_606 = tpu.vector_load %arg7[%swap3A_604, %swap3A_605] {strides = array<i32>} : memref<64x1024xf32, #tpu.memory_space<vmem>>, vector<16xf32>,
          tpu.vector_store %arg7[%swap3A_604, %swap3A_605], %broadcast_in_dim3A_551 {strides = array<i32>} : memref<64x1024xf32, #tpu.memory_space<vmem>>, vector<16xf32>,
        }
        %scan3A_556 = arith.constant 64 : i32
        %slice3A_557 = vector.extract_strided_slice %gather3A_468 {offsets = [11], sizes = [1], strides = [1]} : vector<16xf32> to vector<1xf32>
        %squeeze3A_558 = vector.extract %slice3A_557[0] : f32 from vector<1xf32>
        %broadcast_in_dim3A_559 = vector.broadcast %squeeze3A_558 : f32 to vector<16xf32>
        %scan3A_560 = arith.constant 0 : i32
        %scan3A_561 = arith.constant 64 : i32
        %scan3A_562 = arith.addi %scan3A_560, %scan3A_561 : i32
        %scan3A_563 = arith.constant 1 : i32
        scf.for %scan3A_597 = %scan3A_560 to %scan3A_562 step %scan3A_563  : i32 {
          %mul3A_598 = arith.constant 1 : i32
          %mul3A_599 = arith.muli %scan3A_597, %mul3A_598 : i32
          %add3A_600 = arith.constant 0 : i32
          %add3A_601 = arith.addi %add3A_600, %mul3A_599 : i32
          %mul3A_602 = arith.constant 16 : i32
          %mul3A_603 = arith.muli %add3A_601, %mul3A_602 : i32
          %swap3A = arith.constant 59 : i32
          %swap3A_604 = arith.index_cast %swap3A : i32 to index
          %swap3A_605 = arith.index_cast %mul3A_603 : i32 to index
          %swap3A_606 = tpu.vector_load %arg7[%swap3A_604, %swap3A_605] {strides = array<i32>} : memref<64x1024xf32, #tpu.memory_space<vmem>>, vector<16xf32>,
          tpu.vector_store %arg7[%swap3A_604, %swap3A_605], %broadcast_in_dim3A_559 {strides = array<i32>} : memref<64x1024xf32, #tpu.memory_space<vmem>>, vector<16xf32>,
        }
        %scan3A_564 = arith.constant 64 : i32
        %slice3A_565 = vector.extract_strided_slice %gather3A_468 {offsets = [12], sizes = [1], strides = [1]} : vector<16xf32> to vector<1xf32>
        %squeeze3A_566 = vector.extract %slice3A_565[0] : f32 from vector<1xf32>
        %broadcast_in_dim3A_567 = vector.broadcast %squeeze3A_566 : f32 to vector<16xf32>
        %scan3A_568 = arith.constant 0 : i32
        %scan3A_569 = arith.constant 64 : i32
        %scan3A_570 = arith.addi %scan3A_568, %scan3A_569 : i32
        %scan3A_571 = arith.constant 1 : i32
        scf.for %scan3A_597 = %scan3A_568 to %scan3A_570 step %scan3A_571  : i32 {
          %mul3A_598 = arith.constant 1 : i32
          %mul3A_599 = arith.muli %scan3A_597, %mul3A_598 : i32
          %add3A_600 = arith.constant 0 : i32
          %add3A_601 = arith.addi %add3A_600, %mul3A_599 : i32
          %mul3A_602 = arith.constant 16 : i32
          %mul3A_603 = arith.muli %add3A_601, %mul3A_602 : i32
          %swap3A = arith.constant 60 : i32
          %swap3A_604 = arith.index_cast %swap3A : i32 to index
          %swap3A_605 = arith.index_cast %mul3A_603 : i32 to index
          %swap3A_606 = tpu.vector_load %arg7[%swap3A_604, %swap3A_605] {strides = array<i32>} : memref<64x1024xf32, #tpu.memory_space<vmem>>, vector<16xf32>,
          tpu.vector_store %arg7[%swap3A_604, %swap3A_605], %broadcast_in_dim3A_567 {strides = array<i32>} : memref<64x1024xf32, #tpu.memory_space<vmem>>, vector<16xf32>,
        }
        %scan3A_572 = arith.constant 64 : i32
        %slice3A_573 = vector.extract_strided_slice %gather3A_468 {offsets = [13], sizes = [1], strides = [1]} : vector<16xf32> to vector<1xf32>
        %squeeze3A_574 = vector.extract %slice3A_573[0] : f32 from vector<1xf32>
        %broadcast_in_dim3A_575 = vector.broadcast %squeeze3A_574 : f32 to vector<16xf32>
        %scan3A_576 = arith.constant 0 : i32
        %scan3A_577 = arith.constant 64 : i32
        %scan3A_578 = arith.addi %scan3A_576, %scan3A_577 : i32
        %scan3A_579 = arith.constant 1 : i32
        scf.for %scan3A_597 = %scan3A_576 to %scan3A_578 step %scan3A_579  : i32 {
          %mul3A_598 = arith.constant 1 : i32
          %mul3A_599 = arith.muli %scan3A_597, %mul3A_598 : i32
          %add3A_600 = arith.constant 0 : i32
          %add3A_601 = arith.addi %add3A_600, %mul3A_599 : i32
          %mul3A_602 = arith.constant 16 : i32
          %mul3A_603 = arith.muli %add3A_601, %mul3A_602 : i32
          %swap3A = arith.constant 61 : i32
          %swap3A_604 = arith.index_cast %swap3A : i32 to index
          %swap3A_605 = arith.index_cast %mul3A_603 : i32 to index
          %swap3A_606 = tpu.vector_load %arg7[%swap3A_604, %swap3A_605] {strides = array<i32>} : memref<64x1024xf32, #tpu.memory_space<vmem>>, vector<16xf32>,
          tpu.vector_store %arg7[%swap3A_604, %swap3A_605], %broadcast_in_dim3A_575 {strides = array<i32>} : memref<64x1024xf32, #tpu.memory_space<vmem>>, vector<16xf32>,
        }
        %scan3A_580 = arith.constant 64 : i32
        %slice3A_581 = vector.extract_strided_slice %gather3A_468 {offsets = [14], sizes = [1], strides = [1]} : vector<16xf32> to vector<1xf32>
        %squeeze3A_582 = vector.extract %slice3A_581[0] : f32 from vector<1xf32>
        %broadcast_in_dim3A_583 = vector.broadcast %squeeze3A_582 : f32 to vector<16xf32>
        %scan3A_584 = arith.constant 0 : i32
        %scan3A_585 = arith.constant 64 : i32
        %scan3A_586 = arith.addi %scan3A_584, %scan3A_585 : i32
        %scan3A_587 = arith.constant 1 : i32
        scf.for %scan3A_597 = %scan3A_584 to %scan3A_586 step %scan3A_587  : i32 {
          %mul3A_598 = arith.constant 1 : i32
          %mul3A_599 = arith.muli %scan3A_597, %mul3A_598 : i32
          %add3A_600 = arith.constant 0 : i32
          %add3A_601 = arith.addi %add3A_600, %mul3A_599 : i32
          %mul3A_602 = arith.constant 16 : i32
          %mul3A_603 = arith.muli %add3A_601, %mul3A_602 : i32
          %swap3A = arith.constant 62 : i32
          %swap3A_604 = arith.index_cast %swap3A : i32 to index
          %swap3A_605 = arith.index_cast %mul3A_603 : i32 to index
          %swap3A_606 = tpu.vector_load %arg7[%swap3A_604, %swap3A_605] {strides = array<i32>} : memref<64x1024xf32, #tpu.memory_space<vmem>>, vector<16xf32>,
          tpu.vector_store %arg7[%swap3A_604, %swap3A_605], %broadcast_in_dim3A_583 {strides = array<i32>} : memref<64x1024xf32, #tpu.memory_space<vmem>>, vector<16xf32>,
        }
        %scan3A_588 = arith.constant 64 : i32
        %slice3A_589 = vector.extract_strided_slice %gather3A_468 {offsets = [15], sizes = [1], strides = [1]} : vector<16xf32> to vector<1xf32>
        %squeeze3A_590 = vector.extract %slice3A_589[0] : f32 from vector<1xf32>
        %broadcast_in_dim3A_591 = vector.broadcast %squeeze3A_590 : f32 to vector<16xf32>
        %scan3A_592 = arith.constant 0 : i32
        %scan3A_593 = arith.constant 64 : i32
        %scan3A_594 = arith.addi %scan3A_592, %scan3A_593 : i32
        %scan3A_595 = arith.constant 1 : i32
        scf.for %scan3A_597 = %scan3A_592 to %scan3A_594 step %scan3A_595  : i32 {
          %mul3A_598 = arith.constant 1 : i32
          %mul3A_599 = arith.muli %scan3A_597, %mul3A_598 : i32
          %add3A_600 = arith.constant 0 : i32
          %add3A_601 = arith.addi %add3A_600, %mul3A_599 : i32
          %mul3A_602 = arith.constant 16 : i32
          %mul3A_603 = arith.muli %add3A_601, %mul3A_602 : i32
          %swap3A = arith.constant 63 : i32
          %swap3A_604 = arith.index_cast %swap3A : i32 to index
          %swap3A_605 = arith.index_cast %mul3A_603 : i32 to index
          %swap3A_606 = tpu.vector_load %arg7[%swap3A_604, %swap3A_605] {strides = array<i32>} : memref<64x1024xf32, #tpu.memory_space<vmem>>, vector<16xf32>,
          tpu.vector_store %arg7[%swap3A_604, %swap3A_605], %broadcast_in_dim3A_591 {strides = array<i32>} : memref<64x1024xf32, #tpu.memory_space<vmem>>, vector<16xf32>,
        }
        %scan3A_596 = arith.constant 64 : i32
      } else {
      }
      %not3A = arith.constant true
      %not3A_46 = arith.xori %eq3A_42, %not3A : i1
      %convert_element_type3A_47 = arith.extui %not3A_46 : i1 to i32
      %cond3A_48 = arith.constant 0 : i32
      %cond3A_49 = arith.cmpi ne, %convert_element_type3A_47, %cond3A_48 : i32
      scf.if %cond3A_49 {
        %scan3A = arith.constant 0 : i32
        %scan3A_52 = arith.constant 64 : i32
        %scan3A_53 = arith.addi %scan3A, %scan3A_52 : i32
        %scan3A_54 = arith.constant 1 : i32
        scf.for %scan3A_56 = %scan3A to %scan3A_53 step %scan3A_54  : i32 {
          %mul3A_57 = arith.constant 1 : i32
          %mul3A_58 = arith.muli %scan3A_56, %mul3A_57 : i32
          %add3A_59 = arith.constant 0 : i32
          %add3A_60 = arith.addi %add3A_59, %mul3A_58 : i32
          %mul3A_61 = arith.constant 16 : i32
          %mul3A_62 = arith.muli %add3A_60, %mul3A_61 : i32
          %get3A_63 = arith.index_cast %mul3A_62 : i32 to index
          %get3A_64 = tpu.vector_load %arg6[%get3A_63] {strides = array<i32>} : memref<1024xi32, #tpu.memory_space<vmem>>, vector<16xi32>,
          %scan3A_65 = arith.constant 0 : i32
          %scan3A_66 = arith.constant 64 : i32
          %scan3A_67 = arith.addi %scan3A_65, %scan3A_66 : i32
          %scan3A_68 = arith.constant 1 : i32
          scf.for %scan3A_70 = %scan3A_65 to %scan3A_67 step %scan3A_68  : i32 {
            %mul3A_71 = arith.constant 1 : i32
            %mul3A_72 = arith.muli %scan3A_70, %mul3A_71 : i32
            %add3A_73 = arith.constant 0 : i32
            %add3A_74 = arith.addi %add3A_73, %mul3A_72 : i32
            %mul3A_75 = arith.constant 8 : i32
            %mul3A_76 = arith.muli %add3A_74, %mul3A_75 : i32
            %add3A_77 = vector.broadcast %mul3A_76 : i32 to vector<16xi32>
            %add3A_78 = arith.addi %get3A_64, %add3A_77 : vector<16xi32>
            %gather3A = tpu.vector_load_idx %arg5[%add3A_78] : memref<512xf32, #tpu.memory_space<vmem>>[vector<16xi32>], vector<16xf32>,
            %mul3A_79 = arith.constant 16 : i32
            %mul3A_80 = arith.muli %add3A_60, %mul3A_79 : i32
            %swap3A = arith.index_cast %add3A_74 : i32 to index
            %swap3A_81 = arith.index_cast %mul3A_80 : i32 to index
            %swap3A_82 = tpu.vector_load %arg7[%swap3A, %swap3A_81] {strides = array<i32>} : memref<64x1024xf32, #tpu.memory_space<vmem>>, vector<16xf32>,
            tpu.vector_store %arg7[%swap3A, %swap3A_81], %gather3A {strides = array<i32>} : memref<64x1024xf32, #tpu.memory_space<vmem>>, vector<16xf32>,
          }
          %scan3A_69 = arith.constant 64 : i32
        }
        %scan3A_55 = arith.constant 64 : i32
      } else {
      }
      "tpu.region"() ({
        %run_scoped3A = tpu.sem_alloc : memref<!tpu.dma_semaphore, #tpu.memory_space<semaphore_mem>>
        %dma_start3A = arith.constant 0 : i32
        %dma_start3A_52 = tpu.memref_slice %arg4[%dma_start3A, %mul3A_36] : memref<64x1000000xf32, #tpu.memory_space<hbm>> -> memref<64x1024xf32, #tpu.memory_space<hbm>>
        %dma_start3A_53 = arith.constant 0 : i32
        %dma_start3A_54 = tpu.memref_slice %arg4[%dma_start3A_53, %mul3A_36] : memref<64x1000000xf32, #tpu.memory_space<hbm>> -> memref<64x1024xf32, #tpu.memory_space<hbm>>
        tpu.enqueue_dma source(%arg7 : memref<64x1024xf32, #tpu.memory_space<vmem>>) target(%dma_start3A_54 : memref<64x1024xf32, #tpu.memory_space<hbm>>) target_semaphore(%run_scoped3A : memref<!tpu.dma_semaphore, #tpu.memory_space<semaphore_mem>>)
        %dma_wait3A = arith.constant 0 : i32
        %dma_wait3A_55 = tpu.memref_slice %arg4[%dma_wait3A, %mul3A_36] : memref<64x1000000xf32, #tpu.memory_space<hbm>> -> memref<64x1024xf32, #tpu.memory_space<hbm>>
        %dma_wait3A_56 = arith.constant 0 : i32
        %dma_wait3A_57 = tpu.memref_slice %arg4[%dma_wait3A_56, %mul3A_36] : memref<64x1000000xf32, #tpu.memory_space<hbm>> -> memref<64x1024xf32, #tpu.memory_space<hbm>>
        tpu.wait_dma2 semaphore(%run_scoped3A : memref<!tpu.dma_semaphore, #tpu.memory_space<semaphore_mem>>) src(%arg7 : memref<64x1024xf32, #tpu.memory_space<vmem>>) dst(%dma_wait3A_57 : memref<64x1024xf32, #tpu.memory_space<hbm>>)
        tpu.yield
      }) : () -> ()
      %jit3A_50 = arith.constant -1 : i32
      %select_n3A_51 = arith.select %eq3A_42, %squeeze3A, %jit3A_50 : i32
      scf.yield %select_n3A_51 : i32
    }
    %while3A_26 = arith.constant 1 : i32
    %while3A_27 = scf.for %while3A_30 = %while3A_23 to %while3A_19 step %while3A_26 iter_args(%while3A_31 = %while3A_25) -> (i32)  : i32 {
      %mul3A_32 = arith.muli %while3A_30, %while3A : i32
      %add3A_33 = arith.addi %while3A_15, %mul3A_32 : i32
      %add3A_34 = arith.addi %add3A_4, %add3A_33 : i32
      %mul3A_35 = arith.constant 1024 : i32
      %mul3A_36 = arith.muli %add3A_34, %mul3A_35 : i32
      "tpu.region"() ({
        %run_scoped3A = tpu.sem_alloc : memref<!tpu.dma_semaphore, #tpu.memory_space<semaphore_mem>>
        %dma_start3A = tpu.memref_slice %arg3[%mul3A_36] : memref<1000000xi32, #tpu.memory_space<hbm>> -> memref<1024xi32, #tpu.memory_space<hbm>>
        %dma_start3A_52 = tpu.memref_slice %arg3[%mul3A_36] : memref<1000000xi32, #tpu.memory_space<hbm>> -> memref<1024xi32, #tpu.memory_space<hbm>>
        tpu.enqueue_dma source(%dma_start3A_52 : memref<1024xi32, #tpu.memory_space<hbm>>) target(%arg6 : memref<1024xi32, #tpu.memory_space<vmem>>) target_semaphore(%run_scoped3A : memref<!tpu.dma_semaphore, #tpu.memory_space<semaphore_mem>>)
        %dma_wait3A = tpu.memref_slice %arg3[%mul3A_36] : memref<1000000xi32, #tpu.memory_space<hbm>> -> memref<1024xi32, #tpu.memory_space<hbm>>
        %dma_wait3A_53 = tpu.memref_slice %arg3[%mul3A_36] : memref<1000000xi32, #tpu.memory_space<hbm>> -> memref<1024xi32, #tpu.memory_space<hbm>>
        tpu.wait_dma2 semaphore(%run_scoped3A : memref<!tpu.dma_semaphore, #tpu.memory_space<semaphore_mem>>) src(%dma_wait3A_53 : memref<1024xi32, #tpu.memory_space<hbm>>) dst(%arg6 : memref<1024xi32, #tpu.memory_space<vmem>>)
        tpu.yield
      }) : () -> ()
      %get3A = arith.constant 0 : index
      %get3A_37 = tpu.vector_load %arg6[%get3A] {strides = array<i32>} : memref<1024xi32, #tpu.memory_space<vmem>>, vector<16xi32>,
      %slice3A = vector.extract_strided_slice %get3A_37 {offsets = [0], sizes = [1], strides = [1]} : vector<16xi32> to vector<1xi32>
      %squeeze3A = vector.extract %slice3A[0] : i32 from vector<1xi32>
      %get3A_38 = arith.constant 1008 : index
      %get3A_39 = tpu.vector_load %arg6[%get3A_38] {strides = array<i32>} : memref<1024xi32, #tpu.memory_space<vmem>>, vector<16xi32>,
      %slice3A_40 = vector.extract_strided_slice %get3A_39 {offsets = [15], sizes = [1], strides = [1]} : vector<16xi32> to vector<1xi32>
      %squeeze3A_41 = vector.extract %slice3A_40[0] : i32 from vector<1xi32>
      %eq3A_42 = arith.cmpi eq, %squeeze3A, %squeeze3A_41 : i32
      %ne3A = arith.cmpi ne, %squeeze3A, %while3A_31 : i32
      %and3A = arith.andi %eq3A_42, %ne3A : i1
      %convert_element_type3A_43 = arith.extui %and3A : i1 to i32
      %cond3A_44 = arith.constant 0 : i32
      %cond3A_45 = arith.cmpi ne, %convert_element_type3A_43, %cond3A_44 : i32
      scf.if %cond3A_45 {
        %add3A_52 = arith.constant 0 : i32
        %add3A_53 = vector.broadcast %add3A_52 : i32 to vector<16xi32>
        %add3A_54 = arith.addi %add3A_53, %iota3A : vector<16xi32>
        %mul3A_55 = arith.constant 8 : i32
        %mul3A_56 = vector.broadcast %mul3A_55 : i32 to vector<16xi32>
        %mul3A_57 = arith.muli %add3A_54, %mul3A_56 : vector<16xi32>
        %add3A_58 = vector.broadcast %squeeze3A : i32 to vector<16xi32>
        %add3A_59 = arith.addi %mul3A_57, %add3A_58 : vector<16xi32>
        %gather3A = tpu.vector_load_idx %arg5[%add3A_59] : memref<512xf32, #tpu.memory_space<vmem>>[vector<16xi32>], vector<16xf32>,
        %slice3A_60 = vector.extract_strided_slice %gather3A {offsets = [0], sizes = [1], strides = [1]} : vector<16xf32> to vector<1xf32>
        %squeeze3A_61 = vector.extract %slice3A_60[0] : f32 from vector<1xf32>
        %broadcast_in_dim3A = vector.broadcast %squeeze3A_61 : f32 to vector<16xf32>
        %scan3A = arith.constant 0 : i32
        %scan3A_62 = arith.constant 64 : i32
        %scan3A_63 = arith.addi %scan3A, %scan3A_62 : i32
        %scan3A_64 = arith.constant 1 : i32
        scf.for %scan3A_597 = %scan3A to %scan3A_63 step %scan3A_64  : i32 {
          %mul3A_598 = arith.constant 1 : i32
          %mul3A_599 = arith.muli %scan3A_597, %mul3A_598 : i32
          %add3A_600 = arith.constant 0 : i32
          %add3A_601 = arith.addi %add3A_600, %mul3A_599 : i32
          %mul3A_602 = arith.constant 16 : i32
          %mul3A_603 = arith.muli %add3A_601, %mul3A_602 : i32
          %swap3A = arith.constant 0 : i32
          %swap3A_604 = arith.index_cast %swap3A : i32 to index
          %swap3A_605 = arith.index_cast %mul3A_603 : i32 to index
          %swap3A_606 = tpu.vector_load %arg7[%swap3A_604, %swap3A_605] {strides = array<i32>} : memref<64x1024xf32, #tpu.memory_space<vmem>>, vector<16xf32>,
          tpu.vector_store %arg7[%swap3A_604, %swap3A_605], %broadcast_in_dim3A {strides = array<i32>} : memref<64x1024xf32, #tpu.memory_space<vmem>>, vector<16xf32>,
        }
        %scan3A_65 = arith.constant 64 : i32
        %slice3A_66 = vector.extract_strided_slice %gather3A {offsets = [1], sizes = [1], strides = [1]} : vector<16xf32> to vector<1xf32>
        %squeeze3A_67 = vector.extract %slice3A_66[0] : f32 from vector<1xf32>
        %broadcast_in_dim3A_68 = vector.broadcast %squeeze3A_67 : f32 to vector<16xf32>
        %scan3A_69 = arith.constant 0 : i32
        %scan3A_70 = arith.constant 64 : i32
        %scan3A_71 = arith.addi %scan3A_69, %scan3A_70 : i32
        %scan3A_72 = arith.constant 1 : i32
        scf.for %scan3A_597 = %scan3A_69 to %scan3A_71 step %scan3A_72  : i32 {
          %mul3A_598 = arith.constant 1 : i32
          %mul3A_599 = arith.muli %scan3A_597, %mul3A_598 : i32
          %add3A_600 = arith.constant 0 : i32
          %add3A_601 = arith.addi %add3A_600, %mul3A_599 : i32
          %mul3A_602 = arith.constant 16 : i32
          %mul3A_603 = arith.muli %add3A_601, %mul3A_602 : i32
          %swap3A = arith.constant 1 : i32
          %swap3A_604 = arith.index_cast %swap3A : i32 to index
          %swap3A_605 = arith.index_cast %mul3A_603 : i32 to index
          %swap3A_606 = tpu.vector_load %arg7[%swap3A_604, %swap3A_605] {strides = array<i32>} : memref<64x1024xf32, #tpu.memory_space<vmem>>, vector<16xf32>,
          tpu.vector_store %arg7[%swap3A_604, %swap3A_605], %broadcast_in_dim3A_68 {strides = array<i32>} : memref<64x1024xf32, #tpu.memory_space<vmem>>, vector<16xf32>,
        }
        %scan3A_73 = arith.constant 64 : i32
        %slice3A_74 = vector.extract_strided_slice %gather3A {offsets = [2], sizes = [1], strides = [1]} : vector<16xf32> to vector<1xf32>
        %squeeze3A_75 = vector.extract %slice3A_74[0] : f32 from vector<1xf32>
        %broadcast_in_dim3A_76 = vector.broadcast %squeeze3A_75 : f32 to vector<16xf32>
        %scan3A_77 = arith.constant 0 : i32
        %scan3A_78 = arith.constant 64 : i32
        %scan3A_79 = arith.addi %scan3A_77, %scan3A_78 : i32
        %scan3A_80 = arith.constant 1 : i32
        scf.for %scan3A_597 = %scan3A_77 to %scan3A_79 step %scan3A_80  : i32 {
          %mul3A_598 = arith.constant 1 : i32
          %mul3A_599 = arith.muli %scan3A_597, %mul3A_598 : i32
          %add3A_600 = arith.constant 0 : i32
          %add3A_601 = arith.addi %add3A_600, %mul3A_599 : i32
          %mul3A_602 = arith.constant 16 : i32
          %mul3A_603 = arith.muli %add3A_601, %mul3A_602 : i32
          %swap3A = arith.constant 2 : i32
          %swap3A_604 = arith.index_cast %swap3A : i32 to index
          %swap3A_605 = arith.index_cast %mul3A_603 : i32 to index
          %swap3A_606 = tpu.vector_load %arg7[%swap3A_604, %swap3A_605] {strides = array<i32>} : memref<64x1024xf32, #tpu.memory_space<vmem>>, vector<16xf32>,
          tpu.vector_store %arg7[%swap3A_604, %swap3A_605], %broadcast_in_dim3A_76 {strides = array<i32>} : memref<64x1024xf32, #tpu.memory_space<vmem>>, vector<16xf32>,
        }
        %scan3A_81 = arith.constant 64 : i32
        %slice3A_82 = vector.extract_strided_slice %gather3A {offsets = [3], sizes = [1], strides = [1]} : vector<16xf32> to vector<1xf32>
        %squeeze3A_83 = vector.extract %slice3A_82[0] : f32 from vector<1xf32>
        %broadcast_in_dim3A_84 = vector.broadcast %squeeze3A_83 : f32 to vector<16xf32>
        %scan3A_85 = arith.constant 0 : i32
        %scan3A_86 = arith.constant 64 : i32
        %scan3A_87 = arith.addi %scan3A_85, %scan3A_86 : i32
        %scan3A_88 = arith.constant 1 : i32
        scf.for %scan3A_597 = %scan3A_85 to %scan3A_87 step %scan3A_88  : i32 {
          %mul3A_598 = arith.constant 1 : i32
          %mul3A_599 = arith.muli %scan3A_597, %mul3A_598 : i32
          %add3A_600 = arith.constant 0 : i32
          %add3A_601 = arith.addi %add3A_600, %mul3A_599 : i32
          %mul3A_602 = arith.constant 16 : i32
          %mul3A_603 = arith.muli %add3A_601, %mul3A_602 : i32
          %swap3A = arith.constant 3 : i32
          %swap3A_604 = arith.index_cast %swap3A : i32 to index
          %swap3A_605 = arith.index_cast %mul3A_603 : i32 to index
          %swap3A_606 = tpu.vector_load %arg7[%swap3A_604, %swap3A_605] {strides = array<i32>} : memref<64x1024xf32, #tpu.memory_space<vmem>>, vector<16xf32>,
          tpu.vector_store %arg7[%swap3A_604, %swap3A_605], %broadcast_in_dim3A_84 {strides = array<i32>} : memref<64x1024xf32, #tpu.memory_space<vmem>>, vector<16xf32>,
        }
        %scan3A_89 = arith.constant 64 : i32
        %slice3A_90 = vector.extract_strided_slice %gather3A {offsets = [4], sizes = [1], strides = [1]} : vector<16xf32> to vector<1xf32>
        %squeeze3A_91 = vector.extract %slice3A_90[0] : f32 from vector<1xf32>
        %broadcast_in_dim3A_92 = vector.broadcast %squeeze3A_91 : f32 to vector<16xf32>
        %scan3A_93 = arith.constant 0 : i32
        %scan3A_94 = arith.constant 64 : i32
        %scan3A_95 = arith.addi %scan3A_93, %scan3A_94 : i32
        %scan3A_96 = arith.constant 1 : i32
        scf.for %scan3A_597 = %scan3A_93 to %scan3A_95 step %scan3A_96  : i32 {
          %mul3A_598 = arith.constant 1 : i32
          %mul3A_599 = arith.muli %scan3A_597, %mul3A_598 : i32
          %add3A_600 = arith.constant 0 : i32
          %add3A_601 = arith.addi %add3A_600, %mul3A_599 : i32
          %mul3A_602 = arith.constant 16 : i32
          %mul3A_603 = arith.muli %add3A_601, %mul3A_602 : i32
          %swap3A = arith.constant 4 : i32
          %swap3A_604 = arith.index_cast %swap3A : i32 to index
          %swap3A_605 = arith.index_cast %mul3A_603 : i32 to index
          %swap3A_606 = tpu.vector_load %arg7[%swap3A_604, %swap3A_605] {strides = array<i32>} : memref<64x1024xf32, #tpu.memory_space<vmem>>, vector<16xf32>,
          tpu.vector_store %arg7[%swap3A_604, %swap3A_605], %broadcast_in_dim3A_92 {strides = array<i32>} : memref<64x1024xf32, #tpu.memory_space<vmem>>, vector<16xf32>,
        }
        %scan3A_97 = arith.constant 64 : i32
        %slice3A_98 = vector.extract_strided_slice %gather3A {offsets = [5], sizes = [1], strides = [1]} : vector<16xf32> to vector<1xf32>
        %squeeze3A_99 = vector.extract %slice3A_98[0] : f32 from vector<1xf32>
        %broadcast_in_dim3A_100 = vector.broadcast %squeeze3A_99 : f32 to vector<16xf32>
        %scan3A_101 = arith.constant 0 : i32
        %scan3A_102 = arith.constant 64 : i32
        %scan3A_103 = arith.addi %scan3A_101, %scan3A_102 : i32
        %scan3A_104 = arith.constant 1 : i32
        scf.for %scan3A_597 = %scan3A_101 to %scan3A_103 step %scan3A_104  : i32 {
          %mul3A_598 = arith.constant 1 : i32
          %mul3A_599 = arith.muli %scan3A_597, %mul3A_598 : i32
          %add3A_600 = arith.constant 0 : i32
          %add3A_601 = arith.addi %add3A_600, %mul3A_599 : i32
          %mul3A_602 = arith.constant 16 : i32
          %mul3A_603 = arith.muli %add3A_601, %mul3A_602 : i32
          %swap3A = arith.constant 5 : i32
          %swap3A_604 = arith.index_cast %swap3A : i32 to index
          %swap3A_605 = arith.index_cast %mul3A_603 : i32 to index
          %swap3A_606 = tpu.vector_load %arg7[%swap3A_604, %swap3A_605] {strides = array<i32>} : memref<64x1024xf32, #tpu.memory_space<vmem>>, vector<16xf32>,
          tpu.vector_store %arg7[%swap3A_604, %swap3A_605], %broadcast_in_dim3A_100 {strides = array<i32>} : memref<64x1024xf32, #tpu.memory_space<vmem>>, vector<16xf32>,
        }
        %scan3A_105 = arith.constant 64 : i32
        %slice3A_106 = vector.extract_strided_slice %gather3A {offsets = [6], sizes = [1], strides = [1]} : vector<16xf32> to vector<1xf32>
        %squeeze3A_107 = vector.extract %slice3A_106[0] : f32 from vector<1xf32>
        %broadcast_in_dim3A_108 = vector.broadcast %squeeze3A_107 : f32 to vector<16xf32>
        %scan3A_109 = arith.constant 0 : i32
        %scan3A_110 = arith.constant 64 : i32
        %scan3A_111 = arith.addi %scan3A_109, %scan3A_110 : i32
        %scan3A_112 = arith.constant 1 : i32
        scf.for %scan3A_597 = %scan3A_109 to %scan3A_111 step %scan3A_112  : i32 {
          %mul3A_598 = arith.constant 1 : i32
          %mul3A_599 = arith.muli %scan3A_597, %mul3A_598 : i32
          %add3A_600 = arith.constant 0 : i32
          %add3A_601 = arith.addi %add3A_600, %mul3A_599 : i32
          %mul3A_602 = arith.constant 16 : i32
          %mul3A_603 = arith.muli %add3A_601, %mul3A_602 : i32
          %swap3A = arith.constant 6 : i32
          %swap3A_604 = arith.index_cast %swap3A : i32 to index
          %swap3A_605 = arith.index_cast %mul3A_603 : i32 to index
          %swap3A_606 = tpu.vector_load %arg7[%swap3A_604, %swap3A_605] {strides = array<i32>} : memref<64x1024xf32, #tpu.memory_space<vmem>>, vector<16xf32>,
          tpu.vector_store %arg7[%swap3A_604, %swap3A_605], %broadcast_in_dim3A_108 {strides = array<i32>} : memref<64x1024xf32, #tpu.memory_space<vmem>>, vector<16xf32>,
        }
        %scan3A_113 = arith.constant 64 : i32
        %slice3A_114 = vector.extract_strided_slice %gather3A {offsets = [7], sizes = [1], strides = [1]} : vector<16xf32> to vector<1xf32>
        %squeeze3A_115 = vector.extract %slice3A_114[0] : f32 from vector<1xf32>
        %broadcast_in_dim3A_116 = vector.broadcast %squeeze3A_115 : f32 to vector<16xf32>
        %scan3A_117 = arith.constant 0 : i32
        %scan3A_118 = arith.constant 64 : i32
        %scan3A_119 = arith.addi %scan3A_117, %scan3A_118 : i32
        %scan3A_120 = arith.constant 1 : i32
        scf.for %scan3A_597 = %scan3A_117 to %scan3A_119 step %scan3A_120  : i32 {
          %mul3A_598 = arith.constant 1 : i32
          %mul3A_599 = arith.muli %scan3A_597, %mul3A_598 : i32
          %add3A_600 = arith.constant 0 : i32
          %add3A_601 = arith.addi %add3A_600, %mul3A_599 : i32
          %mul3A_602 = arith.constant 16 : i32
          %mul3A_603 = arith.muli %add3A_601, %mul3A_602 : i32
          %swap3A = arith.constant 7 : i32
          %swap3A_604 = arith.index_cast %swap3A : i32 to index
          %swap3A_605 = arith.index_cast %mul3A_603 : i32 to index
          %swap3A_606 = tpu.vector_load %arg7[%swap3A_604, %swap3A_605] {strides = array<i32>} : memref<64x1024xf32, #tpu.memory_space<vmem>>, vector<16xf32>,
          tpu.vector_store %arg7[%swap3A_604, %swap3A_605], %broadcast_in_dim3A_116 {strides = array<i32>} : memref<64x1024xf32, #tpu.memory_space<vmem>>, vector<16xf32>,
        }
        %scan3A_121 = arith.constant 64 : i32
        %slice3A_122 = vector.extract_strided_slice %gather3A {offsets = [8], sizes = [1], strides = [1]} : vector<16xf32> to vector<1xf32>
        %squeeze3A_123 = vector.extract %slice3A_122[0] : f32 from vector<1xf32>
        %broadcast_in_dim3A_124 = vector.broadcast %squeeze3A_123 : f32 to vector<16xf32>
        %scan3A_125 = arith.constant 0 : i32
        %scan3A_126 = arith.constant 64 : i32
        %scan3A_127 = arith.addi %scan3A_125, %scan3A_126 : i32
        %scan3A_128 = arith.constant 1 : i32
        scf.for %scan3A_597 = %scan3A_125 to %scan3A_127 step %scan3A_128  : i32 {
          %mul3A_598 = arith.constant 1 : i32
          %mul3A_599 = arith.muli %scan3A_597, %mul3A_598 : i32
          %add3A_600 = arith.constant 0 : i32
          %add3A_601 = arith.addi %add3A_600, %mul3A_599 : i32
          %mul3A_602 = arith.constant 16 : i32
          %mul3A_603 = arith.muli %add3A_601, %mul3A_602 : i32
          %swap3A = arith.constant 8 : i32
          %swap3A_604 = arith.index_cast %swap3A : i32 to index
          %swap3A_605 = arith.index_cast %mul3A_603 : i32 to index
          %swap3A_606 = tpu.vector_load %arg7[%swap3A_604, %swap3A_605] {strides = array<i32>} : memref<64x1024xf32, #tpu.memory_space<vmem>>, vector<16xf32>,
          tpu.vector_store %arg7[%swap3A_604, %swap3A_605], %broadcast_in_dim3A_124 {strides = array<i32>} : memref<64x1024xf32, #tpu.memory_space<vmem>>, vector<16xf32>,
        }
        %scan3A_129 = arith.constant 64 : i32
        %slice3A_130 = vector.extract_strided_slice %gather3A {offsets = [9], sizes = [1], strides = [1]} : vector<16xf32> to vector<1xf32>
        %squeeze3A_131 = vector.extract %slice3A_130[0] : f32 from vector<1xf32>
        %broadcast_in_dim3A_132 = vector.broadcast %squeeze3A_131 : f32 to vector<16xf32>
        %scan3A_133 = arith.constant 0 : i32
        %scan3A_134 = arith.constant 64 : i32
        %scan3A_135 = arith.addi %scan3A_133, %scan3A_134 : i32
        %scan3A_136 = arith.constant 1 : i32
        scf.for %scan3A_597 = %scan3A_133 to %scan3A_135 step %scan3A_136  : i32 {
          %mul3A_598 = arith.constant 1 : i32
          %mul3A_599 = arith.muli %scan3A_597, %mul3A_598 : i32
          %add3A_600 = arith.constant 0 : i32
          %add3A_601 = arith.addi %add3A_600, %mul3A_599 : i32
          %mul3A_602 = arith.constant 16 : i32
          %mul3A_603 = arith.muli %add3A_601, %mul3A_602 : i32
          %swap3A = arith.constant 9 : i32
          %swap3A_604 = arith.index_cast %swap3A : i32 to index
          %swap3A_605 = arith.index_cast %mul3A_603 : i32 to index
          %swap3A_606 = tpu.vector_load %arg7[%swap3A_604, %swap3A_605] {strides = array<i32>} : memref<64x1024xf32, #tpu.memory_space<vmem>>, vector<16xf32>,
          tpu.vector_store %arg7[%swap3A_604, %swap3A_605], %broadcast_in_dim3A_132 {strides = array<i32>} : memref<64x1024xf32, #tpu.memory_space<vmem>>, vector<16xf32>,
        }
        %scan3A_137 = arith.constant 64 : i32
        %slice3A_138 = vector.extract_strided_slice %gather3A {offsets = [10], sizes = [1], strides = [1]} : vector<16xf32> to vector<1xf32>
        %squeeze3A_139 = vector.extract %slice3A_138[0] : f32 from vector<1xf32>
        %broadcast_in_dim3A_140 = vector.broadcast %squeeze3A_139 : f32 to vector<16xf32>
        %scan3A_141 = arith.constant 0 : i32
        %scan3A_142 = arith.constant 64 : i32
        %scan3A_143 = arith.addi %scan3A_141, %scan3A_142 : i32
        %scan3A_144 = arith.constant 1 : i32
        scf.for %scan3A_597 = %scan3A_141 to %scan3A_143 step %scan3A_144  : i32 {
          %mul3A_598 = arith.constant 1 : i32
          %mul3A_599 = arith.muli %scan3A_597, %mul3A_598 : i32
          %add3A_600 = arith.constant 0 : i32
          %add3A_601 = arith.addi %add3A_600, %mul3A_599 : i32
          %mul3A_602 = arith.constant 16 : i32
          %mul3A_603 = arith.muli %add3A_601, %mul3A_602 : i32
          %swap3A = arith.constant 10 : i32
          %swap3A_604 = arith.index_cast %swap3A : i32 to index
          %swap3A_605 = arith.index_cast %mul3A_603 : i32 to index
          %swap3A_606 = tpu.vector_load %arg7[%swap3A_604, %swap3A_605] {strides = array<i32>} : memref<64x1024xf32, #tpu.memory_space<vmem>>, vector<16xf32>,
          tpu.vector_store %arg7[%swap3A_604, %swap3A_605], %broadcast_in_dim3A_140 {strides = array<i32>} : memref<64x1024xf32, #tpu.memory_space<vmem>>, vector<16xf32>,
        }
        %scan3A_145 = arith.constant 64 : i32
        %slice3A_146 = vector.extract_strided_slice %gather3A {offsets = [11], sizes = [1], strides = [1]} : vector<16xf32> to vector<1xf32>
        %squeeze3A_147 = vector.extract %slice3A_146[0] : f32 from vector<1xf32>
        %broadcast_in_dim3A_148 = vector.broadcast %squeeze3A_147 : f32 to vector<16xf32>
        %scan3A_149 = arith.constant 0 : i32
        %scan3A_150 = arith.constant 64 : i32
        %scan3A_151 = arith.addi %scan3A_149, %scan3A_150 : i32
        %scan3A_152 = arith.constant 1 : i32
        scf.for %scan3A_597 = %scan3A_149 to %scan3A_151 step %scan3A_152  : i32 {
          %mul3A_598 = arith.constant 1 : i32
          %mul3A_599 = arith.muli %scan3A_597, %mul3A_598 : i32
          %add3A_600 = arith.constant 0 : i32
          %add3A_601 = arith.addi %add3A_600, %mul3A_599 : i32
          %mul3A_602 = arith.constant 16 : i32
          %mul3A_603 = arith.muli %add3A_601, %mul3A_602 : i32
          %swap3A = arith.constant 11 : i32
          %swap3A_604 = arith.index_cast %swap3A : i32 to index
          %swap3A_605 = arith.index_cast %mul3A_603 : i32 to index
          %swap3A_606 = tpu.vector_load %arg7[%swap3A_604, %swap3A_605] {strides = array<i32>} : memref<64x1024xf32, #tpu.memory_space<vmem>>, vector<16xf32>,
          tpu.vector_store %arg7[%swap3A_604, %swap3A_605], %broadcast_in_dim3A_148 {strides = array<i32>} : memref<64x1024xf32, #tpu.memory_space<vmem>>, vector<16xf32>,
        }
        %scan3A_153 = arith.constant 64 : i32
        %slice3A_154 = vector.extract_strided_slice %gather3A {offsets = [12], sizes = [1], strides = [1]} : vector<16xf32> to vector<1xf32>
        %squeeze3A_155 = vector.extract %slice3A_154[0] : f32 from vector<1xf32>
        %broadcast_in_dim3A_156 = vector.broadcast %squeeze3A_155 : f32 to vector<16xf32>
        %scan3A_157 = arith.constant 0 : i32
        %scan3A_158 = arith.constant 64 : i32
        %scan3A_159 = arith.addi %scan3A_157, %scan3A_158 : i32
        %scan3A_160 = arith.constant 1 : i32
        scf.for %scan3A_597 = %scan3A_157 to %scan3A_159 step %scan3A_160  : i32 {
          %mul3A_598 = arith.constant 1 : i32
          %mul3A_599 = arith.muli %scan3A_597, %mul3A_598 : i32
          %add3A_600 = arith.constant 0 : i32
          %add3A_601 = arith.addi %add3A_600, %mul3A_599 : i32
          %mul3A_602 = arith.constant 16 : i32
          %mul3A_603 = arith.muli %add3A_601, %mul3A_602 : i32
          %swap3A = arith.constant 12 : i32
          %swap3A_604 = arith.index_cast %swap3A : i32 to index
          %swap3A_605 = arith.index_cast %mul3A_603 : i32 to index
          %swap3A_606 = tpu.vector_load %arg7[%swap3A_604, %swap3A_605] {strides = array<i32>} : memref<64x1024xf32, #tpu.memory_space<vmem>>, vector<16xf32>,
          tpu.vector_store %arg7[%swap3A_604, %swap3A_605], %broadcast_in_dim3A_156 {strides = array<i32>} : memref<64x1024xf32, #tpu.memory_space<vmem>>, vector<16xf32>,
        }
        %scan3A_161 = arith.constant 64 : i32
        %slice3A_162 = vector.extract_strided_slice %gather3A {offsets = [13], sizes = [1], strides = [1]} : vector<16xf32> to vector<1xf32>
        %squeeze3A_163 = vector.extract %slice3A_162[0] : f32 from vector<1xf32>
        %broadcast_in_dim3A_164 = vector.broadcast %squeeze3A_163 : f32 to vector<16xf32>
        %scan3A_165 = arith.constant 0 : i32
        %scan3A_166 = arith.constant 64 : i32
        %scan3A_167 = arith.addi %scan3A_165, %scan3A_166 : i32
        %scan3A_168 = arith.constant 1 : i32
        scf.for %scan3A_597 = %scan3A_165 to %scan3A_167 step %scan3A_168  : i32 {
          %mul3A_598 = arith.constant 1 : i32
          %mul3A_599 = arith.muli %scan3A_597, %mul3A_598 : i32
          %add3A_600 = arith.constant 0 : i32
          %add3A_601 = arith.addi %add3A_600, %mul3A_599 : i32
          %mul3A_602 = arith.constant 16 : i32
          %mul3A_603 = arith.muli %add3A_601, %mul3A_602 : i32
          %swap3A = arith.constant 13 : i32
          %swap3A_604 = arith.index_cast %swap3A : i32 to index
          %swap3A_605 = arith.index_cast %mul3A_603 : i32 to index
          %swap3A_606 = tpu.vector_load %arg7[%swap3A_604, %swap3A_605] {strides = array<i32>} : memref<64x1024xf32, #tpu.memory_space<vmem>>, vector<16xf32>,
          tpu.vector_store %arg7[%swap3A_604, %swap3A_605], %broadcast_in_dim3A_164 {strides = array<i32>} : memref<64x1024xf32, #tpu.memory_space<vmem>>, vector<16xf32>,
        }
        %scan3A_169 = arith.constant 64 : i32
        %slice3A_170 = vector.extract_strided_slice %gather3A {offsets = [14], sizes = [1], strides = [1]} : vector<16xf32> to vector<1xf32>
        %squeeze3A_171 = vector.extract %slice3A_170[0] : f32 from vector<1xf32>
        %broadcast_in_dim3A_172 = vector.broadcast %squeeze3A_171 : f32 to vector<16xf32>
        %scan3A_173 = arith.constant 0 : i32
        %scan3A_174 = arith.constant 64 : i32
        %scan3A_175 = arith.addi %scan3A_173, %scan3A_174 : i32
        %scan3A_176 = arith.constant 1 : i32
        scf.for %scan3A_597 = %scan3A_173 to %scan3A_175 step %scan3A_176  : i32 {
          %mul3A_598 = arith.constant 1 : i32
          %mul3A_599 = arith.muli %scan3A_597, %mul3A_598 : i32
          %add3A_600 = arith.constant 0 : i32
          %add3A_601 = arith.addi %add3A_600, %mul3A_599 : i32
          %mul3A_602 = arith.constant 16 : i32
          %mul3A_603 = arith.muli %add3A_601, %mul3A_602 : i32
          %swap3A = arith.constant 14 : i32
          %swap3A_604 = arith.index_cast %swap3A : i32 to index
          %swap3A_605 = arith.index_cast %mul3A_603 : i32 to index
          %swap3A_606 = tpu.vector_load %arg7[%swap3A_604, %swap3A_605] {strides = array<i32>} : memref<64x1024xf32, #tpu.memory_space<vmem>>, vector<16xf32>,
          tpu.vector_store %arg7[%swap3A_604, %swap3A_605], %broadcast_in_dim3A_172 {strides = array<i32>} : memref<64x1024xf32, #tpu.memory_space<vmem>>, vector<16xf32>,
        }
        %scan3A_177 = arith.constant 64 : i32
        %slice3A_178 = vector.extract_strided_slice %gather3A {offsets = [15], sizes = [1], strides = [1]} : vector<16xf32> to vector<1xf32>
        %squeeze3A_179 = vector.extract %slice3A_178[0] : f32 from vector<1xf32>
        %broadcast_in_dim3A_180 = vector.broadcast %squeeze3A_179 : f32 to vector<16xf32>
        %scan3A_181 = arith.constant 0 : i32
        %scan3A_182 = arith.constant 64 : i32
        %scan3A_183 = arith.addi %scan3A_181, %scan3A_182 : i32
        %scan3A_184 = arith.constant 1 : i32
        scf.for %scan3A_597 = %scan3A_181 to %scan3A_183 step %scan3A_184  : i32 {
          %mul3A_598 = arith.constant 1 : i32
          %mul3A_599 = arith.muli %scan3A_597, %mul3A_598 : i32
          %add3A_600 = arith.constant 0 : i32
          %add3A_601 = arith.addi %add3A_600, %mul3A_599 : i32
          %mul3A_602 = arith.constant 16 : i32
          %mul3A_603 = arith.muli %add3A_601, %mul3A_602 : i32
          %swap3A = arith.constant 15 : i32
          %swap3A_604 = arith.index_cast %swap3A : i32 to index
          %swap3A_605 = arith.index_cast %mul3A_603 : i32 to index
          %swap3A_606 = tpu.vector_load %arg7[%swap3A_604, %swap3A_605] {strides = array<i32>} : memref<64x1024xf32, #tpu.memory_space<vmem>>, vector<16xf32>,
          tpu.vector_store %arg7[%swap3A_604, %swap3A_605], %broadcast_in_dim3A_180 {strides = array<i32>} : memref<64x1024xf32, #tpu.memory_space<vmem>>, vector<16xf32>,
        }
        %scan3A_185 = arith.constant 64 : i32
        %add3A_186 = arith.constant 16 : i32
        %add3A_187 = vector.broadcast %add3A_186 : i32 to vector<16xi32>
        %add3A_188 = arith.addi %add3A_187, %iota3A : vector<16xi32>
        %mul3A_189 = arith.constant 8 : i32
        %mul3A_190 = vector.broadcast %mul3A_189 : i32 to vector<16xi32>
        %mul3A_191 = arith.muli %add3A_188, %mul3A_190 : vector<16xi32>
        %add3A_192 = vector.broadcast %squeeze3A : i32 to vector<16xi32>
        %add3A_193 = arith.addi %mul3A_191, %add3A_192 : vector<16xi32>
        %gather3A_194 = tpu.vector_load_idx %arg5[%add3A_193] : memref<512xf32, #tpu.memory_space<vmem>>[vector<16xi32>], vector<16xf32>,
        %slice3A_195 = vector.extract_strided_slice %gather3A_194 {offsets = [0], sizes = [1], strides = [1]} : vector<16xf32> to vector<1xf32>
        %squeeze3A_196 = vector.extract %slice3A_195[0] : f32 from vector<1xf32>
        %broadcast_in_dim3A_197 = vector.broadcast %squeeze3A_196 : f32 to vector<16xf32>
        %scan3A_198 = arith.constant 0 : i32
        %scan3A_199 = arith.constant 64 : i32
        %scan3A_200 = arith.addi %scan3A_198, %scan3A_199 : i32
        %scan3A_201 = arith.constant 1 : i32
        scf.for %scan3A_597 = %scan3A_198 to %scan3A_200 step %scan3A_201  : i32 {
          %mul3A_598 = arith.constant 1 : i32
          %mul3A_599 = arith.muli %scan3A_597, %mul3A_598 : i32
          %add3A_600 = arith.constant 0 : i32
          %add3A_601 = arith.addi %add3A_600, %mul3A_599 : i32
          %mul3A_602 = arith.constant 16 : i32
          %mul3A_603 = arith.muli %add3A_601, %mul3A_602 : i32
          %swap3A = arith.constant 16 : i32
          %swap3A_604 = arith.index_cast %swap3A : i32 to index
          %swap3A_605 = arith.index_cast %mul3A_603 : i32 to index
          %swap3A_606 = tpu.vector_load %arg7[%swap3A_604, %swap3A_605] {strides = array<i32>} : memref<64x1024xf32, #tpu.memory_space<vmem>>, vector<16xf32>,
          tpu.vector_store %arg7[%swap3A_604, %swap3A_605], %broadcast_in_dim3A_197 {strides = array<i32>} : memref<64x1024xf32, #tpu.memory_space<vmem>>, vector<16xf32>,
        }
        %scan3A_202 = arith.constant 64 : i32
        %slice3A_203 = vector.extract_strided_slice %gather3A_194 {offsets = [1], sizes = [1], strides = [1]} : vector<16xf32> to vector<1xf32>
        %squeeze3A_204 = vector.extract %slice3A_203[0] : f32 from vector<1xf32>
        %broadcast_in_dim3A_205 = vector.broadcast %squeeze3A_204 : f32 to vector<16xf32>
        %scan3A_206 = arith.constant 0 : i32
        %scan3A_207 = arith.constant 64 : i32
        %scan3A_208 = arith.addi %scan3A_206, %scan3A_207 : i32
        %scan3A_209 = arith.constant 1 : i32
        scf.for %scan3A_597 = %scan3A_206 to %scan3A_208 step %scan3A_209  : i32 {
          %mul3A_598 = arith.constant 1 : i32
          %mul3A_599 = arith.muli %scan3A_597, %mul3A_598 : i32
          %add3A_600 = arith.constant 0 : i32
          %add3A_601 = arith.addi %add3A_600, %mul3A_599 : i32
          %mul3A_602 = arith.constant 16 : i32
          %mul3A_603 = arith.muli %add3A_601, %mul3A_602 : i32
          %swap3A = arith.constant 17 : i32
          %swap3A_604 = arith.index_cast %swap3A : i32 to index
          %swap3A_605 = arith.index_cast %mul3A_603 : i32 to index
          %swap3A_606 = tpu.vector_load %arg7[%swap3A_604, %swap3A_605] {strides = array<i32>} : memref<64x1024xf32, #tpu.memory_space<vmem>>, vector<16xf32>,
          tpu.vector_store %arg7[%swap3A_604, %swap3A_605], %broadcast_in_dim3A_205 {strides = array<i32>} : memref<64x1024xf32, #tpu.memory_space<vmem>>, vector<16xf32>,
        }
        %scan3A_210 = arith.constant 64 : i32
        %slice3A_211 = vector.extract_strided_slice %gather3A_194 {offsets = [2], sizes = [1], strides = [1]} : vector<16xf32> to vector<1xf32>
        %squeeze3A_212 = vector.extract %slice3A_211[0] : f32 from vector<1xf32>
        %broadcast_in_dim3A_213 = vector.broadcast %squeeze3A_212 : f32 to vector<16xf32>
        %scan3A_214 = arith.constant 0 : i32
        %scan3A_215 = arith.constant 64 : i32
        %scan3A_216 = arith.addi %scan3A_214, %scan3A_215 : i32
        %scan3A_217 = arith.constant 1 : i32
        scf.for %scan3A_597 = %scan3A_214 to %scan3A_216 step %scan3A_217  : i32 {
          %mul3A_598 = arith.constant 1 : i32
          %mul3A_599 = arith.muli %scan3A_597, %mul3A_598 : i32
          %add3A_600 = arith.constant 0 : i32
          %add3A_601 = arith.addi %add3A_600, %mul3A_599 : i32
          %mul3A_602 = arith.constant 16 : i32
          %mul3A_603 = arith.muli %add3A_601, %mul3A_602 : i32
          %swap3A = arith.constant 18 : i32
          %swap3A_604 = arith.index_cast %swap3A : i32 to index
          %swap3A_605 = arith.index_cast %mul3A_603 : i32 to index
          %swap3A_606 = tpu.vector_load %arg7[%swap3A_604, %swap3A_605] {strides = array<i32>} : memref<64x1024xf32, #tpu.memory_space<vmem>>, vector<16xf32>,
          tpu.vector_store %arg7[%swap3A_604, %swap3A_605], %broadcast_in_dim3A_213 {strides = array<i32>} : memref<64x1024xf32, #tpu.memory_space<vmem>>, vector<16xf32>,
        }
        %scan3A_218 = arith.constant 64 : i32
        %slice3A_219 = vector.extract_strided_slice %gather3A_194 {offsets = [3], sizes = [1], strides = [1]} : vector<16xf32> to vector<1xf32>
        %squeeze3A_220 = vector.extract %slice3A_219[0] : f32 from vector<1xf32>
        %broadcast_in_dim3A_221 = vector.broadcast %squeeze3A_220 : f32 to vector<16xf32>
        %scan3A_222 = arith.constant 0 : i32
        %scan3A_223 = arith.constant 64 : i32
        %scan3A_224 = arith.addi %scan3A_222, %scan3A_223 : i32
        %scan3A_225 = arith.constant 1 : i32
        scf.for %scan3A_597 = %scan3A_222 to %scan3A_224 step %scan3A_225  : i32 {
          %mul3A_598 = arith.constant 1 : i32
          %mul3A_599 = arith.muli %scan3A_597, %mul3A_598 : i32
          %add3A_600 = arith.constant 0 : i32
          %add3A_601 = arith.addi %add3A_600, %mul3A_599 : i32
          %mul3A_602 = arith.constant 16 : i32
          %mul3A_603 = arith.muli %add3A_601, %mul3A_602 : i32
          %swap3A = arith.constant 19 : i32
          %swap3A_604 = arith.index_cast %swap3A : i32 to index
          %swap3A_605 = arith.index_cast %mul3A_603 : i32 to index
          %swap3A_606 = tpu.vector_load %arg7[%swap3A_604, %swap3A_605] {strides = array<i32>} : memref<64x1024xf32, #tpu.memory_space<vmem>>, vector<16xf32>,
          tpu.vector_store %arg7[%swap3A_604, %swap3A_605], %broadcast_in_dim3A_221 {strides = array<i32>} : memref<64x1024xf32, #tpu.memory_space<vmem>>, vector<16xf32>,
        }
        %scan3A_226 = arith.constant 64 : i32
        %slice3A_227 = vector.extract_strided_slice %gather3A_194 {offsets = [4], sizes = [1], strides = [1]} : vector<16xf32> to vector<1xf32>
        %squeeze3A_228 = vector.extract %slice3A_227[0] : f32 from vector<1xf32>
        %broadcast_in_dim3A_229 = vector.broadcast %squeeze3A_228 : f32 to vector<16xf32>
        %scan3A_230 = arith.constant 0 : i32
        %scan3A_231 = arith.constant 64 : i32
        %scan3A_232 = arith.addi %scan3A_230, %scan3A_231 : i32
        %scan3A_233 = arith.constant 1 : i32
        scf.for %scan3A_597 = %scan3A_230 to %scan3A_232 step %scan3A_233  : i32 {
          %mul3A_598 = arith.constant 1 : i32
          %mul3A_599 = arith.muli %scan3A_597, %mul3A_598 : i32
          %add3A_600 = arith.constant 0 : i32
          %add3A_601 = arith.addi %add3A_600, %mul3A_599 : i32
          %mul3A_602 = arith.constant 16 : i32
          %mul3A_603 = arith.muli %add3A_601, %mul3A_602 : i32
          %swap3A = arith.constant 20 : i32
          %swap3A_604 = arith.index_cast %swap3A : i32 to index
          %swap3A_605 = arith.index_cast %mul3A_603 : i32 to index
          %swap3A_606 = tpu.vector_load %arg7[%swap3A_604, %swap3A_605] {strides = array<i32>} : memref<64x1024xf32, #tpu.memory_space<vmem>>, vector<16xf32>,
          tpu.vector_store %arg7[%swap3A_604, %swap3A_605], %broadcast_in_dim3A_229 {strides = array<i32>} : memref<64x1024xf32, #tpu.memory_space<vmem>>, vector<16xf32>,
        }
        %scan3A_234 = arith.constant 64 : i32
        %slice3A_235 = vector.extract_strided_slice %gather3A_194 {offsets = [5], sizes = [1], strides = [1]} : vector<16xf32> to vector<1xf32>
        %squeeze3A_236 = vector.extract %slice3A_235[0] : f32 from vector<1xf32>
        %broadcast_in_dim3A_237 = vector.broadcast %squeeze3A_236 : f32 to vector<16xf32>
        %scan3A_238 = arith.constant 0 : i32
        %scan3A_239 = arith.constant 64 : i32
        %scan3A_240 = arith.addi %scan3A_238, %scan3A_239 : i32
        %scan3A_241 = arith.constant 1 : i32
        scf.for %scan3A_597 = %scan3A_238 to %scan3A_240 step %scan3A_241  : i32 {
          %mul3A_598 = arith.constant 1 : i32
          %mul3A_599 = arith.muli %scan3A_597, %mul3A_598 : i32
          %add3A_600 = arith.constant 0 : i32
          %add3A_601 = arith.addi %add3A_600, %mul3A_599 : i32
          %mul3A_602 = arith.constant 16 : i32
          %mul3A_603 = arith.muli %add3A_601, %mul3A_602 : i32
          %swap3A = arith.constant 21 : i32
          %swap3A_604 = arith.index_cast %swap3A : i32 to index
          %swap3A_605 = arith.index_cast %mul3A_603 : i32 to index
          %swap3A_606 = tpu.vector_load %arg7[%swap3A_604, %swap3A_605] {strides = array<i32>} : memref<64x1024xf32, #tpu.memory_space<vmem>>, vector<16xf32>,
          tpu.vector_store %arg7[%swap3A_604, %swap3A_605], %broadcast_in_dim3A_237 {strides = array<i32>} : memref<64x1024xf32, #tpu.memory_space<vmem>>, vector<16xf32>,
        }
        %scan3A_242 = arith.constant 64 : i32
        %slice3A_243 = vector.extract_strided_slice %gather3A_194 {offsets = [6], sizes = [1], strides = [1]} : vector<16xf32> to vector<1xf32>
        %squeeze3A_244 = vector.extract %slice3A_243[0] : f32 from vector<1xf32>
        %broadcast_in_dim3A_245 = vector.broadcast %squeeze3A_244 : f32 to vector<16xf32>
        %scan3A_246 = arith.constant 0 : i32
        %scan3A_247 = arith.constant 64 : i32
        %scan3A_248 = arith.addi %scan3A_246, %scan3A_247 : i32
        %scan3A_249 = arith.constant 1 : i32
        scf.for %scan3A_597 = %scan3A_246 to %scan3A_248 step %scan3A_249  : i32 {
          %mul3A_598 = arith.constant 1 : i32
          %mul3A_599 = arith.muli %scan3A_597, %mul3A_598 : i32
          %add3A_600 = arith.constant 0 : i32
          %add3A_601 = arith.addi %add3A_600, %mul3A_599 : i32
          %mul3A_602 = arith.constant 16 : i32
          %mul3A_603 = arith.muli %add3A_601, %mul3A_602 : i32
          %swap3A = arith.constant 22 : i32
          %swap3A_604 = arith.index_cast %swap3A : i32 to index
          %swap3A_605 = arith.index_cast %mul3A_603 : i32 to index
          %swap3A_606 = tpu.vector_load %arg7[%swap3A_604, %swap3A_605] {strides = array<i32>} : memref<64x1024xf32, #tpu.memory_space<vmem>>, vector<16xf32>,
          tpu.vector_store %arg7[%swap3A_604, %swap3A_605], %broadcast_in_dim3A_245 {strides = array<i32>} : memref<64x1024xf32, #tpu.memory_space<vmem>>, vector<16xf32>,
        }
        %scan3A_250 = arith.constant 64 : i32
        %slice3A_251 = vector.extract_strided_slice %gather3A_194 {offsets = [7], sizes = [1], strides = [1]} : vector<16xf32> to vector<1xf32>
        %squeeze3A_252 = vector.extract %slice3A_251[0] : f32 from vector<1xf32>
        %broadcast_in_dim3A_253 = vector.broadcast %squeeze3A_252 : f32 to vector<16xf32>
        %scan3A_254 = arith.constant 0 : i32
        %scan3A_255 = arith.constant 64 : i32
        %scan3A_256 = arith.addi %scan3A_254, %scan3A_255 : i32
        %scan3A_257 = arith.constant 1 : i32
        scf.for %scan3A_597 = %scan3A_254 to %scan3A_256 step %scan3A_257  : i32 {
          %mul3A_598 = arith.constant 1 : i32
          %mul3A_599 = arith.muli %scan3A_597, %mul3A_598 : i32
          %add3A_600 = arith.constant 0 : i32
          %add3A_601 = arith.addi %add3A_600, %mul3A_599 : i32
          %mul3A_602 = arith.constant 16 : i32
          %mul3A_603 = arith.muli %add3A_601, %mul3A_602 : i32
          %swap3A = arith.constant 23 : i32
          %swap3A_604 = arith.index_cast %swap3A : i32 to index
          %swap3A_605 = arith.index_cast %mul3A_603 : i32 to index
          %swap3A_606 = tpu.vector_load %arg7[%swap3A_604, %swap3A_605] {strides = array<i32>} : memref<64x1024xf32, #tpu.memory_space<vmem>>, vector<16xf32>,
          tpu.vector_store %arg7[%swap3A_604, %swap3A_605], %broadcast_in_dim3A_253 {strides = array<i32>} : memref<64x1024xf32, #tpu.memory_space<vmem>>, vector<16xf32>,
        }
        %scan3A_258 = arith.constant 64 : i32
        %slice3A_259 = vector.extract_strided_slice %gather3A_194 {offsets = [8], sizes = [1], strides = [1]} : vector<16xf32> to vector<1xf32>
        %squeeze3A_260 = vector.extract %slice3A_259[0] : f32 from vector<1xf32>
        %broadcast_in_dim3A_261 = vector.broadcast %squeeze3A_260 : f32 to vector<16xf32>
        %scan3A_262 = arith.constant 0 : i32
        %scan3A_263 = arith.constant 64 : i32
        %scan3A_264 = arith.addi %scan3A_262, %scan3A_263 : i32
        %scan3A_265 = arith.constant 1 : i32
        scf.for %scan3A_597 = %scan3A_262 to %scan3A_264 step %scan3A_265  : i32 {
          %mul3A_598 = arith.constant 1 : i32
          %mul3A_599 = arith.muli %scan3A_597, %mul3A_598 : i32
          %add3A_600 = arith.constant 0 : i32
          %add3A_601 = arith.addi %add3A_600, %mul3A_599 : i32
          %mul3A_602 = arith.constant 16 : i32
          %mul3A_603 = arith.muli %add3A_601, %mul3A_602 : i32
          %swap3A = arith.constant 24 : i32
          %swap3A_604 = arith.index_cast %swap3A : i32 to index
          %swap3A_605 = arith.index_cast %mul3A_603 : i32 to index
          %swap3A_606 = tpu.vector_load %arg7[%swap3A_604, %swap3A_605] {strides = array<i32>} : memref<64x1024xf32, #tpu.memory_space<vmem>>, vector<16xf32>,
          tpu.vector_store %arg7[%swap3A_604, %swap3A_605], %broadcast_in_dim3A_261 {strides = array<i32>} : memref<64x1024xf32, #tpu.memory_space<vmem>>, vector<16xf32>,
        }
        %scan3A_266 = arith.constant 64 : i32
        %slice3A_267 = vector.extract_strided_slice %gather3A_194 {offsets = [9], sizes = [1], strides = [1]} : vector<16xf32> to vector<1xf32>
        %squeeze3A_268 = vector.extract %slice3A_267[0] : f32 from vector<1xf32>
        %broadcast_in_dim3A_269 = vector.broadcast %squeeze3A_268 : f32 to vector<16xf32>
        %scan3A_270 = arith.constant 0 : i32
        %scan3A_271 = arith.constant 64 : i32
        %scan3A_272 = arith.addi %scan3A_270, %scan3A_271 : i32
        %scan3A_273 = arith.constant 1 : i32
        scf.for %scan3A_597 = %scan3A_270 to %scan3A_272 step %scan3A_273  : i32 {
          %mul3A_598 = arith.constant 1 : i32
          %mul3A_599 = arith.muli %scan3A_597, %mul3A_598 : i32
          %add3A_600 = arith.constant 0 : i32
          %add3A_601 = arith.addi %add3A_600, %mul3A_599 : i32
          %mul3A_602 = arith.constant 16 : i32
          %mul3A_603 = arith.muli %add3A_601, %mul3A_602 : i32
          %swap3A = arith.constant 25 : i32
          %swap3A_604 = arith.index_cast %swap3A : i32 to index
          %swap3A_605 = arith.index_cast %mul3A_603 : i32 to index
          %swap3A_606 = tpu.vector_load %arg7[%swap3A_604, %swap3A_605] {strides = array<i32>} : memref<64x1024xf32, #tpu.memory_space<vmem>>, vector<16xf32>,
          tpu.vector_store %arg7[%swap3A_604, %swap3A_605], %broadcast_in_dim3A_269 {strides = array<i32>} : memref<64x1024xf32, #tpu.memory_space<vmem>>, vector<16xf32>,
        }
        %scan3A_274 = arith.constant 64 : i32
        %slice3A_275 = vector.extract_strided_slice %gather3A_194 {offsets = [10], sizes = [1], strides = [1]} : vector<16xf32> to vector<1xf32>
        %squeeze3A_276 = vector.extract %slice3A_275[0] : f32 from vector<1xf32>
        %broadcast_in_dim3A_277 = vector.broadcast %squeeze3A_276 : f32 to vector<16xf32>
        %scan3A_278 = arith.constant 0 : i32
        %scan3A_279 = arith.constant 64 : i32
        %scan3A_280 = arith.addi %scan3A_278, %scan3A_279 : i32
        %scan3A_281 = arith.constant 1 : i32
        scf.for %scan3A_597 = %scan3A_278 to %scan3A_280 step %scan3A_281  : i32 {
          %mul3A_598 = arith.constant 1 : i32
          %mul3A_599 = arith.muli %scan3A_597, %mul3A_598 : i32
          %add3A_600 = arith.constant 0 : i32
          %add3A_601 = arith.addi %add3A_600, %mul3A_599 : i32
          %mul3A_602 = arith.constant 16 : i32
          %mul3A_603 = arith.muli %add3A_601, %mul3A_602 : i32
          %swap3A = arith.constant 26 : i32
          %swap3A_604 = arith.index_cast %swap3A : i32 to index
          %swap3A_605 = arith.index_cast %mul3A_603 : i32 to index
          %swap3A_606 = tpu.vector_load %arg7[%swap3A_604, %swap3A_605] {strides = array<i32>} : memref<64x1024xf32, #tpu.memory_space<vmem>>, vector<16xf32>,
          tpu.vector_store %arg7[%swap3A_604, %swap3A_605], %broadcast_in_dim3A_277 {strides = array<i32>} : memref<64x1024xf32, #tpu.memory_space<vmem>>, vector<16xf32>,
        }
        %scan3A_282 = arith.constant 64 : i32
        %slice3A_283 = vector.extract_strided_slice %gather3A_194 {offsets = [11], sizes = [1], strides = [1]} : vector<16xf32> to vector<1xf32>
        %squeeze3A_284 = vector.extract %slice3A_283[0] : f32 from vector<1xf32>
        %broadcast_in_dim3A_285 = vector.broadcast %squeeze3A_284 : f32 to vector<16xf32>
        %scan3A_286 = arith.constant 0 : i32
        %scan3A_287 = arith.constant 64 : i32
        %scan3A_288 = arith.addi %scan3A_286, %scan3A_287 : i32
        %scan3A_289 = arith.constant 1 : i32
        scf.for %scan3A_597 = %scan3A_286 to %scan3A_288 step %scan3A_289  : i32 {
          %mul3A_598 = arith.constant 1 : i32
          %mul3A_599 = arith.muli %scan3A_597, %mul3A_598 : i32
          %add3A_600 = arith.constant 0 : i32
          %add3A_601 = arith.addi %add3A_600, %mul3A_599 : i32
          %mul3A_602 = arith.constant 16 : i32
          %mul3A_603 = arith.muli %add3A_601, %mul3A_602 : i32
          %swap3A = arith.constant 27 : i32
          %swap3A_604 = arith.index_cast %swap3A : i32 to index
          %swap3A_605 = arith.index_cast %mul3A_603 : i32 to index
          %swap3A_606 = tpu.vector_load %arg7[%swap3A_604, %swap3A_605] {strides = array<i32>} : memref<64x1024xf32, #tpu.memory_space<vmem>>, vector<16xf32>,
          tpu.vector_store %arg7[%swap3A_604, %swap3A_605], %broadcast_in_dim3A_285 {strides = array<i32>} : memref<64x1024xf32, #tpu.memory_space<vmem>>, vector<16xf32>,
        }
        %scan3A_290 = arith.constant 64 : i32
        %slice3A_291 = vector.extract_strided_slice %gather3A_194 {offsets = [12], sizes = [1], strides = [1]} : vector<16xf32> to vector<1xf32>
        %squeeze3A_292 = vector.extract %slice3A_291[0] : f32 from vector<1xf32>
        %broadcast_in_dim3A_293 = vector.broadcast %squeeze3A_292 : f32 to vector<16xf32>
        %scan3A_294 = arith.constant 0 : i32
        %scan3A_295 = arith.constant 64 : i32
        %scan3A_296 = arith.addi %scan3A_294, %scan3A_295 : i32
        %scan3A_297 = arith.constant 1 : i32
        scf.for %scan3A_597 = %scan3A_294 to %scan3A_296 step %scan3A_297  : i32 {
          %mul3A_598 = arith.constant 1 : i32
          %mul3A_599 = arith.muli %scan3A_597, %mul3A_598 : i32
          %add3A_600 = arith.constant 0 : i32
          %add3A_601 = arith.addi %add3A_600, %mul3A_599 : i32
          %mul3A_602 = arith.constant 16 : i32
          %mul3A_603 = arith.muli %add3A_601, %mul3A_602 : i32
          %swap3A = arith.constant 28 : i32
          %swap3A_604 = arith.index_cast %swap3A : i32 to index
          %swap3A_605 = arith.index_cast %mul3A_603 : i32 to index
          %swap3A_606 = tpu.vector_load %arg7[%swap3A_604, %swap3A_605] {strides = array<i32>} : memref<64x1024xf32, #tpu.memory_space<vmem>>, vector<16xf32>,
          tpu.vector_store %arg7[%swap3A_604, %swap3A_605], %broadcast_in_dim3A_293 {strides = array<i32>} : memref<64x1024xf32, #tpu.memory_space<vmem>>, vector<16xf32>,
        }
        %scan3A_298 = arith.constant 64 : i32
        %slice3A_299 = vector.extract_strided_slice %gather3A_194 {offsets = [13], sizes = [1], strides = [1]} : vector<16xf32> to vector<1xf32>
        %squeeze3A_300 = vector.extract %slice3A_299[0] : f32 from vector<1xf32>
        %broadcast_in_dim3A_301 = vector.broadcast %squeeze3A_300 : f32 to vector<16xf32>
        %scan3A_302 = arith.constant 0 : i32
        %scan3A_303 = arith.constant 64 : i32
        %scan3A_304 = arith.addi %scan3A_302, %scan3A_303 : i32
        %scan3A_305 = arith.constant 1 : i32
        scf.for %scan3A_597 = %scan3A_302 to %scan3A_304 step %scan3A_305  : i32 {
          %mul3A_598 = arith.constant 1 : i32
          %mul3A_599 = arith.muli %scan3A_597, %mul3A_598 : i32
          %add3A_600 = arith.constant 0 : i32
          %add3A_601 = arith.addi %add3A_600, %mul3A_599 : i32
          %mul3A_602 = arith.constant 16 : i32
          %mul3A_603 = arith.muli %add3A_601, %mul3A_602 : i32
          %swap3A = arith.constant 29 : i32
          %swap3A_604 = arith.index_cast %swap3A : i32 to index
          %swap3A_605 = arith.index_cast %mul3A_603 : i32 to index
          %swap3A_606 = tpu.vector_load %arg7[%swap3A_604, %swap3A_605] {strides = array<i32>} : memref<64x1024xf32, #tpu.memory_space<vmem>>, vector<16xf32>,
          tpu.vector_store %arg7[%swap3A_604, %swap3A_605], %broadcast_in_dim3A_301 {strides = array<i32>} : memref<64x1024xf32, #tpu.memory_space<vmem>>, vector<16xf32>,
        }
        %scan3A_306 = arith.constant 64 : i32
        %slice3A_307 = vector.extract_strided_slice %gather3A_194 {offsets = [14], sizes = [1], strides = [1]} : vector<16xf32> to vector<1xf32>
        %squeeze3A_308 = vector.extract %slice3A_307[0] : f32 from vector<1xf32>
        %broadcast_in_dim3A_309 = vector.broadcast %squeeze3A_308 : f32 to vector<16xf32>
        %scan3A_310 = arith.constant 0 : i32
        %scan3A_311 = arith.constant 64 : i32
        %scan3A_312 = arith.addi %scan3A_310, %scan3A_311 : i32
        %scan3A_313 = arith.constant 1 : i32
        scf.for %scan3A_597 = %scan3A_310 to %scan3A_312 step %scan3A_313  : i32 {
          %mul3A_598 = arith.constant 1 : i32
          %mul3A_599 = arith.muli %scan3A_597, %mul3A_598 : i32
          %add3A_600 = arith.constant 0 : i32
          %add3A_601 = arith.addi %add3A_600, %mul3A_599 : i32
          %mul3A_602 = arith.constant 16 : i32
          %mul3A_603 = arith.muli %add3A_601, %mul3A_602 : i32
          %swap3A = arith.constant 30 : i32
          %swap3A_604 = arith.index_cast %swap3A : i32 to index
          %swap3A_605 = arith.index_cast %mul3A_603 : i32 to index
          %swap3A_606 = tpu.vector_load %arg7[%swap3A_604, %swap3A_605] {strides = array<i32>} : memref<64x1024xf32, #tpu.memory_space<vmem>>, vector<16xf32>,
          tpu.vector_store %arg7[%swap3A_604, %swap3A_605], %broadcast_in_dim3A_309 {strides = array<i32>} : memref<64x1024xf32, #tpu.memory_space<vmem>>, vector<16xf32>,
        }
        %scan3A_314 = arith.constant 64 : i32
        %slice3A_315 = vector.extract_strided_slice %gather3A_194 {offsets = [15], sizes = [1], strides = [1]} : vector<16xf32> to vector<1xf32>
        %squeeze3A_316 = vector.extract %slice3A_315[0] : f32 from vector<1xf32>
        %broadcast_in_dim3A_317 = vector.broadcast %squeeze3A_316 : f32 to vector<16xf32>
        %scan3A_318 = arith.constant 0 : i32
        %scan3A_319 = arith.constant 64 : i32
        %scan3A_320 = arith.addi %scan3A_318, %scan3A_319 : i32
        %scan3A_321 = arith.constant 1 : i32
        scf.for %scan3A_597 = %scan3A_318 to %scan3A_320 step %scan3A_321  : i32 {
          %mul3A_598 = arith.constant 1 : i32
          %mul3A_599 = arith.muli %scan3A_597, %mul3A_598 : i32
          %add3A_600 = arith.constant 0 : i32
          %add3A_601 = arith.addi %add3A_600, %mul3A_599 : i32
          %mul3A_602 = arith.constant 16 : i32
          %mul3A_603 = arith.muli %add3A_601, %mul3A_602 : i32
          %swap3A = arith.constant 31 : i32
          %swap3A_604 = arith.index_cast %swap3A : i32 to index
          %swap3A_605 = arith.index_cast %mul3A_603 : i32 to index
          %swap3A_606 = tpu.vector_load %arg7[%swap3A_604, %swap3A_605] {strides = array<i32>} : memref<64x1024xf32, #tpu.memory_space<vmem>>, vector<16xf32>,
          tpu.vector_store %arg7[%swap3A_604, %swap3A_605], %broadcast_in_dim3A_317 {strides = array<i32>} : memref<64x1024xf32, #tpu.memory_space<vmem>>, vector<16xf32>,
        }
        %scan3A_322 = arith.constant 64 : i32
        %add3A_323 = arith.constant 32 : i32
        %add3A_324 = vector.broadcast %add3A_323 : i32 to vector<16xi32>
        %add3A_325 = arith.addi %add3A_324, %iota3A : vector<16xi32>
        %mul3A_326 = arith.constant 8 : i32
        %mul3A_327 = vector.broadcast %mul3A_326 : i32 to vector<16xi32>
        %mul3A_328 = arith.muli %add3A_325, %mul3A_327 : vector<16xi32>
        %add3A_329 = vector.broadcast %squeeze3A : i32 to vector<16xi32>
        %add3A_330 = arith.addi %mul3A_328, %add3A_329 : vector<16xi32>
        %gather3A_331 = tpu.vector_load_idx %arg5[%add3A_330] : memref<512xf32, #tpu.memory_space<vmem>>[vector<16xi32>], vector<16xf32>,
        %slice3A_332 = vector.extract_strided_slice %gather3A_331 {offsets = [0], sizes = [1], strides = [1]} : vector<16xf32> to vector<1xf32>
        %squeeze3A_333 = vector.extract %slice3A_332[0] : f32 from vector<1xf32>
        %broadcast_in_dim3A_334 = vector.broadcast %squeeze3A_333 : f32 to vector<16xf32>
        %scan3A_335 = arith.constant 0 : i32
        %scan3A_336 = arith.constant 64 : i32
        %scan3A_337 = arith.addi %scan3A_335, %scan3A_336 : i32
        %scan3A_338 = arith.constant 1 : i32
        scf.for %scan3A_597 = %scan3A_335 to %scan3A_337 step %scan3A_338  : i32 {
          %mul3A_598 = arith.constant 1 : i32
          %mul3A_599 = arith.muli %scan3A_597, %mul3A_598 : i32
          %add3A_600 = arith.constant 0 : i32
          %add3A_601 = arith.addi %add3A_600, %mul3A_599 : i32
          %mul3A_602 = arith.constant 16 : i32
          %mul3A_603 = arith.muli %add3A_601, %mul3A_602 : i32
          %swap3A = arith.constant 32 : i32
          %swap3A_604 = arith.index_cast %swap3A : i32 to index
          %swap3A_605 = arith.index_cast %mul3A_603 : i32 to index
          %swap3A_606 = tpu.vector_load %arg7[%swap3A_604, %swap3A_605] {strides = array<i32>} : memref<64x1024xf32, #tpu.memory_space<vmem>>, vector<16xf32>,
          tpu.vector_store %arg7[%swap3A_604, %swap3A_605], %broadcast_in_dim3A_334 {strides = array<i32>} : memref<64x1024xf32, #tpu.memory_space<vmem>>, vector<16xf32>,
        }
        %scan3A_339 = arith.constant 64 : i32
        %slice3A_340 = vector.extract_strided_slice %gather3A_331 {offsets = [1], sizes = [1], strides = [1]} : vector<16xf32> to vector<1xf32>
        %squeeze3A_341 = vector.extract %slice3A_340[0] : f32 from vector<1xf32>
        %broadcast_in_dim3A_342 = vector.broadcast %squeeze3A_341 : f32 to vector<16xf32>
        %scan3A_343 = arith.constant 0 : i32
        %scan3A_344 = arith.constant 64 : i32
        %scan3A_345 = arith.addi %scan3A_343, %scan3A_344 : i32
        %scan3A_346 = arith.constant 1 : i32
        scf.for %scan3A_597 = %scan3A_343 to %scan3A_345 step %scan3A_346  : i32 {
          %mul3A_598 = arith.constant 1 : i32
          %mul3A_599 = arith.muli %scan3A_597, %mul3A_598 : i32
          %add3A_600 = arith.constant 0 : i32
          %add3A_601 = arith.addi %add3A_600, %mul3A_599 : i32
          %mul3A_602 = arith.constant 16 : i32
          %mul3A_603 = arith.muli %add3A_601, %mul3A_602 : i32
          %swap3A = arith.constant 33 : i32
          %swap3A_604 = arith.index_cast %swap3A : i32 to index
          %swap3A_605 = arith.index_cast %mul3A_603 : i32 to index
          %swap3A_606 = tpu.vector_load %arg7[%swap3A_604, %swap3A_605] {strides = array<i32>} : memref<64x1024xf32, #tpu.memory_space<vmem>>, vector<16xf32>,
          tpu.vector_store %arg7[%swap3A_604, %swap3A_605], %broadcast_in_dim3A_342 {strides = array<i32>} : memref<64x1024xf32, #tpu.memory_space<vmem>>, vector<16xf32>,
        }
        %scan3A_347 = arith.constant 64 : i32
        %slice3A_348 = vector.extract_strided_slice %gather3A_331 {offsets = [2], sizes = [1], strides = [1]} : vector<16xf32> to vector<1xf32>
        %squeeze3A_349 = vector.extract %slice3A_348[0] : f32 from vector<1xf32>
        %broadcast_in_dim3A_350 = vector.broadcast %squeeze3A_349 : f32 to vector<16xf32>
        %scan3A_351 = arith.constant 0 : i32
        %scan3A_352 = arith.constant 64 : i32
        %scan3A_353 = arith.addi %scan3A_351, %scan3A_352 : i32
        %scan3A_354 = arith.constant 1 : i32
        scf.for %scan3A_597 = %scan3A_351 to %scan3A_353 step %scan3A_354  : i32 {
          %mul3A_598 = arith.constant 1 : i32
          %mul3A_599 = arith.muli %scan3A_597, %mul3A_598 : i32
          %add3A_600 = arith.constant 0 : i32
          %add3A_601 = arith.addi %add3A_600, %mul3A_599 : i32
          %mul3A_602 = arith.constant 16 : i32
          %mul3A_603 = arith.muli %add3A_601, %mul3A_602 : i32
          %swap3A = arith.constant 34 : i32
          %swap3A_604 = arith.index_cast %swap3A : i32 to index
          %swap3A_605 = arith.index_cast %mul3A_603 : i32 to index
          %swap3A_606 = tpu.vector_load %arg7[%swap3A_604, %swap3A_605] {strides = array<i32>} : memref<64x1024xf32, #tpu.memory_space<vmem>>, vector<16xf32>,
          tpu.vector_store %arg7[%swap3A_604, %swap3A_605], %broadcast_in_dim3A_350 {strides = array<i32>} : memref<64x1024xf32, #tpu.memory_space<vmem>>, vector<16xf32>,
        }
        %scan3A_355 = arith.constant 64 : i32
        %slice3A_356 = vector.extract_strided_slice %gather3A_331 {offsets = [3], sizes = [1], strides = [1]} : vector<16xf32> to vector<1xf32>
        %squeeze3A_357 = vector.extract %slice3A_356[0] : f32 from vector<1xf32>
        %broadcast_in_dim3A_358 = vector.broadcast %squeeze3A_357 : f32 to vector<16xf32>
        %scan3A_359 = arith.constant 0 : i32
        %scan3A_360 = arith.constant 64 : i32
        %scan3A_361 = arith.addi %scan3A_359, %scan3A_360 : i32
        %scan3A_362 = arith.constant 1 : i32
        scf.for %scan3A_597 = %scan3A_359 to %scan3A_361 step %scan3A_362  : i32 {
          %mul3A_598 = arith.constant 1 : i32
          %mul3A_599 = arith.muli %scan3A_597, %mul3A_598 : i32
          %add3A_600 = arith.constant 0 : i32
          %add3A_601 = arith.addi %add3A_600, %mul3A_599 : i32
          %mul3A_602 = arith.constant 16 : i32
          %mul3A_603 = arith.muli %add3A_601, %mul3A_602 : i32
          %swap3A = arith.constant 35 : i32
          %swap3A_604 = arith.index_cast %swap3A : i32 to index
          %swap3A_605 = arith.index_cast %mul3A_603 : i32 to index
          %swap3A_606 = tpu.vector_load %arg7[%swap3A_604, %swap3A_605] {strides = array<i32>} : memref<64x1024xf32, #tpu.memory_space<vmem>>, vector<16xf32>,
          tpu.vector_store %arg7[%swap3A_604, %swap3A_605], %broadcast_in_dim3A_358 {strides = array<i32>} : memref<64x1024xf32, #tpu.memory_space<vmem>>, vector<16xf32>,
        }
        %scan3A_363 = arith.constant 64 : i32
        %slice3A_364 = vector.extract_strided_slice %gather3A_331 {offsets = [4], sizes = [1], strides = [1]} : vector<16xf32> to vector<1xf32>
        %squeeze3A_365 = vector.extract %slice3A_364[0] : f32 from vector<1xf32>
        %broadcast_in_dim3A_366 = vector.broadcast %squeeze3A_365 : f32 to vector<16xf32>
        %scan3A_367 = arith.constant 0 : i32
        %scan3A_368 = arith.constant 64 : i32
        %scan3A_369 = arith.addi %scan3A_367, %scan3A_368 : i32
        %scan3A_370 = arith.constant 1 : i32
        scf.for %scan3A_597 = %scan3A_367 to %scan3A_369 step %scan3A_370  : i32 {
          %mul3A_598 = arith.constant 1 : i32
          %mul3A_599 = arith.muli %scan3A_597, %mul3A_598 : i32
          %add3A_600 = arith.constant 0 : i32
          %add3A_601 = arith.addi %add3A_600, %mul3A_599 : i32
          %mul3A_602 = arith.constant 16 : i32
          %mul3A_603 = arith.muli %add3A_601, %mul3A_602 : i32
          %swap3A = arith.constant 36 : i32
          %swap3A_604 = arith.index_cast %swap3A : i32 to index
          %swap3A_605 = arith.index_cast %mul3A_603 : i32 to index
          %swap3A_606 = tpu.vector_load %arg7[%swap3A_604, %swap3A_605] {strides = array<i32>} : memref<64x1024xf32, #tpu.memory_space<vmem>>, vector<16xf32>,
          tpu.vector_store %arg7[%swap3A_604, %swap3A_605], %broadcast_in_dim3A_366 {strides = array<i32>} : memref<64x1024xf32, #tpu.memory_space<vmem>>, vector<16xf32>,
        }
        %scan3A_371 = arith.constant 64 : i32
        %slice3A_372 = vector.extract_strided_slice %gather3A_331 {offsets = [5], sizes = [1], strides = [1]} : vector<16xf32> to vector<1xf32>
        %squeeze3A_373 = vector.extract %slice3A_372[0] : f32 from vector<1xf32>
        %broadcast_in_dim3A_374 = vector.broadcast %squeeze3A_373 : f32 to vector<16xf32>
        %scan3A_375 = arith.constant 0 : i32
        %scan3A_376 = arith.constant 64 : i32
        %scan3A_377 = arith.addi %scan3A_375, %scan3A_376 : i32
        %scan3A_378 = arith.constant 1 : i32
        scf.for %scan3A_597 = %scan3A_375 to %scan3A_377 step %scan3A_378  : i32 {
          %mul3A_598 = arith.constant 1 : i32
          %mul3A_599 = arith.muli %scan3A_597, %mul3A_598 : i32
          %add3A_600 = arith.constant 0 : i32
          %add3A_601 = arith.addi %add3A_600, %mul3A_599 : i32
          %mul3A_602 = arith.constant 16 : i32
          %mul3A_603 = arith.muli %add3A_601, %mul3A_602 : i32
          %swap3A = arith.constant 37 : i32
          %swap3A_604 = arith.index_cast %swap3A : i32 to index
          %swap3A_605 = arith.index_cast %mul3A_603 : i32 to index
          %swap3A_606 = tpu.vector_load %arg7[%swap3A_604, %swap3A_605] {strides = array<i32>} : memref<64x1024xf32, #tpu.memory_space<vmem>>, vector<16xf32>,
          tpu.vector_store %arg7[%swap3A_604, %swap3A_605], %broadcast_in_dim3A_374 {strides = array<i32>} : memref<64x1024xf32, #tpu.memory_space<vmem>>, vector<16xf32>,
        }
        %scan3A_379 = arith.constant 64 : i32
        %slice3A_380 = vector.extract_strided_slice %gather3A_331 {offsets = [6], sizes = [1], strides = [1]} : vector<16xf32> to vector<1xf32>
        %squeeze3A_381 = vector.extract %slice3A_380[0] : f32 from vector<1xf32>
        %broadcast_in_dim3A_382 = vector.broadcast %squeeze3A_381 : f32 to vector<16xf32>
        %scan3A_383 = arith.constant 0 : i32
        %scan3A_384 = arith.constant 64 : i32
        %scan3A_385 = arith.addi %scan3A_383, %scan3A_384 : i32
        %scan3A_386 = arith.constant 1 : i32
        scf.for %scan3A_597 = %scan3A_383 to %scan3A_385 step %scan3A_386  : i32 {
          %mul3A_598 = arith.constant 1 : i32
          %mul3A_599 = arith.muli %scan3A_597, %mul3A_598 : i32
          %add3A_600 = arith.constant 0 : i32
          %add3A_601 = arith.addi %add3A_600, %mul3A_599 : i32
          %mul3A_602 = arith.constant 16 : i32
          %mul3A_603 = arith.muli %add3A_601, %mul3A_602 : i32
          %swap3A = arith.constant 38 : i32
          %swap3A_604 = arith.index_cast %swap3A : i32 to index
          %swap3A_605 = arith.index_cast %mul3A_603 : i32 to index
          %swap3A_606 = tpu.vector_load %arg7[%swap3A_604, %swap3A_605] {strides = array<i32>} : memref<64x1024xf32, #tpu.memory_space<vmem>>, vector<16xf32>,
          tpu.vector_store %arg7[%swap3A_604, %swap3A_605], %broadcast_in_dim3A_382 {strides = array<i32>} : memref<64x1024xf32, #tpu.memory_space<vmem>>, vector<16xf32>,
        }
        %scan3A_387 = arith.constant 64 : i32
        %slice3A_388 = vector.extract_strided_slice %gather3A_331 {offsets = [7], sizes = [1], strides = [1]} : vector<16xf32> to vector<1xf32>
        %squeeze3A_389 = vector.extract %slice3A_388[0] : f32 from vector<1xf32>
        %broadcast_in_dim3A_390 = vector.broadcast %squeeze3A_389 : f32 to vector<16xf32>
        %scan3A_391 = arith.constant 0 : i32
        %scan3A_392 = arith.constant 64 : i32
        %scan3A_393 = arith.addi %scan3A_391, %scan3A_392 : i32
        %scan3A_394 = arith.constant 1 : i32
        scf.for %scan3A_597 = %scan3A_391 to %scan3A_393 step %scan3A_394  : i32 {
          %mul3A_598 = arith.constant 1 : i32
          %mul3A_599 = arith.muli %scan3A_597, %mul3A_598 : i32
          %add3A_600 = arith.constant 0 : i32
          %add3A_601 = arith.addi %add3A_600, %mul3A_599 : i32
          %mul3A_602 = arith.constant 16 : i32
          %mul3A_603 = arith.muli %add3A_601, %mul3A_602 : i32
          %swap3A = arith.constant 39 : i32
          %swap3A_604 = arith.index_cast %swap3A : i32 to index
          %swap3A_605 = arith.index_cast %mul3A_603 : i32 to index
          %swap3A_606 = tpu.vector_load %arg7[%swap3A_604, %swap3A_605] {strides = array<i32>} : memref<64x1024xf32, #tpu.memory_space<vmem>>, vector<16xf32>,
          tpu.vector_store %arg7[%swap3A_604, %swap3A_605], %broadcast_in_dim3A_390 {strides = array<i32>} : memref<64x1024xf32, #tpu.memory_space<vmem>>, vector<16xf32>,
        }
        %scan3A_395 = arith.constant 64 : i32
        %slice3A_396 = vector.extract_strided_slice %gather3A_331 {offsets = [8], sizes = [1], strides = [1]} : vector<16xf32> to vector<1xf32>
        %squeeze3A_397 = vector.extract %slice3A_396[0] : f32 from vector<1xf32>
        %broadcast_in_dim3A_398 = vector.broadcast %squeeze3A_397 : f32 to vector<16xf32>
        %scan3A_399 = arith.constant 0 : i32
        %scan3A_400 = arith.constant 64 : i32
        %scan3A_401 = arith.addi %scan3A_399, %scan3A_400 : i32
        %scan3A_402 = arith.constant 1 : i32
        scf.for %scan3A_597 = %scan3A_399 to %scan3A_401 step %scan3A_402  : i32 {
          %mul3A_598 = arith.constant 1 : i32
          %mul3A_599 = arith.muli %scan3A_597, %mul3A_598 : i32
          %add3A_600 = arith.constant 0 : i32
          %add3A_601 = arith.addi %add3A_600, %mul3A_599 : i32
          %mul3A_602 = arith.constant 16 : i32
          %mul3A_603 = arith.muli %add3A_601, %mul3A_602 : i32
          %swap3A = arith.constant 40 : i32
          %swap3A_604 = arith.index_cast %swap3A : i32 to index
          %swap3A_605 = arith.index_cast %mul3A_603 : i32 to index
          %swap3A_606 = tpu.vector_load %arg7[%swap3A_604, %swap3A_605] {strides = array<i32>} : memref<64x1024xf32, #tpu.memory_space<vmem>>, vector<16xf32>,
          tpu.vector_store %arg7[%swap3A_604, %swap3A_605], %broadcast_in_dim3A_398 {strides = array<i32>} : memref<64x1024xf32, #tpu.memory_space<vmem>>, vector<16xf32>,
        }
        %scan3A_403 = arith.constant 64 : i32
        %slice3A_404 = vector.extract_strided_slice %gather3A_331 {offsets = [9], sizes = [1], strides = [1]} : vector<16xf32> to vector<1xf32>
        %squeeze3A_405 = vector.extract %slice3A_404[0] : f32 from vector<1xf32>
        %broadcast_in_dim3A_406 = vector.broadcast %squeeze3A_405 : f32 to vector<16xf32>
        %scan3A_407 = arith.constant 0 : i32
        %scan3A_408 = arith.constant 64 : i32
        %scan3A_409 = arith.addi %scan3A_407, %scan3A_408 : i32
        %scan3A_410 = arith.constant 1 : i32
        scf.for %scan3A_597 = %scan3A_407 to %scan3A_409 step %scan3A_410  : i32 {
          %mul3A_598 = arith.constant 1 : i32
          %mul3A_599 = arith.muli %scan3A_597, %mul3A_598 : i32
          %add3A_600 = arith.constant 0 : i32
          %add3A_601 = arith.addi %add3A_600, %mul3A_599 : i32
          %mul3A_602 = arith.constant 16 : i32
          %mul3A_603 = arith.muli %add3A_601, %mul3A_602 : i32
          %swap3A = arith.constant 41 : i32
          %swap3A_604 = arith.index_cast %swap3A : i32 to index
          %swap3A_605 = arith.index_cast %mul3A_603 : i32 to index
          %swap3A_606 = tpu.vector_load %arg7[%swap3A_604, %swap3A_605] {strides = array<i32>} : memref<64x1024xf32, #tpu.memory_space<vmem>>, vector<16xf32>,
          tpu.vector_store %arg7[%swap3A_604, %swap3A_605], %broadcast_in_dim3A_406 {strides = array<i32>} : memref<64x1024xf32, #tpu.memory_space<vmem>>, vector<16xf32>,
        }
        %scan3A_411 = arith.constant 64 : i32
        %slice3A_412 = vector.extract_strided_slice %gather3A_331 {offsets = [10], sizes = [1], strides = [1]} : vector<16xf32> to vector<1xf32>
        %squeeze3A_413 = vector.extract %slice3A_412[0] : f32 from vector<1xf32>
        %broadcast_in_dim3A_414 = vector.broadcast %squeeze3A_413 : f32 to vector<16xf32>
        %scan3A_415 = arith.constant 0 : i32
        %scan3A_416 = arith.constant 64 : i32
        %scan3A_417 = arith.addi %scan3A_415, %scan3A_416 : i32
        %scan3A_418 = arith.constant 1 : i32
        scf.for %scan3A_597 = %scan3A_415 to %scan3A_417 step %scan3A_418  : i32 {
          %mul3A_598 = arith.constant 1 : i32
          %mul3A_599 = arith.muli %scan3A_597, %mul3A_598 : i32
          %add3A_600 = arith.constant 0 : i32
          %add3A_601 = arith.addi %add3A_600, %mul3A_599 : i32
          %mul3A_602 = arith.constant 16 : i32
          %mul3A_603 = arith.muli %add3A_601, %mul3A_602 : i32
          %swap3A = arith.constant 42 : i32
          %swap3A_604 = arith.index_cast %swap3A : i32 to index
          %swap3A_605 = arith.index_cast %mul3A_603 : i32 to index
          %swap3A_606 = tpu.vector_load %arg7[%swap3A_604, %swap3A_605] {strides = array<i32>} : memref<64x1024xf32, #tpu.memory_space<vmem>>, vector<16xf32>,
          tpu.vector_store %arg7[%swap3A_604, %swap3A_605], %broadcast_in_dim3A_414 {strides = array<i32>} : memref<64x1024xf32, #tpu.memory_space<vmem>>, vector<16xf32>,
        }
        %scan3A_419 = arith.constant 64 : i32
        %slice3A_420 = vector.extract_strided_slice %gather3A_331 {offsets = [11], sizes = [1], strides = [1]} : vector<16xf32> to vector<1xf32>
        %squeeze3A_421 = vector.extract %slice3A_420[0] : f32 from vector<1xf32>
        %broadcast_in_dim3A_422 = vector.broadcast %squeeze3A_421 : f32 to vector<16xf32>
        %scan3A_423 = arith.constant 0 : i32
        %scan3A_424 = arith.constant 64 : i32
        %scan3A_425 = arith.addi %scan3A_423, %scan3A_424 : i32
        %scan3A_426 = arith.constant 1 : i32
        scf.for %scan3A_597 = %scan3A_423 to %scan3A_425 step %scan3A_426  : i32 {
          %mul3A_598 = arith.constant 1 : i32
          %mul3A_599 = arith.muli %scan3A_597, %mul3A_598 : i32
          %add3A_600 = arith.constant 0 : i32
          %add3A_601 = arith.addi %add3A_600, %mul3A_599 : i32
          %mul3A_602 = arith.constant 16 : i32
          %mul3A_603 = arith.muli %add3A_601, %mul3A_602 : i32
          %swap3A = arith.constant 43 : i32
          %swap3A_604 = arith.index_cast %swap3A : i32 to index
          %swap3A_605 = arith.index_cast %mul3A_603 : i32 to index
          %swap3A_606 = tpu.vector_load %arg7[%swap3A_604, %swap3A_605] {strides = array<i32>} : memref<64x1024xf32, #tpu.memory_space<vmem>>, vector<16xf32>,
          tpu.vector_store %arg7[%swap3A_604, %swap3A_605], %broadcast_in_dim3A_422 {strides = array<i32>} : memref<64x1024xf32, #tpu.memory_space<vmem>>, vector<16xf32>,
        }
        %scan3A_427 = arith.constant 64 : i32
        %slice3A_428 = vector.extract_strided_slice %gather3A_331 {offsets = [12], sizes = [1], strides = [1]} : vector<16xf32> to vector<1xf32>
        %squeeze3A_429 = vector.extract %slice3A_428[0] : f32 from vector<1xf32>
        %broadcast_in_dim3A_430 = vector.broadcast %squeeze3A_429 : f32 to vector<16xf32>
        %scan3A_431 = arith.constant 0 : i32
        %scan3A_432 = arith.constant 64 : i32
        %scan3A_433 = arith.addi %scan3A_431, %scan3A_432 : i32
        %scan3A_434 = arith.constant 1 : i32
        scf.for %scan3A_597 = %scan3A_431 to %scan3A_433 step %scan3A_434  : i32 {
          %mul3A_598 = arith.constant 1 : i32
          %mul3A_599 = arith.muli %scan3A_597, %mul3A_598 : i32
          %add3A_600 = arith.constant 0 : i32
          %add3A_601 = arith.addi %add3A_600, %mul3A_599 : i32
          %mul3A_602 = arith.constant 16 : i32
          %mul3A_603 = arith.muli %add3A_601, %mul3A_602 : i32
          %swap3A = arith.constant 44 : i32
          %swap3A_604 = arith.index_cast %swap3A : i32 to index
          %swap3A_605 = arith.index_cast %mul3A_603 : i32 to index
          %swap3A_606 = tpu.vector_load %arg7[%swap3A_604, %swap3A_605] {strides = array<i32>} : memref<64x1024xf32, #tpu.memory_space<vmem>>, vector<16xf32>,
          tpu.vector_store %arg7[%swap3A_604, %swap3A_605], %broadcast_in_dim3A_430 {strides = array<i32>} : memref<64x1024xf32, #tpu.memory_space<vmem>>, vector<16xf32>,
        }
        %scan3A_435 = arith.constant 64 : i32
        %slice3A_436 = vector.extract_strided_slice %gather3A_331 {offsets = [13], sizes = [1], strides = [1]} : vector<16xf32> to vector<1xf32>
        %squeeze3A_437 = vector.extract %slice3A_436[0] : f32 from vector<1xf32>
        %broadcast_in_dim3A_438 = vector.broadcast %squeeze3A_437 : f32 to vector<16xf32>
        %scan3A_439 = arith.constant 0 : i32
        %scan3A_440 = arith.constant 64 : i32
        %scan3A_441 = arith.addi %scan3A_439, %scan3A_440 : i32
        %scan3A_442 = arith.constant 1 : i32
        scf.for %scan3A_597 = %scan3A_439 to %scan3A_441 step %scan3A_442  : i32 {
          %mul3A_598 = arith.constant 1 : i32
          %mul3A_599 = arith.muli %scan3A_597, %mul3A_598 : i32
          %add3A_600 = arith.constant 0 : i32
          %add3A_601 = arith.addi %add3A_600, %mul3A_599 : i32
          %mul3A_602 = arith.constant 16 : i32
          %mul3A_603 = arith.muli %add3A_601, %mul3A_602 : i32
          %swap3A = arith.constant 45 : i32
          %swap3A_604 = arith.index_cast %swap3A : i32 to index
          %swap3A_605 = arith.index_cast %mul3A_603 : i32 to index
          %swap3A_606 = tpu.vector_load %arg7[%swap3A_604, %swap3A_605] {strides = array<i32>} : memref<64x1024xf32, #tpu.memory_space<vmem>>, vector<16xf32>,
          tpu.vector_store %arg7[%swap3A_604, %swap3A_605], %broadcast_in_dim3A_438 {strides = array<i32>} : memref<64x1024xf32, #tpu.memory_space<vmem>>, vector<16xf32>,
        }
        %scan3A_443 = arith.constant 64 : i32
        %slice3A_444 = vector.extract_strided_slice %gather3A_331 {offsets = [14], sizes = [1], strides = [1]} : vector<16xf32> to vector<1xf32>
        %squeeze3A_445 = vector.extract %slice3A_444[0] : f32 from vector<1xf32>
        %broadcast_in_dim3A_446 = vector.broadcast %squeeze3A_445 : f32 to vector<16xf32>
        %scan3A_447 = arith.constant 0 : i32
        %scan3A_448 = arith.constant 64 : i32
        %scan3A_449 = arith.addi %scan3A_447, %scan3A_448 : i32
        %scan3A_450 = arith.constant 1 : i32
        scf.for %scan3A_597 = %scan3A_447 to %scan3A_449 step %scan3A_450  : i32 {
          %mul3A_598 = arith.constant 1 : i32
          %mul3A_599 = arith.muli %scan3A_597, %mul3A_598 : i32
          %add3A_600 = arith.constant 0 : i32
          %add3A_601 = arith.addi %add3A_600, %mul3A_599 : i32
          %mul3A_602 = arith.constant 16 : i32
          %mul3A_603 = arith.muli %add3A_601, %mul3A_602 : i32
          %swap3A = arith.constant 46 : i32
          %swap3A_604 = arith.index_cast %swap3A : i32 to index
          %swap3A_605 = arith.index_cast %mul3A_603 : i32 to index
          %swap3A_606 = tpu.vector_load %arg7[%swap3A_604, %swap3A_605] {strides = array<i32>} : memref<64x1024xf32, #tpu.memory_space<vmem>>, vector<16xf32>,
          tpu.vector_store %arg7[%swap3A_604, %swap3A_605], %broadcast_in_dim3A_446 {strides = array<i32>} : memref<64x1024xf32, #tpu.memory_space<vmem>>, vector<16xf32>,
        }
        %scan3A_451 = arith.constant 64 : i32
        %slice3A_452 = vector.extract_strided_slice %gather3A_331 {offsets = [15], sizes = [1], strides = [1]} : vector<16xf32> to vector<1xf32>
        %squeeze3A_453 = vector.extract %slice3A_452[0] : f32 from vector<1xf32>
        %broadcast_in_dim3A_454 = vector.broadcast %squeeze3A_453 : f32 to vector<16xf32>
        %scan3A_455 = arith.constant 0 : i32
        %scan3A_456 = arith.constant 64 : i32
        %scan3A_457 = arith.addi %scan3A_455, %scan3A_456 : i32
        %scan3A_458 = arith.constant 1 : i32
        scf.for %scan3A_597 = %scan3A_455 to %scan3A_457 step %scan3A_458  : i32 {
          %mul3A_598 = arith.constant 1 : i32
          %mul3A_599 = arith.muli %scan3A_597, %mul3A_598 : i32
          %add3A_600 = arith.constant 0 : i32
          %add3A_601 = arith.addi %add3A_600, %mul3A_599 : i32
          %mul3A_602 = arith.constant 16 : i32
          %mul3A_603 = arith.muli %add3A_601, %mul3A_602 : i32
          %swap3A = arith.constant 47 : i32
          %swap3A_604 = arith.index_cast %swap3A : i32 to index
          %swap3A_605 = arith.index_cast %mul3A_603 : i32 to index
          %swap3A_606 = tpu.vector_load %arg7[%swap3A_604, %swap3A_605] {strides = array<i32>} : memref<64x1024xf32, #tpu.memory_space<vmem>>, vector<16xf32>,
          tpu.vector_store %arg7[%swap3A_604, %swap3A_605], %broadcast_in_dim3A_454 {strides = array<i32>} : memref<64x1024xf32, #tpu.memory_space<vmem>>, vector<16xf32>,
        }
        %scan3A_459 = arith.constant 64 : i32
        %add3A_460 = arith.constant 48 : i32
        %add3A_461 = vector.broadcast %add3A_460 : i32 to vector<16xi32>
        %add3A_462 = arith.addi %add3A_461, %iota3A : vector<16xi32>
        %mul3A_463 = arith.constant 8 : i32
        %mul3A_464 = vector.broadcast %mul3A_463 : i32 to vector<16xi32>
        %mul3A_465 = arith.muli %add3A_462, %mul3A_464 : vector<16xi32>
        %add3A_466 = vector.broadcast %squeeze3A : i32 to vector<16xi32>
        %add3A_467 = arith.addi %mul3A_465, %add3A_466 : vector<16xi32>
        %gather3A_468 = tpu.vector_load_idx %arg5[%add3A_467] : memref<512xf32, #tpu.memory_space<vmem>>[vector<16xi32>], vector<16xf32>,
        %slice3A_469 = vector.extract_strided_slice %gather3A_468 {offsets = [0], sizes = [1], strides = [1]} : vector<16xf32> to vector<1xf32>
        %squeeze3A_470 = vector.extract %slice3A_469[0] : f32 from vector<1xf32>
        %broadcast_in_dim3A_471 = vector.broadcast %squeeze3A_470 : f32 to vector<16xf32>
        %scan3A_472 = arith.constant 0 : i32
        %scan3A_473 = arith.constant 64 : i32
        %scan3A_474 = arith.addi %scan3A_472, %scan3A_473 : i32
        %scan3A_475 = arith.constant 1 : i32
        scf.for %scan3A_597 = %scan3A_472 to %scan3A_474 step %scan3A_475  : i32 {
          %mul3A_598 = arith.constant 1 : i32
          %mul3A_599 = arith.muli %scan3A_597, %mul3A_598 : i32
          %add3A_600 = arith.constant 0 : i32
          %add3A_601 = arith.addi %add3A_600, %mul3A_599 : i32
          %mul3A_602 = arith.constant 16 : i32
          %mul3A_603 = arith.muli %add3A_601, %mul3A_602 : i32
          %swap3A = arith.constant 48 : i32
          %swap3A_604 = arith.index_cast %swap3A : i32 to index
          %swap3A_605 = arith.index_cast %mul3A_603 : i32 to index
          %swap3A_606 = tpu.vector_load %arg7[%swap3A_604, %swap3A_605] {strides = array<i32>} : memref<64x1024xf32, #tpu.memory_space<vmem>>, vector<16xf32>,
          tpu.vector_store %arg7[%swap3A_604, %swap3A_605], %broadcast_in_dim3A_471 {strides = array<i32>} : memref<64x1024xf32, #tpu.memory_space<vmem>>, vector<16xf32>,
        }
        %scan3A_476 = arith.constant 64 : i32
        %slice3A_477 = vector.extract_strided_slice %gather3A_468 {offsets = [1], sizes = [1], strides = [1]} : vector<16xf32> to vector<1xf32>
        %squeeze3A_478 = vector.extract %slice3A_477[0] : f32 from vector<1xf32>
        %broadcast_in_dim3A_479 = vector.broadcast %squeeze3A_478 : f32 to vector<16xf32>
        %scan3A_480 = arith.constant 0 : i32
        %scan3A_481 = arith.constant 64 : i32
        %scan3A_482 = arith.addi %scan3A_480, %scan3A_481 : i32
        %scan3A_483 = arith.constant 1 : i32
        scf.for %scan3A_597 = %scan3A_480 to %scan3A_482 step %scan3A_483  : i32 {
          %mul3A_598 = arith.constant 1 : i32
          %mul3A_599 = arith.muli %scan3A_597, %mul3A_598 : i32
          %add3A_600 = arith.constant 0 : i32
          %add3A_601 = arith.addi %add3A_600, %mul3A_599 : i32
          %mul3A_602 = arith.constant 16 : i32
          %mul3A_603 = arith.muli %add3A_601, %mul3A_602 : i32
          %swap3A = arith.constant 49 : i32
          %swap3A_604 = arith.index_cast %swap3A : i32 to index
          %swap3A_605 = arith.index_cast %mul3A_603 : i32 to index
          %swap3A_606 = tpu.vector_load %arg7[%swap3A_604, %swap3A_605] {strides = array<i32>} : memref<64x1024xf32, #tpu.memory_space<vmem>>, vector<16xf32>,
          tpu.vector_store %arg7[%swap3A_604, %swap3A_605], %broadcast_in_dim3A_479 {strides = array<i32>} : memref<64x1024xf32, #tpu.memory_space<vmem>>, vector<16xf32>,
        }
        %scan3A_484 = arith.constant 64 : i32
        %slice3A_485 = vector.extract_strided_slice %gather3A_468 {offsets = [2], sizes = [1], strides = [1]} : vector<16xf32> to vector<1xf32>
        %squeeze3A_486 = vector.extract %slice3A_485[0] : f32 from vector<1xf32>
        %broadcast_in_dim3A_487 = vector.broadcast %squeeze3A_486 : f32 to vector<16xf32>
        %scan3A_488 = arith.constant 0 : i32
        %scan3A_489 = arith.constant 64 : i32
        %scan3A_490 = arith.addi %scan3A_488, %scan3A_489 : i32
        %scan3A_491 = arith.constant 1 : i32
        scf.for %scan3A_597 = %scan3A_488 to %scan3A_490 step %scan3A_491  : i32 {
          %mul3A_598 = arith.constant 1 : i32
          %mul3A_599 = arith.muli %scan3A_597, %mul3A_598 : i32
          %add3A_600 = arith.constant 0 : i32
          %add3A_601 = arith.addi %add3A_600, %mul3A_599 : i32
          %mul3A_602 = arith.constant 16 : i32
          %mul3A_603 = arith.muli %add3A_601, %mul3A_602 : i32
          %swap3A = arith.constant 50 : i32
          %swap3A_604 = arith.index_cast %swap3A : i32 to index
          %swap3A_605 = arith.index_cast %mul3A_603 : i32 to index
          %swap3A_606 = tpu.vector_load %arg7[%swap3A_604, %swap3A_605] {strides = array<i32>} : memref<64x1024xf32, #tpu.memory_space<vmem>>, vector<16xf32>,
          tpu.vector_store %arg7[%swap3A_604, %swap3A_605], %broadcast_in_dim3A_487 {strides = array<i32>} : memref<64x1024xf32, #tpu.memory_space<vmem>>, vector<16xf32>,
        }
        %scan3A_492 = arith.constant 64 : i32
        %slice3A_493 = vector.extract_strided_slice %gather3A_468 {offsets = [3], sizes = [1], strides = [1]} : vector<16xf32> to vector<1xf32>
        %squeeze3A_494 = vector.extract %slice3A_493[0] : f32 from vector<1xf32>
        %broadcast_in_dim3A_495 = vector.broadcast %squeeze3A_494 : f32 to vector<16xf32>
        %scan3A_496 = arith.constant 0 : i32
        %scan3A_497 = arith.constant 64 : i32
        %scan3A_498 = arith.addi %scan3A_496, %scan3A_497 : i32
        %scan3A_499 = arith.constant 1 : i32
        scf.for %scan3A_597 = %scan3A_496 to %scan3A_498 step %scan3A_499  : i32 {
          %mul3A_598 = arith.constant 1 : i32
          %mul3A_599 = arith.muli %scan3A_597, %mul3A_598 : i32
          %add3A_600 = arith.constant 0 : i32
          %add3A_601 = arith.addi %add3A_600, %mul3A_599 : i32
          %mul3A_602 = arith.constant 16 : i32
          %mul3A_603 = arith.muli %add3A_601, %mul3A_602 : i32
          %swap3A = arith.constant 51 : i32
          %swap3A_604 = arith.index_cast %swap3A : i32 to index
          %swap3A_605 = arith.index_cast %mul3A_603 : i32 to index
          %swap3A_606 = tpu.vector_load %arg7[%swap3A_604, %swap3A_605] {strides = array<i32>} : memref<64x1024xf32, #tpu.memory_space<vmem>>, vector<16xf32>,
          tpu.vector_store %arg7[%swap3A_604, %swap3A_605], %broadcast_in_dim3A_495 {strides = array<i32>} : memref<64x1024xf32, #tpu.memory_space<vmem>>, vector<16xf32>,
        }
        %scan3A_500 = arith.constant 64 : i32
        %slice3A_501 = vector.extract_strided_slice %gather3A_468 {offsets = [4], sizes = [1], strides = [1]} : vector<16xf32> to vector<1xf32>
        %squeeze3A_502 = vector.extract %slice3A_501[0] : f32 from vector<1xf32>
        %broadcast_in_dim3A_503 = vector.broadcast %squeeze3A_502 : f32 to vector<16xf32>
        %scan3A_504 = arith.constant 0 : i32
        %scan3A_505 = arith.constant 64 : i32
        %scan3A_506 = arith.addi %scan3A_504, %scan3A_505 : i32
        %scan3A_507 = arith.constant 1 : i32
        scf.for %scan3A_597 = %scan3A_504 to %scan3A_506 step %scan3A_507  : i32 {
          %mul3A_598 = arith.constant 1 : i32
          %mul3A_599 = arith.muli %scan3A_597, %mul3A_598 : i32
          %add3A_600 = arith.constant 0 : i32
          %add3A_601 = arith.addi %add3A_600, %mul3A_599 : i32
          %mul3A_602 = arith.constant 16 : i32
          %mul3A_603 = arith.muli %add3A_601, %mul3A_602 : i32
          %swap3A = arith.constant 52 : i32
          %swap3A_604 = arith.index_cast %swap3A : i32 to index
          %swap3A_605 = arith.index_cast %mul3A_603 : i32 to index
          %swap3A_606 = tpu.vector_load %arg7[%swap3A_604, %swap3A_605] {strides = array<i32>} : memref<64x1024xf32, #tpu.memory_space<vmem>>, vector<16xf32>,
          tpu.vector_store %arg7[%swap3A_604, %swap3A_605], %broadcast_in_dim3A_503 {strides = array<i32>} : memref<64x1024xf32, #tpu.memory_space<vmem>>, vector<16xf32>,
        }
        %scan3A_508 = arith.constant 64 : i32
        %slice3A_509 = vector.extract_strided_slice %gather3A_468 {offsets = [5], sizes = [1], strides = [1]} : vector<16xf32> to vector<1xf32>
        %squeeze3A_510 = vector.extract %slice3A_509[0] : f32 from vector<1xf32>
        %broadcast_in_dim3A_511 = vector.broadcast %squeeze3A_510 : f32 to vector<16xf32>
        %scan3A_512 = arith.constant 0 : i32
        %scan3A_513 = arith.constant 64 : i32
        %scan3A_514 = arith.addi %scan3A_512, %scan3A_513 : i32
        %scan3A_515 = arith.constant 1 : i32
        scf.for %scan3A_597 = %scan3A_512 to %scan3A_514 step %scan3A_515  : i32 {
          %mul3A_598 = arith.constant 1 : i32
          %mul3A_599 = arith.muli %scan3A_597, %mul3A_598 : i32
          %add3A_600 = arith.constant 0 : i32
          %add3A_601 = arith.addi %add3A_600, %mul3A_599 : i32
          %mul3A_602 = arith.constant 16 : i32
          %mul3A_603 = arith.muli %add3A_601, %mul3A_602 : i32
          %swap3A = arith.constant 53 : i32
          %swap3A_604 = arith.index_cast %swap3A : i32 to index
          %swap3A_605 = arith.index_cast %mul3A_603 : i32 to index
          %swap3A_606 = tpu.vector_load %arg7[%swap3A_604, %swap3A_605] {strides = array<i32>} : memref<64x1024xf32, #tpu.memory_space<vmem>>, vector<16xf32>,
          tpu.vector_store %arg7[%swap3A_604, %swap3A_605], %broadcast_in_dim3A_511 {strides = array<i32>} : memref<64x1024xf32, #tpu.memory_space<vmem>>, vector<16xf32>,
        }
        %scan3A_516 = arith.constant 64 : i32
        %slice3A_517 = vector.extract_strided_slice %gather3A_468 {offsets = [6], sizes = [1], strides = [1]} : vector<16xf32> to vector<1xf32>
        %squeeze3A_518 = vector.extract %slice3A_517[0] : f32 from vector<1xf32>
        %broadcast_in_dim3A_519 = vector.broadcast %squeeze3A_518 : f32 to vector<16xf32>
        %scan3A_520 = arith.constant 0 : i32
        %scan3A_521 = arith.constant 64 : i32
        %scan3A_522 = arith.addi %scan3A_520, %scan3A_521 : i32
        %scan3A_523 = arith.constant 1 : i32
        scf.for %scan3A_597 = %scan3A_520 to %scan3A_522 step %scan3A_523  : i32 {
          %mul3A_598 = arith.constant 1 : i32
          %mul3A_599 = arith.muli %scan3A_597, %mul3A_598 : i32
          %add3A_600 = arith.constant 0 : i32
          %add3A_601 = arith.addi %add3A_600, %mul3A_599 : i32
          %mul3A_602 = arith.constant 16 : i32
          %mul3A_603 = arith.muli %add3A_601, %mul3A_602 : i32
          %swap3A = arith.constant 54 : i32
          %swap3A_604 = arith.index_cast %swap3A : i32 to index
          %swap3A_605 = arith.index_cast %mul3A_603 : i32 to index
          %swap3A_606 = tpu.vector_load %arg7[%swap3A_604, %swap3A_605] {strides = array<i32>} : memref<64x1024xf32, #tpu.memory_space<vmem>>, vector<16xf32>,
          tpu.vector_store %arg7[%swap3A_604, %swap3A_605], %broadcast_in_dim3A_519 {strides = array<i32>} : memref<64x1024xf32, #tpu.memory_space<vmem>>, vector<16xf32>,
        }
        %scan3A_524 = arith.constant 64 : i32
        %slice3A_525 = vector.extract_strided_slice %gather3A_468 {offsets = [7], sizes = [1], strides = [1]} : vector<16xf32> to vector<1xf32>
        %squeeze3A_526 = vector.extract %slice3A_525[0] : f32 from vector<1xf32>
        %broadcast_in_dim3A_527 = vector.broadcast %squeeze3A_526 : f32 to vector<16xf32>
        %scan3A_528 = arith.constant 0 : i32
        %scan3A_529 = arith.constant 64 : i32
        %scan3A_530 = arith.addi %scan3A_528, %scan3A_529 : i32
        %scan3A_531 = arith.constant 1 : i32
        scf.for %scan3A_597 = %scan3A_528 to %scan3A_530 step %scan3A_531  : i32 {
          %mul3A_598 = arith.constant 1 : i32
          %mul3A_599 = arith.muli %scan3A_597, %mul3A_598 : i32
          %add3A_600 = arith.constant 0 : i32
          %add3A_601 = arith.addi %add3A_600, %mul3A_599 : i32
          %mul3A_602 = arith.constant 16 : i32
          %mul3A_603 = arith.muli %add3A_601, %mul3A_602 : i32
          %swap3A = arith.constant 55 : i32
          %swap3A_604 = arith.index_cast %swap3A : i32 to index
          %swap3A_605 = arith.index_cast %mul3A_603 : i32 to index
          %swap3A_606 = tpu.vector_load %arg7[%swap3A_604, %swap3A_605] {strides = array<i32>} : memref<64x1024xf32, #tpu.memory_space<vmem>>, vector<16xf32>,
          tpu.vector_store %arg7[%swap3A_604, %swap3A_605], %broadcast_in_dim3A_527 {strides = array<i32>} : memref<64x1024xf32, #tpu.memory_space<vmem>>, vector<16xf32>,
        }
        %scan3A_532 = arith.constant 64 : i32
        %slice3A_533 = vector.extract_strided_slice %gather3A_468 {offsets = [8], sizes = [1], strides = [1]} : vector<16xf32> to vector<1xf32>
        %squeeze3A_534 = vector.extract %slice3A_533[0] : f32 from vector<1xf32>
        %broadcast_in_dim3A_535 = vector.broadcast %squeeze3A_534 : f32 to vector<16xf32>
        %scan3A_536 = arith.constant 0 : i32
        %scan3A_537 = arith.constant 64 : i32
        %scan3A_538 = arith.addi %scan3A_536, %scan3A_537 : i32
        %scan3A_539 = arith.constant 1 : i32
        scf.for %scan3A_597 = %scan3A_536 to %scan3A_538 step %scan3A_539  : i32 {
          %mul3A_598 = arith.constant 1 : i32
          %mul3A_599 = arith.muli %scan3A_597, %mul3A_598 : i32
          %add3A_600 = arith.constant 0 : i32
          %add3A_601 = arith.addi %add3A_600, %mul3A_599 : i32
          %mul3A_602 = arith.constant 16 : i32
          %mul3A_603 = arith.muli %add3A_601, %mul3A_602 : i32
          %swap3A = arith.constant 56 : i32
          %swap3A_604 = arith.index_cast %swap3A : i32 to index
          %swap3A_605 = arith.index_cast %mul3A_603 : i32 to index
          %swap3A_606 = tpu.vector_load %arg7[%swap3A_604, %swap3A_605] {strides = array<i32>} : memref<64x1024xf32, #tpu.memory_space<vmem>>, vector<16xf32>,
          tpu.vector_store %arg7[%swap3A_604, %swap3A_605], %broadcast_in_dim3A_535 {strides = array<i32>} : memref<64x1024xf32, #tpu.memory_space<vmem>>, vector<16xf32>,
        }
        %scan3A_540 = arith.constant 64 : i32
        %slice3A_541 = vector.extract_strided_slice %gather3A_468 {offsets = [9], sizes = [1], strides = [1]} : vector<16xf32> to vector<1xf32>
        %squeeze3A_542 = vector.extract %slice3A_541[0] : f32 from vector<1xf32>
        %broadcast_in_dim3A_543 = vector.broadcast %squeeze3A_542 : f32 to vector<16xf32>
        %scan3A_544 = arith.constant 0 : i32
        %scan3A_545 = arith.constant 64 : i32
        %scan3A_546 = arith.addi %scan3A_544, %scan3A_545 : i32
        %scan3A_547 = arith.constant 1 : i32
        scf.for %scan3A_597 = %scan3A_544 to %scan3A_546 step %scan3A_547  : i32 {
          %mul3A_598 = arith.constant 1 : i32
          %mul3A_599 = arith.muli %scan3A_597, %mul3A_598 : i32
          %add3A_600 = arith.constant 0 : i32
          %add3A_601 = arith.addi %add3A_600, %mul3A_599 : i32
          %mul3A_602 = arith.constant 16 : i32
          %mul3A_603 = arith.muli %add3A_601, %mul3A_602 : i32
          %swap3A = arith.constant 57 : i32
          %swap3A_604 = arith.index_cast %swap3A : i32 to index
          %swap3A_605 = arith.index_cast %mul3A_603 : i32 to index
          %swap3A_606 = tpu.vector_load %arg7[%swap3A_604, %swap3A_605] {strides = array<i32>} : memref<64x1024xf32, #tpu.memory_space<vmem>>, vector<16xf32>,
          tpu.vector_store %arg7[%swap3A_604, %swap3A_605], %broadcast_in_dim3A_543 {strides = array<i32>} : memref<64x1024xf32, #tpu.memory_space<vmem>>, vector<16xf32>,
        }
        %scan3A_548 = arith.constant 64 : i32
        %slice3A_549 = vector.extract_strided_slice %gather3A_468 {offsets = [10], sizes = [1], strides = [1]} : vector<16xf32> to vector<1xf32>
        %squeeze3A_550 = vector.extract %slice3A_549[0] : f32 from vector<1xf32>
        %broadcast_in_dim3A_551 = vector.broadcast %squeeze3A_550 : f32 to vector<16xf32>
        %scan3A_552 = arith.constant 0 : i32
        %scan3A_553 = arith.constant 64 : i32
        %scan3A_554 = arith.addi %scan3A_552, %scan3A_553 : i32
        %scan3A_555 = arith.constant 1 : i32
        scf.for %scan3A_597 = %scan3A_552 to %scan3A_554 step %scan3A_555  : i32 {
          %mul3A_598 = arith.constant 1 : i32
          %mul3A_599 = arith.muli %scan3A_597, %mul3A_598 : i32
          %add3A_600 = arith.constant 0 : i32
          %add3A_601 = arith.addi %add3A_600, %mul3A_599 : i32
          %mul3A_602 = arith.constant 16 : i32
          %mul3A_603 = arith.muli %add3A_601, %mul3A_602 : i32
          %swap3A = arith.constant 58 : i32
          %swap3A_604 = arith.index_cast %swap3A : i32 to index
          %swap3A_605 = arith.index_cast %mul3A_603 : i32 to index
          %swap3A_606 = tpu.vector_load %arg7[%swap3A_604, %swap3A_605] {strides = array<i32>} : memref<64x1024xf32, #tpu.memory_space<vmem>>, vector<16xf32>,
          tpu.vector_store %arg7[%swap3A_604, %swap3A_605], %broadcast_in_dim3A_551 {strides = array<i32>} : memref<64x1024xf32, #tpu.memory_space<vmem>>, vector<16xf32>,
        }
        %scan3A_556 = arith.constant 64 : i32
        %slice3A_557 = vector.extract_strided_slice %gather3A_468 {offsets = [11], sizes = [1], strides = [1]} : vector<16xf32> to vector<1xf32>
        %squeeze3A_558 = vector.extract %slice3A_557[0] : f32 from vector<1xf32>
        %broadcast_in_dim3A_559 = vector.broadcast %squeeze3A_558 : f32 to vector<16xf32>
        %scan3A_560 = arith.constant 0 : i32
        %scan3A_561 = arith.constant 64 : i32
        %scan3A_562 = arith.addi %scan3A_560, %scan3A_561 : i32
        %scan3A_563 = arith.constant 1 : i32
        scf.for %scan3A_597 = %scan3A_560 to %scan3A_562 step %scan3A_563  : i32 {
          %mul3A_598 = arith.constant 1 : i32
          %mul3A_599 = arith.muli %scan3A_597, %mul3A_598 : i32
          %add3A_600 = arith.constant 0 : i32
          %add3A_601 = arith.addi %add3A_600, %mul3A_599 : i32
          %mul3A_602 = arith.constant 16 : i32
          %mul3A_603 = arith.muli %add3A_601, %mul3A_602 : i32
          %swap3A = arith.constant 59 : i32
          %swap3A_604 = arith.index_cast %swap3A : i32 to index
          %swap3A_605 = arith.index_cast %mul3A_603 : i32 to index
          %swap3A_606 = tpu.vector_load %arg7[%swap3A_604, %swap3A_605] {strides = array<i32>} : memref<64x1024xf32, #tpu.memory_space<vmem>>, vector<16xf32>,
          tpu.vector_store %arg7[%swap3A_604, %swap3A_605], %broadcast_in_dim3A_559 {strides = array<i32>} : memref<64x1024xf32, #tpu.memory_space<vmem>>, vector<16xf32>,
        }
        %scan3A_564 = arith.constant 64 : i32
        %slice3A_565 = vector.extract_strided_slice %gather3A_468 {offsets = [12], sizes = [1], strides = [1]} : vector<16xf32> to vector<1xf32>
        %squeeze3A_566 = vector.extract %slice3A_565[0] : f32 from vector<1xf32>
        %broadcast_in_dim3A_567 = vector.broadcast %squeeze3A_566 : f32 to vector<16xf32>
        %scan3A_568 = arith.constant 0 : i32
        %scan3A_569 = arith.constant 64 : i32
        %scan3A_570 = arith.addi %scan3A_568, %scan3A_569 : i32
        %scan3A_571 = arith.constant 1 : i32
        scf.for %scan3A_597 = %scan3A_568 to %scan3A_570 step %scan3A_571  : i32 {
          %mul3A_598 = arith.constant 1 : i32
          %mul3A_599 = arith.muli %scan3A_597, %mul3A_598 : i32
          %add3A_600 = arith.constant 0 : i32
          %add3A_601 = arith.addi %add3A_600, %mul3A_599 : i32
          %mul3A_602 = arith.constant 16 : i32
          %mul3A_603 = arith.muli %add3A_601, %mul3A_602 : i32
          %swap3A = arith.constant 60 : i32
          %swap3A_604 = arith.index_cast %swap3A : i32 to index
          %swap3A_605 = arith.index_cast %mul3A_603 : i32 to index
          %swap3A_606 = tpu.vector_load %arg7[%swap3A_604, %swap3A_605] {strides = array<i32>} : memref<64x1024xf32, #tpu.memory_space<vmem>>, vector<16xf32>,
          tpu.vector_store %arg7[%swap3A_604, %swap3A_605], %broadcast_in_dim3A_567 {strides = array<i32>} : memref<64x1024xf32, #tpu.memory_space<vmem>>, vector<16xf32>,
        }
        %scan3A_572 = arith.constant 64 : i32
        %slice3A_573 = vector.extract_strided_slice %gather3A_468 {offsets = [13], sizes = [1], strides = [1]} : vector<16xf32> to vector<1xf32>
        %squeeze3A_574 = vector.extract %slice3A_573[0] : f32 from vector<1xf32>
        %broadcast_in_dim3A_575 = vector.broadcast %squeeze3A_574 : f32 to vector<16xf32>
        %scan3A_576 = arith.constant 0 : i32
        %scan3A_577 = arith.constant 64 : i32
        %scan3A_578 = arith.addi %scan3A_576, %scan3A_577 : i32
        %scan3A_579 = arith.constant 1 : i32
        scf.for %scan3A_597 = %scan3A_576 to %scan3A_578 step %scan3A_579  : i32 {
          %mul3A_598 = arith.constant 1 : i32
          %mul3A_599 = arith.muli %scan3A_597, %mul3A_598 : i32
          %add3A_600 = arith.constant 0 : i32
          %add3A_601 = arith.addi %add3A_600, %mul3A_599 : i32
          %mul3A_602 = arith.constant 16 : i32
          %mul3A_603 = arith.muli %add3A_601, %mul3A_602 : i32
          %swap3A = arith.constant 61 : i32
          %swap3A_604 = arith.index_cast %swap3A : i32 to index
          %swap3A_605 = arith.index_cast %mul3A_603 : i32 to index
          %swap3A_606 = tpu.vector_load %arg7[%swap3A_604, %swap3A_605] {strides = array<i32>} : memref<64x1024xf32, #tpu.memory_space<vmem>>, vector<16xf32>,
          tpu.vector_store %arg7[%swap3A_604, %swap3A_605], %broadcast_in_dim3A_575 {strides = array<i32>} : memref<64x1024xf32, #tpu.memory_space<vmem>>, vector<16xf32>,
        }
        %scan3A_580 = arith.constant 64 : i32
        %slice3A_581 = vector.extract_strided_slice %gather3A_468 {offsets = [14], sizes = [1], strides = [1]} : vector<16xf32> to vector<1xf32>
        %squeeze3A_582 = vector.extract %slice3A_581[0] : f32 from vector<1xf32>
        %broadcast_in_dim3A_583 = vector.broadcast %squeeze3A_582 : f32 to vector<16xf32>
        %scan3A_584 = arith.constant 0 : i32
        %scan3A_585 = arith.constant 64 : i32
        %scan3A_586 = arith.addi %scan3A_584, %scan3A_585 : i32
        %scan3A_587 = arith.constant 1 : i32
        scf.for %scan3A_597 = %scan3A_584 to %scan3A_586 step %scan3A_587  : i32 {
          %mul3A_598 = arith.constant 1 : i32
          %mul3A_599 = arith.muli %scan3A_597, %mul3A_598 : i32
          %add3A_600 = arith.constant 0 : i32
          %add3A_601 = arith.addi %add3A_600, %mul3A_599 : i32
          %mul3A_602 = arith.constant 16 : i32
          %mul3A_603 = arith.muli %add3A_601, %mul3A_602 : i32
          %swap3A = arith.constant 62 : i32
          %swap3A_604 = arith.index_cast %swap3A : i32 to index
          %swap3A_605 = arith.index_cast %mul3A_603 : i32 to index
          %swap3A_606 = tpu.vector_load %arg7[%swap3A_604, %swap3A_605] {strides = array<i32>} : memref<64x1024xf32, #tpu.memory_space<vmem>>, vector<16xf32>,
          tpu.vector_store %arg7[%swap3A_604, %swap3A_605], %broadcast_in_dim3A_583 {strides = array<i32>} : memref<64x1024xf32, #tpu.memory_space<vmem>>, vector<16xf32>,
        }
        %scan3A_588 = arith.constant 64 : i32
        %slice3A_589 = vector.extract_strided_slice %gather3A_468 {offsets = [15], sizes = [1], strides = [1]} : vector<16xf32> to vector<1xf32>
        %squeeze3A_590 = vector.extract %slice3A_589[0] : f32 from vector<1xf32>
        %broadcast_in_dim3A_591 = vector.broadcast %squeeze3A_590 : f32 to vector<16xf32>
        %scan3A_592 = arith.constant 0 : i32
        %scan3A_593 = arith.constant 64 : i32
        %scan3A_594 = arith.addi %scan3A_592, %scan3A_593 : i32
        %scan3A_595 = arith.constant 1 : i32
        scf.for %scan3A_597 = %scan3A_592 to %scan3A_594 step %scan3A_595  : i32 {
          %mul3A_598 = arith.constant 1 : i32
          %mul3A_599 = arith.muli %scan3A_597, %mul3A_598 : i32
          %add3A_600 = arith.constant 0 : i32
          %add3A_601 = arith.addi %add3A_600, %mul3A_599 : i32
          %mul3A_602 = arith.constant 16 : i32
          %mul3A_603 = arith.muli %add3A_601, %mul3A_602 : i32
          %swap3A = arith.constant 63 : i32
          %swap3A_604 = arith.index_cast %swap3A : i32 to index
          %swap3A_605 = arith.index_cast %mul3A_603 : i32 to index
          %swap3A_606 = tpu.vector_load %arg7[%swap3A_604, %swap3A_605] {strides = array<i32>} : memref<64x1024xf32, #tpu.memory_space<vmem>>, vector<16xf32>,
          tpu.vector_store %arg7[%swap3A_604, %swap3A_605], %broadcast_in_dim3A_591 {strides = array<i32>} : memref<64x1024xf32, #tpu.memory_space<vmem>>, vector<16xf32>,
        }
        %scan3A_596 = arith.constant 64 : i32
      } else {
      }
      %not3A = arith.constant true
      %not3A_46 = arith.xori %eq3A_42, %not3A : i1
      %convert_element_type3A_47 = arith.extui %not3A_46 : i1 to i32
      %cond3A_48 = arith.constant 0 : i32
      %cond3A_49 = arith.cmpi ne, %convert_element_type3A_47, %cond3A_48 : i32
      scf.if %cond3A_49 {
        %scan3A = arith.constant 0 : i32
        %scan3A_52 = arith.constant 64 : i32
        %scan3A_53 = arith.addi %scan3A, %scan3A_52 : i32
        %scan3A_54 = arith.constant 1 : i32
        scf.for %scan3A_56 = %scan3A to %scan3A_53 step %scan3A_54  : i32 {
          %mul3A_57 = arith.constant 1 : i32
          %mul3A_58 = arith.muli %scan3A_56, %mul3A_57 : i32
          %add3A_59 = arith.constant 0 : i32
          %add3A_60 = arith.addi %add3A_59, %mul3A_58 : i32
          %mul3A_61 = arith.constant 16 : i32
          %mul3A_62 = arith.muli %add3A_60, %mul3A_61 : i32
          %get3A_63 = arith.index_cast %mul3A_62 : i32 to index
          %get3A_64 = tpu.vector_load %arg6[%get3A_63] {strides = array<i32>} : memref<1024xi32, #tpu.memory_space<vmem>>, vector<16xi32>,
          %scan3A_65 = arith.constant 0 : i32
          %scan3A_66 = arith.constant 64 : i32
          %scan3A_67 = arith.addi %scan3A_65, %scan3A_66 : i32
          %scan3A_68 = arith.constant 1 : i32
          scf.for %scan3A_70 = %scan3A_65 to %scan3A_67 step %scan3A_68  : i32 {
            %mul3A_71 = arith.constant 1 : i32
            %mul3A_72 = arith.muli %scan3A_70, %mul3A_71 : i32
            %add3A_73 = arith.constant 0 : i32
            %add3A_74 = arith.addi %add3A_73, %mul3A_72 : i32
            %mul3A_75 = arith.constant 8 : i32
            %mul3A_76 = arith.muli %add3A_74, %mul3A_75 : i32
            %add3A_77 = vector.broadcast %mul3A_76 : i32 to vector<16xi32>
            %add3A_78 = arith.addi %get3A_64, %add3A_77 : vector<16xi32>
            %gather3A = tpu.vector_load_idx %arg5[%add3A_78] : memref<512xf32, #tpu.memory_space<vmem>>[vector<16xi32>], vector<16xf32>,
            %mul3A_79 = arith.constant 16 : i32
            %mul3A_80 = arith.muli %add3A_60, %mul3A_79 : i32
            %swap3A = arith.index_cast %add3A_74 : i32 to index
            %swap3A_81 = arith.index_cast %mul3A_80 : i32 to index
            %swap3A_82 = tpu.vector_load %arg7[%swap3A, %swap3A_81] {strides = array<i32>} : memref<64x1024xf32, #tpu.memory_space<vmem>>, vector<16xf32>,
            tpu.vector_store %arg7[%swap3A, %swap3A_81], %gather3A {strides = array<i32>} : memref<64x1024xf32, #tpu.memory_space<vmem>>, vector<16xf32>,
          }
          %scan3A_69 = arith.constant 64 : i32
        }
        %scan3A_55 = arith.constant 64 : i32
      } else {
      }
      "tpu.region"() ({
        %run_scoped3A = tpu.sem_alloc : memref<!tpu.dma_semaphore, #tpu.memory_space<semaphore_mem>>
        %dma_start3A = arith.constant 0 : i32
        %dma_start3A_52 = tpu.memref_slice %arg4[%dma_start3A, %mul3A_36] : memref<64x1000000xf32, #tpu.memory_space<hbm>> -> memref<64x1024xf32, #tpu.memory_space<hbm>>
        %dma_start3A_53 = arith.constant 0 : i32
        %dma_start3A_54 = tpu.memref_slice %arg4[%dma_start3A_53, %mul3A_36] : memref<64x1000000xf32, #tpu.memory_space<hbm>> -> memref<64x1024xf32, #tpu.memory_space<hbm>>
        tpu.enqueue_dma source(%arg7 : memref<64x1024xf32, #tpu.memory_space<vmem>>) target(%dma_start3A_54 : memref<64x1024xf32, #tpu.memory_space<hbm>>) target_semaphore(%run_scoped3A : memref<!tpu.dma_semaphore, #tpu.memory_space<semaphore_mem>>)
        %dma_wait3A = arith.constant 0 : i32
        %dma_wait3A_55 = tpu.memref_slice %arg4[%dma_wait3A, %mul3A_36] : memref<64x1000000xf32, #tpu.memory_space<hbm>> -> memref<64x1024xf32, #tpu.memory_space<hbm>>
        %dma_wait3A_56 = arith.constant 0 : i32
        %dma_wait3A_57 = tpu.memref_slice %arg4[%dma_wait3A_56, %mul3A_36] : memref<64x1000000xf32, #tpu.memory_space<hbm>> -> memref<64x1024xf32, #tpu.memory_space<hbm>>
        tpu.wait_dma2 semaphore(%run_scoped3A : memref<!tpu.dma_semaphore, #tpu.memory_space<semaphore_mem>>) src(%arg7 : memref<64x1024xf32, #tpu.memory_space<vmem>>) dst(%dma_wait3A_57 : memref<64x1024xf32, #tpu.memory_space<hbm>>)
        tpu.yield
      }) : () -> ()
      %jit3A_50 = arith.constant -1 : i32
      %select_n3A_51 = arith.select %eq3A_42, %squeeze3A, %jit3A_50 : i32
      scf.yield %select_n3A_51 : i32
    }
    %eq3A = arith.constant 31 : i32
    %eq3A_28 = arith.cmpi eq, %add3A, %eq3A : i32
    %convert_element_type3A = arith.extui %eq3A_28 : i1 to i32
    %cond3A = arith.constant 0 : i32
    %cond3A_29 = arith.cmpi ne, %convert_element_type3A, %cond3A : i32
    scf.if %cond3A_29 {
      "tpu.region"() ({
        %run_scoped3A = tpu.sem_alloc : memref<!tpu.dma_semaphore, #tpu.memory_space<semaphore_mem>>
        %dma_start3A = arith.constant 0 : i32
        %dma_start3A_43 = tpu.memref_slice %arg6[%dma_start3A] : memref<1024xi32, #tpu.memory_space<vmem>> -> memref<512xi32, #tpu.memory_space<vmem>>
        %dma_start3A_44 = arith.constant 999424 : i32
        %dma_start3A_45 = tpu.memref_slice %arg3[%dma_start3A_44] : memref<1000000xi32, #tpu.memory_space<hbm>> -> memref<512xi32, #tpu.memory_space<hbm>>
        %dma_start3A_46 = arith.constant 0 : i32
        %dma_start3A_47 = tpu.memref_slice %arg6[%dma_start3A_46] : memref<1024xi32, #tpu.memory_space<vmem>> -> memref<512xi32, #tpu.memory_space<vmem>>
        %dma_start3A_48 = arith.constant 999424 : i32
        %dma_start3A_49 = tpu.memref_slice %arg3[%dma_start3A_48] : memref<1000000xi32, #tpu.memory_space<hbm>> -> memref<512xi32, #tpu.memory_space<hbm>>
        tpu.enqueue_dma source(%dma_start3A_49 : memref<512xi32, #tpu.memory_space<hbm>>) target(%dma_start3A_47 : memref<512xi32, #tpu.memory_space<vmem>>) target_semaphore(%run_scoped3A : memref<!tpu.dma_semaphore, #tpu.memory_space<semaphore_mem>>)
        %dma_wait3A = arith.constant 0 : i32
        %dma_wait3A_50 = tpu.memref_slice %arg6[%dma_wait3A] : memref<1024xi32, #tpu.memory_space<vmem>> -> memref<512xi32, #tpu.memory_space<vmem>>
        %dma_wait3A_51 = arith.constant 999424 : i32
        %dma_wait3A_52 = tpu.memref_slice %arg3[%dma_wait3A_51] : memref<1000000xi32, #tpu.memory_space<hbm>> -> memref<512xi32, #tpu.memory_space<hbm>>
        %dma_wait3A_53 = arith.constant 0 : i32
        %dma_wait3A_54 = tpu.memref_slice %arg6[%dma_wait3A_53] : memref<1024xi32, #tpu.memory_space<vmem>> -> memref<512xi32, #tpu.memory_space<vmem>>
        %dma_wait3A_55 = arith.constant 999424 : i32
        %dma_wait3A_56 = tpu.memref_slice %arg3[%dma_wait3A_55] : memref<1000000xi32, #tpu.memory_space<hbm>> -> memref<512xi32, #tpu.memory_space<hbm>>
        tpu.wait_dma2 semaphore(%run_scoped3A : memref<!tpu.dma_semaphore, #tpu.memory_space<semaphore_mem>>) src(%dma_wait3A_56 : memref<512xi32, #tpu.memory_space<hbm>>) dst(%dma_wait3A_54 : memref<512xi32, #tpu.memory_space<vmem>>)
        tpu.yield
      }) : () -> ()
      %get3A = arith.constant 0 : index
      %get3A_30 = tpu.vector_load %arg6[%get3A] {strides = array<i32>} : memref<1024xi32, #tpu.memory_space<vmem>>, vector<16xi32>,
      %slice3A = vector.extract_strided_slice %get3A_30 {offsets = [0], sizes = [1], strides = [1]} : vector<16xi32> to vector<1xi32>
      %squeeze3A = vector.extract %slice3A[0] : i32 from vector<1xi32>
      %get3A_31 = arith.constant 496 : index
      %get3A_32 = tpu.vector_load %arg6[%get3A_31] {strides = array<i32>} : memref<1024xi32, #tpu.memory_space<vmem>>, vector<16xi32>,
      %slice3A_33 = vector.extract_strided_slice %get3A_32 {offsets = [15], sizes = [1], strides = [1]} : vector<16xi32> to vector<1xi32>
      %squeeze3A_34 = vector.extract %slice3A_33[0] : i32 from vector<1xi32>
      %eq3A_35 = arith.cmpi eq, %squeeze3A, %squeeze3A_34 : i32
      %ne3A = arith.cmpi ne, %squeeze3A, %while3A_27 : i32
      %and3A = arith.andi %eq3A_35, %ne3A : i1
      %convert_element_type3A_36 = arith.extui %and3A : i1 to i32
      %cond3A_37 = arith.constant 0 : i32
      %cond3A_38 = arith.cmpi ne, %convert_element_type3A_36, %cond3A_37 : i32
      scf.if %cond3A_38 {
        %add3A_43 = arith.constant 0 : i32
        %add3A_44 = vector.broadcast %add3A_43 : i32 to vector<16xi32>
        %add3A_45 = arith.addi %add3A_44, %iota3A : vector<16xi32>
        %mul3A_46 = arith.constant 8 : i32
        %mul3A_47 = vector.broadcast %mul3A_46 : i32 to vector<16xi32>
        %mul3A_48 = arith.muli %add3A_45, %mul3A_47 : vector<16xi32>
        %add3A_49 = vector.broadcast %squeeze3A : i32 to vector<16xi32>
        %add3A_50 = arith.addi %mul3A_48, %add3A_49 : vector<16xi32>
        %gather3A = tpu.vector_load_idx %arg5[%add3A_50] : memref<512xf32, #tpu.memory_space<vmem>>[vector<16xi32>], vector<16xf32>,
        %slice3A_51 = vector.extract_strided_slice %gather3A {offsets = [0], sizes = [1], strides = [1]} : vector<16xf32> to vector<1xf32>
        %squeeze3A_52 = vector.extract %slice3A_51[0] : f32 from vector<1xf32>
        %broadcast_in_dim3A = vector.broadcast %squeeze3A_52 : f32 to vector<16xf32>
        %scan3A = arith.constant 0 : i32
        %scan3A_53 = arith.constant 64 : i32
        %scan3A_54 = arith.addi %scan3A, %scan3A_53 : i32
        %scan3A_55 = arith.constant 1 : i32
        scf.for %scan3A_588 = %scan3A to %scan3A_54 step %scan3A_55  : i32 {
          %mul3A_589 = arith.constant 1 : i32
          %mul3A_590 = arith.muli %scan3A_588, %mul3A_589 : i32
          %add3A_591 = arith.constant 0 : i32
          %add3A_592 = arith.addi %add3A_591, %mul3A_590 : i32
          %mul3A_593 = arith.constant 16 : i32
          %mul3A_594 = arith.muli %add3A_592, %mul3A_593 : i32
          %swap3A = arith.constant 0 : i32
          %swap3A_595 = arith.index_cast %swap3A : i32 to index
          %swap3A_596 = arith.index_cast %mul3A_594 : i32 to index
          %swap3A_597 = tpu.vector_load %arg7[%swap3A_595, %swap3A_596] {strides = array<i32>} : memref<64x1024xf32, #tpu.memory_space<vmem>>, vector<16xf32>,
          tpu.vector_store %arg7[%swap3A_595, %swap3A_596], %broadcast_in_dim3A {strides = array<i32>} : memref<64x1024xf32, #tpu.memory_space<vmem>>, vector<16xf32>,
        }
        %scan3A_56 = arith.constant 64 : i32
        %slice3A_57 = vector.extract_strided_slice %gather3A {offsets = [1], sizes = [1], strides = [1]} : vector<16xf32> to vector<1xf32>
        %squeeze3A_58 = vector.extract %slice3A_57[0] : f32 from vector<1xf32>
        %broadcast_in_dim3A_59 = vector.broadcast %squeeze3A_58 : f32 to vector<16xf32>
        %scan3A_60 = arith.constant 0 : i32
        %scan3A_61 = arith.constant 64 : i32
        %scan3A_62 = arith.addi %scan3A_60, %scan3A_61 : i32
        %scan3A_63 = arith.constant 1 : i32
        scf.for %scan3A_588 = %scan3A_60 to %scan3A_62 step %scan3A_63  : i32 {
          %mul3A_589 = arith.constant 1 : i32
          %mul3A_590 = arith.muli %scan3A_588, %mul3A_589 : i32
          %add3A_591 = arith.constant 0 : i32
          %add3A_592 = arith.addi %add3A_591, %mul3A_590 : i32
          %mul3A_593 = arith.constant 16 : i32
          %mul3A_594 = arith.muli %add3A_592, %mul3A_593 : i32
          %swap3A = arith.constant 1 : i32
          %swap3A_595 = arith.index_cast %swap3A : i32 to index
          %swap3A_596 = arith.index_cast %mul3A_594 : i32 to index
          %swap3A_597 = tpu.vector_load %arg7[%swap3A_595, %swap3A_596] {strides = array<i32>} : memref<64x1024xf32, #tpu.memory_space<vmem>>, vector<16xf32>,
          tpu.vector_store %arg7[%swap3A_595, %swap3A_596], %broadcast_in_dim3A_59 {strides = array<i32>} : memref<64x1024xf32, #tpu.memory_space<vmem>>, vector<16xf32>,
        }
        %scan3A_64 = arith.constant 64 : i32
        %slice3A_65 = vector.extract_strided_slice %gather3A {offsets = [2], sizes = [1], strides = [1]} : vector<16xf32> to vector<1xf32>
        %squeeze3A_66 = vector.extract %slice3A_65[0] : f32 from vector<1xf32>
        %broadcast_in_dim3A_67 = vector.broadcast %squeeze3A_66 : f32 to vector<16xf32>
        %scan3A_68 = arith.constant 0 : i32
        %scan3A_69 = arith.constant 64 : i32
        %scan3A_70 = arith.addi %scan3A_68, %scan3A_69 : i32
        %scan3A_71 = arith.constant 1 : i32
        scf.for %scan3A_588 = %scan3A_68 to %scan3A_70 step %scan3A_71  : i32 {
          %mul3A_589 = arith.constant 1 : i32
          %mul3A_590 = arith.muli %scan3A_588, %mul3A_589 : i32
          %add3A_591 = arith.constant 0 : i32
          %add3A_592 = arith.addi %add3A_591, %mul3A_590 : i32
          %mul3A_593 = arith.constant 16 : i32
          %mul3A_594 = arith.muli %add3A_592, %mul3A_593 : i32
          %swap3A = arith.constant 2 : i32
          %swap3A_595 = arith.index_cast %swap3A : i32 to index
          %swap3A_596 = arith.index_cast %mul3A_594 : i32 to index
          %swap3A_597 = tpu.vector_load %arg7[%swap3A_595, %swap3A_596] {strides = array<i32>} : memref<64x1024xf32, #tpu.memory_space<vmem>>, vector<16xf32>,
          tpu.vector_store %arg7[%swap3A_595, %swap3A_596], %broadcast_in_dim3A_67 {strides = array<i32>} : memref<64x1024xf32, #tpu.memory_space<vmem>>, vector<16xf32>,
        }
        %scan3A_72 = arith.constant 64 : i32
        %slice3A_73 = vector.extract_strided_slice %gather3A {offsets = [3], sizes = [1], strides = [1]} : vector<16xf32> to vector<1xf32>
        %squeeze3A_74 = vector.extract %slice3A_73[0] : f32 from vector<1xf32>
        %broadcast_in_dim3A_75 = vector.broadcast %squeeze3A_74 : f32 to vector<16xf32>
        %scan3A_76 = arith.constant 0 : i32
        %scan3A_77 = arith.constant 64 : i32
        %scan3A_78 = arith.addi %scan3A_76, %scan3A_77 : i32
        %scan3A_79 = arith.constant 1 : i32
        scf.for %scan3A_588 = %scan3A_76 to %scan3A_78 step %scan3A_79  : i32 {
          %mul3A_589 = arith.constant 1 : i32
          %mul3A_590 = arith.muli %scan3A_588, %mul3A_589 : i32
          %add3A_591 = arith.constant 0 : i32
          %add3A_592 = arith.addi %add3A_591, %mul3A_590 : i32
          %mul3A_593 = arith.constant 16 : i32
          %mul3A_594 = arith.muli %add3A_592, %mul3A_593 : i32
          %swap3A = arith.constant 3 : i32
          %swap3A_595 = arith.index_cast %swap3A : i32 to index
          %swap3A_596 = arith.index_cast %mul3A_594 : i32 to index
          %swap3A_597 = tpu.vector_load %arg7[%swap3A_595, %swap3A_596] {strides = array<i32>} : memref<64x1024xf32, #tpu.memory_space<vmem>>, vector<16xf32>,
          tpu.vector_store %arg7[%swap3A_595, %swap3A_596], %broadcast_in_dim3A_75 {strides = array<i32>} : memref<64x1024xf32, #tpu.memory_space<vmem>>, vector<16xf32>,
        }
        %scan3A_80 = arith.constant 64 : i32
        %slice3A_81 = vector.extract_strided_slice %gather3A {offsets = [4], sizes = [1], strides = [1]} : vector<16xf32> to vector<1xf32>
        %squeeze3A_82 = vector.extract %slice3A_81[0] : f32 from vector<1xf32>
        %broadcast_in_dim3A_83 = vector.broadcast %squeeze3A_82 : f32 to vector<16xf32>
        %scan3A_84 = arith.constant 0 : i32
        %scan3A_85 = arith.constant 64 : i32
        %scan3A_86 = arith.addi %scan3A_84, %scan3A_85 : i32
        %scan3A_87 = arith.constant 1 : i32
        scf.for %scan3A_588 = %scan3A_84 to %scan3A_86 step %scan3A_87  : i32 {
          %mul3A_589 = arith.constant 1 : i32
          %mul3A_590 = arith.muli %scan3A_588, %mul3A_589 : i32
          %add3A_591 = arith.constant 0 : i32
          %add3A_592 = arith.addi %add3A_591, %mul3A_590 : i32
          %mul3A_593 = arith.constant 16 : i32
          %mul3A_594 = arith.muli %add3A_592, %mul3A_593 : i32
          %swap3A = arith.constant 4 : i32
          %swap3A_595 = arith.index_cast %swap3A : i32 to index
          %swap3A_596 = arith.index_cast %mul3A_594 : i32 to index
          %swap3A_597 = tpu.vector_load %arg7[%swap3A_595, %swap3A_596] {strides = array<i32>} : memref<64x1024xf32, #tpu.memory_space<vmem>>, vector<16xf32>,
          tpu.vector_store %arg7[%swap3A_595, %swap3A_596], %broadcast_in_dim3A_83 {strides = array<i32>} : memref<64x1024xf32, #tpu.memory_space<vmem>>, vector<16xf32>,
        }
        %scan3A_88 = arith.constant 64 : i32
        %slice3A_89 = vector.extract_strided_slice %gather3A {offsets = [5], sizes = [1], strides = [1]} : vector<16xf32> to vector<1xf32>
        %squeeze3A_90 = vector.extract %slice3A_89[0] : f32 from vector<1xf32>
        %broadcast_in_dim3A_91 = vector.broadcast %squeeze3A_90 : f32 to vector<16xf32>
        %scan3A_92 = arith.constant 0 : i32
        %scan3A_93 = arith.constant 64 : i32
        %scan3A_94 = arith.addi %scan3A_92, %scan3A_93 : i32
        %scan3A_95 = arith.constant 1 : i32
        scf.for %scan3A_588 = %scan3A_92 to %scan3A_94 step %scan3A_95  : i32 {
          %mul3A_589 = arith.constant 1 : i32
          %mul3A_590 = arith.muli %scan3A_588, %mul3A_589 : i32
          %add3A_591 = arith.constant 0 : i32
          %add3A_592 = arith.addi %add3A_591, %mul3A_590 : i32
          %mul3A_593 = arith.constant 16 : i32
          %mul3A_594 = arith.muli %add3A_592, %mul3A_593 : i32
          %swap3A = arith.constant 5 : i32
          %swap3A_595 = arith.index_cast %swap3A : i32 to index
          %swap3A_596 = arith.index_cast %mul3A_594 : i32 to index
          %swap3A_597 = tpu.vector_load %arg7[%swap3A_595, %swap3A_596] {strides = array<i32>} : memref<64x1024xf32, #tpu.memory_space<vmem>>, vector<16xf32>,
          tpu.vector_store %arg7[%swap3A_595, %swap3A_596], %broadcast_in_dim3A_91 {strides = array<i32>} : memref<64x1024xf32, #tpu.memory_space<vmem>>, vector<16xf32>,
        }
        %scan3A_96 = arith.constant 64 : i32
        %slice3A_97 = vector.extract_strided_slice %gather3A {offsets = [6], sizes = [1], strides = [1]} : vector<16xf32> to vector<1xf32>
        %squeeze3A_98 = vector.extract %slice3A_97[0] : f32 from vector<1xf32>
        %broadcast_in_dim3A_99 = vector.broadcast %squeeze3A_98 : f32 to vector<16xf32>
        %scan3A_100 = arith.constant 0 : i32
        %scan3A_101 = arith.constant 64 : i32
        %scan3A_102 = arith.addi %scan3A_100, %scan3A_101 : i32
        %scan3A_103 = arith.constant 1 : i32
        scf.for %scan3A_588 = %scan3A_100 to %scan3A_102 step %scan3A_103  : i32 {
          %mul3A_589 = arith.constant 1 : i32
          %mul3A_590 = arith.muli %scan3A_588, %mul3A_589 : i32
          %add3A_591 = arith.constant 0 : i32
          %add3A_592 = arith.addi %add3A_591, %mul3A_590 : i32
          %mul3A_593 = arith.constant 16 : i32
          %mul3A_594 = arith.muli %add3A_592, %mul3A_593 : i32
          %swap3A = arith.constant 6 : i32
          %swap3A_595 = arith.index_cast %swap3A : i32 to index
          %swap3A_596 = arith.index_cast %mul3A_594 : i32 to index
          %swap3A_597 = tpu.vector_load %arg7[%swap3A_595, %swap3A_596] {strides = array<i32>} : memref<64x1024xf32, #tpu.memory_space<vmem>>, vector<16xf32>,
          tpu.vector_store %arg7[%swap3A_595, %swap3A_596], %broadcast_in_dim3A_99 {strides = array<i32>} : memref<64x1024xf32, #tpu.memory_space<vmem>>, vector<16xf32>,
        }
        %scan3A_104 = arith.constant 64 : i32
        %slice3A_105 = vector.extract_strided_slice %gather3A {offsets = [7], sizes = [1], strides = [1]} : vector<16xf32> to vector<1xf32>
        %squeeze3A_106 = vector.extract %slice3A_105[0] : f32 from vector<1xf32>
        %broadcast_in_dim3A_107 = vector.broadcast %squeeze3A_106 : f32 to vector<16xf32>
        %scan3A_108 = arith.constant 0 : i32
        %scan3A_109 = arith.constant 64 : i32
        %scan3A_110 = arith.addi %scan3A_108, %scan3A_109 : i32
        %scan3A_111 = arith.constant 1 : i32
        scf.for %scan3A_588 = %scan3A_108 to %scan3A_110 step %scan3A_111  : i32 {
          %mul3A_589 = arith.constant 1 : i32
          %mul3A_590 = arith.muli %scan3A_588, %mul3A_589 : i32
          %add3A_591 = arith.constant 0 : i32
          %add3A_592 = arith.addi %add3A_591, %mul3A_590 : i32
          %mul3A_593 = arith.constant 16 : i32
          %mul3A_594 = arith.muli %add3A_592, %mul3A_593 : i32
          %swap3A = arith.constant 7 : i32
          %swap3A_595 = arith.index_cast %swap3A : i32 to index
          %swap3A_596 = arith.index_cast %mul3A_594 : i32 to index
          %swap3A_597 = tpu.vector_load %arg7[%swap3A_595, %swap3A_596] {strides = array<i32>} : memref<64x1024xf32, #tpu.memory_space<vmem>>, vector<16xf32>,
          tpu.vector_store %arg7[%swap3A_595, %swap3A_596], %broadcast_in_dim3A_107 {strides = array<i32>} : memref<64x1024xf32, #tpu.memory_space<vmem>>, vector<16xf32>,
        }
        %scan3A_112 = arith.constant 64 : i32
        %slice3A_113 = vector.extract_strided_slice %gather3A {offsets = [8], sizes = [1], strides = [1]} : vector<16xf32> to vector<1xf32>
        %squeeze3A_114 = vector.extract %slice3A_113[0] : f32 from vector<1xf32>
        %broadcast_in_dim3A_115 = vector.broadcast %squeeze3A_114 : f32 to vector<16xf32>
        %scan3A_116 = arith.constant 0 : i32
        %scan3A_117 = arith.constant 64 : i32
        %scan3A_118 = arith.addi %scan3A_116, %scan3A_117 : i32
        %scan3A_119 = arith.constant 1 : i32
        scf.for %scan3A_588 = %scan3A_116 to %scan3A_118 step %scan3A_119  : i32 {
          %mul3A_589 = arith.constant 1 : i32
          %mul3A_590 = arith.muli %scan3A_588, %mul3A_589 : i32
          %add3A_591 = arith.constant 0 : i32
          %add3A_592 = arith.addi %add3A_591, %mul3A_590 : i32
          %mul3A_593 = arith.constant 16 : i32
          %mul3A_594 = arith.muli %add3A_592, %mul3A_593 : i32
          %swap3A = arith.constant 8 : i32
          %swap3A_595 = arith.index_cast %swap3A : i32 to index
          %swap3A_596 = arith.index_cast %mul3A_594 : i32 to index
          %swap3A_597 = tpu.vector_load %arg7[%swap3A_595, %swap3A_596] {strides = array<i32>} : memref<64x1024xf32, #tpu.memory_space<vmem>>, vector<16xf32>,
          tpu.vector_store %arg7[%swap3A_595, %swap3A_596], %broadcast_in_dim3A_115 {strides = array<i32>} : memref<64x1024xf32, #tpu.memory_space<vmem>>, vector<16xf32>,
        }
        %scan3A_120 = arith.constant 64 : i32
        %slice3A_121 = vector.extract_strided_slice %gather3A {offsets = [9], sizes = [1], strides = [1]} : vector<16xf32> to vector<1xf32>
        %squeeze3A_122 = vector.extract %slice3A_121[0] : f32 from vector<1xf32>
        %broadcast_in_dim3A_123 = vector.broadcast %squeeze3A_122 : f32 to vector<16xf32>
        %scan3A_124 = arith.constant 0 : i32
        %scan3A_125 = arith.constant 64 : i32
        %scan3A_126 = arith.addi %scan3A_124, %scan3A_125 : i32
        %scan3A_127 = arith.constant 1 : i32
        scf.for %scan3A_588 = %scan3A_124 to %scan3A_126 step %scan3A_127  : i32 {
          %mul3A_589 = arith.constant 1 : i32
          %mul3A_590 = arith.muli %scan3A_588, %mul3A_589 : i32
          %add3A_591 = arith.constant 0 : i32
          %add3A_592 = arith.addi %add3A_591, %mul3A_590 : i32
          %mul3A_593 = arith.constant 16 : i32
          %mul3A_594 = arith.muli %add3A_592, %mul3A_593 : i32
          %swap3A = arith.constant 9 : i32
          %swap3A_595 = arith.index_cast %swap3A : i32 to index
          %swap3A_596 = arith.index_cast %mul3A_594 : i32 to index
          %swap3A_597 = tpu.vector_load %arg7[%swap3A_595, %swap3A_596] {strides = array<i32>} : memref<64x1024xf32, #tpu.memory_space<vmem>>, vector<16xf32>,
          tpu.vector_store %arg7[%swap3A_595, %swap3A_596], %broadcast_in_dim3A_123 {strides = array<i32>} : memref<64x1024xf32, #tpu.memory_space<vmem>>, vector<16xf32>,
        }
        %scan3A_128 = arith.constant 64 : i32
        %slice3A_129 = vector.extract_strided_slice %gather3A {offsets = [10], sizes = [1], strides = [1]} : vector<16xf32> to vector<1xf32>
        %squeeze3A_130 = vector.extract %slice3A_129[0] : f32 from vector<1xf32>
        %broadcast_in_dim3A_131 = vector.broadcast %squeeze3A_130 : f32 to vector<16xf32>
        %scan3A_132 = arith.constant 0 : i32
        %scan3A_133 = arith.constant 64 : i32
        %scan3A_134 = arith.addi %scan3A_132, %scan3A_133 : i32
        %scan3A_135 = arith.constant 1 : i32
        scf.for %scan3A_588 = %scan3A_132 to %scan3A_134 step %scan3A_135  : i32 {
          %mul3A_589 = arith.constant 1 : i32
          %mul3A_590 = arith.muli %scan3A_588, %mul3A_589 : i32
          %add3A_591 = arith.constant 0 : i32
          %add3A_592 = arith.addi %add3A_591, %mul3A_590 : i32
          %mul3A_593 = arith.constant 16 : i32
          %mul3A_594 = arith.muli %add3A_592, %mul3A_593 : i32
          %swap3A = arith.constant 10 : i32
          %swap3A_595 = arith.index_cast %swap3A : i32 to index
          %swap3A_596 = arith.index_cast %mul3A_594 : i32 to index
          %swap3A_597 = tpu.vector_load %arg7[%swap3A_595, %swap3A_596] {strides = array<i32>} : memref<64x1024xf32, #tpu.memory_space<vmem>>, vector<16xf32>,
          tpu.vector_store %arg7[%swap3A_595, %swap3A_596], %broadcast_in_dim3A_131 {strides = array<i32>} : memref<64x1024xf32, #tpu.memory_space<vmem>>, vector<16xf32>,
        }
        %scan3A_136 = arith.constant 64 : i32
        %slice3A_137 = vector.extract_strided_slice %gather3A {offsets = [11], sizes = [1], strides = [1]} : vector<16xf32> to vector<1xf32>
        %squeeze3A_138 = vector.extract %slice3A_137[0] : f32 from vector<1xf32>
        %broadcast_in_dim3A_139 = vector.broadcast %squeeze3A_138 : f32 to vector<16xf32>
        %scan3A_140 = arith.constant 0 : i32
        %scan3A_141 = arith.constant 64 : i32
        %scan3A_142 = arith.addi %scan3A_140, %scan3A_141 : i32
        %scan3A_143 = arith.constant 1 : i32
        scf.for %scan3A_588 = %scan3A_140 to %scan3A_142 step %scan3A_143  : i32 {
          %mul3A_589 = arith.constant 1 : i32
          %mul3A_590 = arith.muli %scan3A_588, %mul3A_589 : i32
          %add3A_591 = arith.constant 0 : i32
          %add3A_592 = arith.addi %add3A_591, %mul3A_590 : i32
          %mul3A_593 = arith.constant 16 : i32
          %mul3A_594 = arith.muli %add3A_592, %mul3A_593 : i32
          %swap3A = arith.constant 11 : i32
          %swap3A_595 = arith.index_cast %swap3A : i32 to index
          %swap3A_596 = arith.index_cast %mul3A_594 : i32 to index
          %swap3A_597 = tpu.vector_load %arg7[%swap3A_595, %swap3A_596] {strides = array<i32>} : memref<64x1024xf32, #tpu.memory_space<vmem>>, vector<16xf32>,
          tpu.vector_store %arg7[%swap3A_595, %swap3A_596], %broadcast_in_dim3A_139 {strides = array<i32>} : memref<64x1024xf32, #tpu.memory_space<vmem>>, vector<16xf32>,
        }
        %scan3A_144 = arith.constant 64 : i32
        %slice3A_145 = vector.extract_strided_slice %gather3A {offsets = [12], sizes = [1], strides = [1]} : vector<16xf32> to vector<1xf32>
        %squeeze3A_146 = vector.extract %slice3A_145[0] : f32 from vector<1xf32>
        %broadcast_in_dim3A_147 = vector.broadcast %squeeze3A_146 : f32 to vector<16xf32>
        %scan3A_148 = arith.constant 0 : i32
        %scan3A_149 = arith.constant 64 : i32
        %scan3A_150 = arith.addi %scan3A_148, %scan3A_149 : i32
        %scan3A_151 = arith.constant 1 : i32
        scf.for %scan3A_588 = %scan3A_148 to %scan3A_150 step %scan3A_151  : i32 {
          %mul3A_589 = arith.constant 1 : i32
          %mul3A_590 = arith.muli %scan3A_588, %mul3A_589 : i32
          %add3A_591 = arith.constant 0 : i32
          %add3A_592 = arith.addi %add3A_591, %mul3A_590 : i32
          %mul3A_593 = arith.constant 16 : i32
          %mul3A_594 = arith.muli %add3A_592, %mul3A_593 : i32
          %swap3A = arith.constant 12 : i32
          %swap3A_595 = arith.index_cast %swap3A : i32 to index
          %swap3A_596 = arith.index_cast %mul3A_594 : i32 to index
          %swap3A_597 = tpu.vector_load %arg7[%swap3A_595, %swap3A_596] {strides = array<i32>} : memref<64x1024xf32, #tpu.memory_space<vmem>>, vector<16xf32>,
          tpu.vector_store %arg7[%swap3A_595, %swap3A_596], %broadcast_in_dim3A_147 {strides = array<i32>} : memref<64x1024xf32, #tpu.memory_space<vmem>>, vector<16xf32>,
        }
        %scan3A_152 = arith.constant 64 : i32
        %slice3A_153 = vector.extract_strided_slice %gather3A {offsets = [13], sizes = [1], strides = [1]} : vector<16xf32> to vector<1xf32>
        %squeeze3A_154 = vector.extract %slice3A_153[0] : f32 from vector<1xf32>
        %broadcast_in_dim3A_155 = vector.broadcast %squeeze3A_154 : f32 to vector<16xf32>
        %scan3A_156 = arith.constant 0 : i32
        %scan3A_157 = arith.constant 64 : i32
        %scan3A_158 = arith.addi %scan3A_156, %scan3A_157 : i32
        %scan3A_159 = arith.constant 1 : i32
        scf.for %scan3A_588 = %scan3A_156 to %scan3A_158 step %scan3A_159  : i32 {
          %mul3A_589 = arith.constant 1 : i32
          %mul3A_590 = arith.muli %scan3A_588, %mul3A_589 : i32
          %add3A_591 = arith.constant 0 : i32
          %add3A_592 = arith.addi %add3A_591, %mul3A_590 : i32
          %mul3A_593 = arith.constant 16 : i32
          %mul3A_594 = arith.muli %add3A_592, %mul3A_593 : i32
          %swap3A = arith.constant 13 : i32
          %swap3A_595 = arith.index_cast %swap3A : i32 to index
          %swap3A_596 = arith.index_cast %mul3A_594 : i32 to index
          %swap3A_597 = tpu.vector_load %arg7[%swap3A_595, %swap3A_596] {strides = array<i32>} : memref<64x1024xf32, #tpu.memory_space<vmem>>, vector<16xf32>,
          tpu.vector_store %arg7[%swap3A_595, %swap3A_596], %broadcast_in_dim3A_155 {strides = array<i32>} : memref<64x1024xf32, #tpu.memory_space<vmem>>, vector<16xf32>,
        }
        %scan3A_160 = arith.constant 64 : i32
        %slice3A_161 = vector.extract_strided_slice %gather3A {offsets = [14], sizes = [1], strides = [1]} : vector<16xf32> to vector<1xf32>
        %squeeze3A_162 = vector.extract %slice3A_161[0] : f32 from vector<1xf32>
        %broadcast_in_dim3A_163 = vector.broadcast %squeeze3A_162 : f32 to vector<16xf32>
        %scan3A_164 = arith.constant 0 : i32
        %scan3A_165 = arith.constant 64 : i32
        %scan3A_166 = arith.addi %scan3A_164, %scan3A_165 : i32
        %scan3A_167 = arith.constant 1 : i32
        scf.for %scan3A_588 = %scan3A_164 to %scan3A_166 step %scan3A_167  : i32 {
          %mul3A_589 = arith.constant 1 : i32
          %mul3A_590 = arith.muli %scan3A_588, %mul3A_589 : i32
          %add3A_591 = arith.constant 0 : i32
          %add3A_592 = arith.addi %add3A_591, %mul3A_590 : i32
          %mul3A_593 = arith.constant 16 : i32
          %mul3A_594 = arith.muli %add3A_592, %mul3A_593 : i32
          %swap3A = arith.constant 14 : i32
          %swap3A_595 = arith.index_cast %swap3A : i32 to index
          %swap3A_596 = arith.index_cast %mul3A_594 : i32 to index
          %swap3A_597 = tpu.vector_load %arg7[%swap3A_595, %swap3A_596] {strides = array<i32>} : memref<64x1024xf32, #tpu.memory_space<vmem>>, vector<16xf32>,
          tpu.vector_store %arg7[%swap3A_595, %swap3A_596], %broadcast_in_dim3A_163 {strides = array<i32>} : memref<64x1024xf32, #tpu.memory_space<vmem>>, vector<16xf32>,
        }
        %scan3A_168 = arith.constant 64 : i32
        %slice3A_169 = vector.extract_strided_slice %gather3A {offsets = [15], sizes = [1], strides = [1]} : vector<16xf32> to vector<1xf32>
        %squeeze3A_170 = vector.extract %slice3A_169[0] : f32 from vector<1xf32>
        %broadcast_in_dim3A_171 = vector.broadcast %squeeze3A_170 : f32 to vector<16xf32>
        %scan3A_172 = arith.constant 0 : i32
        %scan3A_173 = arith.constant 64 : i32
        %scan3A_174 = arith.addi %scan3A_172, %scan3A_173 : i32
        %scan3A_175 = arith.constant 1 : i32
        scf.for %scan3A_588 = %scan3A_172 to %scan3A_174 step %scan3A_175  : i32 {
          %mul3A_589 = arith.constant 1 : i32
          %mul3A_590 = arith.muli %scan3A_588, %mul3A_589 : i32
          %add3A_591 = arith.constant 0 : i32
          %add3A_592 = arith.addi %add3A_591, %mul3A_590 : i32
          %mul3A_593 = arith.constant 16 : i32
          %mul3A_594 = arith.muli %add3A_592, %mul3A_593 : i32
          %swap3A = arith.constant 15 : i32
          %swap3A_595 = arith.index_cast %swap3A : i32 to index
          %swap3A_596 = arith.index_cast %mul3A_594 : i32 to index
          %swap3A_597 = tpu.vector_load %arg7[%swap3A_595, %swap3A_596] {strides = array<i32>} : memref<64x1024xf32, #tpu.memory_space<vmem>>, vector<16xf32>,
          tpu.vector_store %arg7[%swap3A_595, %swap3A_596], %broadcast_in_dim3A_171 {strides = array<i32>} : memref<64x1024xf32, #tpu.memory_space<vmem>>, vector<16xf32>,
        }
        %scan3A_176 = arith.constant 64 : i32
        %add3A_177 = arith.constant 16 : i32
        %add3A_178 = vector.broadcast %add3A_177 : i32 to vector<16xi32>
        %add3A_179 = arith.addi %add3A_178, %iota3A : vector<16xi32>
        %mul3A_180 = arith.constant 8 : i32
        %mul3A_181 = vector.broadcast %mul3A_180 : i32 to vector<16xi32>
        %mul3A_182 = arith.muli %add3A_179, %mul3A_181 : vector<16xi32>
        %add3A_183 = vector.broadcast %squeeze3A : i32 to vector<16xi32>
        %add3A_184 = arith.addi %mul3A_182, %add3A_183 : vector<16xi32>
        %gather3A_185 = tpu.vector_load_idx %arg5[%add3A_184] : memref<512xf32, #tpu.memory_space<vmem>>[vector<16xi32>], vector<16xf32>,
        %slice3A_186 = vector.extract_strided_slice %gather3A_185 {offsets = [0], sizes = [1], strides = [1]} : vector<16xf32> to vector<1xf32>
        %squeeze3A_187 = vector.extract %slice3A_186[0] : f32 from vector<1xf32>
        %broadcast_in_dim3A_188 = vector.broadcast %squeeze3A_187 : f32 to vector<16xf32>
        %scan3A_189 = arith.constant 0 : i32
        %scan3A_190 = arith.constant 64 : i32
        %scan3A_191 = arith.addi %scan3A_189, %scan3A_190 : i32
        %scan3A_192 = arith.constant 1 : i32
        scf.for %scan3A_588 = %scan3A_189 to %scan3A_191 step %scan3A_192  : i32 {
          %mul3A_589 = arith.constant 1 : i32
          %mul3A_590 = arith.muli %scan3A_588, %mul3A_589 : i32
          %add3A_591 = arith.constant 0 : i32
          %add3A_592 = arith.addi %add3A_591, %mul3A_590 : i32
          %mul3A_593 = arith.constant 16 : i32
          %mul3A_594 = arith.muli %add3A_592, %mul3A_593 : i32
          %swap3A = arith.constant 16 : i32
          %swap3A_595 = arith.index_cast %swap3A : i32 to index
          %swap3A_596 = arith.index_cast %mul3A_594 : i32 to index
          %swap3A_597 = tpu.vector_load %arg7[%swap3A_595, %swap3A_596] {strides = array<i32>} : memref<64x1024xf32, #tpu.memory_space<vmem>>, vector<16xf32>,
          tpu.vector_store %arg7[%swap3A_595, %swap3A_596], %broadcast_in_dim3A_188 {strides = array<i32>} : memref<64x1024xf32, #tpu.memory_space<vmem>>, vector<16xf32>,
        }
        %scan3A_193 = arith.constant 64 : i32
        %slice3A_194 = vector.extract_strided_slice %gather3A_185 {offsets = [1], sizes = [1], strides = [1]} : vector<16xf32> to vector<1xf32>
        %squeeze3A_195 = vector.extract %slice3A_194[0] : f32 from vector<1xf32>
        %broadcast_in_dim3A_196 = vector.broadcast %squeeze3A_195 : f32 to vector<16xf32>
        %scan3A_197 = arith.constant 0 : i32
        %scan3A_198 = arith.constant 64 : i32
        %scan3A_199 = arith.addi %scan3A_197, %scan3A_198 : i32
        %scan3A_200 = arith.constant 1 : i32
        scf.for %scan3A_588 = %scan3A_197 to %scan3A_199 step %scan3A_200  : i32 {
          %mul3A_589 = arith.constant 1 : i32
          %mul3A_590 = arith.muli %scan3A_588, %mul3A_589 : i32
          %add3A_591 = arith.constant 0 : i32
          %add3A_592 = arith.addi %add3A_591, %mul3A_590 : i32
          %mul3A_593 = arith.constant 16 : i32
          %mul3A_594 = arith.muli %add3A_592, %mul3A_593 : i32
          %swap3A = arith.constant 17 : i32
          %swap3A_595 = arith.index_cast %swap3A : i32 to index
          %swap3A_596 = arith.index_cast %mul3A_594 : i32 to index
          %swap3A_597 = tpu.vector_load %arg7[%swap3A_595, %swap3A_596] {strides = array<i32>} : memref<64x1024xf32, #tpu.memory_space<vmem>>, vector<16xf32>,
          tpu.vector_store %arg7[%swap3A_595, %swap3A_596], %broadcast_in_dim3A_196 {strides = array<i32>} : memref<64x1024xf32, #tpu.memory_space<vmem>>, vector<16xf32>,
        }
        %scan3A_201 = arith.constant 64 : i32
        %slice3A_202 = vector.extract_strided_slice %gather3A_185 {offsets = [2], sizes = [1], strides = [1]} : vector<16xf32> to vector<1xf32>
        %squeeze3A_203 = vector.extract %slice3A_202[0] : f32 from vector<1xf32>
        %broadcast_in_dim3A_204 = vector.broadcast %squeeze3A_203 : f32 to vector<16xf32>
        %scan3A_205 = arith.constant 0 : i32
        %scan3A_206 = arith.constant 64 : i32
        %scan3A_207 = arith.addi %scan3A_205, %scan3A_206 : i32
        %scan3A_208 = arith.constant 1 : i32
        scf.for %scan3A_588 = %scan3A_205 to %scan3A_207 step %scan3A_208  : i32 {
          %mul3A_589 = arith.constant 1 : i32
          %mul3A_590 = arith.muli %scan3A_588, %mul3A_589 : i32
          %add3A_591 = arith.constant 0 : i32
          %add3A_592 = arith.addi %add3A_591, %mul3A_590 : i32
          %mul3A_593 = arith.constant 16 : i32
          %mul3A_594 = arith.muli %add3A_592, %mul3A_593 : i32
          %swap3A = arith.constant 18 : i32
          %swap3A_595 = arith.index_cast %swap3A : i32 to index
          %swap3A_596 = arith.index_cast %mul3A_594 : i32 to index
          %swap3A_597 = tpu.vector_load %arg7[%swap3A_595, %swap3A_596] {strides = array<i32>} : memref<64x1024xf32, #tpu.memory_space<vmem>>, vector<16xf32>,
          tpu.vector_store %arg7[%swap3A_595, %swap3A_596], %broadcast_in_dim3A_204 {strides = array<i32>} : memref<64x1024xf32, #tpu.memory_space<vmem>>, vector<16xf32>,
        }
        %scan3A_209 = arith.constant 64 : i32
        %slice3A_210 = vector.extract_strided_slice %gather3A_185 {offsets = [3], sizes = [1], strides = [1]} : vector<16xf32> to vector<1xf32>
        %squeeze3A_211 = vector.extract %slice3A_210[0] : f32 from vector<1xf32>
        %broadcast_in_dim3A_212 = vector.broadcast %squeeze3A_211 : f32 to vector<16xf32>
        %scan3A_213 = arith.constant 0 : i32
        %scan3A_214 = arith.constant 64 : i32
        %scan3A_215 = arith.addi %scan3A_213, %scan3A_214 : i32
        %scan3A_216 = arith.constant 1 : i32
        scf.for %scan3A_588 = %scan3A_213 to %scan3A_215 step %scan3A_216  : i32 {
          %mul3A_589 = arith.constant 1 : i32
          %mul3A_590 = arith.muli %scan3A_588, %mul3A_589 : i32
          %add3A_591 = arith.constant 0 : i32
          %add3A_592 = arith.addi %add3A_591, %mul3A_590 : i32
          %mul3A_593 = arith.constant 16 : i32
          %mul3A_594 = arith.muli %add3A_592, %mul3A_593 : i32
          %swap3A = arith.constant 19 : i32
          %swap3A_595 = arith.index_cast %swap3A : i32 to index
          %swap3A_596 = arith.index_cast %mul3A_594 : i32 to index
          %swap3A_597 = tpu.vector_load %arg7[%swap3A_595, %swap3A_596] {strides = array<i32>} : memref<64x1024xf32, #tpu.memory_space<vmem>>, vector<16xf32>,
          tpu.vector_store %arg7[%swap3A_595, %swap3A_596], %broadcast_in_dim3A_212 {strides = array<i32>} : memref<64x1024xf32, #tpu.memory_space<vmem>>, vector<16xf32>,
        }
        %scan3A_217 = arith.constant 64 : i32
        %slice3A_218 = vector.extract_strided_slice %gather3A_185 {offsets = [4], sizes = [1], strides = [1]} : vector<16xf32> to vector<1xf32>
        %squeeze3A_219 = vector.extract %slice3A_218[0] : f32 from vector<1xf32>
        %broadcast_in_dim3A_220 = vector.broadcast %squeeze3A_219 : f32 to vector<16xf32>
        %scan3A_221 = arith.constant 0 : i32
        %scan3A_222 = arith.constant 64 : i32
        %scan3A_223 = arith.addi %scan3A_221, %scan3A_222 : i32
        %scan3A_224 = arith.constant 1 : i32
        scf.for %scan3A_588 = %scan3A_221 to %scan3A_223 step %scan3A_224  : i32 {
          %mul3A_589 = arith.constant 1 : i32
          %mul3A_590 = arith.muli %scan3A_588, %mul3A_589 : i32
          %add3A_591 = arith.constant 0 : i32
          %add3A_592 = arith.addi %add3A_591, %mul3A_590 : i32
          %mul3A_593 = arith.constant 16 : i32
          %mul3A_594 = arith.muli %add3A_592, %mul3A_593 : i32
          %swap3A = arith.constant 20 : i32
          %swap3A_595 = arith.index_cast %swap3A : i32 to index
          %swap3A_596 = arith.index_cast %mul3A_594 : i32 to index
          %swap3A_597 = tpu.vector_load %arg7[%swap3A_595, %swap3A_596] {strides = array<i32>} : memref<64x1024xf32, #tpu.memory_space<vmem>>, vector<16xf32>,
          tpu.vector_store %arg7[%swap3A_595, %swap3A_596], %broadcast_in_dim3A_220 {strides = array<i32>} : memref<64x1024xf32, #tpu.memory_space<vmem>>, vector<16xf32>,
        }
        %scan3A_225 = arith.constant 64 : i32
        %slice3A_226 = vector.extract_strided_slice %gather3A_185 {offsets = [5], sizes = [1], strides = [1]} : vector<16xf32> to vector<1xf32>
        %squeeze3A_227 = vector.extract %slice3A_226[0] : f32 from vector<1xf32>
        %broadcast_in_dim3A_228 = vector.broadcast %squeeze3A_227 : f32 to vector<16xf32>
        %scan3A_229 = arith.constant 0 : i32
        %scan3A_230 = arith.constant 64 : i32
        %scan3A_231 = arith.addi %scan3A_229, %scan3A_230 : i32
        %scan3A_232 = arith.constant 1 : i32
        scf.for %scan3A_588 = %scan3A_229 to %scan3A_231 step %scan3A_232  : i32 {
          %mul3A_589 = arith.constant 1 : i32
          %mul3A_590 = arith.muli %scan3A_588, %mul3A_589 : i32
          %add3A_591 = arith.constant 0 : i32
          %add3A_592 = arith.addi %add3A_591, %mul3A_590 : i32
          %mul3A_593 = arith.constant 16 : i32
          %mul3A_594 = arith.muli %add3A_592, %mul3A_593 : i32
          %swap3A = arith.constant 21 : i32
          %swap3A_595 = arith.index_cast %swap3A : i32 to index
          %swap3A_596 = arith.index_cast %mul3A_594 : i32 to index
          %swap3A_597 = tpu.vector_load %arg7[%swap3A_595, %swap3A_596] {strides = array<i32>} : memref<64x1024xf32, #tpu.memory_space<vmem>>, vector<16xf32>,
          tpu.vector_store %arg7[%swap3A_595, %swap3A_596], %broadcast_in_dim3A_228 {strides = array<i32>} : memref<64x1024xf32, #tpu.memory_space<vmem>>, vector<16xf32>,
        }
        %scan3A_233 = arith.constant 64 : i32
        %slice3A_234 = vector.extract_strided_slice %gather3A_185 {offsets = [6], sizes = [1], strides = [1]} : vector<16xf32> to vector<1xf32>
        %squeeze3A_235 = vector.extract %slice3A_234[0] : f32 from vector<1xf32>
        %broadcast_in_dim3A_236 = vector.broadcast %squeeze3A_235 : f32 to vector<16xf32>
        %scan3A_237 = arith.constant 0 : i32
        %scan3A_238 = arith.constant 64 : i32
        %scan3A_239 = arith.addi %scan3A_237, %scan3A_238 : i32
        %scan3A_240 = arith.constant 1 : i32
        scf.for %scan3A_588 = %scan3A_237 to %scan3A_239 step %scan3A_240  : i32 {
          %mul3A_589 = arith.constant 1 : i32
          %mul3A_590 = arith.muli %scan3A_588, %mul3A_589 : i32
          %add3A_591 = arith.constant 0 : i32
          %add3A_592 = arith.addi %add3A_591, %mul3A_590 : i32
          %mul3A_593 = arith.constant 16 : i32
          %mul3A_594 = arith.muli %add3A_592, %mul3A_593 : i32
          %swap3A = arith.constant 22 : i32
          %swap3A_595 = arith.index_cast %swap3A : i32 to index
          %swap3A_596 = arith.index_cast %mul3A_594 : i32 to index
          %swap3A_597 = tpu.vector_load %arg7[%swap3A_595, %swap3A_596] {strides = array<i32>} : memref<64x1024xf32, #tpu.memory_space<vmem>>, vector<16xf32>,
          tpu.vector_store %arg7[%swap3A_595, %swap3A_596], %broadcast_in_dim3A_236 {strides = array<i32>} : memref<64x1024xf32, #tpu.memory_space<vmem>>, vector<16xf32>,
        }
        %scan3A_241 = arith.constant 64 : i32
        %slice3A_242 = vector.extract_strided_slice %gather3A_185 {offsets = [7], sizes = [1], strides = [1]} : vector<16xf32> to vector<1xf32>
        %squeeze3A_243 = vector.extract %slice3A_242[0] : f32 from vector<1xf32>
        %broadcast_in_dim3A_244 = vector.broadcast %squeeze3A_243 : f32 to vector<16xf32>
        %scan3A_245 = arith.constant 0 : i32
        %scan3A_246 = arith.constant 64 : i32
        %scan3A_247 = arith.addi %scan3A_245, %scan3A_246 : i32
        %scan3A_248 = arith.constant 1 : i32
        scf.for %scan3A_588 = %scan3A_245 to %scan3A_247 step %scan3A_248  : i32 {
          %mul3A_589 = arith.constant 1 : i32
          %mul3A_590 = arith.muli %scan3A_588, %mul3A_589 : i32
          %add3A_591 = arith.constant 0 : i32
          %add3A_592 = arith.addi %add3A_591, %mul3A_590 : i32
          %mul3A_593 = arith.constant 16 : i32
          %mul3A_594 = arith.muli %add3A_592, %mul3A_593 : i32
          %swap3A = arith.constant 23 : i32
          %swap3A_595 = arith.index_cast %swap3A : i32 to index
          %swap3A_596 = arith.index_cast %mul3A_594 : i32 to index
          %swap3A_597 = tpu.vector_load %arg7[%swap3A_595, %swap3A_596] {strides = array<i32>} : memref<64x1024xf32, #tpu.memory_space<vmem>>, vector<16xf32>,
          tpu.vector_store %arg7[%swap3A_595, %swap3A_596], %broadcast_in_dim3A_244 {strides = array<i32>} : memref<64x1024xf32, #tpu.memory_space<vmem>>, vector<16xf32>,
        }
        %scan3A_249 = arith.constant 64 : i32
        %slice3A_250 = vector.extract_strided_slice %gather3A_185 {offsets = [8], sizes = [1], strides = [1]} : vector<16xf32> to vector<1xf32>
        %squeeze3A_251 = vector.extract %slice3A_250[0] : f32 from vector<1xf32>
        %broadcast_in_dim3A_252 = vector.broadcast %squeeze3A_251 : f32 to vector<16xf32>
        %scan3A_253 = arith.constant 0 : i32
        %scan3A_254 = arith.constant 64 : i32
        %scan3A_255 = arith.addi %scan3A_253, %scan3A_254 : i32
        %scan3A_256 = arith.constant 1 : i32
        scf.for %scan3A_588 = %scan3A_253 to %scan3A_255 step %scan3A_256  : i32 {
          %mul3A_589 = arith.constant 1 : i32
          %mul3A_590 = arith.muli %scan3A_588, %mul3A_589 : i32
          %add3A_591 = arith.constant 0 : i32
          %add3A_592 = arith.addi %add3A_591, %mul3A_590 : i32
          %mul3A_593 = arith.constant 16 : i32
          %mul3A_594 = arith.muli %add3A_592, %mul3A_593 : i32
          %swap3A = arith.constant 24 : i32
          %swap3A_595 = arith.index_cast %swap3A : i32 to index
          %swap3A_596 = arith.index_cast %mul3A_594 : i32 to index
          %swap3A_597 = tpu.vector_load %arg7[%swap3A_595, %swap3A_596] {strides = array<i32>} : memref<64x1024xf32, #tpu.memory_space<vmem>>, vector<16xf32>,
          tpu.vector_store %arg7[%swap3A_595, %swap3A_596], %broadcast_in_dim3A_252 {strides = array<i32>} : memref<64x1024xf32, #tpu.memory_space<vmem>>, vector<16xf32>,
        }
        %scan3A_257 = arith.constant 64 : i32
        %slice3A_258 = vector.extract_strided_slice %gather3A_185 {offsets = [9], sizes = [1], strides = [1]} : vector<16xf32> to vector<1xf32>
        %squeeze3A_259 = vector.extract %slice3A_258[0] : f32 from vector<1xf32>
        %broadcast_in_dim3A_260 = vector.broadcast %squeeze3A_259 : f32 to vector<16xf32>
        %scan3A_261 = arith.constant 0 : i32
        %scan3A_262 = arith.constant 64 : i32
        %scan3A_263 = arith.addi %scan3A_261, %scan3A_262 : i32
        %scan3A_264 = arith.constant 1 : i32
        scf.for %scan3A_588 = %scan3A_261 to %scan3A_263 step %scan3A_264  : i32 {
          %mul3A_589 = arith.constant 1 : i32
          %mul3A_590 = arith.muli %scan3A_588, %mul3A_589 : i32
          %add3A_591 = arith.constant 0 : i32
          %add3A_592 = arith.addi %add3A_591, %mul3A_590 : i32
          %mul3A_593 = arith.constant 16 : i32
          %mul3A_594 = arith.muli %add3A_592, %mul3A_593 : i32
          %swap3A = arith.constant 25 : i32
          %swap3A_595 = arith.index_cast %swap3A : i32 to index
          %swap3A_596 = arith.index_cast %mul3A_594 : i32 to index
          %swap3A_597 = tpu.vector_load %arg7[%swap3A_595, %swap3A_596] {strides = array<i32>} : memref<64x1024xf32, #tpu.memory_space<vmem>>, vector<16xf32>,
          tpu.vector_store %arg7[%swap3A_595, %swap3A_596], %broadcast_in_dim3A_260 {strides = array<i32>} : memref<64x1024xf32, #tpu.memory_space<vmem>>, vector<16xf32>,
        }
        %scan3A_265 = arith.constant 64 : i32
        %slice3A_266 = vector.extract_strided_slice %gather3A_185 {offsets = [10], sizes = [1], strides = [1]} : vector<16xf32> to vector<1xf32>
        %squeeze3A_267 = vector.extract %slice3A_266[0] : f32 from vector<1xf32>
        %broadcast_in_dim3A_268 = vector.broadcast %squeeze3A_267 : f32 to vector<16xf32>
        %scan3A_269 = arith.constant 0 : i32
        %scan3A_270 = arith.constant 64 : i32
        %scan3A_271 = arith.addi %scan3A_269, %scan3A_270 : i32
        %scan3A_272 = arith.constant 1 : i32
        scf.for %scan3A_588 = %scan3A_269 to %scan3A_271 step %scan3A_272  : i32 {
          %mul3A_589 = arith.constant 1 : i32
          %mul3A_590 = arith.muli %scan3A_588, %mul3A_589 : i32
          %add3A_591 = arith.constant 0 : i32
          %add3A_592 = arith.addi %add3A_591, %mul3A_590 : i32
          %mul3A_593 = arith.constant 16 : i32
          %mul3A_594 = arith.muli %add3A_592, %mul3A_593 : i32
          %swap3A = arith.constant 26 : i32
          %swap3A_595 = arith.index_cast %swap3A : i32 to index
          %swap3A_596 = arith.index_cast %mul3A_594 : i32 to index
          %swap3A_597 = tpu.vector_load %arg7[%swap3A_595, %swap3A_596] {strides = array<i32>} : memref<64x1024xf32, #tpu.memory_space<vmem>>, vector<16xf32>,
          tpu.vector_store %arg7[%swap3A_595, %swap3A_596], %broadcast_in_dim3A_268 {strides = array<i32>} : memref<64x1024xf32, #tpu.memory_space<vmem>>, vector<16xf32>,
        }
        %scan3A_273 = arith.constant 64 : i32
        %slice3A_274 = vector.extract_strided_slice %gather3A_185 {offsets = [11], sizes = [1], strides = [1]} : vector<16xf32> to vector<1xf32>
        %squeeze3A_275 = vector.extract %slice3A_274[0] : f32 from vector<1xf32>
        %broadcast_in_dim3A_276 = vector.broadcast %squeeze3A_275 : f32 to vector<16xf32>
        %scan3A_277 = arith.constant 0 : i32
        %scan3A_278 = arith.constant 64 : i32
        %scan3A_279 = arith.addi %scan3A_277, %scan3A_278 : i32
        %scan3A_280 = arith.constant 1 : i32
        scf.for %scan3A_588 = %scan3A_277 to %scan3A_279 step %scan3A_280  : i32 {
          %mul3A_589 = arith.constant 1 : i32
          %mul3A_590 = arith.muli %scan3A_588, %mul3A_589 : i32
          %add3A_591 = arith.constant 0 : i32
          %add3A_592 = arith.addi %add3A_591, %mul3A_590 : i32
          %mul3A_593 = arith.constant 16 : i32
          %mul3A_594 = arith.muli %add3A_592, %mul3A_593 : i32
          %swap3A = arith.constant 27 : i32
          %swap3A_595 = arith.index_cast %swap3A : i32 to index
          %swap3A_596 = arith.index_cast %mul3A_594 : i32 to index
          %swap3A_597 = tpu.vector_load %arg7[%swap3A_595, %swap3A_596] {strides = array<i32>} : memref<64x1024xf32, #tpu.memory_space<vmem>>, vector<16xf32>,
          tpu.vector_store %arg7[%swap3A_595, %swap3A_596], %broadcast_in_dim3A_276 {strides = array<i32>} : memref<64x1024xf32, #tpu.memory_space<vmem>>, vector<16xf32>,
        }
        %scan3A_281 = arith.constant 64 : i32
        %slice3A_282 = vector.extract_strided_slice %gather3A_185 {offsets = [12], sizes = [1], strides = [1]} : vector<16xf32> to vector<1xf32>
        %squeeze3A_283 = vector.extract %slice3A_282[0] : f32 from vector<1xf32>
        %broadcast_in_dim3A_284 = vector.broadcast %squeeze3A_283 : f32 to vector<16xf32>
        %scan3A_285 = arith.constant 0 : i32
        %scan3A_286 = arith.constant 64 : i32
        %scan3A_287 = arith.addi %scan3A_285, %scan3A_286 : i32
        %scan3A_288 = arith.constant 1 : i32
        scf.for %scan3A_588 = %scan3A_285 to %scan3A_287 step %scan3A_288  : i32 {
          %mul3A_589 = arith.constant 1 : i32
          %mul3A_590 = arith.muli %scan3A_588, %mul3A_589 : i32
          %add3A_591 = arith.constant 0 : i32
          %add3A_592 = arith.addi %add3A_591, %mul3A_590 : i32
          %mul3A_593 = arith.constant 16 : i32
          %mul3A_594 = arith.muli %add3A_592, %mul3A_593 : i32
          %swap3A = arith.constant 28 : i32
          %swap3A_595 = arith.index_cast %swap3A : i32 to index
          %swap3A_596 = arith.index_cast %mul3A_594 : i32 to index
          %swap3A_597 = tpu.vector_load %arg7[%swap3A_595, %swap3A_596] {strides = array<i32>} : memref<64x1024xf32, #tpu.memory_space<vmem>>, vector<16xf32>,
          tpu.vector_store %arg7[%swap3A_595, %swap3A_596], %broadcast_in_dim3A_284 {strides = array<i32>} : memref<64x1024xf32, #tpu.memory_space<vmem>>, vector<16xf32>,
        }
        %scan3A_289 = arith.constant 64 : i32
        %slice3A_290 = vector.extract_strided_slice %gather3A_185 {offsets = [13], sizes = [1], strides = [1]} : vector<16xf32> to vector<1xf32>
        %squeeze3A_291 = vector.extract %slice3A_290[0] : f32 from vector<1xf32>
        %broadcast_in_dim3A_292 = vector.broadcast %squeeze3A_291 : f32 to vector<16xf32>
        %scan3A_293 = arith.constant 0 : i32
        %scan3A_294 = arith.constant 64 : i32
        %scan3A_295 = arith.addi %scan3A_293, %scan3A_294 : i32
        %scan3A_296 = arith.constant 1 : i32
        scf.for %scan3A_588 = %scan3A_293 to %scan3A_295 step %scan3A_296  : i32 {
          %mul3A_589 = arith.constant 1 : i32
          %mul3A_590 = arith.muli %scan3A_588, %mul3A_589 : i32
          %add3A_591 = arith.constant 0 : i32
          %add3A_592 = arith.addi %add3A_591, %mul3A_590 : i32
          %mul3A_593 = arith.constant 16 : i32
          %mul3A_594 = arith.muli %add3A_592, %mul3A_593 : i32
          %swap3A = arith.constant 29 : i32
          %swap3A_595 = arith.index_cast %swap3A : i32 to index
          %swap3A_596 = arith.index_cast %mul3A_594 : i32 to index
          %swap3A_597 = tpu.vector_load %arg7[%swap3A_595, %swap3A_596] {strides = array<i32>} : memref<64x1024xf32, #tpu.memory_space<vmem>>, vector<16xf32>,
          tpu.vector_store %arg7[%swap3A_595, %swap3A_596], %broadcast_in_dim3A_292 {strides = array<i32>} : memref<64x1024xf32, #tpu.memory_space<vmem>>, vector<16xf32>,
        }
        %scan3A_297 = arith.constant 64 : i32
        %slice3A_298 = vector.extract_strided_slice %gather3A_185 {offsets = [14], sizes = [1], strides = [1]} : vector<16xf32> to vector<1xf32>
        %squeeze3A_299 = vector.extract %slice3A_298[0] : f32 from vector<1xf32>
        %broadcast_in_dim3A_300 = vector.broadcast %squeeze3A_299 : f32 to vector<16xf32>
        %scan3A_301 = arith.constant 0 : i32
        %scan3A_302 = arith.constant 64 : i32
        %scan3A_303 = arith.addi %scan3A_301, %scan3A_302 : i32
        %scan3A_304 = arith.constant 1 : i32
        scf.for %scan3A_588 = %scan3A_301 to %scan3A_303 step %scan3A_304  : i32 {
          %mul3A_589 = arith.constant 1 : i32
          %mul3A_590 = arith.muli %scan3A_588, %mul3A_589 : i32
          %add3A_591 = arith.constant 0 : i32
          %add3A_592 = arith.addi %add3A_591, %mul3A_590 : i32
          %mul3A_593 = arith.constant 16 : i32
          %mul3A_594 = arith.muli %add3A_592, %mul3A_593 : i32
          %swap3A = arith.constant 30 : i32
          %swap3A_595 = arith.index_cast %swap3A : i32 to index
          %swap3A_596 = arith.index_cast %mul3A_594 : i32 to index
          %swap3A_597 = tpu.vector_load %arg7[%swap3A_595, %swap3A_596] {strides = array<i32>} : memref<64x1024xf32, #tpu.memory_space<vmem>>, vector<16xf32>,
          tpu.vector_store %arg7[%swap3A_595, %swap3A_596], %broadcast_in_dim3A_300 {strides = array<i32>} : memref<64x1024xf32, #tpu.memory_space<vmem>>, vector<16xf32>,
        }
        %scan3A_305 = arith.constant 64 : i32
        %slice3A_306 = vector.extract_strided_slice %gather3A_185 {offsets = [15], sizes = [1], strides = [1]} : vector<16xf32> to vector<1xf32>
        %squeeze3A_307 = vector.extract %slice3A_306[0] : f32 from vector<1xf32>
        %broadcast_in_dim3A_308 = vector.broadcast %squeeze3A_307 : f32 to vector<16xf32>
        %scan3A_309 = arith.constant 0 : i32
        %scan3A_310 = arith.constant 64 : i32
        %scan3A_311 = arith.addi %scan3A_309, %scan3A_310 : i32
        %scan3A_312 = arith.constant 1 : i32
        scf.for %scan3A_588 = %scan3A_309 to %scan3A_311 step %scan3A_312  : i32 {
          %mul3A_589 = arith.constant 1 : i32
          %mul3A_590 = arith.muli %scan3A_588, %mul3A_589 : i32
          %add3A_591 = arith.constant 0 : i32
          %add3A_592 = arith.addi %add3A_591, %mul3A_590 : i32
          %mul3A_593 = arith.constant 16 : i32
          %mul3A_594 = arith.muli %add3A_592, %mul3A_593 : i32
          %swap3A = arith.constant 31 : i32
          %swap3A_595 = arith.index_cast %swap3A : i32 to index
          %swap3A_596 = arith.index_cast %mul3A_594 : i32 to index
          %swap3A_597 = tpu.vector_load %arg7[%swap3A_595, %swap3A_596] {strides = array<i32>} : memref<64x1024xf32, #tpu.memory_space<vmem>>, vector<16xf32>,
          tpu.vector_store %arg7[%swap3A_595, %swap3A_596], %broadcast_in_dim3A_308 {strides = array<i32>} : memref<64x1024xf32, #tpu.memory_space<vmem>>, vector<16xf32>,
        }
        %scan3A_313 = arith.constant 64 : i32
        %add3A_314 = arith.constant 32 : i32
        %add3A_315 = vector.broadcast %add3A_314 : i32 to vector<16xi32>
        %add3A_316 = arith.addi %add3A_315, %iota3A : vector<16xi32>
        %mul3A_317 = arith.constant 8 : i32
        %mul3A_318 = vector.broadcast %mul3A_317 : i32 to vector<16xi32>
        %mul3A_319 = arith.muli %add3A_316, %mul3A_318 : vector<16xi32>
        %add3A_320 = vector.broadcast %squeeze3A : i32 to vector<16xi32>
        %add3A_321 = arith.addi %mul3A_319, %add3A_320 : vector<16xi32>
        %gather3A_322 = tpu.vector_load_idx %arg5[%add3A_321] : memref<512xf32, #tpu.memory_space<vmem>>[vector<16xi32>], vector<16xf32>,
        %slice3A_323 = vector.extract_strided_slice %gather3A_322 {offsets = [0], sizes = [1], strides = [1]} : vector<16xf32> to vector<1xf32>
        %squeeze3A_324 = vector.extract %slice3A_323[0] : f32 from vector<1xf32>
        %broadcast_in_dim3A_325 = vector.broadcast %squeeze3A_324 : f32 to vector<16xf32>
        %scan3A_326 = arith.constant 0 : i32
        %scan3A_327 = arith.constant 64 : i32
        %scan3A_328 = arith.addi %scan3A_326, %scan3A_327 : i32
        %scan3A_329 = arith.constant 1 : i32
        scf.for %scan3A_588 = %scan3A_326 to %scan3A_328 step %scan3A_329  : i32 {
          %mul3A_589 = arith.constant 1 : i32
          %mul3A_590 = arith.muli %scan3A_588, %mul3A_589 : i32
          %add3A_591 = arith.constant 0 : i32
          %add3A_592 = arith.addi %add3A_591, %mul3A_590 : i32
          %mul3A_593 = arith.constant 16 : i32
          %mul3A_594 = arith.muli %add3A_592, %mul3A_593 : i32
          %swap3A = arith.constant 32 : i32
          %swap3A_595 = arith.index_cast %swap3A : i32 to index
          %swap3A_596 = arith.index_cast %mul3A_594 : i32 to index
          %swap3A_597 = tpu.vector_load %arg7[%swap3A_595, %swap3A_596] {strides = array<i32>} : memref<64x1024xf32, #tpu.memory_space<vmem>>, vector<16xf32>,
          tpu.vector_store %arg7[%swap3A_595, %swap3A_596], %broadcast_in_dim3A_325 {strides = array<i32>} : memref<64x1024xf32, #tpu.memory_space<vmem>>, vector<16xf32>,
        }
        %scan3A_330 = arith.constant 64 : i32
        %slice3A_331 = vector.extract_strided_slice %gather3A_322 {offsets = [1], sizes = [1], strides = [1]} : vector<16xf32> to vector<1xf32>
        %squeeze3A_332 = vector.extract %slice3A_331[0] : f32 from vector<1xf32>
        %broadcast_in_dim3A_333 = vector.broadcast %squeeze3A_332 : f32 to vector<16xf32>
        %scan3A_334 = arith.constant 0 : i32
        %scan3A_335 = arith.constant 64 : i32
        %scan3A_336 = arith.addi %scan3A_334, %scan3A_335 : i32
        %scan3A_337 = arith.constant 1 : i32
        scf.for %scan3A_588 = %scan3A_334 to %scan3A_336 step %scan3A_337  : i32 {
          %mul3A_589 = arith.constant 1 : i32
          %mul3A_590 = arith.muli %scan3A_588, %mul3A_589 : i32
          %add3A_591 = arith.constant 0 : i32
          %add3A_592 = arith.addi %add3A_591, %mul3A_590 : i32
          %mul3A_593 = arith.constant 16 : i32
          %mul3A_594 = arith.muli %add3A_592, %mul3A_593 : i32
          %swap3A = arith.constant 33 : i32
          %swap3A_595 = arith.index_cast %swap3A : i32 to index
          %swap3A_596 = arith.index_cast %mul3A_594 : i32 to index
          %swap3A_597 = tpu.vector_load %arg7[%swap3A_595, %swap3A_596] {strides = array<i32>} : memref<64x1024xf32, #tpu.memory_space<vmem>>, vector<16xf32>,
          tpu.vector_store %arg7[%swap3A_595, %swap3A_596], %broadcast_in_dim3A_333 {strides = array<i32>} : memref<64x1024xf32, #tpu.memory_space<vmem>>, vector<16xf32>,
        }
        %scan3A_338 = arith.constant 64 : i32
        %slice3A_339 = vector.extract_strided_slice %gather3A_322 {offsets = [2], sizes = [1], strides = [1]} : vector<16xf32> to vector<1xf32>
        %squeeze3A_340 = vector.extract %slice3A_339[0] : f32 from vector<1xf32>
        %broadcast_in_dim3A_341 = vector.broadcast %squeeze3A_340 : f32 to vector<16xf32>
        %scan3A_342 = arith.constant 0 : i32
        %scan3A_343 = arith.constant 64 : i32
        %scan3A_344 = arith.addi %scan3A_342, %scan3A_343 : i32
        %scan3A_345 = arith.constant 1 : i32
        scf.for %scan3A_588 = %scan3A_342 to %scan3A_344 step %scan3A_345  : i32 {
          %mul3A_589 = arith.constant 1 : i32
          %mul3A_590 = arith.muli %scan3A_588, %mul3A_589 : i32
          %add3A_591 = arith.constant 0 : i32
          %add3A_592 = arith.addi %add3A_591, %mul3A_590 : i32
          %mul3A_593 = arith.constant 16 : i32
          %mul3A_594 = arith.muli %add3A_592, %mul3A_593 : i32
          %swap3A = arith.constant 34 : i32
          %swap3A_595 = arith.index_cast %swap3A : i32 to index
          %swap3A_596 = arith.index_cast %mul3A_594 : i32 to index
          %swap3A_597 = tpu.vector_load %arg7[%swap3A_595, %swap3A_596] {strides = array<i32>} : memref<64x1024xf32, #tpu.memory_space<vmem>>, vector<16xf32>,
          tpu.vector_store %arg7[%swap3A_595, %swap3A_596], %broadcast_in_dim3A_341 {strides = array<i32>} : memref<64x1024xf32, #tpu.memory_space<vmem>>, vector<16xf32>,
        }
        %scan3A_346 = arith.constant 64 : i32
        %slice3A_347 = vector.extract_strided_slice %gather3A_322 {offsets = [3], sizes = [1], strides = [1]} : vector<16xf32> to vector<1xf32>
        %squeeze3A_348 = vector.extract %slice3A_347[0] : f32 from vector<1xf32>
        %broadcast_in_dim3A_349 = vector.broadcast %squeeze3A_348 : f32 to vector<16xf32>
        %scan3A_350 = arith.constant 0 : i32
        %scan3A_351 = arith.constant 64 : i32
        %scan3A_352 = arith.addi %scan3A_350, %scan3A_351 : i32
        %scan3A_353 = arith.constant 1 : i32
        scf.for %scan3A_588 = %scan3A_350 to %scan3A_352 step %scan3A_353  : i32 {
          %mul3A_589 = arith.constant 1 : i32
          %mul3A_590 = arith.muli %scan3A_588, %mul3A_589 : i32
          %add3A_591 = arith.constant 0 : i32
          %add3A_592 = arith.addi %add3A_591, %mul3A_590 : i32
          %mul3A_593 = arith.constant 16 : i32
          %mul3A_594 = arith.muli %add3A_592, %mul3A_593 : i32
          %swap3A = arith.constant 35 : i32
          %swap3A_595 = arith.index_cast %swap3A : i32 to index
          %swap3A_596 = arith.index_cast %mul3A_594 : i32 to index
          %swap3A_597 = tpu.vector_load %arg7[%swap3A_595, %swap3A_596] {strides = array<i32>} : memref<64x1024xf32, #tpu.memory_space<vmem>>, vector<16xf32>,
          tpu.vector_store %arg7[%swap3A_595, %swap3A_596], %broadcast_in_dim3A_349 {strides = array<i32>} : memref<64x1024xf32, #tpu.memory_space<vmem>>, vector<16xf32>,
        }
        %scan3A_354 = arith.constant 64 : i32
        %slice3A_355 = vector.extract_strided_slice %gather3A_322 {offsets = [4], sizes = [1], strides = [1]} : vector<16xf32> to vector<1xf32>
        %squeeze3A_356 = vector.extract %slice3A_355[0] : f32 from vector<1xf32>
        %broadcast_in_dim3A_357 = vector.broadcast %squeeze3A_356 : f32 to vector<16xf32>
        %scan3A_358 = arith.constant 0 : i32
        %scan3A_359 = arith.constant 64 : i32
        %scan3A_360 = arith.addi %scan3A_358, %scan3A_359 : i32
        %scan3A_361 = arith.constant 1 : i32
        scf.for %scan3A_588 = %scan3A_358 to %scan3A_360 step %scan3A_361  : i32 {
          %mul3A_589 = arith.constant 1 : i32
          %mul3A_590 = arith.muli %scan3A_588, %mul3A_589 : i32
          %add3A_591 = arith.constant 0 : i32
          %add3A_592 = arith.addi %add3A_591, %mul3A_590 : i32
          %mul3A_593 = arith.constant 16 : i32
          %mul3A_594 = arith.muli %add3A_592, %mul3A_593 : i32
          %swap3A = arith.constant 36 : i32
          %swap3A_595 = arith.index_cast %swap3A : i32 to index
          %swap3A_596 = arith.index_cast %mul3A_594 : i32 to index
          %swap3A_597 = tpu.vector_load %arg7[%swap3A_595, %swap3A_596] {strides = array<i32>} : memref<64x1024xf32, #tpu.memory_space<vmem>>, vector<16xf32>,
          tpu.vector_store %arg7[%swap3A_595, %swap3A_596], %broadcast_in_dim3A_357 {strides = array<i32>} : memref<64x1024xf32, #tpu.memory_space<vmem>>, vector<16xf32>,
        }
        %scan3A_362 = arith.constant 64 : i32
        %slice3A_363 = vector.extract_strided_slice %gather3A_322 {offsets = [5], sizes = [1], strides = [1]} : vector<16xf32> to vector<1xf32>
        %squeeze3A_364 = vector.extract %slice3A_363[0] : f32 from vector<1xf32>
        %broadcast_in_dim3A_365 = vector.broadcast %squeeze3A_364 : f32 to vector<16xf32>
        %scan3A_366 = arith.constant 0 : i32
        %scan3A_367 = arith.constant 64 : i32
        %scan3A_368 = arith.addi %scan3A_366, %scan3A_367 : i32
        %scan3A_369 = arith.constant 1 : i32
        scf.for %scan3A_588 = %scan3A_366 to %scan3A_368 step %scan3A_369  : i32 {
          %mul3A_589 = arith.constant 1 : i32
          %mul3A_590 = arith.muli %scan3A_588, %mul3A_589 : i32
          %add3A_591 = arith.constant 0 : i32
          %add3A_592 = arith.addi %add3A_591, %mul3A_590 : i32
          %mul3A_593 = arith.constant 16 : i32
          %mul3A_594 = arith.muli %add3A_592, %mul3A_593 : i32
          %swap3A = arith.constant 37 : i32
          %swap3A_595 = arith.index_cast %swap3A : i32 to index
          %swap3A_596 = arith.index_cast %mul3A_594 : i32 to index
          %swap3A_597 = tpu.vector_load %arg7[%swap3A_595, %swap3A_596] {strides = array<i32>} : memref<64x1024xf32, #tpu.memory_space<vmem>>, vector<16xf32>,
          tpu.vector_store %arg7[%swap3A_595, %swap3A_596], %broadcast_in_dim3A_365 {strides = array<i32>} : memref<64x1024xf32, #tpu.memory_space<vmem>>, vector<16xf32>,
        }
        %scan3A_370 = arith.constant 64 : i32
        %slice3A_371 = vector.extract_strided_slice %gather3A_322 {offsets = [6], sizes = [1], strides = [1]} : vector<16xf32> to vector<1xf32>
        %squeeze3A_372 = vector.extract %slice3A_371[0] : f32 from vector<1xf32>
        %broadcast_in_dim3A_373 = vector.broadcast %squeeze3A_372 : f32 to vector<16xf32>
        %scan3A_374 = arith.constant 0 : i32
        %scan3A_375 = arith.constant 64 : i32
        %scan3A_376 = arith.addi %scan3A_374, %scan3A_375 : i32
        %scan3A_377 = arith.constant 1 : i32
        scf.for %scan3A_588 = %scan3A_374 to %scan3A_376 step %scan3A_377  : i32 {
          %mul3A_589 = arith.constant 1 : i32
          %mul3A_590 = arith.muli %scan3A_588, %mul3A_589 : i32
          %add3A_591 = arith.constant 0 : i32
          %add3A_592 = arith.addi %add3A_591, %mul3A_590 : i32
          %mul3A_593 = arith.constant 16 : i32
          %mul3A_594 = arith.muli %add3A_592, %mul3A_593 : i32
          %swap3A = arith.constant 38 : i32
          %swap3A_595 = arith.index_cast %swap3A : i32 to index
          %swap3A_596 = arith.index_cast %mul3A_594 : i32 to index
          %swap3A_597 = tpu.vector_load %arg7[%swap3A_595, %swap3A_596] {strides = array<i32>} : memref<64x1024xf32, #tpu.memory_space<vmem>>, vector<16xf32>,
          tpu.vector_store %arg7[%swap3A_595, %swap3A_596], %broadcast_in_dim3A_373 {strides = array<i32>} : memref<64x1024xf32, #tpu.memory_space<vmem>>, vector<16xf32>,
        }
        %scan3A_378 = arith.constant 64 : i32
        %slice3A_379 = vector.extract_strided_slice %gather3A_322 {offsets = [7], sizes = [1], strides = [1]} : vector<16xf32> to vector<1xf32>
        %squeeze3A_380 = vector.extract %slice3A_379[0] : f32 from vector<1xf32>
        %broadcast_in_dim3A_381 = vector.broadcast %squeeze3A_380 : f32 to vector<16xf32>
        %scan3A_382 = arith.constant 0 : i32
        %scan3A_383 = arith.constant 64 : i32
        %scan3A_384 = arith.addi %scan3A_382, %scan3A_383 : i32
        %scan3A_385 = arith.constant 1 : i32
        scf.for %scan3A_588 = %scan3A_382 to %scan3A_384 step %scan3A_385  : i32 {
          %mul3A_589 = arith.constant 1 : i32
          %mul3A_590 = arith.muli %scan3A_588, %mul3A_589 : i32
          %add3A_591 = arith.constant 0 : i32
          %add3A_592 = arith.addi %add3A_591, %mul3A_590 : i32
          %mul3A_593 = arith.constant 16 : i32
          %mul3A_594 = arith.muli %add3A_592, %mul3A_593 : i32
          %swap3A = arith.constant 39 : i32
          %swap3A_595 = arith.index_cast %swap3A : i32 to index
          %swap3A_596 = arith.index_cast %mul3A_594 : i32 to index
          %swap3A_597 = tpu.vector_load %arg7[%swap3A_595, %swap3A_596] {strides = array<i32>} : memref<64x1024xf32, #tpu.memory_space<vmem>>, vector<16xf32>,
          tpu.vector_store %arg7[%swap3A_595, %swap3A_596], %broadcast_in_dim3A_381 {strides = array<i32>} : memref<64x1024xf32, #tpu.memory_space<vmem>>, vector<16xf32>,
        }
        %scan3A_386 = arith.constant 64 : i32
        %slice3A_387 = vector.extract_strided_slice %gather3A_322 {offsets = [8], sizes = [1], strides = [1]} : vector<16xf32> to vector<1xf32>
        %squeeze3A_388 = vector.extract %slice3A_387[0] : f32 from vector<1xf32>
        %broadcast_in_dim3A_389 = vector.broadcast %squeeze3A_388 : f32 to vector<16xf32>
        %scan3A_390 = arith.constant 0 : i32
        %scan3A_391 = arith.constant 64 : i32
        %scan3A_392 = arith.addi %scan3A_390, %scan3A_391 : i32
        %scan3A_393 = arith.constant 1 : i32
        scf.for %scan3A_588 = %scan3A_390 to %scan3A_392 step %scan3A_393  : i32 {
          %mul3A_589 = arith.constant 1 : i32
          %mul3A_590 = arith.muli %scan3A_588, %mul3A_589 : i32
          %add3A_591 = arith.constant 0 : i32
          %add3A_592 = arith.addi %add3A_591, %mul3A_590 : i32
          %mul3A_593 = arith.constant 16 : i32
          %mul3A_594 = arith.muli %add3A_592, %mul3A_593 : i32
          %swap3A = arith.constant 40 : i32
          %swap3A_595 = arith.index_cast %swap3A : i32 to index
          %swap3A_596 = arith.index_cast %mul3A_594 : i32 to index
          %swap3A_597 = tpu.vector_load %arg7[%swap3A_595, %swap3A_596] {strides = array<i32>} : memref<64x1024xf32, #tpu.memory_space<vmem>>, vector<16xf32>,
          tpu.vector_store %arg7[%swap3A_595, %swap3A_596], %broadcast_in_dim3A_389 {strides = array<i32>} : memref<64x1024xf32, #tpu.memory_space<vmem>>, vector<16xf32>,
        }
        %scan3A_394 = arith.constant 64 : i32
        %slice3A_395 = vector.extract_strided_slice %gather3A_322 {offsets = [9], sizes = [1], strides = [1]} : vector<16xf32> to vector<1xf32>
        %squeeze3A_396 = vector.extract %slice3A_395[0] : f32 from vector<1xf32>
        %broadcast_in_dim3A_397 = vector.broadcast %squeeze3A_396 : f32 to vector<16xf32>
        %scan3A_398 = arith.constant 0 : i32
        %scan3A_399 = arith.constant 64 : i32
        %scan3A_400 = arith.addi %scan3A_398, %scan3A_399 : i32
        %scan3A_401 = arith.constant 1 : i32
        scf.for %scan3A_588 = %scan3A_398 to %scan3A_400 step %scan3A_401  : i32 {
          %mul3A_589 = arith.constant 1 : i32
          %mul3A_590 = arith.muli %scan3A_588, %mul3A_589 : i32
          %add3A_591 = arith.constant 0 : i32
          %add3A_592 = arith.addi %add3A_591, %mul3A_590 : i32
          %mul3A_593 = arith.constant 16 : i32
          %mul3A_594 = arith.muli %add3A_592, %mul3A_593 : i32
          %swap3A = arith.constant 41 : i32
          %swap3A_595 = arith.index_cast %swap3A : i32 to index
          %swap3A_596 = arith.index_cast %mul3A_594 : i32 to index
          %swap3A_597 = tpu.vector_load %arg7[%swap3A_595, %swap3A_596] {strides = array<i32>} : memref<64x1024xf32, #tpu.memory_space<vmem>>, vector<16xf32>,
          tpu.vector_store %arg7[%swap3A_595, %swap3A_596], %broadcast_in_dim3A_397 {strides = array<i32>} : memref<64x1024xf32, #tpu.memory_space<vmem>>, vector<16xf32>,
        }
        %scan3A_402 = arith.constant 64 : i32
        %slice3A_403 = vector.extract_strided_slice %gather3A_322 {offsets = [10], sizes = [1], strides = [1]} : vector<16xf32> to vector<1xf32>
        %squeeze3A_404 = vector.extract %slice3A_403[0] : f32 from vector<1xf32>
        %broadcast_in_dim3A_405 = vector.broadcast %squeeze3A_404 : f32 to vector<16xf32>
        %scan3A_406 = arith.constant 0 : i32
        %scan3A_407 = arith.constant 64 : i32
        %scan3A_408 = arith.addi %scan3A_406, %scan3A_407 : i32
        %scan3A_409 = arith.constant 1 : i32
        scf.for %scan3A_588 = %scan3A_406 to %scan3A_408 step %scan3A_409  : i32 {
          %mul3A_589 = arith.constant 1 : i32
          %mul3A_590 = arith.muli %scan3A_588, %mul3A_589 : i32
          %add3A_591 = arith.constant 0 : i32
          %add3A_592 = arith.addi %add3A_591, %mul3A_590 : i32
          %mul3A_593 = arith.constant 16 : i32
          %mul3A_594 = arith.muli %add3A_592, %mul3A_593 : i32
          %swap3A = arith.constant 42 : i32
          %swap3A_595 = arith.index_cast %swap3A : i32 to index
          %swap3A_596 = arith.index_cast %mul3A_594 : i32 to index
          %swap3A_597 = tpu.vector_load %arg7[%swap3A_595, %swap3A_596] {strides = array<i32>} : memref<64x1024xf32, #tpu.memory_space<vmem>>, vector<16xf32>,
          tpu.vector_store %arg7[%swap3A_595, %swap3A_596], %broadcast_in_dim3A_405 {strides = array<i32>} : memref<64x1024xf32, #tpu.memory_space<vmem>>, vector<16xf32>,
        }
        %scan3A_410 = arith.constant 64 : i32
        %slice3A_411 = vector.extract_strided_slice %gather3A_322 {offsets = [11], sizes = [1], strides = [1]} : vector<16xf32> to vector<1xf32>
        %squeeze3A_412 = vector.extract %slice3A_411[0] : f32 from vector<1xf32>
        %broadcast_in_dim3A_413 = vector.broadcast %squeeze3A_412 : f32 to vector<16xf32>
        %scan3A_414 = arith.constant 0 : i32
        %scan3A_415 = arith.constant 64 : i32
        %scan3A_416 = arith.addi %scan3A_414, %scan3A_415 : i32
        %scan3A_417 = arith.constant 1 : i32
        scf.for %scan3A_588 = %scan3A_414 to %scan3A_416 step %scan3A_417  : i32 {
          %mul3A_589 = arith.constant 1 : i32
          %mul3A_590 = arith.muli %scan3A_588, %mul3A_589 : i32
          %add3A_591 = arith.constant 0 : i32
          %add3A_592 = arith.addi %add3A_591, %mul3A_590 : i32
          %mul3A_593 = arith.constant 16 : i32
          %mul3A_594 = arith.muli %add3A_592, %mul3A_593 : i32
          %swap3A = arith.constant 43 : i32
          %swap3A_595 = arith.index_cast %swap3A : i32 to index
          %swap3A_596 = arith.index_cast %mul3A_594 : i32 to index
          %swap3A_597 = tpu.vector_load %arg7[%swap3A_595, %swap3A_596] {strides = array<i32>} : memref<64x1024xf32, #tpu.memory_space<vmem>>, vector<16xf32>,
          tpu.vector_store %arg7[%swap3A_595, %swap3A_596], %broadcast_in_dim3A_413 {strides = array<i32>} : memref<64x1024xf32, #tpu.memory_space<vmem>>, vector<16xf32>,
        }
        %scan3A_418 = arith.constant 64 : i32
        %slice3A_419 = vector.extract_strided_slice %gather3A_322 {offsets = [12], sizes = [1], strides = [1]} : vector<16xf32> to vector<1xf32>
        %squeeze3A_420 = vector.extract %slice3A_419[0] : f32 from vector<1xf32>
        %broadcast_in_dim3A_421 = vector.broadcast %squeeze3A_420 : f32 to vector<16xf32>
        %scan3A_422 = arith.constant 0 : i32
        %scan3A_423 = arith.constant 64 : i32
        %scan3A_424 = arith.addi %scan3A_422, %scan3A_423 : i32
        %scan3A_425 = arith.constant 1 : i32
        scf.for %scan3A_588 = %scan3A_422 to %scan3A_424 step %scan3A_425  : i32 {
          %mul3A_589 = arith.constant 1 : i32
          %mul3A_590 = arith.muli %scan3A_588, %mul3A_589 : i32
          %add3A_591 = arith.constant 0 : i32
          %add3A_592 = arith.addi %add3A_591, %mul3A_590 : i32
          %mul3A_593 = arith.constant 16 : i32
          %mul3A_594 = arith.muli %add3A_592, %mul3A_593 : i32
          %swap3A = arith.constant 44 : i32
          %swap3A_595 = arith.index_cast %swap3A : i32 to index
          %swap3A_596 = arith.index_cast %mul3A_594 : i32 to index
          %swap3A_597 = tpu.vector_load %arg7[%swap3A_595, %swap3A_596] {strides = array<i32>} : memref<64x1024xf32, #tpu.memory_space<vmem>>, vector<16xf32>,
          tpu.vector_store %arg7[%swap3A_595, %swap3A_596], %broadcast_in_dim3A_421 {strides = array<i32>} : memref<64x1024xf32, #tpu.memory_space<vmem>>, vector<16xf32>,
        }
        %scan3A_426 = arith.constant 64 : i32
        %slice3A_427 = vector.extract_strided_slice %gather3A_322 {offsets = [13], sizes = [1], strides = [1]} : vector<16xf32> to vector<1xf32>
        %squeeze3A_428 = vector.extract %slice3A_427[0] : f32 from vector<1xf32>
        %broadcast_in_dim3A_429 = vector.broadcast %squeeze3A_428 : f32 to vector<16xf32>
        %scan3A_430 = arith.constant 0 : i32
        %scan3A_431 = arith.constant 64 : i32
        %scan3A_432 = arith.addi %scan3A_430, %scan3A_431 : i32
        %scan3A_433 = arith.constant 1 : i32
        scf.for %scan3A_588 = %scan3A_430 to %scan3A_432 step %scan3A_433  : i32 {
          %mul3A_589 = arith.constant 1 : i32
          %mul3A_590 = arith.muli %scan3A_588, %mul3A_589 : i32
          %add3A_591 = arith.constant 0 : i32
          %add3A_592 = arith.addi %add3A_591, %mul3A_590 : i32
          %mul3A_593 = arith.constant 16 : i32
          %mul3A_594 = arith.muli %add3A_592, %mul3A_593 : i32
          %swap3A = arith.constant 45 : i32
          %swap3A_595 = arith.index_cast %swap3A : i32 to index
          %swap3A_596 = arith.index_cast %mul3A_594 : i32 to index
          %swap3A_597 = tpu.vector_load %arg7[%swap3A_595, %swap3A_596] {strides = array<i32>} : memref<64x1024xf32, #tpu.memory_space<vmem>>, vector<16xf32>,
          tpu.vector_store %arg7[%swap3A_595, %swap3A_596], %broadcast_in_dim3A_429 {strides = array<i32>} : memref<64x1024xf32, #tpu.memory_space<vmem>>, vector<16xf32>,
        }
        %scan3A_434 = arith.constant 64 : i32
        %slice3A_435 = vector.extract_strided_slice %gather3A_322 {offsets = [14], sizes = [1], strides = [1]} : vector<16xf32> to vector<1xf32>
        %squeeze3A_436 = vector.extract %slice3A_435[0] : f32 from vector<1xf32>
        %broadcast_in_dim3A_437 = vector.broadcast %squeeze3A_436 : f32 to vector<16xf32>
        %scan3A_438 = arith.constant 0 : i32
        %scan3A_439 = arith.constant 64 : i32
        %scan3A_440 = arith.addi %scan3A_438, %scan3A_439 : i32
        %scan3A_441 = arith.constant 1 : i32
        scf.for %scan3A_588 = %scan3A_438 to %scan3A_440 step %scan3A_441  : i32 {
          %mul3A_589 = arith.constant 1 : i32
          %mul3A_590 = arith.muli %scan3A_588, %mul3A_589 : i32
          %add3A_591 = arith.constant 0 : i32
          %add3A_592 = arith.addi %add3A_591, %mul3A_590 : i32
          %mul3A_593 = arith.constant 16 : i32
          %mul3A_594 = arith.muli %add3A_592, %mul3A_593 : i32
          %swap3A = arith.constant 46 : i32
          %swap3A_595 = arith.index_cast %swap3A : i32 to index
          %swap3A_596 = arith.index_cast %mul3A_594 : i32 to index
          %swap3A_597 = tpu.vector_load %arg7[%swap3A_595, %swap3A_596] {strides = array<i32>} : memref<64x1024xf32, #tpu.memory_space<vmem>>, vector<16xf32>,
          tpu.vector_store %arg7[%swap3A_595, %swap3A_596], %broadcast_in_dim3A_437 {strides = array<i32>} : memref<64x1024xf32, #tpu.memory_space<vmem>>, vector<16xf32>,
        }
        %scan3A_442 = arith.constant 64 : i32
        %slice3A_443 = vector.extract_strided_slice %gather3A_322 {offsets = [15], sizes = [1], strides = [1]} : vector<16xf32> to vector<1xf32>
        %squeeze3A_444 = vector.extract %slice3A_443[0] : f32 from vector<1xf32>
        %broadcast_in_dim3A_445 = vector.broadcast %squeeze3A_444 : f32 to vector<16xf32>
        %scan3A_446 = arith.constant 0 : i32
        %scan3A_447 = arith.constant 64 : i32
        %scan3A_448 = arith.addi %scan3A_446, %scan3A_447 : i32
        %scan3A_449 = arith.constant 1 : i32
        scf.for %scan3A_588 = %scan3A_446 to %scan3A_448 step %scan3A_449  : i32 {
          %mul3A_589 = arith.constant 1 : i32
          %mul3A_590 = arith.muli %scan3A_588, %mul3A_589 : i32
          %add3A_591 = arith.constant 0 : i32
          %add3A_592 = arith.addi %add3A_591, %mul3A_590 : i32
          %mul3A_593 = arith.constant 16 : i32
          %mul3A_594 = arith.muli %add3A_592, %mul3A_593 : i32
          %swap3A = arith.constant 47 : i32
          %swap3A_595 = arith.index_cast %swap3A : i32 to index
          %swap3A_596 = arith.index_cast %mul3A_594 : i32 to index
          %swap3A_597 = tpu.vector_load %arg7[%swap3A_595, %swap3A_596] {strides = array<i32>} : memref<64x1024xf32, #tpu.memory_space<vmem>>, vector<16xf32>,
          tpu.vector_store %arg7[%swap3A_595, %swap3A_596], %broadcast_in_dim3A_445 {strides = array<i32>} : memref<64x1024xf32, #tpu.memory_space<vmem>>, vector<16xf32>,
        }
        %scan3A_450 = arith.constant 64 : i32
        %add3A_451 = arith.constant 48 : i32
        %add3A_452 = vector.broadcast %add3A_451 : i32 to vector<16xi32>
        %add3A_453 = arith.addi %add3A_452, %iota3A : vector<16xi32>
        %mul3A_454 = arith.constant 8 : i32
        %mul3A_455 = vector.broadcast %mul3A_454 : i32 to vector<16xi32>
        %mul3A_456 = arith.muli %add3A_453, %mul3A_455 : vector<16xi32>
        %add3A_457 = vector.broadcast %squeeze3A : i32 to vector<16xi32>
        %add3A_458 = arith.addi %mul3A_456, %add3A_457 : vector<16xi32>
        %gather3A_459 = tpu.vector_load_idx %arg5[%add3A_458] : memref<512xf32, #tpu.memory_space<vmem>>[vector<16xi32>], vector<16xf32>,
        %slice3A_460 = vector.extract_strided_slice %gather3A_459 {offsets = [0], sizes = [1], strides = [1]} : vector<16xf32> to vector<1xf32>
        %squeeze3A_461 = vector.extract %slice3A_460[0] : f32 from vector<1xf32>
        %broadcast_in_dim3A_462 = vector.broadcast %squeeze3A_461 : f32 to vector<16xf32>
        %scan3A_463 = arith.constant 0 : i32
        %scan3A_464 = arith.constant 64 : i32
        %scan3A_465 = arith.addi %scan3A_463, %scan3A_464 : i32
        %scan3A_466 = arith.constant 1 : i32
        scf.for %scan3A_588 = %scan3A_463 to %scan3A_465 step %scan3A_466  : i32 {
          %mul3A_589 = arith.constant 1 : i32
          %mul3A_590 = arith.muli %scan3A_588, %mul3A_589 : i32
          %add3A_591 = arith.constant 0 : i32
          %add3A_592 = arith.addi %add3A_591, %mul3A_590 : i32
          %mul3A_593 = arith.constant 16 : i32
          %mul3A_594 = arith.muli %add3A_592, %mul3A_593 : i32
          %swap3A = arith.constant 48 : i32
          %swap3A_595 = arith.index_cast %swap3A : i32 to index
          %swap3A_596 = arith.index_cast %mul3A_594 : i32 to index
          %swap3A_597 = tpu.vector_load %arg7[%swap3A_595, %swap3A_596] {strides = array<i32>} : memref<64x1024xf32, #tpu.memory_space<vmem>>, vector<16xf32>,
          tpu.vector_store %arg7[%swap3A_595, %swap3A_596], %broadcast_in_dim3A_462 {strides = array<i32>} : memref<64x1024xf32, #tpu.memory_space<vmem>>, vector<16xf32>,
        }
        %scan3A_467 = arith.constant 64 : i32
        %slice3A_468 = vector.extract_strided_slice %gather3A_459 {offsets = [1], sizes = [1], strides = [1]} : vector<16xf32> to vector<1xf32>
        %squeeze3A_469 = vector.extract %slice3A_468[0] : f32 from vector<1xf32>
        %broadcast_in_dim3A_470 = vector.broadcast %squeeze3A_469 : f32 to vector<16xf32>
        %scan3A_471 = arith.constant 0 : i32
        %scan3A_472 = arith.constant 64 : i32
        %scan3A_473 = arith.addi %scan3A_471, %scan3A_472 : i32
        %scan3A_474 = arith.constant 1 : i32
        scf.for %scan3A_588 = %scan3A_471 to %scan3A_473 step %scan3A_474  : i32 {
          %mul3A_589 = arith.constant 1 : i32
          %mul3A_590 = arith.muli %scan3A_588, %mul3A_589 : i32
          %add3A_591 = arith.constant 0 : i32
          %add3A_592 = arith.addi %add3A_591, %mul3A_590 : i32
          %mul3A_593 = arith.constant 16 : i32
          %mul3A_594 = arith.muli %add3A_592, %mul3A_593 : i32
          %swap3A = arith.constant 49 : i32
          %swap3A_595 = arith.index_cast %swap3A : i32 to index
          %swap3A_596 = arith.index_cast %mul3A_594 : i32 to index
          %swap3A_597 = tpu.vector_load %arg7[%swap3A_595, %swap3A_596] {strides = array<i32>} : memref<64x1024xf32, #tpu.memory_space<vmem>>, vector<16xf32>,
          tpu.vector_store %arg7[%swap3A_595, %swap3A_596], %broadcast_in_dim3A_470 {strides = array<i32>} : memref<64x1024xf32, #tpu.memory_space<vmem>>, vector<16xf32>,
        }
        %scan3A_475 = arith.constant 64 : i32
        %slice3A_476 = vector.extract_strided_slice %gather3A_459 {offsets = [2], sizes = [1], strides = [1]} : vector<16xf32> to vector<1xf32>
        %squeeze3A_477 = vector.extract %slice3A_476[0] : f32 from vector<1xf32>
        %broadcast_in_dim3A_478 = vector.broadcast %squeeze3A_477 : f32 to vector<16xf32>
        %scan3A_479 = arith.constant 0 : i32
        %scan3A_480 = arith.constant 64 : i32
        %scan3A_481 = arith.addi %scan3A_479, %scan3A_480 : i32
        %scan3A_482 = arith.constant 1 : i32
        scf.for %scan3A_588 = %scan3A_479 to %scan3A_481 step %scan3A_482  : i32 {
          %mul3A_589 = arith.constant 1 : i32
          %mul3A_590 = arith.muli %scan3A_588, %mul3A_589 : i32
          %add3A_591 = arith.constant 0 : i32
          %add3A_592 = arith.addi %add3A_591, %mul3A_590 : i32
          %mul3A_593 = arith.constant 16 : i32
          %mul3A_594 = arith.muli %add3A_592, %mul3A_593 : i32
          %swap3A = arith.constant 50 : i32
          %swap3A_595 = arith.index_cast %swap3A : i32 to index
          %swap3A_596 = arith.index_cast %mul3A_594 : i32 to index
          %swap3A_597 = tpu.vector_load %arg7[%swap3A_595, %swap3A_596] {strides = array<i32>} : memref<64x1024xf32, #tpu.memory_space<vmem>>, vector<16xf32>,
          tpu.vector_store %arg7[%swap3A_595, %swap3A_596], %broadcast_in_dim3A_478 {strides = array<i32>} : memref<64x1024xf32, #tpu.memory_space<vmem>>, vector<16xf32>,
        }
        %scan3A_483 = arith.constant 64 : i32
        %slice3A_484 = vector.extract_strided_slice %gather3A_459 {offsets = [3], sizes = [1], strides = [1]} : vector<16xf32> to vector<1xf32>
        %squeeze3A_485 = vector.extract %slice3A_484[0] : f32 from vector<1xf32>
        %broadcast_in_dim3A_486 = vector.broadcast %squeeze3A_485 : f32 to vector<16xf32>
        %scan3A_487 = arith.constant 0 : i32
        %scan3A_488 = arith.constant 64 : i32
        %scan3A_489 = arith.addi %scan3A_487, %scan3A_488 : i32
        %scan3A_490 = arith.constant 1 : i32
        scf.for %scan3A_588 = %scan3A_487 to %scan3A_489 step %scan3A_490  : i32 {
          %mul3A_589 = arith.constant 1 : i32
          %mul3A_590 = arith.muli %scan3A_588, %mul3A_589 : i32
          %add3A_591 = arith.constant 0 : i32
          %add3A_592 = arith.addi %add3A_591, %mul3A_590 : i32
          %mul3A_593 = arith.constant 16 : i32
          %mul3A_594 = arith.muli %add3A_592, %mul3A_593 : i32
          %swap3A = arith.constant 51 : i32
          %swap3A_595 = arith.index_cast %swap3A : i32 to index
          %swap3A_596 = arith.index_cast %mul3A_594 : i32 to index
          %swap3A_597 = tpu.vector_load %arg7[%swap3A_595, %swap3A_596] {strides = array<i32>} : memref<64x1024xf32, #tpu.memory_space<vmem>>, vector<16xf32>,
          tpu.vector_store %arg7[%swap3A_595, %swap3A_596], %broadcast_in_dim3A_486 {strides = array<i32>} : memref<64x1024xf32, #tpu.memory_space<vmem>>, vector<16xf32>,
        }
        %scan3A_491 = arith.constant 64 : i32
        %slice3A_492 = vector.extract_strided_slice %gather3A_459 {offsets = [4], sizes = [1], strides = [1]} : vector<16xf32> to vector<1xf32>
        %squeeze3A_493 = vector.extract %slice3A_492[0] : f32 from vector<1xf32>
        %broadcast_in_dim3A_494 = vector.broadcast %squeeze3A_493 : f32 to vector<16xf32>
        %scan3A_495 = arith.constant 0 : i32
        %scan3A_496 = arith.constant 64 : i32
        %scan3A_497 = arith.addi %scan3A_495, %scan3A_496 : i32
        %scan3A_498 = arith.constant 1 : i32
        scf.for %scan3A_588 = %scan3A_495 to %scan3A_497 step %scan3A_498  : i32 {
          %mul3A_589 = arith.constant 1 : i32
          %mul3A_590 = arith.muli %scan3A_588, %mul3A_589 : i32
          %add3A_591 = arith.constant 0 : i32
          %add3A_592 = arith.addi %add3A_591, %mul3A_590 : i32
          %mul3A_593 = arith.constant 16 : i32
          %mul3A_594 = arith.muli %add3A_592, %mul3A_593 : i32
          %swap3A = arith.constant 52 : i32
          %swap3A_595 = arith.index_cast %swap3A : i32 to index
          %swap3A_596 = arith.index_cast %mul3A_594 : i32 to index
          %swap3A_597 = tpu.vector_load %arg7[%swap3A_595, %swap3A_596] {strides = array<i32>} : memref<64x1024xf32, #tpu.memory_space<vmem>>, vector<16xf32>,
          tpu.vector_store %arg7[%swap3A_595, %swap3A_596], %broadcast_in_dim3A_494 {strides = array<i32>} : memref<64x1024xf32, #tpu.memory_space<vmem>>, vector<16xf32>,
        }
        %scan3A_499 = arith.constant 64 : i32
        %slice3A_500 = vector.extract_strided_slice %gather3A_459 {offsets = [5], sizes = [1], strides = [1]} : vector<16xf32> to vector<1xf32>
        %squeeze3A_501 = vector.extract %slice3A_500[0] : f32 from vector<1xf32>
        %broadcast_in_dim3A_502 = vector.broadcast %squeeze3A_501 : f32 to vector<16xf32>
        %scan3A_503 = arith.constant 0 : i32
        %scan3A_504 = arith.constant 64 : i32
        %scan3A_505 = arith.addi %scan3A_503, %scan3A_504 : i32
        %scan3A_506 = arith.constant 1 : i32
        scf.for %scan3A_588 = %scan3A_503 to %scan3A_505 step %scan3A_506  : i32 {
          %mul3A_589 = arith.constant 1 : i32
          %mul3A_590 = arith.muli %scan3A_588, %mul3A_589 : i32
          %add3A_591 = arith.constant 0 : i32
          %add3A_592 = arith.addi %add3A_591, %mul3A_590 : i32
          %mul3A_593 = arith.constant 16 : i32
          %mul3A_594 = arith.muli %add3A_592, %mul3A_593 : i32
          %swap3A = arith.constant 53 : i32
          %swap3A_595 = arith.index_cast %swap3A : i32 to index
          %swap3A_596 = arith.index_cast %mul3A_594 : i32 to index
          %swap3A_597 = tpu.vector_load %arg7[%swap3A_595, %swap3A_596] {strides = array<i32>} : memref<64x1024xf32, #tpu.memory_space<vmem>>, vector<16xf32>,
          tpu.vector_store %arg7[%swap3A_595, %swap3A_596], %broadcast_in_dim3A_502 {strides = array<i32>} : memref<64x1024xf32, #tpu.memory_space<vmem>>, vector<16xf32>,
        }
        %scan3A_507 = arith.constant 64 : i32
        %slice3A_508 = vector.extract_strided_slice %gather3A_459 {offsets = [6], sizes = [1], strides = [1]} : vector<16xf32> to vector<1xf32>
        %squeeze3A_509 = vector.extract %slice3A_508[0] : f32 from vector<1xf32>
        %broadcast_in_dim3A_510 = vector.broadcast %squeeze3A_509 : f32 to vector<16xf32>
        %scan3A_511 = arith.constant 0 : i32
        %scan3A_512 = arith.constant 64 : i32
        %scan3A_513 = arith.addi %scan3A_511, %scan3A_512 : i32
        %scan3A_514 = arith.constant 1 : i32
        scf.for %scan3A_588 = %scan3A_511 to %scan3A_513 step %scan3A_514  : i32 {
          %mul3A_589 = arith.constant 1 : i32
          %mul3A_590 = arith.muli %scan3A_588, %mul3A_589 : i32
          %add3A_591 = arith.constant 0 : i32
          %add3A_592 = arith.addi %add3A_591, %mul3A_590 : i32
          %mul3A_593 = arith.constant 16 : i32
          %mul3A_594 = arith.muli %add3A_592, %mul3A_593 : i32
          %swap3A = arith.constant 54 : i32
          %swap3A_595 = arith.index_cast %swap3A : i32 to index
          %swap3A_596 = arith.index_cast %mul3A_594 : i32 to index
          %swap3A_597 = tpu.vector_load %arg7[%swap3A_595, %swap3A_596] {strides = array<i32>} : memref<64x1024xf32, #tpu.memory_space<vmem>>, vector<16xf32>,
          tpu.vector_store %arg7[%swap3A_595, %swap3A_596], %broadcast_in_dim3A_510 {strides = array<i32>} : memref<64x1024xf32, #tpu.memory_space<vmem>>, vector<16xf32>,
        }
        %scan3A_515 = arith.constant 64 : i32
        %slice3A_516 = vector.extract_strided_slice %gather3A_459 {offsets = [7], sizes = [1], strides = [1]} : vector<16xf32> to vector<1xf32>
        %squeeze3A_517 = vector.extract %slice3A_516[0] : f32 from vector<1xf32>
        %broadcast_in_dim3A_518 = vector.broadcast %squeeze3A_517 : f32 to vector<16xf32>
        %scan3A_519 = arith.constant 0 : i32
        %scan3A_520 = arith.constant 64 : i32
        %scan3A_521 = arith.addi %scan3A_519, %scan3A_520 : i32
        %scan3A_522 = arith.constant 1 : i32
        scf.for %scan3A_588 = %scan3A_519 to %scan3A_521 step %scan3A_522  : i32 {
          %mul3A_589 = arith.constant 1 : i32
          %mul3A_590 = arith.muli %scan3A_588, %mul3A_589 : i32
          %add3A_591 = arith.constant 0 : i32
          %add3A_592 = arith.addi %add3A_591, %mul3A_590 : i32
          %mul3A_593 = arith.constant 16 : i32
          %mul3A_594 = arith.muli %add3A_592, %mul3A_593 : i32
          %swap3A = arith.constant 55 : i32
          %swap3A_595 = arith.index_cast %swap3A : i32 to index
          %swap3A_596 = arith.index_cast %mul3A_594 : i32 to index
          %swap3A_597 = tpu.vector_load %arg7[%swap3A_595, %swap3A_596] {strides = array<i32>} : memref<64x1024xf32, #tpu.memory_space<vmem>>, vector<16xf32>,
          tpu.vector_store %arg7[%swap3A_595, %swap3A_596], %broadcast_in_dim3A_518 {strides = array<i32>} : memref<64x1024xf32, #tpu.memory_space<vmem>>, vector<16xf32>,
        }
        %scan3A_523 = arith.constant 64 : i32
        %slice3A_524 = vector.extract_strided_slice %gather3A_459 {offsets = [8], sizes = [1], strides = [1]} : vector<16xf32> to vector<1xf32>
        %squeeze3A_525 = vector.extract %slice3A_524[0] : f32 from vector<1xf32>
        %broadcast_in_dim3A_526 = vector.broadcast %squeeze3A_525 : f32 to vector<16xf32>
        %scan3A_527 = arith.constant 0 : i32
        %scan3A_528 = arith.constant 64 : i32
        %scan3A_529 = arith.addi %scan3A_527, %scan3A_528 : i32
        %scan3A_530 = arith.constant 1 : i32
        scf.for %scan3A_588 = %scan3A_527 to %scan3A_529 step %scan3A_530  : i32 {
          %mul3A_589 = arith.constant 1 : i32
          %mul3A_590 = arith.muli %scan3A_588, %mul3A_589 : i32
          %add3A_591 = arith.constant 0 : i32
          %add3A_592 = arith.addi %add3A_591, %mul3A_590 : i32
          %mul3A_593 = arith.constant 16 : i32
          %mul3A_594 = arith.muli %add3A_592, %mul3A_593 : i32
          %swap3A = arith.constant 56 : i32
          %swap3A_595 = arith.index_cast %swap3A : i32 to index
          %swap3A_596 = arith.index_cast %mul3A_594 : i32 to index
          %swap3A_597 = tpu.vector_load %arg7[%swap3A_595, %swap3A_596] {strides = array<i32>} : memref<64x1024xf32, #tpu.memory_space<vmem>>, vector<16xf32>,
          tpu.vector_store %arg7[%swap3A_595, %swap3A_596], %broadcast_in_dim3A_526 {strides = array<i32>} : memref<64x1024xf32, #tpu.memory_space<vmem>>, vector<16xf32>,
        }
        %scan3A_531 = arith.constant 64 : i32
        %slice3A_532 = vector.extract_strided_slice %gather3A_459 {offsets = [9], sizes = [1], strides = [1]} : vector<16xf32> to vector<1xf32>
        %squeeze3A_533 = vector.extract %slice3A_532[0] : f32 from vector<1xf32>
        %broadcast_in_dim3A_534 = vector.broadcast %squeeze3A_533 : f32 to vector<16xf32>
        %scan3A_535 = arith.constant 0 : i32
        %scan3A_536 = arith.constant 64 : i32
        %scan3A_537 = arith.addi %scan3A_535, %scan3A_536 : i32
        %scan3A_538 = arith.constant 1 : i32
        scf.for %scan3A_588 = %scan3A_535 to %scan3A_537 step %scan3A_538  : i32 {
          %mul3A_589 = arith.constant 1 : i32
          %mul3A_590 = arith.muli %scan3A_588, %mul3A_589 : i32
          %add3A_591 = arith.constant 0 : i32
          %add3A_592 = arith.addi %add3A_591, %mul3A_590 : i32
          %mul3A_593 = arith.constant 16 : i32
          %mul3A_594 = arith.muli %add3A_592, %mul3A_593 : i32
          %swap3A = arith.constant 57 : i32
          %swap3A_595 = arith.index_cast %swap3A : i32 to index
          %swap3A_596 = arith.index_cast %mul3A_594 : i32 to index
          %swap3A_597 = tpu.vector_load %arg7[%swap3A_595, %swap3A_596] {strides = array<i32>} : memref<64x1024xf32, #tpu.memory_space<vmem>>, vector<16xf32>,
          tpu.vector_store %arg7[%swap3A_595, %swap3A_596], %broadcast_in_dim3A_534 {strides = array<i32>} : memref<64x1024xf32, #tpu.memory_space<vmem>>, vector<16xf32>,
        }
        %scan3A_539 = arith.constant 64 : i32
        %slice3A_540 = vector.extract_strided_slice %gather3A_459 {offsets = [10], sizes = [1], strides = [1]} : vector<16xf32> to vector<1xf32>
        %squeeze3A_541 = vector.extract %slice3A_540[0] : f32 from vector<1xf32>
        %broadcast_in_dim3A_542 = vector.broadcast %squeeze3A_541 : f32 to vector<16xf32>
        %scan3A_543 = arith.constant 0 : i32
        %scan3A_544 = arith.constant 64 : i32
        %scan3A_545 = arith.addi %scan3A_543, %scan3A_544 : i32
        %scan3A_546 = arith.constant 1 : i32
        scf.for %scan3A_588 = %scan3A_543 to %scan3A_545 step %scan3A_546  : i32 {
          %mul3A_589 = arith.constant 1 : i32
          %mul3A_590 = arith.muli %scan3A_588, %mul3A_589 : i32
          %add3A_591 = arith.constant 0 : i32
          %add3A_592 = arith.addi %add3A_591, %mul3A_590 : i32
          %mul3A_593 = arith.constant 16 : i32
          %mul3A_594 = arith.muli %add3A_592, %mul3A_593 : i32
          %swap3A = arith.constant 58 : i32
          %swap3A_595 = arith.index_cast %swap3A : i32 to index
          %swap3A_596 = arith.index_cast %mul3A_594 : i32 to index
          %swap3A_597 = tpu.vector_load %arg7[%swap3A_595, %swap3A_596] {strides = array<i32>} : memref<64x1024xf32, #tpu.memory_space<vmem>>, vector<16xf32>,
          tpu.vector_store %arg7[%swap3A_595, %swap3A_596], %broadcast_in_dim3A_542 {strides = array<i32>} : memref<64x1024xf32, #tpu.memory_space<vmem>>, vector<16xf32>,
        }
        %scan3A_547 = arith.constant 64 : i32
        %slice3A_548 = vector.extract_strided_slice %gather3A_459 {offsets = [11], sizes = [1], strides = [1]} : vector<16xf32> to vector<1xf32>
        %squeeze3A_549 = vector.extract %slice3A_548[0] : f32 from vector<1xf32>
        %broadcast_in_dim3A_550 = vector.broadcast %squeeze3A_549 : f32 to vector<16xf32>
        %scan3A_551 = arith.constant 0 : i32
        %scan3A_552 = arith.constant 64 : i32
        %scan3A_553 = arith.addi %scan3A_551, %scan3A_552 : i32
        %scan3A_554 = arith.constant 1 : i32
        scf.for %scan3A_588 = %scan3A_551 to %scan3A_553 step %scan3A_554  : i32 {
          %mul3A_589 = arith.constant 1 : i32
          %mul3A_590 = arith.muli %scan3A_588, %mul3A_589 : i32
          %add3A_591 = arith.constant 0 : i32
          %add3A_592 = arith.addi %add3A_591, %mul3A_590 : i32
          %mul3A_593 = arith.constant 16 : i32
          %mul3A_594 = arith.muli %add3A_592, %mul3A_593 : i32
          %swap3A = arith.constant 59 : i32
          %swap3A_595 = arith.index_cast %swap3A : i32 to index
          %swap3A_596 = arith.index_cast %mul3A_594 : i32 to index
          %swap3A_597 = tpu.vector_load %arg7[%swap3A_595, %swap3A_596] {strides = array<i32>} : memref<64x1024xf32, #tpu.memory_space<vmem>>, vector<16xf32>,
          tpu.vector_store %arg7[%swap3A_595, %swap3A_596], %broadcast_in_dim3A_550 {strides = array<i32>} : memref<64x1024xf32, #tpu.memory_space<vmem>>, vector<16xf32>,
        }
        %scan3A_555 = arith.constant 64 : i32
        %slice3A_556 = vector.extract_strided_slice %gather3A_459 {offsets = [12], sizes = [1], strides = [1]} : vector<16xf32> to vector<1xf32>
        %squeeze3A_557 = vector.extract %slice3A_556[0] : f32 from vector<1xf32>
        %broadcast_in_dim3A_558 = vector.broadcast %squeeze3A_557 : f32 to vector<16xf32>
        %scan3A_559 = arith.constant 0 : i32
        %scan3A_560 = arith.constant 64 : i32
        %scan3A_561 = arith.addi %scan3A_559, %scan3A_560 : i32
        %scan3A_562 = arith.constant 1 : i32
        scf.for %scan3A_588 = %scan3A_559 to %scan3A_561 step %scan3A_562  : i32 {
          %mul3A_589 = arith.constant 1 : i32
          %mul3A_590 = arith.muli %scan3A_588, %mul3A_589 : i32
          %add3A_591 = arith.constant 0 : i32
          %add3A_592 = arith.addi %add3A_591, %mul3A_590 : i32
          %mul3A_593 = arith.constant 16 : i32
          %mul3A_594 = arith.muli %add3A_592, %mul3A_593 : i32
          %swap3A = arith.constant 60 : i32
          %swap3A_595 = arith.index_cast %swap3A : i32 to index
          %swap3A_596 = arith.index_cast %mul3A_594 : i32 to index
          %swap3A_597 = tpu.vector_load %arg7[%swap3A_595, %swap3A_596] {strides = array<i32>} : memref<64x1024xf32, #tpu.memory_space<vmem>>, vector<16xf32>,
          tpu.vector_store %arg7[%swap3A_595, %swap3A_596], %broadcast_in_dim3A_558 {strides = array<i32>} : memref<64x1024xf32, #tpu.memory_space<vmem>>, vector<16xf32>,
        }
        %scan3A_563 = arith.constant 64 : i32
        %slice3A_564 = vector.extract_strided_slice %gather3A_459 {offsets = [13], sizes = [1], strides = [1]} : vector<16xf32> to vector<1xf32>
        %squeeze3A_565 = vector.extract %slice3A_564[0] : f32 from vector<1xf32>
        %broadcast_in_dim3A_566 = vector.broadcast %squeeze3A_565 : f32 to vector<16xf32>
        %scan3A_567 = arith.constant 0 : i32
        %scan3A_568 = arith.constant 64 : i32
        %scan3A_569 = arith.addi %scan3A_567, %scan3A_568 : i32
        %scan3A_570 = arith.constant 1 : i32
        scf.for %scan3A_588 = %scan3A_567 to %scan3A_569 step %scan3A_570  : i32 {
          %mul3A_589 = arith.constant 1 : i32
          %mul3A_590 = arith.muli %scan3A_588, %mul3A_589 : i32
          %add3A_591 = arith.constant 0 : i32
          %add3A_592 = arith.addi %add3A_591, %mul3A_590 : i32
          %mul3A_593 = arith.constant 16 : i32
          %mul3A_594 = arith.muli %add3A_592, %mul3A_593 : i32
          %swap3A = arith.constant 61 : i32
          %swap3A_595 = arith.index_cast %swap3A : i32 to index
          %swap3A_596 = arith.index_cast %mul3A_594 : i32 to index
          %swap3A_597 = tpu.vector_load %arg7[%swap3A_595, %swap3A_596] {strides = array<i32>} : memref<64x1024xf32, #tpu.memory_space<vmem>>, vector<16xf32>,
          tpu.vector_store %arg7[%swap3A_595, %swap3A_596], %broadcast_in_dim3A_566 {strides = array<i32>} : memref<64x1024xf32, #tpu.memory_space<vmem>>, vector<16xf32>,
        }
        %scan3A_571 = arith.constant 64 : i32
        %slice3A_572 = vector.extract_strided_slice %gather3A_459 {offsets = [14], sizes = [1], strides = [1]} : vector<16xf32> to vector<1xf32>
        %squeeze3A_573 = vector.extract %slice3A_572[0] : f32 from vector<1xf32>
        %broadcast_in_dim3A_574 = vector.broadcast %squeeze3A_573 : f32 to vector<16xf32>
        %scan3A_575 = arith.constant 0 : i32
        %scan3A_576 = arith.constant 64 : i32
        %scan3A_577 = arith.addi %scan3A_575, %scan3A_576 : i32
        %scan3A_578 = arith.constant 1 : i32
        scf.for %scan3A_588 = %scan3A_575 to %scan3A_577 step %scan3A_578  : i32 {
          %mul3A_589 = arith.constant 1 : i32
          %mul3A_590 = arith.muli %scan3A_588, %mul3A_589 : i32
          %add3A_591 = arith.constant 0 : i32
          %add3A_592 = arith.addi %add3A_591, %mul3A_590 : i32
          %mul3A_593 = arith.constant 16 : i32
          %mul3A_594 = arith.muli %add3A_592, %mul3A_593 : i32
          %swap3A = arith.constant 62 : i32
          %swap3A_595 = arith.index_cast %swap3A : i32 to index
          %swap3A_596 = arith.index_cast %mul3A_594 : i32 to index
          %swap3A_597 = tpu.vector_load %arg7[%swap3A_595, %swap3A_596] {strides = array<i32>} : memref<64x1024xf32, #tpu.memory_space<vmem>>, vector<16xf32>,
          tpu.vector_store %arg7[%swap3A_595, %swap3A_596], %broadcast_in_dim3A_574 {strides = array<i32>} : memref<64x1024xf32, #tpu.memory_space<vmem>>, vector<16xf32>,
        }
        %scan3A_579 = arith.constant 64 : i32
        %slice3A_580 = vector.extract_strided_slice %gather3A_459 {offsets = [15], sizes = [1], strides = [1]} : vector<16xf32> to vector<1xf32>
        %squeeze3A_581 = vector.extract %slice3A_580[0] : f32 from vector<1xf32>
        %broadcast_in_dim3A_582 = vector.broadcast %squeeze3A_581 : f32 to vector<16xf32>
        %scan3A_583 = arith.constant 0 : i32
        %scan3A_584 = arith.constant 64 : i32
        %scan3A_585 = arith.addi %scan3A_583, %scan3A_584 : i32
        %scan3A_586 = arith.constant 1 : i32
        scf.for %scan3A_588 = %scan3A_583 to %scan3A_585 step %scan3A_586  : i32 {
          %mul3A_589 = arith.constant 1 : i32
          %mul3A_590 = arith.muli %scan3A_588, %mul3A_589 : i32
          %add3A_591 = arith.constant 0 : i32
          %add3A_592 = arith.addi %add3A_591, %mul3A_590 : i32
          %mul3A_593 = arith.constant 16 : i32
          %mul3A_594 = arith.muli %add3A_592, %mul3A_593 : i32
          %swap3A = arith.constant 63 : i32
          %swap3A_595 = arith.index_cast %swap3A : i32 to index
          %swap3A_596 = arith.index_cast %mul3A_594 : i32 to index
          %swap3A_597 = tpu.vector_load %arg7[%swap3A_595, %swap3A_596] {strides = array<i32>} : memref<64x1024xf32, #tpu.memory_space<vmem>>, vector<16xf32>,
          tpu.vector_store %arg7[%swap3A_595, %swap3A_596], %broadcast_in_dim3A_582 {strides = array<i32>} : memref<64x1024xf32, #tpu.memory_space<vmem>>, vector<16xf32>,
        }
        %scan3A_587 = arith.constant 64 : i32
      } else {
      }
      %not3A = arith.constant true
      %not3A_39 = arith.xori %eq3A_35, %not3A : i1
      %convert_element_type3A_40 = arith.extui %not3A_39 : i1 to i32
      %cond3A_41 = arith.constant 0 : i32
      %cond3A_42 = arith.cmpi ne, %convert_element_type3A_40, %cond3A_41 : i32
      scf.if %cond3A_42 {
        %scan3A = arith.constant 0 : i32
        %scan3A_43 = arith.constant 32 : i32
        %scan3A_44 = arith.addi %scan3A, %scan3A_43 : i32
        %scan3A_45 = arith.constant 1 : i32
        scf.for %scan3A_47 = %scan3A to %scan3A_44 step %scan3A_45  : i32 {
          %mul3A_48 = arith.constant 1 : i32
          %mul3A_49 = arith.muli %scan3A_47, %mul3A_48 : i32
          %add3A_50 = arith.constant 0 : i32
          %add3A_51 = arith.addi %add3A_50, %mul3A_49 : i32
          %mul3A_52 = arith.constant 16 : i32
          %mul3A_53 = arith.muli %add3A_51, %mul3A_52 : i32
          %get3A_54 = arith.index_cast %mul3A_53 : i32 to index
          %get3A_55 = tpu.vector_load %arg6[%get3A_54] {strides = array<i32>} : memref<1024xi32, #tpu.memory_space<vmem>>, vector<16xi32>,
          %scan3A_56 = arith.constant 0 : i32
          %scan3A_57 = arith.constant 64 : i32
          %scan3A_58 = arith.addi %scan3A_56, %scan3A_57 : i32
          %scan3A_59 = arith.constant 1 : i32
          scf.for %scan3A_61 = %scan3A_56 to %scan3A_58 step %scan3A_59  : i32 {
            %mul3A_62 = arith.constant 1 : i32
            %mul3A_63 = arith.muli %scan3A_61, %mul3A_62 : i32
            %add3A_64 = arith.constant 0 : i32
            %add3A_65 = arith.addi %add3A_64, %mul3A_63 : i32
            %mul3A_66 = arith.constant 8 : i32
            %mul3A_67 = arith.muli %add3A_65, %mul3A_66 : i32
            %add3A_68 = vector.broadcast %mul3A_67 : i32 to vector<16xi32>
            %add3A_69 = arith.addi %get3A_55, %add3A_68 : vector<16xi32>
            %gather3A = tpu.vector_load_idx %arg5[%add3A_69] : memref<512xf32, #tpu.memory_space<vmem>>[vector<16xi32>], vector<16xf32>,
            %mul3A_70 = arith.constant 16 : i32
            %mul3A_71 = arith.muli %add3A_51, %mul3A_70 : i32
            %swap3A = arith.index_cast %add3A_65 : i32 to index
            %swap3A_72 = arith.index_cast %mul3A_71 : i32 to index
            %swap3A_73 = tpu.vector_load %arg7[%swap3A, %swap3A_72] {strides = array<i32>} : memref<64x1024xf32, #tpu.memory_space<vmem>>, vector<16xf32>,
            tpu.vector_store %arg7[%swap3A, %swap3A_72], %gather3A {strides = array<i32>} : memref<64x1024xf32, #tpu.memory_space<vmem>>, vector<16xf32>,
          }
          %scan3A_60 = arith.constant 64 : i32
        }
        %scan3A_46 = arith.constant 32 : i32
      } else {
      }
      "tpu.region"() ({
        %run_scoped3A = tpu.sem_alloc : memref<!tpu.dma_semaphore, #tpu.memory_space<semaphore_mem>>
        %dma_start3A = arith.constant 0 : i32
        %dma_start3A_43 = arith.constant 0 : i32
        %dma_start3A_44 = tpu.memref_slice %arg7[%dma_start3A, %dma_start3A_43] : memref<64x1024xf32, #tpu.memory_space<vmem>> -> memref<64x512xf32, #tpu.memory_space<vmem>>
        %dma_start3A_45 = arith.constant 0 : i32
        %dma_start3A_46 = arith.constant 999424 : i32
        %dma_start3A_47 = tpu.memref_slice %arg4[%dma_start3A_45, %dma_start3A_46] : memref<64x1000000xf32, #tpu.memory_space<hbm>> -> memref<64x512xf32, #tpu.memory_space<hbm>>
        %dma_start3A_48 = arith.constant 0 : i32
        %dma_start3A_49 = arith.constant 999424 : i32
        %dma_start3A_50 = tpu.memref_slice %arg4[%dma_start3A_48, %dma_start3A_49] : memref<64x1000000xf32, #tpu.memory_space<hbm>> -> memref<64x512xf32, #tpu.memory_space<hbm>>
        %dma_start3A_51 = arith.constant 0 : i32
        %dma_start3A_52 = arith.constant 0 : i32
        %dma_start3A_53 = tpu.memref_slice %arg7[%dma_start3A_51, %dma_start3A_52] : memref<64x1024xf32, #tpu.memory_space<vmem>> -> memref<64x512xf32, #tpu.memory_space<vmem>>
        tpu.enqueue_dma source(%dma_start3A_53 : memref<64x512xf32, #tpu.memory_space<vmem>>) target(%dma_start3A_50 : memref<64x512xf32, #tpu.memory_space<hbm>>) target_semaphore(%run_scoped3A : memref<!tpu.dma_semaphore, #tpu.memory_space<semaphore_mem>>)
        %dma_wait3A = arith.constant 0 : i32
        %dma_wait3A_54 = arith.constant 0 : i32
        %dma_wait3A_55 = tpu.memref_slice %arg7[%dma_wait3A, %dma_wait3A_54] : memref<64x1024xf32, #tpu.memory_space<vmem>> -> memref<64x512xf32, #tpu.memory_space<vmem>>
        %dma_wait3A_56 = arith.constant 0 : i32
        %dma_wait3A_57 = arith.constant 999424 : i32
        %dma_wait3A_58 = tpu.memref_slice %arg4[%dma_wait3A_56, %dma_wait3A_57] : memref<64x1000000xf32, #tpu.memory_space<hbm>> -> memref<64x512xf32, #tpu.memory_space<hbm>>
        %dma_wait3A_59 = arith.constant 0 : i32
        %dma_wait3A_60 = arith.constant 999424 : i32
        %dma_wait3A_61 = tpu.memref_slice %arg4[%dma_wait3A_59, %dma_wait3A_60] : memref<64x1000000xf32, #tpu.memory_space<hbm>> -> memref<64x512xf32, #tpu.memory_space<hbm>>
        %dma_wait3A_62 = arith.constant 0 : i32
        %dma_wait3A_63 = arith.constant 0 : i32
        %dma_wait3A_64 = tpu.memref_slice %arg7[%dma_wait3A_62, %dma_wait3A_63] : memref<64x1024xf32, #tpu.memory_space<vmem>> -> memref<64x512xf32, #tpu.memory_space<vmem>>
        tpu.wait_dma2 semaphore(%run_scoped3A : memref<!tpu.dma_semaphore, #tpu.memory_space<semaphore_mem>>) src(%dma_wait3A_64 : memref<64x512xf32, #tpu.memory_space<vmem>>) dst(%dma_wait3A_61 : memref<64x512xf32, #tpu.memory_space<hbm>>)
        tpu.yield
      }) : () -> ()
    } else {
    }
    return
  }
}

module attributes {stable_mosaic.version = 14 : i64} {
  func.func @_mlp_seg_kernel(%arg0: i32, %arg1: memref<64x8192xf32, #tpu.memory_space<vmem>>, %arg2: memref<4x8192xi32, #tpu.memory_space<vmem>>, %arg3: memref<3x40960xi32, #tpu.memory_space<vmem>>, %arg4: memref<64x64xf32, #tpu.memory_space<vmem>>, %arg5: memref<64x64xf32, #tpu.memory_space<vmem>>, %arg6: memref<64x64xf32, #tpu.memory_space<vmem>>, %arg7: memref<8x64xf32, #tpu.memory_space<vmem>>, %arg8: memref<64x1xf32, #tpu.memory_space<vmem>>, %arg9: memref<64x1xf32, #tpu.memory_space<vmem>>, %arg10: memref<64x1xf32, #tpu.memory_space<vmem>>, %arg11: memref<64x1xf32, #tpu.memory_space<vmem>>, %arg12: memref<64x1xf32, #tpu.memory_space<vmem>>, %arg13: memref<8x1xf32, #tpu.memory_space<vmem>>, %arg14: memref<64x8xf32, #tpu.memory_space<vmem>>, %arg15: memref<64x8xf32, #tpu.memory_space<vmem>>, %arg16: memref<8x128xf32, #tpu.memory_space<vmem>>, %arg17: memref<40960xi32, #tpu.memory_space<vmem>>) attributes {dimension_semantics = [#tpu.dimension_semantics<arbitrary>], iteration_bounds = array<i64: 25>, scalar_prefetch = 0 : i64, scratch_operands = 0 : i64, tpu.core_type = #tpu.core_type<tc>, window_params = [{transform_indices = @transform_0, window_bounds = array<i64: 64, 8192>}, {transform_indices = @transform_1, window_bounds = array<i64: 4, 8192>}, {transform_indices = @transform_2, window_bounds = array<i64: 3, 40960>}, {pipeline_mode = #tpu.pipeline_mode<synchronous>, transform_indices = @transform_3, window_bounds = array<i64: 64, 64>}, {pipeline_mode = #tpu.pipeline_mode<synchronous>, transform_indices = @transform_4, window_bounds = array<i64: 64, 64>}, {pipeline_mode = #tpu.pipeline_mode<synchronous>, transform_indices = @transform_5, window_bounds = array<i64: 64, 64>}, {pipeline_mode = #tpu.pipeline_mode<synchronous>, transform_indices = @transform_6, window_bounds = array<i64: 8, 64>}, {pipeline_mode = #tpu.pipeline_mode<synchronous>, transform_indices = @transform_7, window_bounds = array<i64: 64, 1>}, {pipeline_mode = #tpu.pipeline_mode<synchronous>, transform_indices = @transform_8, window_bounds = array<i64: 64, 1>}, {pipeline_mode = #tpu.pipeline_mode<synchronous>, transform_indices = @transform_9, window_bounds = array<i64: 64, 1>}, {pipeline_mode = #tpu.pipeline_mode<synchronous>, transform_indices = @transform_10, window_bounds = array<i64: 64, 1>}, {pipeline_mode = #tpu.pipeline_mode<synchronous>, transform_indices = @transform_11, window_bounds = array<i64: 64, 1>}, {pipeline_mode = #tpu.pipeline_mode<synchronous>, transform_indices = @transform_12, window_bounds = array<i64: 8, 1>}, {pipeline_mode = #tpu.pipeline_mode<synchronous>, transform_indices = @transform_13, window_bounds = array<i64: 64, 8>}, {pipeline_mode = #tpu.pipeline_mode<synchronous>, transform_indices = @transform_14, window_bounds = array<i64: 64, 8>}, {pipeline_mode = #tpu.pipeline_mode<synchronous>, transform_indices = @transform_15, window_bounds = array<i64: 8, 128>}, {transform_indices = @transform_16, window_bounds = array<i64: 40960>}]} {
    %get3A = arith.constant 0 : index
    %get3A_0 = arith.constant 0 : index
    %get3A_1 = vector.load %arg3[%get3A, %get3A_0] : memref<3x40960xi32, #tpu.memory_space<vmem>>, vector<1x40960xi32>
    %get3A_2 = vector.shape_cast %get3A_1 : vector<1x40960xi32> to vector<40960xi32>
    %swap3A = arith.constant 0 : index
    %swap3A_3 = vector.load %arg17[%swap3A] : memref<40960xi32, #tpu.memory_space<vmem>>, vector<40960xi32>
    tpu.vector_store %arg17[%swap3A], %get3A_2 {strides = array<i32>} : memref<40960xi32, #tpu.memory_space<vmem>>, vector<40960xi32>,
    %sqrt3A = arith.constant 1.000010e+00 : f32
    %sqrt3A_4 = math.sqrt %sqrt3A : f32
    %div3A = arith.constant 1.000000e+00 : f32
    %div3A_5 = arith.divf %div3A, %sqrt3A_4 : f32
    %get3A_6 = arith.constant 0 : index
    %get3A_7 = arith.constant 0 : index
    %get3A_8 = vector.load %arg1[%get3A_6, %get3A_7] : memref<64x8192xf32, #tpu.memory_space<vmem>>, vector<64x8192xf32>
    %get3A_9 = arith.constant 0 : index
    %get3A_10 = arith.constant 0 : index
    %get3A_11 = vector.load %arg4[%get3A_9, %get3A_10] : memref<64x64xf32, #tpu.memory_space<vmem>>, vector<64x64xf32>
    %dot_general3A = arith.constant dense<0.000000e+00> : vector<64x8192xf32>
    %dot_general3A_12 = tpu.matmul %get3A_11, %get3A_8, %dot_general3A {dimension_numbers = #tpu.dot_dimension_numbers<[1], [0], [0], [1], [0, 0, 1, 1], [], []>, transpose_lhs_hint = false} : vector<64x64xf32>, vector<64x8192xf32>, vector<64x8192xf32> -> vector<64x8192xf32>
    %get3A_13 = arith.constant 0 : index
    %get3A_14 = arith.constant 0 : index
    %get3A_15 = vector.load %arg8[%get3A_13, %get3A_14] : memref<64x1xf32, #tpu.memory_space<vmem>>, vector<64x1xf32>
    %mul3A = vector.broadcast %div3A_5 : f32 to vector<64x1xf32>
    %mul3A_16 = arith.mulf %get3A_15, %mul3A : vector<64x1xf32>
    %mul3A_17 = vector.broadcast %mul3A_16 : vector<64x1xf32> to vector<64x8192xf32>
    %mul3A_18 = arith.mulf %dot_general3A_12, %mul3A_17 : vector<64x8192xf32>
    %get3A_19 = arith.constant 0 : index
    %get3A_20 = arith.constant 0 : index
    %get3A_21 = vector.load %arg9[%get3A_19, %get3A_20] : memref<64x1xf32, #tpu.memory_space<vmem>>, vector<64x1xf32>
    %add3A = vector.broadcast %get3A_21 : vector<64x1xf32> to vector<64x8192xf32>
    %add3A_22 = arith.addf %mul3A_18, %add3A : vector<64x8192xf32>
    %max3A = arith.constant 0.000000e+00 : f32
    %max3A_23 = vector.broadcast %max3A : f32 to vector<64x8192xf32>
    %max3A_24 = arith.maximumf %add3A_22, %max3A_23 : vector<64x8192xf32>
    %get3A_25 = arith.constant 0 : index
    %get3A_26 = arith.constant 0 : index
    %get3A_27 = vector.load %arg5[%get3A_25, %get3A_26] : memref<64x64xf32, #tpu.memory_space<vmem>>, vector<64x64xf32>
    %dot_general3A_28 = arith.constant dense<0.000000e+00> : vector<64x8192xf32>
    %dot_general3A_29 = tpu.matmul %get3A_27, %max3A_24, %dot_general3A_28 {dimension_numbers = #tpu.dot_dimension_numbers<[1], [0], [0], [1], [0, 0, 1, 1], [], []>, transpose_lhs_hint = false} : vector<64x64xf32>, vector<64x8192xf32>, vector<64x8192xf32> -> vector<64x8192xf32>
    %get3A_30 = arith.constant 0 : index
    %get3A_31 = arith.constant 0 : index
    %get3A_32 = vector.load %arg10[%get3A_30, %get3A_31] : memref<64x1xf32, #tpu.memory_space<vmem>>, vector<64x1xf32>
    %mul3A_33 = vector.broadcast %div3A_5 : f32 to vector<64x1xf32>
    %mul3A_34 = arith.mulf %get3A_32, %mul3A_33 : vector<64x1xf32>
    %mul3A_35 = vector.broadcast %mul3A_34 : vector<64x1xf32> to vector<64x8192xf32>
    %mul3A_36 = arith.mulf %dot_general3A_29, %mul3A_35 : vector<64x8192xf32>
    %get3A_37 = arith.constant 0 : index
    %get3A_38 = arith.constant 0 : index
    %get3A_39 = vector.load %arg11[%get3A_37, %get3A_38] : memref<64x1xf32, #tpu.memory_space<vmem>>, vector<64x1xf32>
    %add3A_40 = vector.broadcast %get3A_39 : vector<64x1xf32> to vector<64x8192xf32>
    %add3A_41 = arith.addf %mul3A_36, %add3A_40 : vector<64x8192xf32>
    %max3A_42 = arith.constant 0.000000e+00 : f32
    %max3A_43 = vector.broadcast %max3A_42 : f32 to vector<64x8192xf32>
    %max3A_44 = arith.maximumf %add3A_41, %max3A_43 : vector<64x8192xf32>
    %iota3A = tpu.iota {dimensions = array<i32: 1>} : vector<1x8192xi32>
    %mul3A_45 = arith.constant 8192 : i32
    %mul3A_46 = arith.muli %arg0, %mul3A_45 : i32
    %add3A_47 = vector.broadcast %mul3A_46 : i32 to vector<1x8192xi32>
    %add3A_48 = arith.addi %iota3A, %add3A_47 : vector<1x8192xi32>
    %lt3A = arith.constant 200000 : i32
    %lt3A_49 = vector.broadcast %lt3A : i32 to vector<1x8192xi32>
    %lt3A_50 = arith.cmpi slt, %add3A_48, %lt3A_49 : vector<1x8192xi32>
    %get3A_51 = arith.constant 0 : index
    %get3A_52 = arith.constant 0 : index
    %get3A_53 = vector.load %arg7[%get3A_51, %get3A_52] : memref<8x64xf32, #tpu.memory_space<vmem>>, vector<8x64xf32>
    %dot_general3A_54 = arith.constant dense<0.000000e+00> : vector<8x8192xf32>
    %dot_general3A_55 = tpu.matmul %get3A_53, %max3A_44, %dot_general3A_54 {dimension_numbers = #tpu.dot_dimension_numbers<[1], [0], [0], [1], [0, 0, 1, 1], [], []>, transpose_lhs_hint = false} : vector<8x64xf32>, vector<64x8192xf32>, vector<8x8192xf32> -> vector<8x8192xf32>
    %get3A_56 = arith.constant 0 : index
    %get3A_57 = arith.constant 0 : index
    %get3A_58 = vector.load %arg13[%get3A_56, %get3A_57] : memref<8x1xf32, #tpu.memory_space<vmem>>, vector<8x1xf32>
    %add3A_59 = vector.broadcast %get3A_58 : vector<8x1xf32> to vector<8x8192xf32>
    %add3A_60 = arith.addf %dot_general3A_55, %add3A_59 : vector<8x8192xf32>
    %tanh3A = math.tanh %add3A_60 : vector<8x8192xf32>
    %mul3A_61 = arith.constant 2.000000e+00 : f32
    %mul3A_62 = vector.broadcast %mul3A_61 : f32 to vector<8x8192xf32>
    %mul3A_63 = arith.mulf %tanh3A, %mul3A_62 : vector<8x8192xf32>
    %jit3A = arith.constant 0.000000e+00 : f32
    %broadcast_in_dim3A = vector.shape_cast %lt3A_50 : vector<1x8192xi1> to vector<1x8192xi1>
    %broadcast_in_dim3A_64 = vector.broadcast %broadcast_in_dim3A : vector<1x8192xi1> to vector<8x8192xi1>
    %broadcast_in_dim3A_65 = vector.broadcast %jit3A : f32 to vector<8x8192xf32>
    %select_n3A = arith.select %broadcast_in_dim3A_64, %mul3A_63, %broadcast_in_dim3A_65 : vector<8x8192xi1>, vector<8x8192xf32>
    %abs3A = math.absf %select_n3A : vector<8x8192xf32>
    %reduce_sum3A = vector.shape_cast %abs3A : vector<8x8192xf32> to vector<1x8x8192xf32>
    %reduce_sum3A_66 = arith.constant dense<0.000000e+00> : vector<1xf32>
    %reduce_sum3A_67 = vector.multi_reduction <add>, %reduce_sum3A, %reduce_sum3A_66 [1, 2] : vector<1x8x8192xf32> to vector<1xf32>
    %reduce_sum3A_68 = vector.shape_cast %reduce_sum3A_67 : vector<1xf32> to vector<1x1x1xf32>
    %reduce_sum3A_69 = vector.extract %reduce_sum3A_68[0, 0, 0] : f32 from vector<1x1x1xf32>
    %get3A_70 = arith.constant 0 : index
    %get3A_71 = arith.constant 0 : index
    %get3A_72 = vector.load %arg6[%get3A_70, %get3A_71] : memref<64x64xf32, #tpu.memory_space<vmem>>, vector<64x64xf32>
    %dot_general3A_73 = arith.constant dense<0.000000e+00> : vector<64x8192xf32>
    %dot_general3A_74 = tpu.matmul %get3A_72, %max3A_44, %dot_general3A_73 {dimension_numbers = #tpu.dot_dimension_numbers<[1], [0], [0], [1], [0, 0, 1, 1], [], []>, transpose_lhs_hint = false} : vector<64x64xf32>, vector<64x8192xf32>, vector<64x8192xf32> -> vector<64x8192xf32>
    %get3A_75 = arith.constant 0 : index
    %get3A_76 = arith.constant 0 : index
    %get3A_77 = vector.load %arg12[%get3A_75, %get3A_76] : memref<64x1xf32, #tpu.memory_space<vmem>>, vector<64x1xf32>
    %add3A_78 = vector.broadcast %get3A_77 : vector<64x1xf32> to vector<64x8192xf32>
    %add3A_79 = arith.addf %dot_general3A_74, %add3A_78 : vector<64x8192xf32>
    %jit3A_80 = arith.constant 0.000000e+00 : f32
    %broadcast_in_dim3A_81 = vector.shape_cast %lt3A_50 : vector<1x8192xi1> to vector<1x8192xi1>
    %broadcast_in_dim3A_82 = vector.broadcast %broadcast_in_dim3A_81 : vector<1x8192xi1> to vector<64x8192xi1>
    %broadcast_in_dim3A_83 = vector.broadcast %jit3A_80 : f32 to vector<64x8192xf32>
    %select_n3A_84 = arith.select %broadcast_in_dim3A_82, %add3A_79, %broadcast_in_dim3A_83 : vector<64x8192xi1>, vector<64x8192xf32>
    %get3A_85 = arith.constant 0 : index
    %get3A_86 = arith.constant 0 : index
    %get3A_87 = vector.load %arg2[%get3A_85, %get3A_86] : memref<4x8192xi32, #tpu.memory_space<vmem>>, vector<1x8192xi32>
    %iota3A_88 = tpu.iota {dimensions = array<i32: 0>} : vector<8x8192xi32>
    %eq3A = vector.broadcast %get3A_87 : vector<1x8192xi32> to vector<8x8192xi32>
    %eq3A_89 = arith.cmpi eq, %eq3A, %iota3A_88 : vector<8x8192xi32>
    %and3A = vector.broadcast %lt3A_50 : vector<1x8192xi1> to vector<8x8192xi1>
    %and3A_90 = arith.andi %eq3A_89, %and3A : vector<8x8192xi1>
    %convert_element_type3A = arith.extui %and3A_90 : vector<8x8192xi1> to vector<8x8192xi32>
    %convert_element_type3A_91 = arith.sitofp %convert_element_type3A : vector<8x8192xi32> to vector<8x8192xf32>
    %dot_general3A_92 = arith.constant dense<0.000000e+00> : vector<64x8xf32>
    %dot_general3A_93 = tpu.matmul %select_n3A_84, %convert_element_type3A_91, %dot_general3A_92 {dimension_numbers = #tpu.dot_dimension_numbers<[1], [1], [0], [0], [0, 0, 1, 0], [], []>, transpose_lhs_hint = false} : vector<64x8192xf32>, vector<8x8192xf32>, vector<64x8xf32> -> vector<64x8xf32>
    %broadcast_in_dim3A_94 = arith.constant 1.000000e+00 : f32
    %broadcast_in_dim3A_95 = vector.broadcast %broadcast_in_dim3A_94 : f32 to vector<64x8192xf32>
    %dot_general3A_96 = arith.constant dense<0.000000e+00> : vector<64x8xf32>
    %dot_general3A_97 = tpu.matmul %broadcast_in_dim3A_95, %convert_element_type3A_91, %dot_general3A_96 {dimension_numbers = #tpu.dot_dimension_numbers<[1], [1], [0], [0], [0, 0, 1, 0], [], []>, transpose_lhs_hint = false} : vector<64x8192xf32>, vector<8x8192xf32>, vector<64x8xf32> -> vector<64x8xf32>
    %eq3A_98 = arith.constant 0 : i32
    %eq3A_99 = arith.cmpi eq, %arg0, %eq3A_98 : i32
    %convert_element_type3A_100 = arith.extui %eq3A_99 : i1 to i32
    %cond3A = arith.constant 0 : i32
    %cond3A_101 = arith.cmpi ne, %convert_element_type3A_100, %cond3A : i32
    scf.if %cond3A_101 {
      %broadcast_in_dim3A_129 = arith.constant 0.000000e+00 : f32
      %broadcast_in_dim3A_130 = vector.broadcast %broadcast_in_dim3A_129 : f32 to vector<64x8xf32>
      %swap3A_131 = arith.constant 0 : index
      %swap3A_132 = arith.constant 0 : index
      %swap3A_133 = vector.load %arg14[%swap3A_131, %swap3A_132] : memref<64x8xf32, #tpu.memory_space<vmem>>, vector<64x8xf32>
      tpu.vector_store %arg14[%swap3A_131, %swap3A_132], %broadcast_in_dim3A_130 {strides = array<i32>} : memref<64x8xf32, #tpu.memory_space<vmem>>, vector<64x8xf32>,
      %broadcast_in_dim3A_134 = arith.constant 0.000000e+00 : f32
      %broadcast_in_dim3A_135 = vector.broadcast %broadcast_in_dim3A_134 : f32 to vector<64x8xf32>
      %swap3A_136 = arith.constant 0 : index
      %swap3A_137 = arith.constant 0 : index
      %swap3A_138 = vector.load %arg15[%swap3A_136, %swap3A_137] : memref<64x8xf32, #tpu.memory_space<vmem>>, vector<64x8xf32>
      tpu.vector_store %arg15[%swap3A_136, %swap3A_137], %broadcast_in_dim3A_135 {strides = array<i32>} : memref<64x8xf32, #tpu.memory_space<vmem>>, vector<64x8xf32>,
      %broadcast_in_dim3A_139 = arith.constant 0.000000e+00 : f32
      %broadcast_in_dim3A_140 = vector.broadcast %broadcast_in_dim3A_139 : f32 to vector<8x128xf32>
      %swap3A_141 = arith.constant 0 : index
      %swap3A_142 = arith.constant 0 : index
      %swap3A_143 = vector.load %arg16[%swap3A_141, %swap3A_142] : memref<8x128xf32, #tpu.memory_space<vmem>>, vector<8x128xf32>
      tpu.vector_store %arg16[%swap3A_141, %swap3A_142], %broadcast_in_dim3A_140 {strides = array<i32>} : memref<8x128xf32, #tpu.memory_space<vmem>>, vector<8x128xf32>,
    } else {
    }
    %get3A_102 = arith.constant 0 : index
    %get3A_103 = arith.constant 0 : index
    %get3A_104 = vector.load %arg14[%get3A_102, %get3A_103] : memref<64x8xf32, #tpu.memory_space<vmem>>, vector<64x8xf32>
    %add3A_105 = arith.addf %get3A_104, %dot_general3A_93 : vector<64x8xf32>
    %swap3A_106 = arith.constant 0 : index
    %swap3A_107 = arith.constant 0 : index
    %swap3A_108 = vector.load %arg14[%swap3A_106, %swap3A_107] : memref<64x8xf32, #tpu.memory_space<vmem>>, vector<64x8xf32>
    tpu.vector_store %arg14[%swap3A_106, %swap3A_107], %add3A_105 {strides = array<i32>} : memref<64x8xf32, #tpu.memory_space<vmem>>, vector<64x8xf32>,
    %get3A_109 = arith.constant 0 : index
    %get3A_110 = arith.constant 0 : index
    %get3A_111 = vector.load %arg15[%get3A_109, %get3A_110] : memref<64x8xf32, #tpu.memory_space<vmem>>, vector<64x8xf32>
    %add3A_112 = arith.addf %get3A_111, %dot_general3A_97 : vector<64x8xf32>
    %swap3A_113 = arith.constant 0 : index
    %swap3A_114 = arith.constant 0 : index
    %swap3A_115 = vector.load %arg15[%swap3A_113, %swap3A_114] : memref<64x8xf32, #tpu.memory_space<vmem>>, vector<64x8xf32>
    tpu.vector_store %arg15[%swap3A_113, %swap3A_114], %add3A_112 {strides = array<i32>} : memref<64x8xf32, #tpu.memory_space<vmem>>, vector<64x8xf32>,
    %get3A_116 = arith.constant 0 : index
    %get3A_117 = arith.constant 0 : index
    %get3A_118 = vector.load %arg16[%get3A_116, %get3A_117] : memref<8x128xf32, #tpu.memory_space<vmem>>, vector<8x128xf32>
    %add3A_119 = vector.broadcast %reduce_sum3A_69 : f32 to vector<8x128xf32>
    %add3A_120 = arith.addf %get3A_118, %add3A_119 : vector<8x128xf32>
    %swap3A_121 = arith.constant 0 : index
    %swap3A_122 = arith.constant 0 : index
    %swap3A_123 = vector.load %arg16[%swap3A_121, %swap3A_122] : memref<8x128xf32, #tpu.memory_space<vmem>>, vector<8x128xf32>
    tpu.vector_store %arg16[%swap3A_121, %swap3A_122], %add3A_120 {strides = array<i32>} : memref<8x128xf32, #tpu.memory_space<vmem>>, vector<8x128xf32>,
    %eq3A_124 = arith.constant 24 : i32
    %eq3A_125 = arith.cmpi eq, %arg0, %eq3A_124 : i32
    %convert_element_type3A_126 = arith.extui %eq3A_125 : i1 to i32
    %cond3A_127 = arith.constant 0 : i32
    %cond3A_128 = arith.cmpi ne, %convert_element_type3A_126, %cond3A_127 : i32
    scf.if %cond3A_128 {
      %get3A_129 = arith.constant 0 : index
      %get3A_130 = arith.constant 0 : index
      %get3A_131 = vector.load %arg15[%get3A_129, %get3A_130] : memref<64x8xf32, #tpu.memory_space<vmem>>, vector<64x8xf32>
      %get3A_132 = arith.constant 0 : index
      %get3A_133 = arith.constant 0 : index
      %get3A_134 = vector.load %arg14[%get3A_132, %get3A_133] : memref<64x8xf32, #tpu.memory_space<vmem>>, vector<64x8xf32>
      %gt3A = arith.constant 0.000000e+00 : f32
      %gt3A_135 = vector.broadcast %gt3A : f32 to vector<64x8xf32>
      %gt3A_136 = arith.cmpf ogt, %get3A_131, %gt3A_135 : vector<64x8xf32>
      %max3A_137 = arith.constant 1.000000e+00 : f32
      %max3A_138 = vector.broadcast %max3A_137 : f32 to vector<64x8xf32>
      %max3A_139 = arith.maximumf %get3A_131, %max3A_138 : vector<64x8xf32>
      %div3A_140 = arith.divf %get3A_134, %max3A_139 : vector<64x8xf32>
      %jit3A_141 = arith.constant 0.000000e+00 : f32
      %broadcast_in_dim3A_142 = vector.broadcast %jit3A_141 : f32 to vector<64x8xf32>
      %select_n3A_143 = arith.select %gt3A_136, %div3A_140, %broadcast_in_dim3A_142 : vector<64x8xi1>, vector<64x8xf32>
      %swap3A_144 = arith.constant 0 : index
      %swap3A_145 = arith.constant 0 : index
      %swap3A_146 = vector.load %arg14[%swap3A_144, %swap3A_145] : memref<64x8xf32, #tpu.memory_space<vmem>>, vector<64x8xf32>
      tpu.vector_store %arg14[%swap3A_144, %swap3A_145], %select_n3A_143 {strides = array<i32>} : memref<64x8xf32, #tpu.memory_space<vmem>>, vector<64x8xf32>,
      %get3A_147 = arith.constant 0 : index
      %get3A_148 = arith.constant 0 : index
      %get3A_149 = vector.load %arg16[%get3A_147, %get3A_148] : memref<8x128xf32, #tpu.memory_space<vmem>>, vector<8x128xf32>
      %div3A_150 = arith.constant 6.000000e+05 : f32
      %div3A_151 = vector.broadcast %div3A_150 : f32 to vector<8x128xf32>
      %div3A_152 = arith.divf %get3A_149, %div3A_151 : vector<8x128xf32>
      %swap3A_153 = arith.constant 0 : index
      %swap3A_154 = arith.constant 0 : index
      %swap3A_155 = vector.load %arg16[%swap3A_153, %swap3A_154] : memref<8x128xf32, #tpu.memory_space<vmem>>, vector<8x128xf32>
      tpu.vector_store %arg16[%swap3A_153, %swap3A_154], %div3A_152 {strides = array<i32>} : memref<8x128xf32, #tpu.memory_space<vmem>>, vector<8x128xf32>,
    } else {
    }
    return
  }
  func.func @transform_0(%arg0: i32) -> (i32, i32) {
    %c0_i32 = arith.constant 0 : i32
    %c0_i32_0 = arith.constant 0 : i32
    return %c0_i32, %arg0 : i32, i32
  }
  func.func @transform_1(%arg0: i32) -> (i32, i32) {
    %c0_i32 = arith.constant 0 : i32
    %c0_i32_0 = arith.constant 0 : i32
    return %c0_i32, %arg0 : i32, i32
  }
  func.func @transform_2(%arg0: i32) -> (i32, i32) {
    %c0_i32 = arith.constant 0 : i32
    %c0_i32_0 = arith.constant 0 : i32
    return %c0_i32, %arg0 : i32, i32
  }
  func.func @transform_3(%arg0: i32) -> (i32, i32) {
    %c0_i32 = arith.constant 0 : i32
    %c0_i32_0 = arith.constant 0 : i32
    %c0_i32_1 = arith.constant 0 : i32
    return %c0_i32, %c0_i32_0 : i32, i32
  }
  func.func @transform_4(%arg0: i32) -> (i32, i32) {
    %c0_i32 = arith.constant 0 : i32
    %c0_i32_0 = arith.constant 0 : i32
    %c0_i32_1 = arith.constant 0 : i32
    return %c0_i32, %c0_i32_0 : i32, i32
  }
  func.func @transform_5(%arg0: i32) -> (i32, i32) {
    %c0_i32 = arith.constant 0 : i32
    %c0_i32_0 = arith.constant 0 : i32
    %c0_i32_1 = arith.constant 0 : i32
    return %c0_i32, %c0_i32_0 : i32, i32
  }
  func.func @transform_6(%arg0: i32) -> (i32, i32) {
    %c0_i32 = arith.constant 0 : i32
    %c0_i32_0 = arith.constant 0 : i32
    %c0_i32_1 = arith.constant 0 : i32
    return %c0_i32, %c0_i32_0 : i32, i32
  }
  func.func @transform_7(%arg0: i32) -> (i32, i32) {
    %c0_i32 = arith.constant 0 : i32
    %c0_i32_0 = arith.constant 0 : i32
    %c0_i32_1 = arith.constant 0 : i32
    return %c0_i32, %c0_i32_0 : i32, i32
  }
  func.func @transform_8(%arg0: i32) -> (i32, i32) {
    %c0_i32 = arith.constant 0 : i32
    %c0_i32_0 = arith.constant 0 : i32
    %c0_i32_1 = arith.constant 0 : i32
    return %c0_i32, %c0_i32_0 : i32, i32
  }
  func.func @transform_9(%arg0: i32) -> (i32, i32) {
    %c0_i32 = arith.constant 0 : i32
    %c0_i32_0 = arith.constant 0 : i32
    %c0_i32_1 = arith.constant 0 : i32
    return %c0_i32, %c0_i32_0 : i32, i32
  }
  func.func @transform_10(%arg0: i32) -> (i32, i32) {
    %c0_i32 = arith.constant 0 : i32
    %c0_i32_0 = arith.constant 0 : i32
    %c0_i32_1 = arith.constant 0 : i32
    return %c0_i32, %c0_i32_0 : i32, i32
  }
  func.func @transform_11(%arg0: i32) -> (i32, i32) {
    %c0_i32 = arith.constant 0 : i32
    %c0_i32_0 = arith.constant 0 : i32
    %c0_i32_1 = arith.constant 0 : i32
    return %c0_i32, %c0_i32_0 : i32, i32
  }
  func.func @transform_12(%arg0: i32) -> (i32, i32) {
    %c0_i32 = arith.constant 0 : i32
    %c0_i32_0 = arith.constant 0 : i32
    %c0_i32_1 = arith.constant 0 : i32
    return %c0_i32, %c0_i32_0 : i32, i32
  }
  func.func @transform_13(%arg0: i32) -> (i32, i32) {
    %c0_i32 = arith.constant 0 : i32
    %c0_i32_0 = arith.constant 0 : i32
    %c0_i32_1 = arith.constant 0 : i32
    return %c0_i32, %c0_i32_0 : i32, i32
  }
  func.func @transform_14(%arg0: i32) -> (i32, i32) {
    %c0_i32 = arith.constant 0 : i32
    %c0_i32_0 = arith.constant 0 : i32
    %c0_i32_1 = arith.constant 0 : i32
    return %c0_i32, %c0_i32_0 : i32, i32
  }
  func.func @transform_15(%arg0: i32) -> (i32, i32) {
    %c0_i32 = arith.constant 0 : i32
    %c0_i32_0 = arith.constant 0 : i32
    %c0_i32_1 = arith.constant 0 : i32
    return %c0_i32, %c0_i32_0 : i32, i32
  }
  func.func @transform_16(%arg0: i32) -> i32 {
    %c0_i32 = arith.constant 0 : i32
    return %arg0 : i32
  }
}

</mosaic_0001>

<sc_bundles>
// kernel: kernel.4.cloned.1.call-start
scs
__scs_entry_jumppad:
0x0: {  	(pc) =	sbr.rel $0x88, $3  }
0x1: {  	(tag) =	ssettag $0x0;
	lr =	simm.s32 $0x1  }
0x2: {  	[smem:$0x3F94] =	sst lr;
	_ =	strace $0xD0000000  }
0x3: {  	_ = 	snop  }
0x4: {  	_ = 	snop  }
0x5: {  	_ = 	snop  }
0x6: {  	_ = 	snop  }
0x7: {  	_ = 	snop  }
__scs_overlays_trampoline_lowered:
0x8: {  	[smem:$0x3FA3] =	sst s0  }
0x9: {  	[smem:$0x3FA4] =	sst s1  }
0xa: {  	[smem:$0x3FA5] =	sst s2  }
0xb: {  	[smem:$0x3FA6] =	sst s3  }
0xc: {  	[smem:$0x3FA7] =	sst s4  }
0xd: {  	[smem:$0x3FA8] =	sst s5  }
0xe: {  	[smem:$0x3FA9] =	sst s6  }
0xf: {  	[smem:$0x3FAA] =	sst s7  }
0x10: {  	[smem:$0x3FAB] =	sst s8  }
0x11: {  	[smem:$0x3FAC] =	sst s9;
	s0 =	simm.s32 @!p0 $0x0  }
0x12: {  	s1 =	sld [smem:$0x3F92];
	s0 =	simm.s32 @p0 $0x1  }
0x13: {  	[smem:$0x3FAD] =	sst s0;
	s0 =	simm.s32 @!p1 $0x0  }
0x14: {  	s2 =	sld [smem:$0x3F91];
	s0 =	simm.s32 @p1 $0x1  }
0x15: {  	[smem:$0x3FAE] =	sst s0;
	s0 =	simm.s32 @!p2 $0x0  }
0x16: {  	s3 =	sld [smem:$0x3FDB];
	s0 =	simm.s32 @p2 $0x1  }
0x17: {  	s4 =	simm.s32 $0x1BF5;
	[smem:$0x3FB0] =	sst s0  }
0x18: {  	s0 =	sld [smem:$0x3F93];
	_ =	swait.ge [sflag:s4], $0x0  }
0x19: {  	s7 =	sld [smem:$0x3F94]  }
0x1a: {  	s8 =	sadd.s32 $0xFFFFE003, lr  }
0x1b: {  	s9 =	sadd.s32 $0xFFFFFEF7, lr;
	s5 =	simm.s32 $0xFFFFFFFF;
	p2 =	slt.u32 s8, $0xFFFFF086  }
0x1c: {  	p1 =	slt.u32 s9, $0xF7A;
	s5 =	simm.s32 @!p2 $0x0  }
0x1d: {  	s5 =	simm.s32 @p1 $0x1;
	p0 =	seq.s32 s7, s2  }
0x1e: {  	s7 =	smul.u32 @!p0 $0xF7A, s2;
	p2 =	seq.s32 @!p0 s5, $0x0  }
0x1f: {  	s9 =	smul.u32 $0xF7A, s1;
	s8 =	simm.s32 @!p0 $0x1BF5;
	p2 =	por !p2, p0  }
0x20: {  	[sflag:s8] =	ssyncset.s32 @!p0 $0xFFFFF086;
	s6 =	sadd.s32 @!p0 s3, s7;
	s7 =	simm.s32 @!p0 $0x108  }
0x21: {  	s3 =	sadd.s32 s3, s9;
	s6 =	sadd.s32 @!p0 $0x88, s6;
	s7 =	simm.s32 @p2 $0x1082  }
0x22: {  	[simem:s7], [sflag:s8] =	dma.local @!p0 [hbm:s6], $0xF7A  }
0x23: {  	s9 =	sor.u32 $0xD0000000, s2;
	s6 =	simm.s32 $0x108;
	_ =	swait.ge @!p0 [sflag:s8], $0x0  }
0x24: {  	s3 =	sadd.s32 $0x88, s3;
	s6 =	simm.s32 @!p1 $0x1082;
	[sflag:s4] =	ssyncset.s32 $0xFFFFF086  }
0x25: {  	[simem:s6], [sflag:s4] =	dma.local [hbm:s3], $0xF7A  }
0x26: {  	[smem:$0x3F94] =	sst s1;
	(tag) =	ssettag s2;
	_ =	strace s9  }
0x27: {  	s1 =	sld [smem:$0x3FA4]  }
0x28: {  	s2 =	sld [smem:$0x3FA5]  }
0x29: {  	s4 =	sld [smem:$0x3FA7]  }
0x2a: {  	p0 =	seq.s32 s5, $0x0;
	s5 =	sld [smem:$0x3FA8]  }
0x2b: {  	s6 =	sld [smem:$0x3FA9]  }
0x2c: {  	s7 =	sld [smem:$0x3FAA]  }
0x2d: {  	s3 =	simm.s32 $0x108;
	s8 =	sld [smem:$0x3FAB]  }
0x2e: {  	s3 =	simm.s32 @!p0 $0x1082;
	s9 =	sld [smem:$0x3FAC]  }
0x2f: {  	lr =	sadd.s32 s0, s3;
	s0 =	sld [smem:$0x3FA3]  }
0x30: {  	s3 =	sld [smem:$0x3FA6]  }
0x31: {  	[smem:$0x3FAF] =	sst s10  }
0x32: {  	s10 =	sld [smem:$0x3FAD];
	_ =	sdelay $0x3  }
0x33: {  	p0 =	seq.s32 s10, $0x1;
	s10 =	sld [smem:$0x3FAF];
	_ =	sdelay $0x3  }
0x34: {  	[smem:$0x3FAF] =	sst s10  }
0x35: {  	s10 =	sld [smem:$0x3FAE];
	_ =	sdelay $0x3  }
0x36: {  	p1 =	seq.s32 s10, $0x1;
	s10 =	sld [smem:$0x3FAF];
	_ =	sdelay $0x3  }
0x37: {  	[smem:$0x3FAF] =	sst s10  }
0x38: {  	s10 =	sld [smem:$0x3FB0]  }
0x39: {  	_ = 	snop;
	(pc) =	sbr.ind lr, $3  }
0x3a: {  	_ = 	snop  }
0x3b: {  	_ = 	snop  }
0x3c: {  	p2 =	seq.s32 s10, $0x1;
	s10 =	sld [smem:$0x3FAF]  }
0x3d: {  	_ =	shalt  }
0x3e: {  	_ =	shalt  }
0x3f: {  	_ =	shalt  }
0x40: {  	_ =	shalt  }
0x41: {  	_ =	shalt  }
0x42: {  	_ =	shalt  }
0x43: {  	_ =	shalt  }
0x44: {  	_ =	shalt  }
0x45: {  	_ =	shalt  }
0x46: {  	_ =	shalt  }
0x47: {  	_ =	shalt  }
0x48: {  	_ =	shalt  }
0x49: {  	_ =	shalt  }
0x4a: {  	_ =	shalt  }
0x4b: {  	_ =	shalt  }
0x4c: {  	_ =	shalt  }
0x4d: {  	_ =	shalt  }
0x4e: {  	_ =	shalt  }
0x4f: {  	_ =	shalt  }
0x50: {  	_ =	shalt  }
0x51: {  	_ =	shalt  }
0x52: {  	_ =	shalt  }
0x53: {  	_ =	shalt  }
0x54: {  	_ =	shalt  }
0x55: {  	_ =	shalt  }
0x56: {  	_ =	shalt  }
0x57: {  	_ =	shalt  }
0x58: {  	_ =	shalt  }
0x59: {  	_ =	shalt  }
0x5a: {  	_ =	shalt  }
0x5b: {  	_ =	shalt  }
0x5c: {  	_ =	shalt  }
0x5d: {  	_ =	shalt  }
0x5e: {  	_ =	shalt  }
0x5f: {  	_ =	shalt  }
0x60: {  	_ =	shalt  }
0x61: {  	_ =	shalt  }
0x62: {  	_ =	shalt  }
0x63: {  	_ =	shalt  }
0x64: {  	_ =	shalt  }
0x65: {  	_ =	shalt  }
0x66: {  	_ =	shalt  }
0x67: {  	_ =	shalt  }
0x68: {  	_ =	shalt  }
0x69: {  	_ =	shalt  }
0x6a: {  	_ =	shalt  }
0x6b: {  	_ =	shalt  }
0x6c: {  	_ =	shalt  }
0x6d: {  	_ =	shalt  }
0x6e: {  	_ =	shalt  }
0x6f: {  	_ =	shalt  }
0x70: {  	_ =	shalt  }
0x71: {  	_ =	shalt  }
0x72: {  	_ =	shalt  }
0x73: {  	_ =	shalt  }
0x74: {  	_ =	shalt  }
0x75: {  	_ =	shalt  }
0x76: {  	_ =	shalt  }
0x77: {  	_ =	shalt  }
0x78: {  	_ =	shalt  }
0x79: {  	_ =	shalt  }
0x7a: {  	_ =	shalt  }
0x7b: {  	_ =	shalt  }
0x7c: {  	_ =	shalt  }
0x7d: {  	_ =	shalt  }
0x7e: {  	_ =	shalt  }
0x7f: {  	_ =	shalt  }
0x80: {  	_ =	shalt  }
0x81: {  	_ =	shalt  }
0x82: {  	_ =	shalt  }
0x83: {  	_ =	shalt  }
0x84: {  	_ =	shalt  }
0x85: {  	_ =	shalt  }
0x86: {  	_ =	shalt  }
0x87: {  	_ =	shalt  }
.Lfunc_end0:
.L_simem_size_0:
called_computation_lowered:
.L_overlay_start_0:
0x88: {  	s2 =	sld [smem:$0x3FD9]  }
0x89: {  	s3 =	sld [smem:$0x3FFE];
	_ =	sdelay $0x1  }
0x8a: {  	s1 =	srdreg.scid  }
0x8b: {  	s0 =	sand.u32 $0x1, s1  }
0x8c: {  	s14 =	sshll.u32 s0, $0xA;
	s2 =	sadd.s32 s3, s2  }
0x8d: {  	s2 =	sadd.s32 s2, s14  }
0x8e: {  	[smem:$0x3FBB] =	sst s2  }
0x8f: {  	_ = 	snop  }
0x90: {  	s2 =	sld [smem:$0x3FD0];
	_ =	sdelay $0x2  }
0x91: {  	s15 =	simm.s32 $0xA;
	s4 =	simm.s32 $0x10  }
0x92: {  	[smem:s4], [sflag:s15] =	dma.local [hbm:s2], $0x1  }
0x93: {  	_ =	swait.eq [sflag:s15], $0x1  }
0x94: {  	[sflag:s15] =	ssyncset.done $0x0  }
0x95: {  	[sflag:s15] =	ssyncadd.s32 $0xFFFFFFFF  }
0x96: {  	s16 =	sld [smem:$0x10];
	(tm) =	ssettm $0x1  }
0x97: {  	s17 =	sld [smem:$0x3FFB];
	_ =	sdelay $0x3  }
0x98: {  	_ =	strace s17  }
0x99: {  	s3 =	sld [smem:$0x3FFC];
	_ =	sdelay $0x3  }
0x9a: {  	_ =	strace s3  }
0x9b: {  	s3 =	sld [smem:$0x3FFD];
	_ =	sdelay $0x3  }
0x9c: {  	_ =	strace s3  }
0x9d: {  	_ =	strace $0x8FFFFFFF  }
0x9e: {  	s18 =	sld [smem:$0x3FDB];
	_ =	sdelay $0x1  }
0x9f: {  	s19 =	simm.s32 $_scs_section_size  }
0xa0: {  	s5 =	simm.s32 $_size__tile_overlayer_lowered;
	s6 =	simm.s32 $_tile_overlayer_lowered  }
0xa1: {  	s22 =	simm.s32 $0x1BFF;
	s21 =	sshll.u32 s6, $0x1;
	s3 =	sadd.s32 s19, s18  }
0xa2: {  	s7 =	simm.s32 $0x0;
	s20 =	sshll.u32 s5, $0x1;
	s5 =	sadd.s32 s21, s3  }
0xa3: {  	[timem:s7], [sflag:s22] =	dma.local [hbm:s5], s20  }
0xa4: {  	_ =	swait.ge [sflag:s22], s20  }
0xa5: {  	s4 =	ssub.s32 $0x0, s20;
	[sflag:s22] =	ssyncset.done $0x0  }
0xa6: {  	[sflag:s22] =	ssyncadd.s32 s4;
	_ =	sdelay $0x1  }
0xa7: {  	s23 =	simm.s32 $0x1B8B  }
0xa8: {  	_ =	swait.ge [sflag:s23], $0x1  }
0xa9: {  	[sflag:s23] =	ssyncset.done $0x0  }
0xaa: {  	s25 =	simm.s32 $0x1B8E;
	s24 =	sld [smem:$0x3FFE];
	[sflag:s23] =	ssyncadd.s32 $0xFFFFFFFF  }
0xab: {  	s26 =	simm.s32 $execute0_lowered;
	[smem:$0x3FD2] =	sst s25  }
0xac: {  	s5 =	sshll.u32 s26, $0x1;
	_ =	strace $0x80000046;
	[dreg:$0x1] =	wrdreg $0xFFFFFFFF  }
0xad: {  	s28 =	simm.s32 $_size_execute0_lowered;
	s3 =	sadd.s32 s3, s5;
	[dreg:$0x0] =	wrdreg $0x0  }
0xae: {  	s5 =	sshll.u32 s28, $0x1;
	[dreg:$0x2] =	wrdreg s3  }
0xaf: {  	[dreg:$0x3] =	wrdreg s5  }
0xb0: {  	[dreg:$0x4] =	wrdreg $0xC0  }
0xb1: {  	_ =	task [dreg:s7], $0x5FFFF  }
0xb2: {  	[dreg:$0x1] =	wrdreg $0xFFFFFFFF  }
0xb3: {  	[dreg:$0x0] =	wrdreg $0x60  }
0xb4: {  	[dreg:$0x2] =	wrdreg s24  }
0xb5: {  	[dreg:$0x3] =	wrdreg s16  }
0xb6: {  	[dreg:$0x4] =	wrdreg $0x9  }
0xb7: {  	_ =	task.clear_ibuf [dreg:s7], $0x5FFFF;
	_ =	strace $0x90000046  }
0xb8: {  	s29 =	simm.s32 $0x9;
	_ =	strace $0x80000048  }
0xb9: {  	_ =	swait.ge [sflag:s29], $0x1  }
0xba: {  	[sflag:s29] =	ssyncadd.s32 $0xFFFFFFFF  }
0xbb: {  	_ =	strace $0x90000048  }
0xbc: {  	_ =	sfence  }
0xbd: {  	s30 =	sld [smem:$0x0];
	_ =	sdelay $0x2  }
0xbe: {  	s31 =	sshll.u32 s1, $0xD;
	s1 =	sshrl.u32 s1, $0x2  }
0xbf: {  	s3 =	sand.u32 $0x4000, s31;
	s1 =	sadd.s32 s1, s30  }
0xc0: {  	s0 =	sor.u32 s3, s0;
	s1 =	sshll.u32 s1, $0x11  }
0xc1: {  	s0 =	sor.u32 s1, s0  }
0xc2: {  	s0 =	sadd.s32 $0x8F2B, s0  }
0xc3: {  	[sflag:s0] =	ssyncadd.remote.s32 $0x1  }
0xc4: {  	_ =	sfence.sel $0xFFFF  }
0xc5: {  	[dreg:$0x0] =	wrdreg $0xFFFFFFFF;
	(pc) =	sbr.abs _section_cstart, $3  }
0xc6: {  	[dreg:$0x1] =	wrdreg $0xFFFFFFFF  }
0xc7: {  	_ =	task.clear_ibuf [dreg:s7], $0x2FFFF;
	_ =	strace $0x9FFFFFFF  }
0xc8: {  	(tm) =	ssettm $0x7FFFFFFF  }
0xc9: {  	_ =	shalt  }
tec
execute0_lowered:
.L_overlay_start_1:
0x0: {  	(tag) =	ssettag $0x1  }
0x1: {  	s0 =	rddreg [dreg:$0x0]  }
0x2: {  	s2 =	rddreg [dreg:$0x1];
	s3 =	simm.s32 $0x0;
	s1 =	srdreg.scid  }
0x3: {  	s9 =	stileid.u32;
	s11 =	simm.s32 $0x1;
	s12 =	simm.s32 $0x200  }
0x4: {  	s13 =	simm.s32 $0x2000;
	s14 =	simm.s32 $0x7A1400;
	s15 =	simm.s32 $0x600  }
0x5: {  	s18 =	simm.s32 $0x6600;
	s19 =	simm.s32 $0x8600;
	s20 =	simm.s32 $0xA600  }
0x6: {  	s21 =	simm.s32 $0xC600;
	s22 =	simm.s32 $0xE600;
	s23 =	simm.s32 $0x0  }
0x7: {  	[smem:$0x7FF] =	sst s3;
	s1 =	sand.u32 $0x1, s1;
	s4 =	sshll.u32 s9, $0x1  }
0x8: {  	s5 =	sadd.s32 $0x1600, s0;
	p0 =	slt.u32 s9, $0x8;
	s9 =	sadd.s32 $0xF4000, s2  }
.Ltmp0:
0x9: {  	s6 =	ssub.s32 $0x2, s1;
	s1 =	sor.u32 s1, s4;
	(pc) =	sbr.rel .LBB2_1-.Ltmp0, $4  }
0xa: {  	v0 =	vlaneseq.u32;
	_ =	strace $0x80000047;
	s7 =	sshrl.u32 s6, $0x1;
	s8 =	smul.u32 $0x1E, s1  }
0xb: {  	v0 =	vmul.u32 $0x8, v0;
	s31 =	smin.u32 s1, $0x10;
	s10 =	ssub.s32 s6, s7;
	s7 =	simm.s32 $0x1F  }
0xc: {  	s4 =	sadd.s32 $0x20600, s0;
	s6 =	sadd.s32 s31, s8;
	s7 =	simm.s32 @!p0 $0x1E  }
0xd: {  	v1 =	vor.u32 $0x80, v0;
	v2 =	vor.u32 $0x100, v0;
	v3 =	vor.u32 $0x180, v0;
	s8 =	sadd.s32 $0x1FE00, s0;
	s10 =	smax.u32 s10, $0x1;
	p0 =	sne.s32 s1, $0x1F  }
.LBB2_271:
0xe: {  	[hbm4b:s9+s3] =	stream.linear.scatter [tilespmem:s15], [sflag:$0x1], $0x1000, $0x38;
	[tilespmem:$0x10600] =	vst v63  }
0xf: {  	s0 =	sadd.s32 $0xF4280, s9;
	s1 =	simm.s32 $0x2600  }
0x10: {  	[hbm4b:s0+s3] =	stream.linear.scatter [tilespmem:s1], [sflag:$0x1], $0x1000, $0x38;
	[tilespmem:$0x10600] =	vst v63  }
0x11: {  	s24 =	sadd.s32 $0x1E8500, s9;
	s25 =	simm.s32 $0x4600  }
0x12: {  	[hbm4b:s24+s3] =	stream.linear.scatter [tilespmem:s25], [sflag:$0x1], $0x1000, $0x38;
	[tilespmem:$0x10600] =	vst v63  }
0x13: {  	s26 =	sadd.s32 $0x2DC780, s9  }
0x14: {  	[hbm4b:s26+s3] =	stream.linear.scatter [tilespmem:s18], [sflag:$0x1], $0x1000, $0x38;
	[tilespmem:$0x10600] =	vst v63  }
0x15: {  	s28 =	sadd.s32 $0x3D0A00, s9  }
0x16: {  	[hbm4b:s28+s3] =	stream.linear.scatter [tilespmem:s19], [sflag:$0x1], $0x1000, $0x38;
	[tilespmem:$0x10600] =	vst v63  }
0x17: {  	s29 =	sadd.s32 $0x4C4C80, s9  }
0x18: {  	[hbm4b:s29+s3] =	stream.linear.scatter [tilespmem:s20], [sflag:$0x1], $0x1000, $0x38;
	[tilespmem:$0x10600] =	vst v63  }
0x19: {  	s30 =	sadd.s32 $0x5B8F00, s9  }
0x1a: {  	[hbm4b:s30+s3] =	stream.linear.scatter [tilespmem:s21], [sflag:$0x1], $0x1000, $0x38;
	[tilespmem:$0x10600] =	vst v63  }
0x1b: {  	s31 =	sadd.s32 $0x6AD180, s9  }
0x1c: {  	[hbm4b:s31+s3] =	stream.linear.scatter [tilespmem:s22], [sflag:$0x1], $0x1000, $0x38;
	[tilespmem:$0x10600] =	vst v63  }
0x1d: {  	_ =	swait.ge [sflag:s11], $0x8000  }
0x1e: {  	[sflag:s11] =	ssyncset.done $0x0  }
0x1f: {  	[sflag:s11] =	ssyncadd.s32 $0xFFFF8000  }
.LBB2_272:
0x20: {  	s23 =	sadd.s32 $0x1, s23  }
0x21: {  	p1 =	sne.s32 s23, s10  }
.Ltmp1:
0x22: {  	_ = 	snop;
	(pc) =	sbr.rel @!p1 .LBB2_273-.Ltmp1, $1  }
0x23: {  	_ =	sdelay $0x3  }
.LBB2_1:
.Ltmp2:
0x24: {  	(pc) =	sbr.rel .LBB2_2-.Ltmp2, $4  }
0x25: {  	[tilespmem:s3], [sflag:$0x1] =	stream.linear.gather [hbm4b:s4+s3], $0x200, $0x38;
	[tilespmem:$0x10600] =	vst v63  }
0x26: {  	_ =	swait.ge [sflag:s11], $0x200  }
0x27: {  	[sflag:s11] =	ssyncset.done $0x0  }
0x28: {  	s26 =	simm.s32 $0xFFFFFFFF;
	s24 =	simm.s32 $0x0;
	[sflag:s11] =	ssyncadd.s32 $0xFFFFFE00  }
.LBB2_136:
0x29: {  	s0 =	sshll.u32 s25, $0xA;
	s24 =	sadd.s32 $0x1, s24  }
0x2a: {  	s0 =	sand.u32 $0x1FFFFC00, s0;
	p1 =	sne.s32 s24, s7  }
.Ltmp3:
0x2b: {  	s0 =	sadd.s32 s2, s0;
	(pc) =	sbr.rel @!p1 .LBB2_137-.Ltmp3, $4  }
0x2c: {  	[hbm4b:s0+s13] =	stream.strided.scatter [tilespmem:s15], [sflag:$0x1], $0x10000, s14, s13, $0x38;
	[tilespmem:$0x10600] =	vst v63  }
0x2d: {  	_ =	swait.ge [sflag:s11], $0x10000  }
0x2e: {  	[sflag:s11] =	ssyncset.done $0x0  }
0x2f: {  	[sflag:s11] =	ssyncadd.s32 $0xFFFF0000  }
.LBB2_2:
0x30: {  	s25 =	sadd.s32 s24, s6  }
0x31: {  	s0 =	sshll.u32 s25, $0x7  }
0x32: {  	s0 =	sand.u32 $0x1FFFFF80, s0  }
0x33: {  	s0 =	sadd.s32 s5, s0  }
0x34: {  	[tilespmem:s12], [sflag:$0x1] =	stream.linear.gather [hbm4b:s0+s3], $0x400, $0x38;
	[tilespmem:$0x10600] =	vst v63  }
0x35: {  	_ =	swait.ge [sflag:s11], $0x400  }
0x36: {  	[sflag:s11] =	ssyncset.done $0x0  }
0x37: {  	[sflag:s11] =	ssyncadd.s32 $0xFFFFFC00  }
0x38: {  	v4 =	vld [tilespmem:$0x200]  }
0x39: {  	v5 =	vld [tilespmem:$0x5F0];
	_ =	sdelay $0x3  }
0x3a: {  	(v2sf) =	vpush v4, $0x0  }
0x3b: {  	(v2sf) =	vpush v5, $0xF;
	_ =	sdelay $0xd  }
0x3c: {  	s31 =	smov.u32 s26;
	s26 =	spop (v2sf)  }
0x3d: {  	s28 =	spop (v2sf);
	p1 =	seq.s32 s26, s31  }
0x3e: {  	p2 =	sne.s32 @!p1 s26, s28  }
0x3f: {  	p1 =	por p1, p2  }
.Ltmp4:
0x40: {  	_ = 	snop;
	(pc) =	sbr.rel @p1 .LBB2_131-.Ltmp4, $1  }
0x41: {  	_ =	sdelay $0x3  }
0x42: {  	v4 =	vbroadcast v4, $0x0;
	_ =	sdelay $0x1  }
0x43: {  	v5 =	vadd.s32 v0, v4;
	_ =	sdelay $0x3  }
0x44: {  	s0 =	simm.s32 $0x0  }
0x45: {  	v5 =	vld.idx.msk [tilespmem:v5+s0+$0x0], $0xffff;
	_ =	sdelay $0x4  }
0x46: {  	s1 =	sand.u32 $0x70, s0;
	s29 =	sand.u32 $0x1C00, s0;
	v6 =	vbroadcast v5, $0x0  }
0x47: {  	s29 =	sor.u32 s1, s29  }
0x48: {  	s1 =	simm.s32 $0x10;
	[tilespmem:s29+$0x600] =	vst v6  }
.LBB2_4:
0x49: {  	p1 =	sne.s32 s1, $0x3F0  }
.Ltmp5:
0x4a: {  	_ = 	snop;
	(pc) =	sbr.rel @p1 .LBB2_4-.Ltmp5, $4  }
0x4b: {  	s0 =	sadd.s32 $0x80, s0  }
0x4c: {  	s29 =	sand.u32 $0x70, s1;
	s30 =	sand.u32 $0x1C00, s0  }
0x4d: {  	s29 =	sor.u32 s29, s30  }
0x4e: {  	s1 =	sadd.s32 $0x10, s1;
	[tilespmem:s29+$0x600] =	vst v6  }
0x4f: {  	s0 =	simm.s32 $0x0  }
0x50: {  	v6 =	vbroadcast v5, $0x1;
	s1 =	sand.u32 $0x70, s0;
	s29 =	sand.u32 $0x1C00, s0  }
0x51: {  	s29 =	sor.u32 s1, s29  }
0x52: {  	s1 =	simm.s32 $0x10;
	[tilespmem:s29+$0x680] =	vst v6  }
.LBB2_6:
0x53: {  	p1 =	sne.s32 s1, $0x3F0  }
.Ltmp6:
0x54: {  	_ = 	snop;
	(pc) =	sbr.rel @p1 .LBB2_6-.Ltmp6, $4  }
0x55: {  	s0 =	sadd.s32 $0x80, s0  }
0x56: {  	s29 =	sand.u32 $0x70, s1;
	s30 =	sand.u32 $0x1C00, s0  }
0x57: {  	s29 =	sor.u32 s29, s30  }
0x58: {  	s1 =	sadd.s32 $0x10, s1;
	[tilespmem:s29+$0x680] =	vst v6  }
0x59: {  	s0 =	simm.s32 $0x0  }
0x5a: {  	v6 =	vbroadcast v5, $0x2;
	s1 =	sand.u32 $0x70, s0;
	s29 =	sand.u32 $0x1C00, s0  }
0x5b: {  	s29 =	sor.u32 s1, s29  }
0x5c: {  	s1 =	simm.s32 $0x10;
	[tilespmem:s29+$0x700] =	vst v6  }
.LBB2_8:
0x5d: {  	p1 =	sne.s32 s1, $0x3F0  }
.Ltmp7:
0x5e: {  	_ = 	snop;
	(pc) =	sbr.rel @p1 .LBB2_8-.Ltmp7, $4  }
0x5f: {  	s0 =	sadd.s32 $0x80, s0  }
0x60: {  	s29 =	sand.u32 $0x70, s1;
	s30 =	sand.u32 $0x1C00, s0  }
0x61: {  	s29 =	sor.u32 s29, s30  }
0x62: {  	s1 =	sadd.s32 $0x10, s1;
	[tilespmem:s29+$0x700] =	vst v6  }
0x63: {  	s0 =	simm.s32 $0x0  }
0x64: {  	v6 =	vbroadcast v5, $0x3;
	s1 =	sand.u32 $0x70, s0;
	s29 =	sand.u32 $0x1C00, s0  }
0x65: {  	s29 =	sor.u32 s1, s29  }
0x66: {  	s1 =	simm.s32 $0x10;
	[tilespmem:s29+$0x780] =	vst v6  }
.LBB2_10:
0x67: {  	p1 =	sne.s32 s1, $0x3F0  }
.Ltmp8:
0x68: {  	_ = 	snop;
	(pc) =	sbr.rel @p1 .LBB2_10-.Ltmp8, $4  }
0x69: {  	s0 =	sadd.s32 $0x80, s0  }
0x6a: {  	s29 =	sand.u32 $0x70, s1;
	s30 =	sand.u32 $0x1C00, s0  }
0x6b: {  	s29 =	sor.u32 s29, s30  }
0x6c: {  	s1 =	sadd.s32 $0x10, s1;
	[tilespmem:s29+$0x780] =	vst v6  }
0x6d: {  	s0 =	simm.s32 $0x0  }
0x6e: {  	v6 =	vbroadcast v5, $0x4;
	s1 =	sand.u32 $0x70, s0;
	s29 =	sand.u32 $0x1C00, s0  }
0x6f: {  	s29 =	sor.u32 s1, s29  }
0x70: {  	s1 =	simm.s32 $0x10;
	[tilespmem:s29+$0x800] =	vst v6  }
.LBB2_12:
0x71: {  	p1 =	sne.s32 s1, $0x3F0  }
.Ltmp9:
0x72: {  	_ = 	snop;
	(pc) =	sbr.rel @p1 .LBB2_12-.Ltmp9, $4  }
0x73: {  	s0 =	sadd.s32 $0x80, s0  }
0x74: {  	s29 =	sand.u32 $0x70, s1;
	s30 =	sand.u32 $0x1C00, s0  }
0x75: {  	s29 =	sor.u32 s29, s30  }
0x76: {  	s1 =	sadd.s32 $0x10, s1;
	[tilespmem:s29+$0x800] =	vst v6  }
0x77: {  	s0 =	simm.s32 $0x0  }
0x78: {  	v6 =	vbroadcast v5, $0x5;
	s1 =	sand.u32 $0x70, s0;
	s29 =	sand.u32 $0x1C00, s0  }
0x79: {  	s29 =	sor.u32 s1, s29  }
0x7a: {  	s1 =	simm.s32 $0x10;
	[tilespmem:s29+$0x880] =	vst v6  }
.LBB2_14:
0x7b: {  	p1 =	sne.s32 s1, $0x3F0  }
.Ltmp10:
0x7c: {  	_ = 	snop;
	(pc) =	sbr.rel @p1 .LBB2_14-.Ltmp10, $4  }
0x7d: {  	s0 =	sadd.s32 $0x80, s0  }
0x7e: {  	s29 =	sand.u32 $0x70, s1;
	s30 =	sand.u32 $0x1C00, s0  }
0x7f: {  	s29 =	sor.u32 s29, s30  }
0x80: {  	s1 =	sadd.s32 $0x10, s1;
	[tilespmem:s29+$0x880] =	vst v6  }
0x81: {  	s0 =	simm.s32 $0x0  }
0x82: {  	v6 =	vbroadcast v5, $0x6;
	s1 =	sand.u32 $0x70, s0;
	s29 =	sand.u32 $0x1C00, s0  }
0x83: {  	s29 =	sor.u32 s1, s29  }
0x84: {  	s1 =	simm.s32 $0x10;
	[tilespmem:s29+$0x900] =	vst v6  }
.LBB2_16:
0x85: {  	p1 =	sne.s32 s1, $0x3F0  }
.Ltmp11:
0x86: {  	_ = 	snop;
	(pc) =	sbr.rel @p1 .LBB2_16-.Ltmp11, $4  }
0x87: {  	s0 =	sadd.s32 $0x80, s0  }
0x88: {  	s29 =	sand.u32 $0x70, s1;
	s30 =	sand.u32 $0x1C00, s0  }
0x89: {  	s29 =	sor.u32 s29, s30  }
0x8a: {  	s1 =	sadd.s32 $0x10, s1;
	[tilespmem:s29+$0x900] =	vst v6  }
0x8b: {  	s0 =	simm.s32 $0x0  }
0x8c: {  	s29 =	sor.u32 s0, s0  }
0x8d: {  	v6 =	vbroadcast v5, $0x7;
	s1 =	simm.s32 $0x10;
	s29 =	sor.u32 $0x380, s29  }
.LBB2_18:
0x8e: {  	p1 =	sne.s32 s1, $0x3F0  }
0x8f: {  	[tilespmem:s29+$0x600] =	vst v6;
	s0 =	sadd.s32 $0x80, s0;
	s29 =	smov.u32 s1;
	s1 =	sadd.s32 $0x10, s1  }
.Ltmp12:
0x90: {  	(pc) =	sbr.rel @p1 .LBB2_18-.Ltmp12, $3  }
0x91: {  	_ =	sdelay $0x1  }
0x92: {  	s29 =	sor.u32 s0, s29  }
0x93: {  	s29 =	sor.u32 $0x380, s29  }
0x94: {  	s0 =	simm.s32 $0x0  }
0x95: {  	v7 =	vbroadcast v5, $0x8;
	s1 =	sand.u32 $0x70, s0;
	s30 =	sand.u32 $0x1C00, s0  }
0x96: {  	[tilespmem:s29+$0x600] =	vst v6;
	s31 =	sor.u32 s1, s30  }
0x97: {  	s1 =	simm.s32 $0x10;
	[tilespmem:s31+$0x2600] =	vst v7  }
.LBB2_20:
0x98: {  	p1 =	sne.s32 s1, $0x3F0  }
.Ltmp13:
0x99: {  	_ = 	snop;
	(pc) =	sbr.rel @p1 .LBB2_20-.Ltmp13, $4  }
0x9a: {  	s0 =	sadd.s32 $0x80, s0  }
0x9b: {  	s29 =	sand.u32 $0x70, s1;
	s30 =	sand.u32 $0x1C00, s0  }
0x9c: {  	s29 =	sor.u32 s29, s30  }
0x9d: {  	s1 =	sadd.s32 $0x10, s1;
	[tilespmem:s29+$0x2600] =	vst v7  }
0x9e: {  	s0 =	simm.s32 $0x0  }
0x9f: {  	v6 =	vbroadcast v5, $0x9;
	s1 =	sand.u32 $0x70, s0;
	s29 =	sand.u32 $0x1C00, s0  }
0xa0: {  	s29 =	sor.u32 s1, s29  }
0xa1: {  	s1 =	simm.s32 $0x10;
	[tilespmem:s29+$0x2680] =	vst v6  }
.LBB2_22:
0xa2: {  	p1 =	sne.s32 s1, $0x3F0  }
.Ltmp14:
0xa3: {  	_ = 	snop;
	(pc) =	sbr.rel @p1 .LBB2_22-.Ltmp14, $4  }
0xa4: {  	s0 =	sadd.s32 $0x80, s0  }
0xa5: {  	s29 =	sand.u32 $0x70, s1;
	s30 =	sand.u32 $0x1C00, s0  }
0xa6: {  	s29 =	sor.u32 s29, s30  }
0xa7: {  	s1 =	sadd.s32 $0x10, s1;
	[tilespmem:s29+$0x2680] =	vst v6  }
0xa8: {  	s0 =	simm.s32 $0x0  }
0xa9: {  	v6 =	vbroadcast v5, $0xA;
	s1 =	sand.u32 $0x70, s0;
	s29 =	sand.u32 $0x1C00, s0  }
0xaa: {  	s29 =	sor.u32 s1, s29  }
0xab: {  	s1 =	simm.s32 $0x10;
	[tilespmem:s29+$0x2700] =	vst v6  }
.LBB2_24:
0xac: {  	p1 =	sne.s32 s1, $0x3F0  }
.Ltmp15:
0xad: {  	_ = 	snop;
	(pc) =	sbr.rel @p1 .LBB2_24-.Ltmp15, $4  }
0xae: {  	s0 =	sadd.s32 $0x80, s0  }
0xaf: {  	s29 =	sand.u32 $0x70, s1;
	s30 =	sand.u32 $0x1C00, s0  }
0xb0: {  	s29 =	sor.u32 s29, s30  }
0xb1: {  	s1 =	sadd.s32 $0x10, s1;
	[tilespmem:s29+$0x2700] =	vst v6  }
0xb2: {  	s0 =	simm.s32 $0x0  }
0xb3: {  	v6 =	vbroadcast v5, $0xB;
	s1 =	sand.u32 $0x70, s0;
	s29 =	sand.u32 $0x1C00, s0  }
0xb4: {  	s29 =	sor.u32 s1, s29  }
0xb5: {  	s1 =	simm.s32 $0x10;
	[tilespmem:s29+$0x2780] =	vst v6  }
.LBB2_26:
0xb6: {  	p1 =	sne.s32 s1, $0x3F0  }
.Ltmp16:
0xb7: {  	_ = 	snop;
	(pc) =	sbr.rel @p1 .LBB2_26-.Ltmp16, $4  }
0xb8: {  	s0 =	sadd.s32 $0x80, s0  }
0xb9: {  	s29 =	sand.u32 $0x70, s1;
	s30 =	sand.u32 $0x1C00, s0  }
0xba: {  	s29 =	sor.u32 s29, s30  }
0xbb: {  	s1 =	sadd.s32 $0x10, s1;
	[tilespmem:s29+$0x2780] =	vst v6  }
0xbc: {  	s0 =	simm.s32 $0x0  }
0xbd: {  	v6 =	vbroadcast v5, $0xC;
	s1 =	sand.u32 $0x70, s0;
	s29 =	sand.u32 $0x1C00, s0  }
0xbe: {  	s29 =	sor.u32 s1, s29  }
0xbf: {  	s1 =	simm.s32 $0x10;
	[tilespmem:s29+$0x2800] =	vst v6  }
.LBB2_28:
0xc0: {  	p1 =	sne.s32 s1, $0x3F0  }
.Ltmp17:
0xc1: {  	_ = 	snop;
	(pc) =	sbr.rel @p1 .LBB2_28-.Ltmp17, $4  }
0xc2: {  	s0 =	sadd.s32 $0x80, s0  }
0xc3: {  	s29 =	sand.u32 $0x70, s1;
	s30 =	sand.u32 $0x1C00, s0  }
0xc4: {  	s29 =	sor.u32 s29, s30  }
0xc5: {  	s1 =	sadd.s32 $0x10, s1;
	[tilespmem:s29+$0x2800] =	vst v6  }
0xc6: {  	s0 =	simm.s32 $0x0  }
0xc7: {  	v6 =	vbroadcast v5, $0xD;
	s1 =	sand.u32 $0x70, s0;
	s29 =	sand.u32 $0x1C00, s0  }
0xc8: {  	s29 =	sor.u32 s1, s29  }
0xc9: {  	s1 =	simm.s32 $0x10;
	[tilespmem:s29+$0x2880] =	vst v6  }
.LBB2_30:
0xca: {  	p1 =	sne.s32 s1, $0x3F0  }
.Ltmp18:
0xcb: {  	_ = 	snop;
	(pc) =	sbr.rel @p1 .LBB2_30-.Ltmp18, $4  }
0xcc: {  	s0 =	sadd.s32 $0x80, s0  }
0xcd: {  	s29 =	sand.u32 $0x70, s1;
	s30 =	sand.u32 $0x1C00, s0  }
0xce: {  	s29 =	sor.u32 s29, s30  }
0xcf: {  	s1 =	sadd.s32 $0x10, s1;
	[tilespmem:s29+$0x2880] =	vst v6  }
0xd0: {  	s0 =	simm.s32 $0x0  }
0xd1: {  	v6 =	vbroadcast v5, $0xE;
	s1 =	sand.u32 $0x70, s0;
	s29 =	sand.u32 $0x1C00, s0  }
0xd2: {  	s29 =	sor.u32 s1, s29  }
0xd3: {  	s1 =	simm.s32 $0x10;
	[tilespmem:s29+$0x2900] =	vst v6  }
.LBB2_32:
0xd4: {  	p1 =	sne.s32 s1, $0x3F0  }
.Ltmp19:
0xd5: {  	_ = 	snop;
	(pc) =	sbr.rel @p1 .LBB2_32-.Ltmp19, $4  }
0xd6: {  	s0 =	sadd.s32 $0x80, s0  }
0xd7: {  	s29 =	sand.u32 $0x70, s1;
	s30 =	sand.u32 $0x1C00, s0  }
0xd8: {  	s29 =	sor.u32 s29, s30  }
0xd9: {  	s1 =	sadd.s32 $0x10, s1;
	[tilespmem:s29+$0x2900] =	vst v6  }
0xda: {  	s0 =	simm.s32 $0x0  }
0xdb: {  	v5 =	vbroadcast v5, $0xF;
	s1 =	sand.u32 $0x70, s0;
	s29 =	sand.u32 $0x1C00, s0  }
0xdc: {  	s29 =	sor.u32 s1, s29  }
0xdd: {  	s1 =	simm.s32 $0x10;
	[tilespmem:s29+$0x2980] =	vst v5  }
.LBB2_34:
0xde: {  	p1 =	sne.s32 s1, $0x3F0  }
.Ltmp20:
0xdf: {  	_ = 	snop;
	(pc) =	sbr.rel @p1 .LBB2_34-.Ltmp20, $4  }
0xe0: {  	s0 =	sadd.s32 $0x80, s0  }
0xe1: {  	s29 =	sand.u32 $0x70, s1;
	s30 =	sand.u32 $0x1C00, s0  }
0xe2: {  	s29 =	sor.u32 s29, s30  }
0xe3: {  	s1 =	sadd.s32 $0x10, s1;
	[tilespmem:s29+$0x2980] =	vst v5  }
0xe4: {  	v5 =	vadd.s32 v1, v4;
	_ =	sdelay $0x3  }
0xe5: {  	s0 =	simm.s32 $0x0  }
0xe6: {  	v5 =	vld.idx.msk [tilespmem:v5+s0+$0x0], $0xffff;
	_ =	sdelay $0x4  }
0xe7: {  	s1 =	sand.u32 $0x70, s0;
	s29 =	sand.u32 $0x1C00, s0;
	v6 =	vbroadcast v5, $0x0  }
0xe8: {  	s29 =	sor.u32 s1, s29  }
0xe9: {  	s1 =	simm.s32 $0x10;
	[tilespmem:s29+$0x4600] =	vst v6  }
.LBB2_36:
0xea: {  	p1 =	sne.s32 s1, $0x3F0  }
.Ltmp21:
0xeb: {  	_ = 	snop;
	(pc) =	sbr.rel @p1 .LBB2_36-.Ltmp21, $4  }
0xec: {  	s0 =	sadd.s32 $0x80, s0  }
0xed: {  	s29 =	sand.u32 $0x70, s1;
	s30 =	sand.u32 $0x1C00, s0  }
0xee: {  	s29 =	sor.u32 s29, s30  }
0xef: {  	s1 =	sadd.s32 $0x10, s1;
	[tilespmem:s29+$0x4600] =	vst v6  }
0xf0: {  	s0 =	simm.s32 $0x0  }
0xf1: {  	v6 =	vbroadcast v5, $0x1;
	s1 =	sand.u32 $0x70, s0;
	s29 =	sand.u32 $0x1C00, s0  }
0xf2: {  	s29 =	sor.u32 s1, s29  }
0xf3: {  	s1 =	simm.s32 $0x10;
	[tilespmem:s29+$0x4680] =	vst v6  }
.LBB2_38:
0xf4: {  	p1 =	sne.s32 s1, $0x3F0  }
.Ltmp22:
0xf5: {  	_ = 	snop;
	(pc) =	sbr.rel @p1 .LBB2_38-.Ltmp22, $4  }
0xf6: {  	s0 =	sadd.s32 $0x80, s0  }
0xf7: {  	s29 =	sand.u32 $0x70, s1;
	s30 =	sand.u32 $0x1C00, s0  }
0xf8: {  	s29 =	sor.u32 s29, s30  }
0xf9: {  	s1 =	sadd.s32 $0x10, s1;
	[tilespmem:s29+$0x4680] =	vst v6  }
0xfa: {  	s0 =	simm.s32 $0x0  }
0xfb: {  	v6 =	vbroadcast v5, $0x2;
	s1 =	sand.u32 $0x70, s0;
	s29 =	sand.u32 $0x1C00, s0  }
0xfc: {  	s29 =	sor.u32 s1, s29  }
0xfd: {  	s1 =	simm.s32 $0x10;
	[tilespmem:s29+$0x4700] =	vst v6  }
.LBB2_40:
0xfe: {  	p1 =	sne.s32 s1, $0x3F0  }
.Ltmp23:
0xff: {  	_ = 	snop;
	(pc) =	sbr.rel @p1 .LBB2_40-.Ltmp23, $4  }
0x100: {  	s0 =	sadd.s32 $0x80, s0  }
0x101: {  	s29 =	sand.u32 $0x70, s1;
	s30 =	sand.u32 $0x1C00, s0  }
0x102: {  	s29 =	sor.u32 s29, s30  }
0x103: {  	s1 =	sadd.s32 $0x10, s1;
	[tilespmem:s29+$0x4700] =	vst v6  }
0x104: {  	s0 =	simm.s32 $0x0  }
0x105: {  	v6 =	vbroadcast v5, $0x3;
	s1 =	sand.u32 $0x70, s0;
	s29 =	sand.u32 $0x1C00, s0  }
0x106: {  	s29 =	sor.u32 s1, s29  }
0x107: {  	s1 =	simm.s32 $0x10;
	[tilespmem:s29+$0x4780] =	vst v6  }
.LBB2_42:
0x108: {  	p1 =	sne.s32 s1, $0x3F0  }
.Ltmp24:
0x109: {  	_ = 	snop;
	(pc) =	sbr.rel @p1 .LBB2_42-.Ltmp24, $4  }
0x10a: {  	s0 =	sadd.s32 $0x80, s0  }
0x10b: {  	s29 =	sand.u32 $0x70, s1;
	s30 =	sand.u32 $0x1C00, s0  }
0x10c: {  	s29 =	sor.u32 s29, s30  }
0x10d: {  	s1 =	sadd.s32 $0x10, s1;
	[tilespmem:s29+$0x4780] =	vst v6  }
0x10e: {  	s0 =	simm.s32 $0x0  }
0x10f: {  	v6 =	vbroadcast v5, $0x4;
	s1 =	sand.u32 $0x70, s0;
	s29 =	sand.u32 $0x1C00, s0  }
0x110: {  	s29 =	sor.u32 s1, s29  }
0x111: {  	s1 =	simm.s32 $0x10;
	[tilespmem:s29+$0x4800] =	vst v6  }
.LBB2_44:
0x112: {  	p1 =	sne.s32 s1, $0x3F0  }
.Ltmp25:
0x113: {  	_ = 	snop;
	(pc) =	sbr.rel @p1 .LBB2_44-.Ltmp25, $4  }
0x114: {  	s0 =	sadd.s32 $0x80, s0  }
0x115: {  	s29 =	sand.u32 $0x70, s1;
	s30 =	sand.u32 $0x1C00, s0  }
0x116: {  	s29 =	sor.u32 s29, s30  }
0x117: {  	s1 =	sadd.s32 $0x10, s1;
	[tilespmem:s29+$0x4800] =	vst v6  }
0x118: {  	s0 =	simm.s32 $0x0  }
0x119: {  	v6 =	vbroadcast v5, $0x5;
	s1 =	sand.u32 $0x70, s0;
	s29 =	sand.u32 $0x1C00, s0  }
0x11a: {  	s29 =	sor.u32 s1, s29  }
0x11b: {  	s1 =	simm.s32 $0x10;
	[tilespmem:s29+$0x4880] =	vst v6  }
.LBB2_46:
0x11c: {  	p1 =	sne.s32 s1, $0x3F0  }
.Ltmp26:
0x11d: {  	_ = 	snop;
	(pc) =	sbr.rel @p1 .LBB2_46-.Ltmp26, $4  }
0x11e: {  	s0 =	sadd.s32 $0x80, s0  }
0x11f: {  	s29 =	sand.u32 $0x70, s1;
	s30 =	sand.u32 $0x1C00, s0  }
0x120: {  	s29 =	sor.u32 s29, s30  }
0x121: {  	s1 =	sadd.s32 $0x10, s1;
	[tilespmem:s29+$0x4880] =	vst v6  }
0x122: {  	s0 =	simm.s32 $0x0  }
0x123: {  	v6 =	vbroadcast v5, $0x6;
	s1 =	sand.u32 $0x70, s0;
	s29 =	sand.u32 $0x1C00, s0  }
0x124: {  	s29 =	sor.u32 s1, s29  }
0x125: {  	s1 =	simm.s32 $0x10;
	[tilespmem:s29+$0x4900] =	vst v6  }
.LBB2_48:
0x126: {  	p1 =	sne.s32 s1, $0x3F0  }
.Ltmp27:
0x127: {  	_ = 	snop;
	(pc) =	sbr.rel @p1 .LBB2_48-.Ltmp27, $4  }
0x128: {  	s0 =	sadd.s32 $0x80, s0  }
0x129: {  	s29 =	sand.u32 $0x70, s1;
	s30 =	sand.u32 $0x1C00, s0  }
0x12a: {  	s29 =	sor.u32 s29, s30  }
0x12b: {  	s1 =	sadd.s32 $0x10, s1;
	[tilespmem:s29+$0x4900] =	vst v6  }
0x12c: {  	s0 =	simm.s32 $0x0  }
0x12d: {  	v6 =	vbroadcast v5, $0x7;
	s1 =	sand.u32 $0x70, s0;
	s29 =	sand.u32 $0x1C00, s0  }
0x12e: {  	s29 =	sor.u32 s1, s29  }
0x12f: {  	s1 =	simm.s32 $0x10;
	[tilespmem:s29+$0x4980] =	vst v6  }
.LBB2_50:
0x130: {  	p1 =	sne.s32 s1, $0x3F0  }
.Ltmp28:
0x131: {  	_ = 	snop;
	(pc) =	sbr.rel @p1 .LBB2_50-.Ltmp28, $4  }
0x132: {  	s0 =	sadd.s32 $0x80, s0  }
0x133: {  	s29 =	sand.u32 $0x70, s1;
	s30 =	sand.u32 $0x1C00, s0  }
0x134: {  	s29 =	sor.u32 s29, s30  }
0x135: {  	s1 =	sadd.s32 $0x10, s1;
	[tilespmem:s29+$0x4980] =	vst v6  }
0x136: {  	s0 =	simm.s32 $0x0  }
0x137: {  	v6 =	vbroadcast v5, $0x8;
	s1 =	sand.u32 $0x70, s0;
	s29 =	sand.u32 $0x1C00, s0  }
0x138: {  	s29 =	sor.u32 s1, s29  }
0x139: {  	s1 =	simm.s32 $0x10;
	[tilespmem:s29+$0x6600] =	vst v6  }
.LBB2_52:
0x13a: {  	p1 =	sne.s32 s1, $0x3F0  }
.Ltmp29:
0x13b: {  	_ = 	snop;
	(pc) =	sbr.rel @p1 .LBB2_52-.Ltmp29, $4  }
0x13c: {  	s0 =	sadd.s32 $0x80, s0  }
0x13d: {  	s29 =	sand.u32 $0x70, s1;
	s30 =	sand.u32 $0x1C00, s0  }
0x13e: {  	s29 =	sor.u32 s29, s30  }
0x13f: {  	s1 =	sadd.s32 $0x10, s1;
	[tilespmem:s29+$0x6600] =	vst v6  }
0x140: {  	s0 =	simm.s32 $0x0  }
0x141: {  	v6 =	vbroadcast v5, $0x9;
	s1 =	sand.u32 $0x70, s0;
	s29 =	sand.u32 $0x1C00, s0  }
0x142: {  	s29 =	sor.u32 s1, s29  }
0x143: {  	s1 =	simm.s32 $0x10;
	[tilespmem:s29+$0x6680] =	vst v6  }
.LBB2_54:
0x144: {  	p1 =	sne.s32 s1, $0x3F0  }
.Ltmp30:
0x145: {  	_ = 	snop;
	(pc) =	sbr.rel @p1 .LBB2_54-.Ltmp30, $4  }
0x146: {  	s0 =	sadd.s32 $0x80, s0  }
0x147: {  	s29 =	sand.u32 $0x70, s1;
	s30 =	sand.u32 $0x1C00, s0  }
0x148: {  	s29 =	sor.u32 s29, s30  }
0x149: {  	s1 =	sadd.s32 $0x10, s1;
	[tilespmem:s29+$0x6680] =	vst v6  }
0x14a: {  	s0 =	simm.s32 $0x0  }
0x14b: {  	v6 =	vbroadcast v5, $0xA;
	s1 =	sand.u32 $0x70, s0;
	s29 =	sand.u32 $0x1C00, s0  }
0x14c: {  	s29 =	sor.u32 s1, s29  }
0x14d: {  	s1 =	simm.s32 $0x10;
	[tilespmem:s29+$0x6700] =	vst v6  }
.LBB2_56:
0x14e: {  	p1 =	sne.s32 s1, $0x3F0  }
.Ltmp31:
0x14f: {  	_ = 	snop;
	(pc) =	sbr.rel @p1 .LBB2_56-.Ltmp31, $4  }
0x150: {  	s0 =	sadd.s32 $0x80, s0  }
0x151: {  	s29 =	sand.u32 $0x70, s1;
	s30 =	sand.u32 $0x1C00, s0  }
0x152: {  	s29 =	sor.u32 s29, s30  }
0x153: {  	s1 =	sadd.s32 $0x10, s1;
	[tilespmem:s29+$0x6700] =	vst v6  }
0x154: {  	s0 =	simm.s32 $0x0  }
0x155: {  	v6 =	vbroadcast v5, $0xB;
	s1 =	sand.u32 $0x70, s0;
	s29 =	sand.u32 $0x1C00, s0  }
0x156: {  	s29 =	sor.u32 s1, s29  }
0x157: {  	s1 =	simm.s32 $0x10;
	[tilespmem:s29+$0x6780] =	vst v6  }
.LBB2_58:
0x158: {  	p1 =	sne.s32 s1, $0x3F0  }
.Ltmp32:
0x159: {  	_ = 	snop;
	(pc) =	sbr.rel @p1 .LBB2_58-.Ltmp32, $4  }
0x15a: {  	s0 =	sadd.s32 $0x80, s0  }
0x15b: {  	s29 =	sand.u32 $0x70, s1;
	s30 =	sand.u32 $0x1C00, s0  }
0x15c: {  	s29 =	sor.u32 s29, s30  }
0x15d: {  	s1 =	sadd.s32 $0x10, s1;
	[tilespmem:s29+$0x6780] =	vst v6  }
0x15e: {  	s0 =	simm.s32 $0x0  }
0x15f: {  	v6 =	vbroadcast v5, $0xC;
	s1 =	sand.u32 $0x70, s0;
	s29 =	sand.u32 $0x1C00, s0  }
0x160: {  	s29 =	sor.u32 s1, s29  }
0x161: {  	s1 =	simm.s32 $0x10;
	[tilespmem:s29+$0x6800] =	vst v6  }
.LBB2_60:
0x162: {  	p1 =	sne.s32 s1, $0x3F0  }
.Ltmp33:
0x163: {  	_ = 	snop;
	(pc) =	sbr.rel @p1 .LBB2_60-.Ltmp33, $4  }
0x164: {  	s0 =	sadd.s32 $0x80, s0  }
0x165: {  	s29 =	sand.u32 $0x70, s1;
	s30 =	sand.u32 $0x1C00, s0  }
0x166: {  	s29 =	sor.u32 s29, s30  }
0x167: {  	s1 =	sadd.s32 $0x10, s1;
	[tilespmem:s29+$0x6800] =	vst v6  }
0x168: {  	s0 =	simm.s32 $0x0  }
0x169: {  	v6 =	vbroadcast v5, $0xD;
	s1 =	sand.u32 $0x70, s0;
	s29 =	sand.u32 $0x1C00, s0  }
0x16a: {  	s29 =	sor.u32 s1, s29  }
0x16b: {  	s1 =	simm.s32 $0x10;
	[tilespmem:s29+$0x6880] =	vst v6  }
.LBB2_62:
0x16c: {  	p1 =	sne.s32 s1, $0x3F0  }
.Ltmp34:
0x16d: {  	_ = 	snop;
	(pc) =	sbr.rel @p1 .LBB2_62-.Ltmp34, $4  }
0x16e: {  	s0 =	sadd.s32 $0x80, s0  }
0x16f: {  	s29 =	sand.u32 $0x70, s1;
	s30 =	sand.u32 $0x1C00, s0  }
0x170: {  	s29 =	sor.u32 s29, s30  }
0x171: {  	s1 =	sadd.s32 $0x10, s1;
	[tilespmem:s29+$0x6880] =	vst v6  }
0x172: {  	s0 =	simm.s32 $0x0  }
0x173: {  	v6 =	vbroadcast v5, $0xE;
	s1 =	sand.u32 $0x70, s0;
	s29 =	sand.u32 $0x1C00, s0  }
0x174: {  	s29 =	sor.u32 s1, s29  }
0x175: {  	s1 =	simm.s32 $0x10;
	[tilespmem:s29+$0x6900] =	vst v6  }
.LBB2_64:
0x176: {  	p1 =	sne.s32 s1, $0x3F0  }
.Ltmp35:
0x177: {  	_ = 	snop;
	(pc) =	sbr.rel @p1 .LBB2_64-.Ltmp35, $4  }
0x178: {  	s0 =	sadd.s32 $0x80, s0  }
0x179: {  	s29 =	sand.u32 $0x70, s1;
	s30 =	sand.u32 $0x1C00, s0  }
0x17a: {  	s29 =	sor.u32 s29, s30  }
0x17b: {  	s1 =	sadd.s32 $0x10, s1;
	[tilespmem:s29+$0x6900] =	vst v6  }
0x17c: {  	s0 =	simm.s32 $0x0  }
0x17d: {  	v5 =	vbroadcast v5, $0xF;
	s1 =	sand.u32 $0x70, s0;
	s29 =	sand.u32 $0x1C00, s0  }
0x17e: {  	s29 =	sor.u32 s1, s29  }
0x17f: {  	s1 =	simm.s32 $0x10;
	[tilespmem:s29+$0x6980] =	vst v5  }
.LBB2_66:
0x180: {  	p1 =	sne.s32 s1, $0x3F0  }
.Ltmp36:
0x181: {  	_ = 	snop;
	(pc) =	sbr.rel @p1 .LBB2_66-.Ltmp36, $4  }
0x182: {  	s0 =	sadd.s32 $0x80, s0  }
0x183: {  	s29 =	sand.u32 $0x70, s1;
	s30 =	sand.u32 $0x1C00, s0  }
0x184: {  	s29 =	sor.u32 s29, s30  }
0x185: {  	s1 =	sadd.s32 $0x10, s1;
	[tilespmem:s29+$0x6980] =	vst v5  }
0x186: {  	v5 =	vadd.s32 v2, v4;
	_ =	sdelay $0x3  }
0x187: {  	s0 =	simm.s32 $0x0  }
0x188: {  	v5 =	vld.idx.msk [tilespmem:v5+s0+$0x0], $0xffff;
	_ =	sdelay $0x4  }
0x189: {  	s1 =	sand.u32 $0x70, s0;
	s29 =	sand.u32 $0x1C00, s0;
	v6 =	vbroadcast v5, $0x0  }
0x18a: {  	s29 =	sor.u32 s1, s29  }
0x18b: {  	s1 =	simm.s32 $0x10;
	[tilespmem:s29+$0x8600] =	vst v6  }
.LBB2_68:
0x18c: {  	p1 =	sne.s32 s1, $0x3F0  }
.Ltmp37:
0x18d: {  	_ = 	snop;
	(pc) =	sbr.rel @p1 .LBB2_68-.Ltmp37, $4  }
0x18e: {  	s0 =	sadd.s32 $0x80, s0  }
0x18f: {  	s29 =	sand.u32 $0x70, s1;
	s30 =	sand.u32 $0x1C00, s0  }
0x190: {  	s29 =	sor.u32 s29, s30  }
0x191: {  	s1 =	sadd.s32 $0x10, s1;
	[tilespmem:s29+$0x8600] =	vst v6  }
0x192: {  	s0 =	simm.s32 $0x0  }
0x193: {  	v6 =	vbroadcast v5, $0x1;
	s1 =	sand.u32 $0x70, s0;
	s29 =	sand.u32 $0x1C00, s0  }
0x194: {  	s29 =	sor.u32 s1, s29  }
0x195: {  	s1 =	simm.s32 $0x10;
	[tilespmem:s29+$0x8680] =	vst v6  }
.LBB2_70:
0x196: {  	p1 =	sne.s32 s1, $0x3F0  }
.Ltmp38:
0x197: {  	_ = 	snop;
	(pc) =	sbr.rel @p1 .LBB2_70-.Ltmp38, $4  }
0x198: {  	s0 =	sadd.s32 $0x80, s0  }
0x199: {  	s29 =	sand.u32 $0x70, s1;
	s30 =	sand.u32 $0x1C00, s0  }
0x19a: {  	s29 =	sor.u32 s29, s30  }
0x19b: {  	s1 =	sadd.s32 $0x10, s1;
	[tilespmem:s29+$0x8680] =	vst v6  }
0x19c: {  	s0 =	simm.s32 $0x0  }
0x19d: {  	v6 =	vbroadcast v5, $0x2;
	s1 =	sand.u32 $0x70, s0;
	s29 =	sand.u32 $0x1C00, s0  }
0x19e: {  	s29 =	sor.u32 s1, s29  }
0x19f: {  	s1 =	simm.s32 $0x10;
	[tilespmem:s29+$0x8700] =	vst v6  }
.LBB2_72:
0x1a0: {  	p1 =	sne.s32 s1, $0x3F0  }
.Ltmp39:
0x1a1: {  	_ = 	snop;
	(pc) =	sbr.rel @p1 .LBB2_72-.Ltmp39, $4  }
0x1a2: {  	s0 =	sadd.s32 $0x80, s0  }
0x1a3: {  	s29 =	sand.u32 $0x70, s1;
	s30 =	sand.u32 $0x1C00, s0  }
0x1a4: {  	s29 =	sor.u32 s29, s30  }
0x1a5: {  	s1 =	sadd.s32 $0x10, s1;
	[tilespmem:s29+$0x8700] =	vst v6  }
0x1a6: {  	s0 =	simm.s32 $0x0  }
0x1a7: {  	v6 =	vbroadcast v5, $0x3;
	s1 =	sand.u32 $0x70, s0;
	s29 =	sand.u32 $0x1C00, s0  }
0x1a8: {  	s29 =	sor.u32 s1, s29  }
0x1a9: {  	s1 =	simm.s32 $0x10;
	[tilespmem:s29+$0x8780] =	vst v6  }
.LBB2_74:
0x1aa: {  	p1 =	sne.s32 s1, $0x3F0  }
.Ltmp40:
0x1ab: {  	_ = 	snop;
	(pc) =	sbr.rel @p1 .LBB2_74-.Ltmp40, $4  }
0x1ac: {  	s0 =	sadd.s32 $0x80, s0  }
0x1ad: {  	s29 =	sand.u32 $0x70, s1;
	s30 =	sand.u32 $0x1C00, s0  }
0x1ae: {  	s29 =	sor.u32 s29, s30  }
0x1af: {  	s1 =	sadd.s32 $0x10, s1;
	[tilespmem:s29+$0x8780] =	vst v6  }
0x1b0: {  	s0 =	simm.s32 $0x0  }
0x1b1: {  	v6 =	vbroadcast v5, $0x4;
	s1 =	sand.u32 $0x70, s0;
	s29 =	sand.u32 $0x1C00, s0  }
0x1b2: {  	s29 =	sor.u32 s1, s29  }
0x1b3: {  	s1 =	simm.s32 $0x10;
	[tilespmem:s29+$0x8800] =	vst v6  }
.LBB2_76:
0x1b4: {  	p1 =	sne.s32 s1, $0x3F0  }
.Ltmp41:
0x1b5: {  	_ = 	snop;
	(pc) =	sbr.rel @p1 .LBB2_76-.Ltmp41, $4  }
0x1b6: {  	s0 =	sadd.s32 $0x80, s0  }
0x1b7: {  	s29 =	sand.u32 $0x70, s1;
	s30 =	sand.u32 $0x1C00, s0  }
0x1b8: {  	s29 =	sor.u32 s29, s30  }
0x1b9: {  	s1 =	sadd.s32 $0x10, s1;
	[tilespmem:s29+$0x8800] =	vst v6  }
0x1ba: {  	s0 =	simm.s32 $0x0  }
0x1bb: {  	v6 =	vbroadcast v5, $0x5;
	s1 =	sand.u32 $0x70, s0;
	s29 =	sand.u32 $0x1C00, s0  }
0x1bc: {  	s29 =	sor.u32 s1, s29  }
0x1bd: {  	s1 =	simm.s32 $0x10;
	[tilespmem:s29+$0x8880] =	vst v6  }
.LBB2_78:
0x1be: {  	p1 =	sne.s32 s1, $0x3F0  }
.Ltmp42:
0x1bf: {  	_ = 	snop;
	(pc) =	sbr.rel @p1 .LBB2_78-.Ltmp42, $4  }
0x1c0: {  	s0 =	sadd.s32 $0x80, s0  }
0x1c1: {  	s29 =	sand.u32 $0x70, s1;
	s30 =	sand.u32 $0x1C00, s0  }
0x1c2: {  	s29 =	sor.u32 s29, s30  }
0x1c3: {  	s1 =	sadd.s32 $0x10, s1;
	[tilespmem:s29+$0x8880] =	vst v6  }
0x1c4: {  	s0 =	simm.s32 $0x0  }
0x1c5: {  	v6 =	vbroadcast v5, $0x6;
	s1 =	sand.u32 $0x70, s0;
	s29 =	sand.u32 $0x1C00, s0  }
0x1c6: {  	s29 =	sor.u32 s1, s29  }
0x1c7: {  	s1 =	simm.s32 $0x10;
	[tilespmem:s29+$0x8900] =	vst v6  }
.LBB2_80:
0x1c8: {  	p1 =	sne.s32 s1, $0x3F0  }
.Ltmp43:
0x1c9: {  	_ = 	snop;
	(pc) =	sbr.rel @p1 .LBB2_80-.Ltmp43, $4  }
0x1ca: {  	s0 =	sadd.s32 $0x80, s0  }
0x1cb: {  	s29 =	sand.u32 $0x70, s1;
	s30 =	sand.u32 $0x1C00, s0  }
0x1cc: {  	s29 =	sor.u32 s29, s30  }
0x1cd: {  	s1 =	sadd.s32 $0x10, s1;
	[tilespmem:s29+$0x8900] =	vst v6  }
0x1ce: {  	s0 =	simm.s32 $0x0  }
0x1cf: {  	v6 =	vbroadcast v5, $0x7;
	s1 =	sand.u32 $0x70, s0;
	s29 =	sand.u32 $0x1C00, s0  }
0x1d0: {  	s29 =	sor.u32 s1, s29  }
0x1d1: {  	s1 =	simm.s32 $0x10;
	[tilespmem:s29+$0x8980] =	vst v6  }
.LBB2_82:
0x1d2: {  	p1 =	sne.s32 s1, $0x3F0  }
.Ltmp44:
0x1d3: {  	_ = 	snop;
	(pc) =	sbr.rel @p1 .LBB2_82-.Ltmp44, $4  }
0x1d4: {  	s0 =	sadd.s32 $0x80, s0  }
0x1d5: {  	s29 =	sand.u32 $0x70, s1;
	s30 =	sand.u32 $0x1C00, s0  }
0x1d6: {  	s29 =	sor.u32 s29, s30  }
0x1d7: {  	s1 =	sadd.s32 $0x10, s1;
	[tilespmem:s29+$0x8980] =	vst v6  }
0x1d8: {  	s0 =	simm.s32 $0x0  }
0x1d9: {  	v6 =	vbroadcast v5, $0x8;
	s1 =	sand.u32 $0x70, s0;
	s29 =	sand.u32 $0x1C00, s0  }
0x1da: {  	s29 =	sor.u32 s1, s29  }
0x1db: {  	s1 =	simm.s32 $0x10;
	[tilespmem:s29+$0xA600] =	vst v6  }
.LBB2_84:
0x1dc: {  	p1 =	sne.s32 s1, $0x3F0  }
.Ltmp45:
0x1dd: {  	_ = 	snop;
	(pc) =	sbr.rel @p1 .LBB2_84-.Ltmp45, $4  }
0x1de: {  	s0 =	sadd.s32 $0x80, s0  }
0x1df: {  	s29 =	sand.u32 $0x70, s1;
	s30 =	sand.u32 $0x1C00, s0  }
0x1e0: {  	s29 =	sor.u32 s29, s30  }
0x1e1: {  	s1 =	sadd.s32 $0x10, s1;
	[tilespmem:s29+$0xA600] =	vst v6  }
0x1e2: {  	s0 =	simm.s32 $0x0  }
0x1e3: {  	v6 =	vbroadcast v5, $0x9;
	s1 =	sand.u32 $0x70, s0;
	s29 =	sand.u32 $0x1C00, s0  }
0x1e4: {  	s29 =	sor.u32 s1, s29  }
0x1e5: {  	s1 =	simm.s32 $0x10;
	[tilespmem:s29+$0xA680] =	vst v6  }
.LBB2_86:
0x1e6: {  	p1 =	sne.s32 s1, $0x3F0  }
.Ltmp46:
0x1e7: {  	_ = 	snop;
	(pc) =	sbr.rel @p1 .LBB2_86-.Ltmp46, $4  }
0x1e8: {  	s0 =	sadd.s32 $0x80, s0  }
0x1e9: {  	s29 =	sand.u32 $0x70, s1;
	s30 =	sand.u32 $0x1C00, s0  }
0x1ea: {  	s29 =	sor.u32 s29, s30  }
0x1eb: {  	s1 =	sadd.s32 $0x10, s1;
	[tilespmem:s29+$0xA680] =	vst v6  }
0x1ec: {  	s0 =	simm.s32 $0x0  }
0x1ed: {  	v6 =	vbroadcast v5, $0xA;
	s1 =	sand.u32 $0x70, s0;
	s29 =	sand.u32 $0x1C00, s0  }
0x1ee: {  	s29 =	sor.u32 s1, s29  }
0x1ef: {  	s1 =	simm.s32 $0x10;
	[tilespmem:s29+$0xA700] =	vst v6  }
.LBB2_88:
0x1f0: {  	p1 =	sne.s32 s1, $0x3F0  }
.Ltmp47:
0x1f1: {  	_ = 	snop;
	(pc) =	sbr.rel @p1 .LBB2_88-.Ltmp47, $4  }
0x1f2: {  	s0 =	sadd.s32 $0x80, s0  }
0x1f3: {  	s29 =	sand.u32 $0x70, s1;
	s30 =	sand.u32 $0x1C00, s0  }
0x1f4: {  	s29 =	sor.u32 s29, s30  }
0x1f5: {  	s1 =	sadd.s32 $0x10, s1;
	[tilespmem:s29+$0xA700] =	vst v6  }
0x1f6: {  	s0 =	simm.s32 $0x0  }
0x1f7: {  	v6 =	vbroadcast v5, $0xB;
	s1 =	sand.u32 $0x70, s0;
	s29 =	sand.u32 $0x1C00, s0  }
0x1f8: {  	s29 =	sor.u32 s1, s29  }
0x1f9: {  	s1 =	simm.s32 $0x10;
	[tilespmem:s29+$0xA780] =	vst v6  }
.LBB2_90:
0x1fa: {  	p1 =	sne.s32 s1, $0x3F0  }
.Ltmp48:
0x1fb: {  	_ = 	snop;
	(pc) =	sbr.rel @p1 .LBB2_90-.Ltmp48, $4  }
0x1fc: {  	s0 =	sadd.s32 $0x80, s0  }
0x1fd: {  	s29 =	sand.u32 $0x70, s1;
	s30 =	sand.u32 $0x1C00, s0  }
0x1fe: {  	s29 =	sor.u32 s29, s30  }
0x1ff: {  	s1 =	sadd.s32 $0x10, s1;
	[tilespmem:s29+$0xA780] =	vst v6  }
0x200: {  	s0 =	simm.s32 $0x0  }
0x201: {  	v6 =	vbroadcast v5, $0xC;
	s1 =	sand.u32 $0x70, s0;
	s29 =	sand.u32 $0x1C00, s0  }
0x202: {  	s29 =	sor.u32 s1, s29  }
0x203: {  	s1 =	simm.s32 $0x10;
	[tilespmem:s29+$0xA800] =	vst v6  }
.LBB2_92:
0x204: {  	p1 =	sne.s32 s1, $0x3F0  }
.Ltmp49:
0x205: {  	_ = 	snop;
	(pc) =	sbr.rel @p1 .LBB2_92-.Ltmp49, $4  }
0x206: {  	s0 =	sadd.s32 $0x80, s0  }
0x207: {  	s29 =	sand.u32 $0x70, s1;
	s30 =	sand.u32 $0x1C00, s0  }
0x208: {  	s29 =	sor.u32 s29, s30  }
0x209: {  	s1 =	sadd.s32 $0x10, s1;
	[tilespmem:s29+$0xA800] =	vst v6  }
0x20a: {  	s0 =	simm.s32 $0x0  }
0x20b: {  	v6 =	vbroadcast v5, $0xD;
	s1 =	sand.u32 $0x70, s0;
	s29 =	sand.u32 $0x1C00, s0  }
0x20c: {  	s29 =	sor.u32 s1, s29  }
0x20d: {  	s1 =	simm.s32 $0x10;
	[tilespmem:s29+$0xA880] =	vst v6  }
.LBB2_94:
0x20e: {  	p1 =	sne.s32 s1, $0x3F0  }
.Ltmp50:
0x20f: {  	_ = 	snop;
	(pc) =	sbr.rel @p1 .LBB2_94-.Ltmp50, $4  }
0x210: {  	s0 =	sadd.s32 $0x80, s0  }
0x211: {  	s29 =	sand.u32 $0x70, s1;
	s30 =	sand.u32 $0x1C00, s0  }
0x212: {  	s29 =	sor.u32 s29, s30  }
0x213: {  	s1 =	sadd.s32 $0x10, s1;
	[tilespmem:s29+$0xA880] =	vst v6  }
0x214: {  	s0 =	simm.s32 $0x0  }
0x215: {  	v6 =	vbroadcast v5, $0xE;
	s1 =	sand.u32 $0x70, s0;
	s29 =	sand.u32 $0x1C00, s0  }
0x216: {  	s29 =	sor.u32 s1, s29  }
0x217: {  	s1 =	simm.s32 $0x10;
	[tilespmem:s29+$0xA900] =	vst v6  }
.LBB2_96:
0x218: {  	p1 =	sne.s32 s1, $0x3F0  }
.Ltmp51:
0x219: {  	_ = 	snop;
	(pc) =	sbr.rel @p1 .LBB2_96-.Ltmp51, $4  }
0x21a: {  	s0 =	sadd.s32 $0x80, s0  }
0x21b: {  	s29 =	sand.u32 $0x70, s1;
	s30 =	sand.u32 $0x1C00, s0  }
0x21c: {  	s29 =	sor.u32 s29, s30  }
0x21d: {  	s1 =	sadd.s32 $0x10, s1;
	[tilespmem:s29+$0xA900] =	vst v6  }
0x21e: {  	s0 =	simm.s32 $0x0  }
0x21f: {  	v5 =	vbroadcast v5, $0xF;
	s1 =	sand.u32 $0x70, s0;
	s29 =	sand.u32 $0x1C00, s0  }
0x220: {  	s29 =	sor.u32 s1, s29  }
0x221: {  	s1 =	simm.s32 $0x10;
	[tilespmem:s29+$0xA980] =	vst v5  }
.LBB2_98:
0x222: {  	p1 =	sne.s32 s1, $0x3F0  }
.Ltmp52:
0x223: {  	_ = 	snop;
	(pc) =	sbr.rel @p1 .LBB2_98-.Ltmp52, $4  }
0x224: {  	s0 =	sadd.s32 $0x80, s0  }
0x225: {  	s29 =	sand.u32 $0x70, s1;
	s30 =	sand.u32 $0x1C00, s0  }
0x226: {  	s29 =	sor.u32 s29, s30  }
0x227: {  	s1 =	sadd.s32 $0x10, s1;
	[tilespmem:s29+$0xA980] =	vst v5  }
0x228: {  	v4 =	vadd.s32 v3, v4;
	_ =	sdelay $0x3  }
0x229: {  	s0 =	simm.s32 $0x0  }
0x22a: {  	v4 =	vld.idx.msk [tilespmem:v4+s0+$0x0], $0xffff;
	_ =	sdelay $0x4  }
0x22b: {  	s1 =	sand.u32 $0x70, s0;
	s29 =	sand.u32 $0x1C00, s0;
	v5 =	vbroadcast v4, $0x0  }
0x22c: {  	s29 =	sor.u32 s1, s29  }
0x22d: {  	s1 =	simm.s32 $0x10;
	[tilespmem:s29+$0xC600] =	vst v5  }
.LBB2_100:
0x22e: {  	p1 =	sne.s32 s1, $0x3F0  }
.Ltmp53:
0x22f: {  	_ = 	snop;
	(pc) =	sbr.rel @p1 .LBB2_100-.Ltmp53, $4  }
0x230: {  	s0 =	sadd.s32 $0x80, s0  }
0x231: {  	s29 =	sand.u32 $0x70, s1;
	s30 =	sand.u32 $0x1C00, s0  }
0x232: {  	s29 =	sor.u32 s29, s30  }
0x233: {  	s1 =	sadd.s32 $0x10, s1;
	[tilespmem:s29+$0xC600] =	vst v5  }
0x234: {  	s0 =	simm.s32 $0x0  }
0x235: {  	v5 =	vbroadcast v4, $0x1;
	s1 =	sand.u32 $0x70, s0;
	s29 =	sand.u32 $0x1C00, s0  }
0x236: {  	s29 =	sor.u32 s1, s29  }
0x237: {  	s1 =	simm.s32 $0x10;
	[tilespmem:s29+$0xC680] =	vst v5  }
.LBB2_102:
0x238: {  	p1 =	sne.s32 s1, $0x3F0  }
.Ltmp54:
0x239: {  	_ = 	snop;
	(pc) =	sbr.rel @p1 .LBB2_102-.Ltmp54, $4  }
0x23a: {  	s0 =	sadd.s32 $0x80, s0  }
0x23b: {  	s29 =	sand.u32 $0x70, s1;
	s30 =	sand.u32 $0x1C00, s0  }
0x23c: {  	s29 =	sor.u32 s29, s30  }
0x23d: {  	s1 =	sadd.s32 $0x10, s1;
	[tilespmem:s29+$0xC680] =	vst v5  }
0x23e: {  	s0 =	simm.s32 $0x0  }
0x23f: {  	v5 =	vbroadcast v4, $0x2;
	s1 =	sand.u32 $0x70, s0;
	s29 =	sand.u32 $0x1C00, s0  }
0x240: {  	s29 =	sor.u32 s1, s29  }
0x241: {  	s1 =	simm.s32 $0x10;
	[tilespmem:s29+$0xC700] =	vst v5  }
.LBB2_104:
0x242: {  	p1 =	sne.s32 s1, $0x3F0  }
.Ltmp55:
0x243: {  	_ = 	snop;
	(pc) =	sbr.rel @p1 .LBB2_104-.Ltmp55, $4  }
0x244: {  	s0 =	sadd.s32 $0x80, s0  }
0x245: {  	s29 =	sand.u32 $0x70, s1;
	s30 =	sand.u32 $0x1C00, s0  }
0x246: {  	s29 =	sor.u32 s29, s30  }
0x247: {  	s1 =	sadd.s32 $0x10, s1;
	[tilespmem:s29+$0xC700] =	vst v5  }
0x248: {  	s0 =	simm.s32 $0x0  }
0x249: {  	v5 =	vbroadcast v4, $0x3;
	s1 =	sand.u32 $0x70, s0;
	s29 =	sand.u32 $0x1C00, s0  }
0x24a: {  	s29 =	sor.u32 s1, s29  }
0x24b: {  	s1 =	simm.s32 $0x10;
	[tilespmem:s29+$0xC780] =	vst v5  }
.LBB2_106:
0x24c: {  	p1 =	sne.s32 s1, $0x3F0  }
.Ltmp56:
0x24d: {  	_ = 	snop;
	(pc) =	sbr.rel @p1 .LBB2_106-.Ltmp56, $4  }
0x24e: {  	s0 =	sadd.s32 $0x80, s0  }
0x24f: {  	s29 =	sand.u32 $0x70, s1;
	s30 =	sand.u32 $0x1C00, s0  }
0x250: {  	s29 =	sor.u32 s29, s30  }
0x251: {  	s1 =	sadd.s32 $0x10, s1;
	[tilespmem:s29+$0xC780] =	vst v5  }
0x252: {  	s0 =	simm.s32 $0x0  }
0x253: {  	v5 =	vbroadcast v4, $0x4;
	s1 =	sand.u32 $0x70, s0;
	s29 =	sand.u32 $0x1C00, s0  }
0x254: {  	s29 =	sor.u32 s1, s29  }
0x255: {  	s1 =	simm.s32 $0x10;
	[tilespmem:s29+$0xC800] =	vst v5  }
.LBB2_108:
0x256: {  	p1 =	sne.s32 s1, $0x3F0  }
.Ltmp57:
0x257: {  	_ = 	snop;
	(pc) =	sbr.rel @p1 .LBB2_108-.Ltmp57, $4  }
0x258: {  	s0 =	sadd.s32 $0x80, s0  }
0x259: {  	s29 =	sand.u32 $0x70, s1;
	s30 =	sand.u32 $0x1C00, s0  }
0x25a: {  	s29 =	sor.u32 s29, s30  }
0x25b: {  	s1 =	sadd.s32 $0x10, s1;
	[tilespmem:s29+$0xC800] =	vst v5  }
0x25c: {  	s0 =	simm.s32 $0x0  }
0x25d: {  	v5 =	vbroadcast v4, $0x5;
	s1 =	sand.u32 $0x70, s0;
	s29 =	sand.u32 $0x1C00, s0  }
0x25e: {  	s29 =	sor.u32 s1, s29  }
0x25f: {  	s1 =	simm.s32 $0x10;
	[tilespmem:s29+$0xC880] =	vst v5  }
.LBB2_110:
0x260: {  	p1 =	sne.s32 s1, $0x3F0  }
.Ltmp58:
0x261: {  	_ = 	snop;
	(pc) =	sbr.rel @p1 .LBB2_110-.Ltmp58, $4  }
0x262: {  	s0 =	sadd.s32 $0x80, s0  }
0x263: {  	s29 =	sand.u32 $0x70, s1;
	s30 =	sand.u32 $0x1C00, s0  }
0x264: {  	s29 =	sor.u32 s29, s30  }
0x265: {  	s1 =	sadd.s32 $0x10, s1;
	[tilespmem:s29+$0xC880] =	vst v5  }
0x266: {  	s0 =	simm.s32 $0x0  }
0x267: {  	v5 =	vbroadcast v4, $0x6;
	s1 =	sand.u32 $0x70, s0;
	s29 =	sand.u32 $0x1C00, s0  }
0x268: {  	s29 =	sor.u32 s1, s29  }
0x269: {  	s1 =	simm.s32 $0x10;
	[tilespmem:s29+$0xC900] =	vst v5  }
.LBB2_112:
0x26a: {  	p1 =	sne.s32 s1, $0x3F0  }
.Ltmp59:
0x26b: {  	_ = 	snop;
	(pc) =	sbr.rel @p1 .LBB2_112-.Ltmp59, $4  }
0x26c: {  	s0 =	sadd.s32 $0x80, s0  }
0x26d: {  	s29 =	sand.u32 $0x70, s1;
	s30 =	sand.u32 $0x1C00, s0  }
0x26e: {  	s29 =	sor.u32 s29, s30  }
0x26f: {  	s1 =	sadd.s32 $0x10, s1;
	[tilespmem:s29+$0xC900] =	vst v5  }
0x270: {  	s0 =	simm.s32 $0x0  }
0x271: {  	v5 =	vbroadcast v4, $0x7;
	s1 =	sand.u32 $0x70, s0;
	s29 =	sand.u32 $0x1C00, s0  }
0x272: {  	s29 =	sor.u32 s1, s29  }
0x273: {  	s1 =	simm.s32 $0x10;
	[tilespmem:s29+$0xC980] =	vst v5  }
.LBB2_114:
0x274: {  	p1 =	sne.s32 s1, $0x3F0  }
.Ltmp60:
0x275: {  	_ = 	snop;
	(pc) =	sbr.rel @p1 .LBB2_114-.Ltmp60, $4  }
0x276: {  	s0 =	sadd.s32 $0x80, s0  }
0x277: {  	s29 =	sand.u32 $0x70, s1;
	s30 =	sand.u32 $0x1C00, s0  }
0x278: {  	s29 =	sor.u32 s29, s30  }
0x279: {  	s1 =	sadd.s32 $0x10, s1;
	[tilespmem:s29+$0xC980] =	vst v5  }
0x27a: {  	s0 =	simm.s32 $0x0  }
0x27b: {  	v5 =	vbroadcast v4, $0x8;
	s1 =	sand.u32 $0x70, s0;
	s29 =	sand.u32 $0x1C00, s0  }
0x27c: {  	s29 =	sor.u32 s1, s29  }
0x27d: {  	s1 =	simm.s32 $0x10;
	[tilespmem:s29+$0xE600] =	vst v5  }
.LBB2_116:
0x27e: {  	p1 =	sne.s32 s1, $0x3F0  }
.Ltmp61:
0x27f: {  	_ = 	snop;
	(pc) =	sbr.rel @p1 .LBB2_116-.Ltmp61, $4  }
0x280: {  	s0 =	sadd.s32 $0x80, s0  }
0x281: {  	s29 =	sand.u32 $0x70, s1;
	s30 =	sand.u32 $0x1C00, s0  }
0x282: {  	s29 =	sor.u32 s29, s30  }
0x283: {  	s1 =	sadd.s32 $0x10, s1;
	[tilespmem:s29+$0xE600] =	vst v5  }
0x284: {  	s0 =	simm.s32 $0x0  }
0x285: {  	v5 =	vbroadcast v4, $0x9;
	s1 =	sand.u32 $0x70, s0;
	s29 =	sand.u32 $0x1C00, s0  }
0x286: {  	s29 =	sor.u32 s1, s29  }
0x287: {  	s1 =	simm.s32 $0x10;
	[tilespmem:s29+$0xE680] =	vst v5  }
.LBB2_118:
0x288: {  	p1 =	sne.s32 s1, $0x3F0  }
.Ltmp62:
0x289: {  	_ = 	snop;
	(pc) =	sbr.rel @p1 .LBB2_118-.Ltmp62, $4  }
0x28a: {  	s0 =	sadd.s32 $0x80, s0  }
0x28b: {  	s29 =	sand.u32 $0x70, s1;
	s30 =	sand.u32 $0x1C00, s0  }
0x28c: {  	s29 =	sor.u32 s29, s30  }
0x28d: {  	s1 =	sadd.s32 $0x10, s1;
	[tilespmem:s29+$0xE680] =	vst v5  }
0x28e: {  	s0 =	simm.s32 $0x0  }
0x28f: {  	v5 =	vbroadcast v4, $0xA;
	s1 =	sand.u32 $0x70, s0;
	s29 =	sand.u32 $0x1C00, s0  }
0x290: {  	s29 =	sor.u32 s1, s29  }
0x291: {  	s1 =	simm.s32 $0x10;
	[tilespmem:s29+$0xE700] =	vst v5  }
.LBB2_120:
0x292: {  	p1 =	sne.s32 s1, $0x3F0  }
.Ltmp63:
0x293: {  	_ = 	snop;
	(pc) =	sbr.rel @p1 .LBB2_120-.Ltmp63, $4  }
0x294: {  	s0 =	sadd.s32 $0x80, s0  }
0x295: {  	s29 =	sand.u32 $0x70, s1;
	s30 =	sand.u32 $0x1C00, s0  }
0x296: {  	s29 =	sor.u32 s29, s30  }
0x297: {  	s1 =	sadd.s32 $0x10, s1;
	[tilespmem:s29+$0xE700] =	vst v5  }
0x298: {  	s0 =	simm.s32 $0x0  }
0x299: {  	v5 =	vbroadcast v4, $0xB;
	s1 =	sand.u32 $0x70, s0;
	s29 =	sand.u32 $0x1C00, s0  }
0x29a: {  	s29 =	sor.u32 s1, s29  }
0x29b: {  	s1 =	simm.s32 $0x10;
	[tilespmem:s29+$0xE780] =	vst v5  }
.LBB2_122:
0x29c: {  	p1 =	sne.s32 s1, $0x3F0  }
.Ltmp64:
0x29d: {  	_ = 	snop;
	(pc) =	sbr.rel @p1 .LBB2_122-.Ltmp64, $4  }
0x29e: {  	s0 =	sadd.s32 $0x80, s0  }
0x29f: {  	s29 =	sand.u32 $0x70, s1;
	s30 =	sand.u32 $0x1C00, s0  }
0x2a0: {  	s29 =	sor.u32 s29, s30  }
0x2a1: {  	s1 =	sadd.s32 $0x10, s1;
	[tilespmem:s29+$0xE780] =	vst v5  }
0x2a2: {  	s0 =	simm.s32 $0x0  }
0x2a3: {  	v5 =	vbroadcast v4, $0xC;
	s1 =	sand.u32 $0x70, s0;
	s29 =	sand.u32 $0x1C00, s0  }
0x2a4: {  	s29 =	sor.u32 s1, s29  }
0x2a5: {  	s1 =	simm.s32 $0x10;
	[tilespmem:s29+$0xE800] =	vst v5  }
.LBB2_124:
0x2a6: {  	p1 =	sne.s32 s1, $0x3F0  }
.Ltmp65:
0x2a7: {  	_ = 	snop;
	(pc) =	sbr.rel @p1 .LBB2_124-.Ltmp65, $4  }
0x2a8: {  	s0 =	sadd.s32 $0x80, s0  }
0x2a9: {  	s29 =	sand.u32 $0x70, s1;
	s30 =	sand.u32 $0x1C00, s0  }
0x2aa: {  	s29 =	sor.u32 s29, s30  }
0x2ab: {  	s1 =	sadd.s32 $0x10, s1;
	[tilespmem:s29+$0xE800] =	vst v5  }
0x2ac: {  	s0 =	simm.s32 $0x0  }
0x2ad: {  	v5 =	vbroadcast v4, $0xD;
	s1 =	sand.u32 $0x70, s0;
	s29 =	sand.u32 $0x1C00, s0  }
0x2ae: {  	s29 =	sor.u32 s1, s29  }
0x2af: {  	s1 =	simm.s32 $0x10;
	[tilespmem:s29+$0xE880] =	vst v5  }
.LBB2_126:
0x2b0: {  	p1 =	sne.s32 s1, $0x3F0  }
.Ltmp66:
0x2b1: {  	_ = 	snop;
	(pc) =	sbr.rel @p1 .LBB2_126-.Ltmp66, $4  }
0x2b2: {  	s0 =	sadd.s32 $0x80, s0  }
0x2b3: {  	s29 =	sand.u32 $0x70, s1;
	s30 =	sand.u32 $0x1C00, s0  }
0x2b4: {  	s29 =	sor.u32 s29, s30  }
0x2b5: {  	s1 =	sadd.s32 $0x10, s1;
	[tilespmem:s29+$0xE880] =	vst v5  }
0x2b6: {  	s0 =	simm.s32 $0x0  }
0x2b7: {  	v5 =	vbroadcast v4, $0xE;
	s1 =	sand.u32 $0x70, s0;
	s29 =	sand.u32 $0x1C00, s0  }
0x2b8: {  	s29 =	sor.u32 s1, s29  }
0x2b9: {  	s1 =	simm.s32 $0x10;
	[tilespmem:s29+$0xE900] =	vst v5  }
.LBB2_128:
0x2ba: {  	p1 =	sne.s32 s1, $0x3F0  }
.Ltmp67:
0x2bb: {  	_ = 	snop;
	(pc) =	sbr.rel @p1 .LBB2_128-.Ltmp67, $4  }
0x2bc: {  	s0 =	sadd.s32 $0x80, s0  }
0x2bd: {  	s29 =	sand.u32 $0x70, s1;
	s30 =	sand.u32 $0x1C00, s0  }
0x2be: {  	s29 =	sor.u32 s29, s30  }
0x2bf: {  	s1 =	sadd.s32 $0x10, s1;
	[tilespmem:s29+$0xE900] =	vst v5  }
0x2c0: {  	s0 =	simm.s32 $0x0  }
0x2c1: {  	v4 =	vbroadcast v4, $0xF;
	s1 =	sand.u32 $0x70, s0;
	s29 =	sand.u32 $0x1C00, s0  }
0x2c2: {  	s29 =	sor.u32 s1, s29  }
0x2c3: {  	s1 =	simm.s32 $0x10;
	[tilespmem:s29+$0xE980] =	vst v4  }
.LBB2_130:
0x2c4: {  	p1 =	sne.s32 s1, $0x3F0  }
.Ltmp68:
0x2c5: {  	_ = 	snop;
	(pc) =	sbr.rel @p1 .LBB2_130-.Ltmp68, $4  }
0x2c6: {  	s0 =	sadd.s32 $0x80, s0  }
0x2c7: {  	s29 =	sand.u32 $0x70, s1;
	s30 =	sand.u32 $0x1C00, s0  }
0x2c8: {  	s29 =	sor.u32 s29, s30  }
0x2c9: {  	s1 =	sadd.s32 $0x10, s1;
	[tilespmem:s29+$0xE980] =	vst v4  }
.LBB2_131:
0x2ca: {  	p1 =	seq.s32 s26, s28  }
.Ltmp69:
0x2cb: {  	_ = 	snop;
	(pc) =	sbr.rel @p1 .LBB2_136-.Ltmp69, $2  }
0x2cc: {  	_ =	sdelay $0x2  }
0x2cd: {  	s28 =	simm.s32 $0x0;
	s29 =	simm.s32 $0x0  }
.LBB2_132:
0x2ce: {  	s0 =	sshll.u32 s29, $0x4  }
0x2cf: {  	v6 =	vld [tilespmem:s0+$0x200];
	_ =	sdelay $0x6  }
0x2d0: {  	s0 =	sand.u32 $0x70, s0  }
0x2d1: {  	s1 =	sshll.u32 s29, $0x7;
	v4 =	vmov s0;
	v5 =	vadd.s32 $0x8, v6;
	v6 =	vld.idx.msk [tilespmem:v6+s3+$0x0], $0xffff  }
0x2d2: {  	s1 =	sand.u32 $0x1C00, s1;
	v7 =	vadd.s32 s28, v5  }
0x2d3: {  	s16 =	sand.u32 $0xE000, s28;
	s26 =	sadd.s32 $0x600, s1  }
0x2d4: {  	s17 =	sand.u32 $0x380, s28;
	s0 =	sadd.s32 s16, s26  }
0x2d5: {  	s0 =	sadd.s32 s17, s0  }
0x2d6: {  	s31 =	simm.s32 $0x8;
	[tilespmem:v4+s0+$0x0 ss:$0x1] =	vst.idx.msk $0xffff, v6  }
0x2d7: {  	s30 =	simm.s32 $0x0;
	s1 =	simm.s32 $0x10;
	s0 =	simm.s32 $0x0;
	v6 =	vld.idx.msk [tilespmem:v7+s3+$0x0], $0xffff  }
.LBB2_133:
0x2d8: {  	p1 =	sne.s32 s1, $0x1F8  }
0x2d9: {  	v7 =	vadd.s32 s31, v5;
	s0 =	sadd.s32 $0x400, s0;
	s31 =	smov.u32 s1  }
.Ltmp70:
0x2da: {  	s30 =	sadd.s32 $0x80, s30;
	s16 =	sand.u32 $0xE000, s0;
	(pc) =	sbr.rel @p1 .LBB2_133-.Ltmp70, $4  }
0x2db: {  	s17 =	sand.u32 $0x380, s30;
	s16 =	sadd.s32 s16, s26  }
0x2dc: {  	s16 =	sadd.s32 s17, s16  }
0x2dd: {  	[tilespmem:v4+s16+$0x0 ss:$0x1] =	vst.idx.msk $0xffff, v6  }
0x2de: {  	s1 =	sadd.s32 $0x8, s1;
	v6 =	vld.idx.msk [tilespmem:v7+s3+$0x0], $0xffff  }
0x2df: {  	s29 =	sadd.s32 $0x1, s29  }
0x2e0: {  	p1 =	sne.s32 s29, $0x40  }
.Ltmp71:
0x2e1: {  	s0 =	sadd.s32 $0x400, s0;
	(pc) =	sbr.rel @p1 .LBB2_132-.Ltmp71, $4  }
0x2e2: {  	s1 =	sadd.s32 $0x80, s30;
	s0 =	sand.u32 $0xE000, s0  }
0x2e3: {  	s1 =	sand.u32 $0x380, s1;
	s0 =	sadd.s32 s0, s26  }
0x2e4: {  	s0 =	sadd.s32 s1, s0  }
0x2e5: {  	[tilespmem:v4+s0+$0x0 ss:$0x1] =	vst.idx.msk $0xffff, v6  }
.Ltmp72:
0x2e6: {  	(pc) =	sbr.rel .LBB2_136-.Ltmp72, $2  }
0x2e7: {  	_ =	sdelay $0x2  }
0x2e8: {  	s26 =	simm.s32 $0xFFFFFFFF  }
.LBB2_137:
.Ltmp73:
0x2e9: {  	(pc) =	sbr.rel @p0 .LBB2_272-.Ltmp73, $1  }
0x2ea: {  	_ =	sdelay $0x3  }
0x2eb: {  	[tilespmem:s12], [sflag:$0x1] =	stream.linear.gather [hbm4b:s8+s3], $0x200, $0x38;
	[tilespmem:$0x10600] =	vst v63  }
0x2ec: {  	_ =	swait.ge [sflag:s11], $0x200  }
0x2ed: {  	[sflag:s11] =	ssyncset.done $0x0  }
0x2ee: {  	[sflag:s11] =	ssyncadd.s32 $0xFFFFFE00  }
0x2ef: {  	v4 =	vld [tilespmem:$0x200]  }
0x2f0: {  	v5 =	vld [tilespmem:$0x3F0];
	_ =	sdelay $0x3  }
0x2f1: {  	(v2sf) =	vpush v4, $0x0  }
0x2f2: {  	(v2sf) =	vpush v5, $0xF;
	_ =	sdelay $0xd  }
0x2f3: {  	s24 =	spop (v2sf)  }
0x2f4: {  	s25 =	spop (v2sf);
	p1 =	seq.s32 s24, s26  }
0x2f5: {  	p2 =	sne.s32 @!p1 s24, s25  }
0x2f6: {  	p1 =	por p1, p2  }
.Ltmp74:
0x2f7: {  	_ = 	snop;
	(pc) =	sbr.rel @p1 .LBB2_267-.Ltmp74, $1  }
0x2f8: {  	_ =	sdelay $0x3  }
0x2f9: {  	v4 =	vbroadcast v4, $0x0;
	_ =	sdelay $0x1  }
0x2fa: {  	v5 =	vadd.s32 v0, v4;
	_ =	sdelay $0x3  }
0x2fb: {  	s0 =	simm.s32 $0x0  }
0x2fc: {  	v5 =	vld.idx.msk [tilespmem:v5+s0+$0x0], $0xffff;
	_ =	sdelay $0x4  }
0x2fd: {  	s1 =	sand.u32 $0x70, s0;
	s16 =	sand.u32 $0x1C00, s0;
	v6 =	vbroadcast v5, $0x0  }
0x2fe: {  	s16 =	sor.u32 s1, s16  }
0x2ff: {  	s1 =	simm.s32 $0x10;
	[tilespmem:s16+$0x600] =	vst v6  }
.LBB2_140:
0x300: {  	p1 =	sne.s32 s1, $0x3F0  }
.Ltmp75:
0x301: {  	_ = 	snop;
	(pc) =	sbr.rel @p1 .LBB2_140-.Ltmp75, $4  }
0x302: {  	s0 =	sadd.s32 $0x80, s0  }
0x303: {  	s16 =	sand.u32 $0x70, s1;
	s17 =	sand.u32 $0x1C00, s0  }
0x304: {  	s16 =	sor.u32 s16, s17  }
0x305: {  	s1 =	sadd.s32 $0x10, s1;
	[tilespmem:s16+$0x600] =	vst v6  }
0x306: {  	s0 =	simm.s32 $0x0  }
0x307: {  	v6 =	vbroadcast v5, $0x1;
	s1 =	sand.u32 $0x70, s0;
	s16 =	sand.u32 $0x1C00, s0  }
0x308: {  	s16 =	sor.u32 s1, s16  }
0x309: {  	s1 =	simm.s32 $0x10;
	[tilespmem:s16+$0x680] =	vst v6  }
.LBB2_142:
0x30a: {  	p1 =	sne.s32 s1, $0x3F0  }
.Ltmp76:
0x30b: {  	_ = 	snop;
	(pc) =	sbr.rel @p1 .LBB2_142-.Ltmp76, $4  }
0x30c: {  	s0 =	sadd.s32 $0x80, s0  }
0x30d: {  	s16 =	sand.u32 $0x70, s1;
	s17 =	sand.u32 $0x1C00, s0  }
0x30e: {  	s16 =	sor.u32 s16, s17  }
0x30f: {  	s1 =	sadd.s32 $0x10, s1;
	[tilespmem:s16+$0x680] =	vst v6  }
0x310: {  	s0 =	simm.s32 $0x0  }
0x311: {  	v6 =	vbroadcast v5, $0x2;
	s1 =	sand.u32 $0x70, s0;
	s16 =	sand.u32 $0x1C00, s0  }
0x312: {  	s16 =	sor.u32 s1, s16  }
0x313: {  	s1 =	simm.s32 $0x10;
	[tilespmem:s16+$0x700] =	vst v6  }
.LBB2_144:
0x314: {  	p1 =	sne.s32 s1, $0x3F0  }
.Ltmp77:
0x315: {  	_ = 	snop;
	(pc) =	sbr.rel @p1 .LBB2_144-.Ltmp77, $4  }
0x316: {  	s0 =	sadd.s32 $0x80, s0  }
0x317: {  	s16 =	sand.u32 $0x70, s1;
	s17 =	sand.u32 $0x1C00, s0  }
0x318: {  	s16 =	sor.u32 s16, s17  }
0x319: {  	s1 =	sadd.s32 $0x10, s1;
	[tilespmem:s16+$0x700] =	vst v6  }
0x31a: {  	s0 =	simm.s32 $0x0  }
0x31b: {  	v6 =	vbroadcast v5, $0x3;
	s1 =	sand.u32 $0x70, s0;
	s16 =	sand.u32 $0x1C00, s0  }
0x31c: {  	s16 =	sor.u32 s1, s16  }
0x31d: {  	s1 =	simm.s32 $0x10;
	[tilespmem:s16+$0x780] =	vst v6  }
.LBB2_146:
0x31e: {  	p1 =	sne.s32 s1, $0x3F0  }
.Ltmp78:
0x31f: {  	_ = 	snop;
	(pc) =	sbr.rel @p1 .LBB2_146-.Ltmp78, $4  }
0x320: {  	s0 =	sadd.s32 $0x80, s0  }
0x321: {  	s16 =	sand.u32 $0x70, s1;
	s17 =	sand.u32 $0x1C00, s0  }
0x322: {  	s16 =	sor.u32 s16, s17  }
0x323: {  	s1 =	sadd.s32 $0x10, s1;
	[tilespmem:s16+$0x780] =	vst v6  }
0x324: {  	s0 =	simm.s32 $0x0  }
0x325: {  	v6 =	vbroadcast v5, $0x4;
	s1 =	sand.u32 $0x70, s0;
	s16 =	sand.u32 $0x1C00, s0  }
0x326: {  	s16 =	sor.u32 s1, s16  }
0x327: {  	s1 =	simm.s32 $0x10;
	[tilespmem:s16+$0x800] =	vst v6  }
.LBB2_148:
0x328: {  	p1 =	sne.s32 s1, $0x3F0  }
.Ltmp79:
0x329: {  	_ = 	snop;
	(pc) =	sbr.rel @p1 .LBB2_148-.Ltmp79, $4  }
0x32a: {  	s0 =	sadd.s32 $0x80, s0  }
0x32b: {  	s16 =	sand.u32 $0x70, s1;
	s17 =	sand.u32 $0x1C00, s0  }
0x32c: {  	s16 =	sor.u32 s16, s17  }
0x32d: {  	s1 =	sadd.s32 $0x10, s1;
	[tilespmem:s16+$0x800] =	vst v6  }
0x32e: {  	s0 =	simm.s32 $0x0  }
0x32f: {  	v6 =	vbroadcast v5, $0x5;
	s1 =	sand.u32 $0x70, s0;
	s16 =	sand.u32 $0x1C00, s0  }
0x330: {  	s16 =	sor.u32 s1, s16  }
0x331: {  	s1 =	simm.s32 $0x10;
	[tilespmem:s16+$0x880] =	vst v6  }
.LBB2_150:
0x332: {  	p1 =	sne.s32 s1, $0x3F0  }
.Ltmp80:
0x333: {  	_ = 	snop;
	(pc) =	sbr.rel @p1 .LBB2_150-.Ltmp80, $4  }
0x334: {  	s0 =	sadd.s32 $0x80, s0  }
0x335: {  	s16 =	sand.u32 $0x70, s1;
	s17 =	sand.u32 $0x1C00, s0  }
0x336: {  	s16 =	sor.u32 s16, s17  }
0x337: {  	s1 =	sadd.s32 $0x10, s1;
	[tilespmem:s16+$0x880] =	vst v6  }
0x338: {  	s0 =	simm.s32 $0x0  }
0x339: {  	v6 =	vbroadcast v5, $0x6;
	s1 =	sand.u32 $0x70, s0;
	s16 =	sand.u32 $0x1C00, s0  }
0x33a: {  	s16 =	sor.u32 s1, s16  }
0x33b: {  	s1 =	simm.s32 $0x10;
	[tilespmem:s16+$0x900] =	vst v6  }
.LBB2_152:
0x33c: {  	p1 =	sne.s32 s1, $0x3F0  }
.Ltmp81:
0x33d: {  	_ = 	snop;
	(pc) =	sbr.rel @p1 .LBB2_152-.Ltmp81, $4  }
0x33e: {  	s0 =	sadd.s32 $0x80, s0  }
0x33f: {  	s16 =	sand.u32 $0x70, s1;
	s17 =	sand.u32 $0x1C00, s0  }
0x340: {  	s16 =	sor.u32 s16, s17  }
0x341: {  	s1 =	sadd.s32 $0x10, s1;
	[tilespmem:s16+$0x900] =	vst v6  }
0x342: {  	s0 =	simm.s32 $0x0  }
0x343: {  	s16 =	sor.u32 s0, s0  }
0x344: {  	v6 =	vbroadcast v5, $0x7;
	s1 =	simm.s32 $0x10;
	s26 =	sor.u32 $0x380, s16  }
.LBB2_154:
0x345: {  	p1 =	sne.s32 s1, $0x3F0  }
0x346: {  	[tilespmem:s26+$0x600] =	vst v6;
	s0 =	sadd.s32 $0x80, s0;
	s16 =	smov.u32 s1;
	s1 =	sadd.s32 $0x10, s1  }
.Ltmp82:
0x347: {  	(pc) =	sbr.rel @p1 .LBB2_154-.Ltmp82, $3  }
0x348: {  	_ =	sdelay $0x1  }
0x349: {  	s16 =	sor.u32 s0, s16  }
0x34a: {  	s26 =	sor.u32 $0x380, s16  }
0x34b: {  	s0 =	simm.s32 $0x0  }
0x34c: {  	v7 =	vbroadcast v5, $0x8;
	s1 =	sand.u32 $0x70, s0;
	s16 =	sand.u32 $0x1C00, s0  }
0x34d: {  	[tilespmem:s26+$0x600] =	vst v6;
	s16 =	sor.u32 s1, s16  }
0x34e: {  	s1 =	simm.s32 $0x10;
	[tilespmem:s16+$0x2600] =	vst v7  }
.LBB2_156:
0x34f: {  	p1 =	sne.s32 s1, $0x3F0  }
.Ltmp83:
0x350: {  	_ = 	snop;
	(pc) =	sbr.rel @p1 .LBB2_156-.Ltmp83, $4  }
0x351: {  	s0 =	sadd.s32 $0x80, s0  }
0x352: {  	s16 =	sand.u32 $0x70, s1;
	s17 =	sand.u32 $0x1C00, s0  }
0x353: {  	s16 =	sor.u32 s16, s17  }
0x354: {  	s1 =	sadd.s32 $0x10, s1;
	[tilespmem:s16+$0x2600] =	vst v7  }
0x355: {  	s0 =	simm.s32 $0x0  }
0x356: {  	v6 =	vbroadcast v5, $0x9;
	s1 =	sand.u32 $0x70, s0;
	s16 =	sand.u32 $0x1C00, s0  }
0x357: {  	s16 =	sor.u32 s1, s16  }
0x358: {  	s1 =	simm.s32 $0x10;
	[tilespmem:s16+$0x2680] =	vst v6  }
.LBB2_158:
0x359: {  	p1 =	sne.s32 s1, $0x3F0  }
.Ltmp84:
0x35a: {  	_ = 	snop;
	(pc) =	sbr.rel @p1 .LBB2_158-.Ltmp84, $4  }
0x35b: {  	s0 =	sadd.s32 $0x80, s0  }
0x35c: {  	s16 =	sand.u32 $0x70, s1;
	s17 =	sand.u32 $0x1C00, s0  }
0x35d: {  	s16 =	sor.u32 s16, s17  }
0x35e: {  	s1 =	sadd.s32 $0x10, s1;
	[tilespmem:s16+$0x2680] =	vst v6  }
0x35f: {  	s0 =	simm.s32 $0x0  }
0x360: {  	v6 =	vbroadcast v5, $0xA;
	s1 =	sand.u32 $0x70, s0;
	s16 =	sand.u32 $0x1C00, s0  }
0x361: {  	s16 =	sor.u32 s1, s16  }
0x362: {  	s1 =	simm.s32 $0x10;
	[tilespmem:s16+$0x2700] =	vst v6  }
.LBB2_160:
0x363: {  	p1 =	sne.s32 s1, $0x3F0  }
.Ltmp85:
0x364: {  	_ = 	snop;
	(pc) =	sbr.rel @p1 .LBB2_160-.Ltmp85, $4  }
0x365: {  	s0 =	sadd.s32 $0x80, s0  }
0x366: {  	s16 =	sand.u32 $0x70, s1;
	s17 =	sand.u32 $0x1C00, s0  }
0x367: {  	s16 =	sor.u32 s16, s17  }
0x368: {  	s1 =	sadd.s32 $0x10, s1;
	[tilespmem:s16+$0x2700] =	vst v6  }
0x369: {  	s0 =	simm.s32 $0x0  }
0x36a: {  	v6 =	vbroadcast v5, $0xB;
	s1 =	sand.u32 $0x70, s0;
	s16 =	sand.u32 $0x1C00, s0  }
0x36b: {  	s16 =	sor.u32 s1, s16  }
0x36c: {  	s1 =	simm.s32 $0x10;
	[tilespmem:s16+$0x2780] =	vst v6  }
.LBB2_162:
0x36d: {  	p1 =	sne.s32 s1, $0x3F0  }
.Ltmp86:
0x36e: {  	_ = 	snop;
	(pc) =	sbr.rel @p1 .LBB2_162-.Ltmp86, $4  }
0x36f: {  	s0 =	sadd.s32 $0x80, s0  }
0x370: {  	s16 =	sand.u32 $0x70, s1;
	s17 =	sand.u32 $0x1C00, s0  }
0x371: {  	s16 =	sor.u32 s16, s17  }
0x372: {  	s1 =	sadd.s32 $0x10, s1;
	[tilespmem:s16+$0x2780] =	vst v6  }
0x373: {  	s0 =	simm.s32 $0x0  }
0x374: {  	v6 =	vbroadcast v5, $0xC;
	s1 =	sand.u32 $0x70, s0;
	s16 =	sand.u32 $0x1C00, s0  }
0x375: {  	s16 =	sor.u32 s1, s16  }
0x376: {  	s1 =	simm.s32 $0x10;
	[tilespmem:s16+$0x2800] =	vst v6  }
.LBB2_164:
0x377: {  	p1 =	sne.s32 s1, $0x3F0  }
.Ltmp87:
0x378: {  	_ = 	snop;
	(pc) =	sbr.rel @p1 .LBB2_164-.Ltmp87, $4  }
0x379: {  	s0 =	sadd.s32 $0x80, s0  }
0x37a: {  	s16 =	sand.u32 $0x70, s1;
	s17 =	sand.u32 $0x1C00, s0  }
0x37b: {  	s16 =	sor.u32 s16, s17  }
0x37c: {  	s1 =	sadd.s32 $0x10, s1;
	[tilespmem:s16+$0x2800] =	vst v6  }
0x37d: {  	s0 =	simm.s32 $0x0  }
0x37e: {  	v6 =	vbroadcast v5, $0xD;
	s1 =	sand.u32 $0x70, s0;
	s16 =	sand.u32 $0x1C00, s0  }
0x37f: {  	s16 =	sor.u32 s1, s16  }
0x380: {  	s1 =	simm.s32 $0x10;
	[tilespmem:s16+$0x2880] =	vst v6  }
.LBB2_166:
0x381: {  	p1 =	sne.s32 s1, $0x3F0  }
.Ltmp88:
0x382: {  	_ = 	snop;
	(pc) =	sbr.rel @p1 .LBB2_166-.Ltmp88, $4  }
0x383: {  	s0 =	sadd.s32 $0x80, s0  }
0x384: {  	s16 =	sand.u32 $0x70, s1;
	s17 =	sand.u32 $0x1C00, s0  }
0x385: {  	s16 =	sor.u32 s16, s17  }
0x386: {  	s1 =	sadd.s32 $0x10, s1;
	[tilespmem:s16+$0x2880] =	vst v6  }
0x387: {  	s0 =	simm.s32 $0x0  }
0x388: {  	v6 =	vbroadcast v5, $0xE;
	s1 =	sand.u32 $0x70, s0;
	s16 =	sand.u32 $0x1C00, s0  }
0x389: {  	s16 =	sor.u32 s1, s16  }
0x38a: {  	s1 =	simm.s32 $0x10;
	[tilespmem:s16+$0x2900] =	vst v6  }
.LBB2_168:
0x38b: {  	p1 =	sne.s32 s1, $0x3F0  }
.Ltmp89:
0x38c: {  	_ = 	snop;
	(pc) =	sbr.rel @p1 .LBB2_168-.Ltmp89, $4  }
0x38d: {  	s0 =	sadd.s32 $0x80, s0  }
0x38e: {  	s16 =	sand.u32 $0x70, s1;
	s17 =	sand.u32 $0x1C00, s0  }
0x38f: {  	s16 =	sor.u32 s16, s17  }
0x390: {  	s1 =	sadd.s32 $0x10, s1;
	[tilespmem:s16+$0x2900] =	vst v6  }
0x391: {  	s0 =	simm.s32 $0x0  }
0x392: {  	v5 =	vbroadcast v5, $0xF;
	s1 =	sand.u32 $0x70, s0;
	s16 =	sand.u32 $0x1C00, s0  }
0x393: {  	s16 =	sor.u32 s1, s16  }
0x394: {  	s1 =	simm.s32 $0x10;
	[tilespmem:s16+$0x2980] =	vst v5  }
.LBB2_170:
0x395: {  	p1 =	sne.s32 s1, $0x3F0  }
.Ltmp90:
0x396: {  	_ = 	snop;
	(pc) =	sbr.rel @p1 .LBB2_170-.Ltmp90, $4  }
0x397: {  	s0 =	sadd.s32 $0x80, s0  }
0x398: {  	s16 =	sand.u32 $0x70, s1;
	s17 =	sand.u32 $0x1C00, s0  }
0x399: {  	s16 =	sor.u32 s16, s17  }
0x39a: {  	s1 =	sadd.s32 $0x10, s1;
	[tilespmem:s16+$0x2980] =	vst v5  }
0x39b: {  	v5 =	vadd.s32 v1, v4;
	_ =	sdelay $0x3  }
0x39c: {  	s0 =	simm.s32 $0x0  }
0x39d: {  	v5 =	vld.idx.msk [tilespmem:v5+s0+$0x0], $0xffff;
	_ =	sdelay $0x4  }
0x39e: {  	s1 =	sand.u32 $0x70, s0;
	s16 =	sand.u32 $0x1C00, s0;
	v6 =	vbroadcast v5, $0x0  }
0x39f: {  	s16 =	sor.u32 s1, s16  }
0x3a0: {  	s1 =	simm.s32 $0x10;
	[tilespmem:s16+$0x4600] =	vst v6  }
.LBB2_172:
0x3a1: {  	p1 =	sne.s32 s1, $0x3F0  }
.Ltmp91:
0x3a2: {  	_ = 	snop;
	(pc) =	sbr.rel @p1 .LBB2_172-.Ltmp91, $4  }
0x3a3: {  	s0 =	sadd.s32 $0x80, s0  }
0x3a4: {  	s16 =	sand.u32 $0x70, s1;
	s17 =	sand.u32 $0x1C00, s0  }
0x3a5: {  	s16 =	sor.u32 s16, s17  }
0x3a6: {  	s1 =	sadd.s32 $0x10, s1;
	[tilespmem:s16+$0x4600] =	vst v6  }
0x3a7: {  	s0 =	simm.s32 $0x0  }
0x3a8: {  	v6 =	vbroadcast v5, $0x1;
	s1 =	sand.u32 $0x70, s0;
	s16 =	sand.u32 $0x1C00, s0  }
0x3a9: {  	s16 =	sor.u32 s1, s16  }
0x3aa: {  	s1 =	simm.s32 $0x10;
	[tilespmem:s16+$0x4680] =	vst v6  }
.LBB2_174:
0x3ab: {  	p1 =	sne.s32 s1, $0x3F0  }
.Ltmp92:
0x3ac: {  	_ = 	snop;
	(pc) =	sbr.rel @p1 .LBB2_174-.Ltmp92, $4  }
0x3ad: {  	s0 =	sadd.s32 $0x80, s0  }
0x3ae: {  	s16 =	sand.u32 $0x70, s1;
	s17 =	sand.u32 $0x1C00, s0  }
0x3af: {  	s16 =	sor.u32 s16, s17  }
0x3b0: {  	s1 =	sadd.s32 $0x10, s1;
	[tilespmem:s16+$0x4680] =	vst v6  }
0x3b1: {  	s0 =	simm.s32 $0x0  }
0x3b2: {  	v6 =	vbroadcast v5, $0x2;
	s1 =	sand.u32 $0x70, s0;
	s16 =	sand.u32 $0x1C00, s0  }
0x3b3: {  	s16 =	sor.u32 s1, s16  }
0x3b4: {  	s1 =	simm.s32 $0x10;
	[tilespmem:s16+$0x4700] =	vst v6  }
.LBB2_176:
0x3b5: {  	p1 =	sne.s32 s1, $0x3F0  }
.Ltmp93:
0x3b6: {  	_ = 	snop;
	(pc) =	sbr.rel @p1 .LBB2_176-.Ltmp93, $4  }
0x3b7: {  	s0 =	sadd.s32 $0x80, s0  }
0x3b8: {  	s16 =	sand.u32 $0x70, s1;
	s17 =	sand.u32 $0x1C00, s0  }
0x3b9: {  	s16 =	sor.u32 s16, s17  }
0x3ba: {  	s1 =	sadd.s32 $0x10, s1;
	[tilespmem:s16+$0x4700] =	vst v6  }
0x3bb: {  	s0 =	simm.s32 $0x0  }
0x3bc: {  	v6 =	vbroadcast v5, $0x3;
	s1 =	sand.u32 $0x70, s0;
	s16 =	sand.u32 $0x1C00, s0  }
0x3bd: {  	s16 =	sor.u32 s1, s16  }
0x3be: {  	s1 =	simm.s32 $0x10;
	[tilespmem:s16+$0x4780] =	vst v6  }
.LBB2_178:
0x3bf: {  	p1 =	sne.s32 s1, $0x3F0  }
.Ltmp94:
0x3c0: {  	_ = 	snop;
	(pc) =	sbr.rel @p1 .LBB2_178-.Ltmp94, $4  }
0x3c1: {  	s0 =	sadd.s32 $0x80, s0  }
0x3c2: {  	s16 =	sand.u32 $0x70, s1;
	s17 =	sand.u32 $0x1C00, s0  }
0x3c3: {  	s16 =	sor.u32 s16, s17  }
0x3c4: {  	s1 =	sadd.s32 $0x10, s1;
	[tilespmem:s16+$0x4780] =	vst v6  }
0x3c5: {  	s0 =	simm.s32 $0x0  }
0x3c6: {  	v6 =	vbroadcast v5, $0x4;
	s1 =	sand.u32 $0x70, s0;
	s16 =	sand.u32 $0x1C00, s0  }
0x3c7: {  	s16 =	sor.u32 s1, s16  }
0x3c8: {  	s1 =	simm.s32 $0x10;
	[tilespmem:s16+$0x4800] =	vst v6  }
.LBB2_180:
0x3c9: {  	p1 =	sne.s32 s1, $0x3F0  }
.Ltmp95:
0x3ca: {  	_ = 	snop;
	(pc) =	sbr.rel @p1 .LBB2_180-.Ltmp95, $4  }
0x3cb: {  	s0 =	sadd.s32 $0x80, s0  }
0x3cc: {  	s16 =	sand.u32 $0x70, s1;
	s17 =	sand.u32 $0x1C00, s0  }
0x3cd: {  	s16 =	sor.u32 s16, s17  }
0x3ce: {  	s1 =	sadd.s32 $0x10, s1;
	[tilespmem:s16+$0x4800] =	vst v6  }
0x3cf: {  	s0 =	simm.s32 $0x0  }
0x3d0: {  	v6 =	vbroadcast v5, $0x5;
	s1 =	sand.u32 $0x70, s0;
	s16 =	sand.u32 $0x1C00, s0  }
0x3d1: {  	s16 =	sor.u32 s1, s16  }
0x3d2: {  	s1 =	simm.s32 $0x10;
	[tilespmem:s16+$0x4880] =	vst v6  }
.LBB2_182:
0x3d3: {  	p1 =	sne.s32 s1, $0x3F0  }
.Ltmp96:
0x3d4: {  	_ = 	snop;
	(pc) =	sbr.rel @p1 .LBB2_182-.Ltmp96, $4  }
0x3d5: {  	s0 =	sadd.s32 $0x80, s0  }
0x3d6: {  	s16 =	sand.u32 $0x70, s1;
	s17 =	sand.u32 $0x1C00, s0  }
0x3d7: {  	s16 =	sor.u32 s16, s17  }
0x3d8: {  	s1 =	sadd.s32 $0x10, s1;
	[tilespmem:s16+$0x4880] =	vst v6  }
0x3d9: {  	s0 =	simm.s32 $0x0  }
0x3da: {  	v6 =	vbroadcast v5, $0x6;
	s1 =	sand.u32 $0x70, s0;
	s16 =	sand.u32 $0x1C00, s0  }
0x3db: {  	s16 =	sor.u32 s1, s16  }
0x3dc: {  	s1 =	simm.s32 $0x10;
	[tilespmem:s16+$0x4900] =	vst v6  }
.LBB2_184:
0x3dd: {  	p1 =	sne.s32 s1, $0x3F0  }
.Ltmp97:
0x3de: {  	_ = 	snop;
	(pc) =	sbr.rel @p1 .LBB2_184-.Ltmp97, $4  }
0x3df: {  	s0 =	sadd.s32 $0x80, s0  }
0x3e0: {  	s16 =	sand.u32 $0x70, s1;
	s17 =	sand.u32 $0x1C00, s0  }
0x3e1: {  	s16 =	sor.u32 s16, s17  }
0x3e2: {  	s1 =	sadd.s32 $0x10, s1;
	[tilespmem:s16+$0x4900] =	vst v6  }
0x3e3: {  	s0 =	simm.s32 $0x0  }
0x3e4: {  	v6 =	vbroadcast v5, $0x7;
	s1 =	sand.u32 $0x70, s0;
	s16 =	sand.u32 $0x1C00, s0  }
0x3e5: {  	s16 =	sor.u32 s1, s16  }
0x3e6: {  	s1 =	simm.s32 $0x10;
	[tilespmem:s16+$0x4980] =	vst v6  }
.LBB2_186:
0x3e7: {  	p1 =	sne.s32 s1, $0x3F0  }
.Ltmp98:
0x3e8: {  	_ = 	snop;
	(pc) =	sbr.rel @p1 .LBB2_186-.Ltmp98, $4  }
0x3e9: {  	s0 =	sadd.s32 $0x80, s0  }
0x3ea: {  	s16 =	sand.u32 $0x70, s1;
	s17 =	sand.u32 $0x1C00, s0  }
0x3eb: {  	s16 =	sor.u32 s16, s17  }
0x3ec: {  	s1 =	sadd.s32 $0x10, s1;
	[tilespmem:s16+$0x4980] =	vst v6  }
0x3ed: {  	s0 =	simm.s32 $0x0  }
0x3ee: {  	v6 =	vbroadcast v5, $0x8;
	s1 =	sand.u32 $0x70, s0;
	s16 =	sand.u32 $0x1C00, s0  }
0x3ef: {  	s16 =	sor.u32 s1, s16  }
0x3f0: {  	s1 =	simm.s32 $0x10;
	[tilespmem:s16+$0x6600] =	vst v6  }
.LBB2_188:
0x3f1: {  	p1 =	sne.s32 s1, $0x3F0  }
.Ltmp99:
0x3f2: {  	_ = 	snop;
	(pc) =	sbr.rel @p1 .LBB2_188-.Ltmp99, $4  }
0x3f3: {  	s0 =	sadd.s32 $0x80, s0  }
0x3f4: {  	s16 =	sand.u32 $0x70, s1;
	s17 =	sand.u32 $0x1C00, s0  }
0x3f5: {  	s16 =	sor.u32 s16, s17  }
0x3f6: {  	s1 =	sadd.s32 $0x10, s1;
	[tilespmem:s16+$0x6600] =	vst v6  }
0x3f7: {  	s0 =	simm.s32 $0x0  }
0x3f8: {  	v6 =	vbroadcast v5, $0x9;
	s1 =	sand.u32 $0x70, s0;
	s16 =	sand.u32 $0x1C00, s0  }
0x3f9: {  	s16 =	sor.u32 s1, s16  }
0x3fa: {  	s1 =	simm.s32 $0x10;
	[tilespmem:s16+$0x6680] =	vst v6  }
.LBB2_190:
0x3fb: {  	p1 =	sne.s32 s1, $0x3F0  }
.Ltmp100:
0x3fc: {  	_ = 	snop;
	(pc) =	sbr.rel @p1 .LBB2_190-.Ltmp100, $4  }
0x3fd: {  	s0 =	sadd.s32 $0x80, s0  }
0x3fe: {  	s16 =	sand.u32 $0x70, s1;
	s17 =	sand.u32 $0x1C00, s0  }
0x3ff: {  	s16 =	sor.u32 s16, s17  }
0x400: {  	s1 =	sadd.s32 $0x10, s1;
	[tilespmem:s16+$0x6680] =	vst v6  }
0x401: {  	s0 =	simm.s32 $0x0  }
0x402: {  	v6 =	vbroadcast v5, $0xA;
	s1 =	sand.u32 $0x70, s0;
	s16 =	sand.u32 $0x1C00, s0  }
0x403: {  	s16 =	sor.u32 s1, s16  }
0x404: {  	s1 =	simm.s32 $0x10;
	[tilespmem:s16+$0x6700] =	vst v6  }
.LBB2_192:
0x405: {  	p1 =	sne.s32 s1, $0x3F0  }
.Ltmp101:
0x406: {  	_ = 	snop;
	(pc) =	sbr.rel @p1 .LBB2_192-.Ltmp101, $4  }
0x407: {  	s0 =	sadd.s32 $0x80, s0  }
0x408: {  	s16 =	sand.u32 $0x70, s1;
	s17 =	sand.u32 $0x1C00, s0  }
0x409: {  	s16 =	sor.u32 s16, s17  }
0x40a: {  	s1 =	sadd.s32 $0x10, s1;
	[tilespmem:s16+$0x6700] =	vst v6  }
0x40b: {  	s0 =	simm.s32 $0x0  }
0x40c: {  	v6 =	vbroadcast v5, $0xB;
	s1 =	sand.u32 $0x70, s0;
	s16 =	sand.u32 $0x1C00, s0  }
0x40d: {  	s16 =	sor.u32 s1, s16  }
0x40e: {  	s1 =	simm.s32 $0x10;
	[tilespmem:s16+$0x6780] =	vst v6  }
.LBB2_194:
0x40f: {  	p1 =	sne.s32 s1, $0x3F0  }
.Ltmp102:
0x410: {  	_ = 	snop;
	(pc) =	sbr.rel @p1 .LBB2_194-.Ltmp102, $4  }
0x411: {  	s0 =	sadd.s32 $0x80, s0  }
0x412: {  	s16 =	sand.u32 $0x70, s1;
	s17 =	sand.u32 $0x1C00, s0  }
0x413: {  	s16 =	sor.u32 s16, s17  }
0x414: {  	s1 =	sadd.s32 $0x10, s1;
	[tilespmem:s16+$0x6780] =	vst v6  }
0x415: {  	s0 =	simm.s32 $0x0  }
0x416: {  	v6 =	vbroadcast v5, $0xC;
	s1 =	sand.u32 $0x70, s0;
	s16 =	sand.u32 $0x1C00, s0  }
0x417: {  	s16 =	sor.u32 s1, s16  }
0x418: {  	s1 =	simm.s32 $0x10;
	[tilespmem:s16+$0x6800] =	vst v6  }
.LBB2_196:
0x419: {  	p1 =	sne.s32 s1, $0x3F0  }
.Ltmp103:
0x41a: {  	_ = 	snop;
	(pc) =	sbr.rel @p1 .LBB2_196-.Ltmp103, $4  }
0x41b: {  	s0 =	sadd.s32 $0x80, s0  }
0x41c: {  	s16 =	sand.u32 $0x70, s1;
	s17 =	sand.u32 $0x1C00, s0  }
0x41d: {  	s16 =	sor.u32 s16, s17  }
0x41e: {  	s1 =	sadd.s32 $0x10, s1;
	[tilespmem:s16+$0x6800] =	vst v6  }
0x41f: {  	s0 =	simm.s32 $0x0  }
0x420: {  	v6 =	vbroadcast v5, $0xD;
	s1 =	sand.u32 $0x70, s0;
	s16 =	sand.u32 $0x1C00, s0  }
0x421: {  	s16 =	sor.u32 s1, s16  }
0x422: {  	s1 =	simm.s32 $0x10;
	[tilespmem:s16+$0x6880] =	vst v6  }
.LBB2_198:
0x423: {  	p1 =	sne.s32 s1, $0x3F0  }
.Ltmp104:
0x424: {  	_ = 	snop;
	(pc) =	sbr.rel @p1 .LBB2_198-.Ltmp104, $4  }
0x425: {  	s0 =	sadd.s32 $0x80, s0  }
0x426: {  	s16 =	sand.u32 $0x70, s1;
	s17 =	sand.u32 $0x1C00, s0  }
0x427: {  	s16 =	sor.u32 s16, s17  }
0x428: {  	s1 =	sadd.s32 $0x10, s1;
	[tilespmem:s16+$0x6880] =	vst v6  }
0x429: {  	s0 =	simm.s32 $0x0  }
0x42a: {  	v6 =	vbroadcast v5, $0xE;
	s1 =	sand.u32 $0x70, s0;
	s16 =	sand.u32 $0x1C00, s0  }
0x42b: {  	s16 =	sor.u32 s1, s16  }
0x42c: {  	s1 =	simm.s32 $0x10;
	[tilespmem:s16+$0x6900] =	vst v6  }
.LBB2_200:
0x42d: {  	p1 =	sne.s32 s1, $0x3F0  }
.Ltmp105:
0x42e: {  	_ = 	snop;
	(pc) =	sbr.rel @p1 .LBB2_200-.Ltmp105, $4  }
0x42f: {  	s0 =	sadd.s32 $0x80, s0  }
0x430: {  	s16 =	sand.u32 $0x70, s1;
	s17 =	sand.u32 $0x1C00, s0  }
0x431: {  	s16 =	sor.u32 s16, s17  }
0x432: {  	s1 =	sadd.s32 $0x10, s1;
	[tilespmem:s16+$0x6900] =	vst v6  }
0x433: {  	s0 =	simm.s32 $0x0  }
0x434: {  	v5 =	vbroadcast v5, $0xF;
	s1 =	sand.u32 $0x70, s0;
	s16 =	sand.u32 $0x1C00, s0  }
0x435: {  	s16 =	sor.u32 s1, s16  }
0x436: {  	s1 =	simm.s32 $0x10;
	[tilespmem:s16+$0x6980] =	vst v5  }
.LBB2_202:
0x437: {  	p1 =	sne.s32 s1, $0x3F0  }
.Ltmp106:
0x438: {  	_ = 	snop;
	(pc) =	sbr.rel @p1 .LBB2_202-.Ltmp106, $4  }
0x439: {  	s0 =	sadd.s32 $0x80, s0  }
0x43a: {  	s16 =	sand.u32 $0x70, s1;
	s17 =	sand.u32 $0x1C00, s0  }
0x43b: {  	s16 =	sor.u32 s16, s17  }
0x43c: {  	s1 =	sadd.s32 $0x10, s1;
	[tilespmem:s16+$0x6980] =	vst v5  }
0x43d: {  	v5 =	vadd.s32 v2, v4;
	_ =	sdelay $0x3  }
0x43e: {  	s0 =	simm.s32 $0x0  }
0x43f: {  	v5 =	vld.idx.msk [tilespmem:v5+s0+$0x0], $0xffff;
	_ =	sdelay $0x4  }
0x440: {  	s1 =	sand.u32 $0x70, s0;
	s16 =	sand.u32 $0x1C00, s0;
	v6 =	vbroadcast v5, $0x0  }
0x441: {  	s16 =	sor.u32 s1, s16  }
0x442: {  	s1 =	simm.s32 $0x10;
	[tilespmem:s16+$0x8600] =	vst v6  }
.LBB2_204:
0x443: {  	p1 =	sne.s32 s1, $0x3F0  }
.Ltmp107:
0x444: {  	_ = 	snop;
	(pc) =	sbr.rel @p1 .LBB2_204-.Ltmp107, $4  }
0x445: {  	s0 =	sadd.s32 $0x80, s0  }
0x446: {  	s16 =	sand.u32 $0x70, s1;
	s17 =	sand.u32 $0x1C00, s0  }
0x447: {  	s16 =	sor.u32 s16, s17  }
0x448: {  	s1 =	sadd.s32 $0x10, s1;
	[tilespmem:s16+$0x8600] =	vst v6  }
0x449: {  	s0 =	simm.s32 $0x0  }
0x44a: {  	v6 =	vbroadcast v5, $0x1;
	s1 =	sand.u32 $0x70, s0;
	s16 =	sand.u32 $0x1C00, s0  }
0x44b: {  	s16 =	sor.u32 s1, s16  }
0x44c: {  	s1 =	simm.s32 $0x10;
	[tilespmem:s16+$0x8680] =	vst v6  }
.LBB2_206:
0x44d: {  	p1 =	sne.s32 s1, $0x3F0  }
.Ltmp108:
0x44e: {  	_ = 	snop;
	(pc) =	sbr.rel @p1 .LBB2_206-.Ltmp108, $4  }
0x44f: {  	s0 =	sadd.s32 $0x80, s0  }
0x450: {  	s16 =	sand.u32 $0x70, s1;
	s17 =	sand.u32 $0x1C00, s0  }
0x451: {  	s16 =	sor.u32 s16, s17  }
0x452: {  	s1 =	sadd.s32 $0x10, s1;
	[tilespmem:s16+$0x8680] =	vst v6  }
0x453: {  	s0 =	simm.s32 $0x0  }
0x454: {  	v6 =	vbroadcast v5, $0x2;
	s1 =	sand.u32 $0x70, s0;
	s16 =	sand.u32 $0x1C00, s0  }
0x455: {  	s16 =	sor.u32 s1, s16  }
0x456: {  	s1 =	simm.s32 $0x10;
	[tilespmem:s16+$0x8700] =	vst v6  }
.LBB2_208:
0x457: {  	p1 =	sne.s32 s1, $0x3F0  }
.Ltmp109:
0x458: {  	_ = 	snop;
	(pc) =	sbr.rel @p1 .LBB2_208-.Ltmp109, $4  }
0x459: {  	s0 =	sadd.s32 $0x80, s0  }
0x45a: {  	s16 =	sand.u32 $0x70, s1;
	s17 =	sand.u32 $0x1C00, s0  }
0x45b: {  	s16 =	sor.u32 s16, s17  }
0x45c: {  	s1 =	sadd.s32 $0x10, s1;
	[tilespmem:s16+$0x8700] =	vst v6  }
0x45d: {  	s0 =	simm.s32 $0x0  }
0x45e: {  	v6 =	vbroadcast v5, $0x3;
	s1 =	sand.u32 $0x70, s0;
	s16 =	sand.u32 $0x1C00, s0  }
0x45f: {  	s16 =	sor.u32 s1, s16  }
0x460: {  	s1 =	simm.s32 $0x10;
	[tilespmem:s16+$0x8780] =	vst v6  }
.LBB2_210:
0x461: {  	p1 =	sne.s32 s1, $0x3F0  }
.Ltmp110:
0x462: {  	_ = 	snop;
	(pc) =	sbr.rel @p1 .LBB2_210-.Ltmp110, $4  }
0x463: {  	s0 =	sadd.s32 $0x80, s0  }
0x464: {  	s16 =	sand.u32 $0x70, s1;
	s17 =	sand.u32 $0x1C00, s0  }
0x465: {  	s16 =	sor.u32 s16, s17  }
0x466: {  	s1 =	sadd.s32 $0x10, s1;
	[tilespmem:s16+$0x8780] =	vst v6  }
0x467: {  	s0 =	simm.s32 $0x0  }
0x468: {  	v6 =	vbroadcast v5, $0x4;
	s1 =	sand.u32 $0x70, s0;
	s16 =	sand.u32 $0x1C00, s0  }
0x469: {  	s16 =	sor.u32 s1, s16  }
0x46a: {  	s1 =	simm.s32 $0x10;
	[tilespmem:s16+$0x8800] =	vst v6  }
.LBB2_212:
0x46b: {  	p1 =	sne.s32 s1, $0x3F0  }
.Ltmp111:
0x46c: {  	_ = 	snop;
	(pc) =	sbr.rel @p1 .LBB2_212-.Ltmp111, $4  }
0x46d: {  	s0 =	sadd.s32 $0x80, s0  }
0x46e: {  	s16 =	sand.u32 $0x70, s1;
	s17 =	sand.u32 $0x1C00, s0  }
0x46f: {  	s16 =	sor.u32 s16, s17  }
0x470: {  	s1 =	sadd.s32 $0x10, s1;
	[tilespmem:s16+$0x8800] =	vst v6  }
0x471: {  	s0 =	simm.s32 $0x0  }
0x472: {  	v6 =	vbroadcast v5, $0x5;
	s1 =	sand.u32 $0x70, s0;
	s16 =	sand.u32 $0x1C00, s0  }
0x473: {  	s16 =	sor.u32 s1, s16  }
0x474: {  	s1 =	simm.s32 $0x10;
	[tilespmem:s16+$0x8880] =	vst v6  }
.LBB2_214:
0x475: {  	p1 =	sne.s32 s1, $0x3F0  }
.Ltmp112:
0x476: {  	_ = 	snop;
	(pc) =	sbr.rel @p1 .LBB2_214-.Ltmp112, $4  }
0x477: {  	s0 =	sadd.s32 $0x80, s0  }
0x478: {  	s16 =	sand.u32 $0x70, s1;
	s17 =	sand.u32 $0x1C00, s0  }
0x479: {  	s16 =	sor.u32 s16, s17  }
0x47a: {  	s1 =	sadd.s32 $0x10, s1;
	[tilespmem:s16+$0x8880] =	vst v6  }
0x47b: {  	s0 =	simm.s32 $0x0  }
0x47c: {  	v6 =	vbroadcast v5, $0x6;
	s1 =	sand.u32 $0x70, s0;
	s16 =	sand.u32 $0x1C00, s0  }
0x47d: {  	s16 =	sor.u32 s1, s16  }
0x47e: {  	s1 =	simm.s32 $0x10;
	[tilespmem:s16+$0x8900] =	vst v6  }
.LBB2_216:
0x47f: {  	p1 =	sne.s32 s1, $0x3F0  }
.Ltmp113:
0x480: {  	_ = 	snop;
	(pc) =	sbr.rel @p1 .LBB2_216-.Ltmp113, $4  }
0x481: {  	s0 =	sadd.s32 $0x80, s0  }
0x482: {  	s16 =	sand.u32 $0x70, s1;
	s17 =	sand.u32 $0x1C00, s0  }
0x483: {  	s16 =	sor.u32 s16, s17  }
0x484: {  	s1 =	sadd.s32 $0x10, s1;
	[tilespmem:s16+$0x8900] =	vst v6  }
0x485: {  	s0 =	simm.s32 $0x0  }
0x486: {  	v6 =	vbroadcast v5, $0x7;
	s1 =	sand.u32 $0x70, s0;
	s16 =	sand.u32 $0x1C00, s0  }
0x487: {  	s16 =	sor.u32 s1, s16  }
0x488: {  	s1 =	simm.s32 $0x10;
	[tilespmem:s16+$0x8980] =	vst v6  }
.LBB2_218:
0x489: {  	p1 =	sne.s32 s1, $0x3F0  }
.Ltmp114:
0x48a: {  	_ = 	snop;
	(pc) =	sbr.rel @p1 .LBB2_218-.Ltmp114, $4  }
0x48b: {  	s0 =	sadd.s32 $0x80, s0  }
0x48c: {  	s16 =	sand.u32 $0x70, s1;
	s17 =	sand.u32 $0x1C00, s0  }
0x48d: {  	s16 =	sor.u32 s16, s17  }
0x48e: {  	s1 =	sadd.s32 $0x10, s1;
	[tilespmem:s16+$0x8980] =	vst v6  }
0x48f: {  	s0 =	simm.s32 $0x0  }
0x490: {  	v6 =	vbroadcast v5, $0x8;
	s1 =	sand.u32 $0x70, s0;
	s16 =	sand.u32 $0x1C00, s0  }
0x491: {  	s16 =	sor.u32 s1, s16  }
0x492: {  	s1 =	simm.s32 $0x10;
	[tilespmem:s16+$0xA600] =	vst v6  }
.LBB2_220:
0x493: {  	p1 =	sne.s32 s1, $0x3F0  }
.Ltmp115:
0x494: {  	_ = 	snop;
	(pc) =	sbr.rel @p1 .LBB2_220-.Ltmp115, $4  }
0x495: {  	s0 =	sadd.s32 $0x80, s0  }
0x496: {  	s16 =	sand.u32 $0x70, s1;
	s17 =	sand.u32 $0x1C00, s0  }
0x497: {  	s16 =	sor.u32 s16, s17  }
0x498: {  	s1 =	sadd.s32 $0x10, s1;
	[tilespmem:s16+$0xA600] =	vst v6  }
0x499: {  	s0 =	simm.s32 $0x0  }
0x49a: {  	v6 =	vbroadcast v5, $0x9;
	s1 =	sand.u32 $0x70, s0;
	s16 =	sand.u32 $0x1C00, s0  }
0x49b: {  	s16 =	sor.u32 s1, s16  }
0x49c: {  	s1 =	simm.s32 $0x10;
	[tilespmem:s16+$0xA680] =	vst v6  }
.LBB2_222:
0x49d: {  	p1 =	sne.s32 s1, $0x3F0  }
.Ltmp116:
0x49e: {  	_ = 	snop;
	(pc) =	sbr.rel @p1 .LBB2_222-.Ltmp116, $4  }
0x49f: {  	s0 =	sadd.s32 $0x80, s0  }
0x4a0: {  	s16 =	sand.u32 $0x70, s1;
	s17 =	sand.u32 $0x1C00, s0  }
0x4a1: {  	s16 =	sor.u32 s16, s17  }
0x4a2: {  	s1 =	sadd.s32 $0x10, s1;
	[tilespmem:s16+$0xA680] =	vst v6  }
0x4a3: {  	s0 =	simm.s32 $0x0  }
0x4a4: {  	v6 =	vbroadcast v5, $0xA;
	s1 =	sand.u32 $0x70, s0;
	s16 =	sand.u32 $0x1C00, s0  }
0x4a5: {  	s16 =	sor.u32 s1, s16  }
0x4a6: {  	s1 =	simm.s32 $0x10;
	[tilespmem:s16+$0xA700] =	vst v6  }
.LBB2_224:
0x4a7: {  	p1 =	sne.s32 s1, $0x3F0  }
.Ltmp117:
0x4a8: {  	_ = 	snop;
	(pc) =	sbr.rel @p1 .LBB2_224-.Ltmp117, $4  }
0x4a9: {  	s0 =	sadd.s32 $0x80, s0  }
0x4aa: {  	s16 =	sand.u32 $0x70, s1;
	s17 =	sand.u32 $0x1C00, s0  }
0x4ab: {  	s16 =	sor.u32 s16, s17  }
0x4ac: {  	s1 =	sadd.s32 $0x10, s1;
	[tilespmem:s16+$0xA700] =	vst v6  }
0x4ad: {  	s0 =	simm.s32 $0x0  }
0x4ae: {  	v6 =	vbroadcast v5, $0xB;
	s1 =	sand.u32 $0x70, s0;
	s16 =	sand.u32 $0x1C00, s0  }
0x4af: {  	s16 =	sor.u32 s1, s16  }
0x4b0: {  	s1 =	simm.s32 $0x10;
	[tilespmem:s16+$0xA780] =	vst v6  }
.LBB2_226:
0x4b1: {  	p1 =	sne.s32 s1, $0x3F0  }
.Ltmp118:
0x4b2: {  	_ = 	snop;
	(pc) =	sbr.rel @p1 .LBB2_226-.Ltmp118, $4  }
0x4b3: {  	s0 =	sadd.s32 $0x80, s0  }
0x4b4: {  	s16 =	sand.u32 $0x70, s1;
	s17 =	sand.u32 $0x1C00, s0  }
0x4b5: {  	s16 =	sor.u32 s16, s17  }
0x4b6: {  	s1 =	sadd.s32 $0x10, s1;
	[tilespmem:s16+$0xA780] =	vst v6  }
0x4b7: {  	s0 =	simm.s32 $0x0  }
0x4b8: {  	v6 =	vbroadcast v5, $0xC;
	s1 =	sand.u32 $0x70, s0;
	s16 =	sand.u32 $0x1C00, s0  }
0x4b9: {  	s16 =	sor.u32 s1, s16  }
0x4ba: {  	s1 =	simm.s32 $0x10;
	[tilespmem:s16+$0xA800] =	vst v6  }
.LBB2_228:
0x4bb: {  	p1 =	sne.s32 s1, $0x3F0  }
.Ltmp119:
0x4bc: {  	_ = 	snop;
	(pc) =	sbr.rel @p1 .LBB2_228-.Ltmp119, $4  }
0x4bd: {  	s0 =	sadd.s32 $0x80, s0  }
0x4be: {  	s16 =	sand.u32 $0x70, s1;
	s17 =	sand.u32 $0x1C00, s0  }
0x4bf: {  	s16 =	sor.u32 s16, s17  }
0x4c0: {  	s1 =	sadd.s32 $0x10, s1;
	[tilespmem:s16+$0xA800] =	vst v6  }
0x4c1: {  	s0 =	simm.s32 $0x0  }
0x4c2: {  	v6 =	vbroadcast v5, $0xD;
	s1 =	sand.u32 $0x70, s0;
	s16 =	sand.u32 $0x1C00, s0  }
0x4c3: {  	s16 =	sor.u32 s1, s16  }
0x4c4: {  	s1 =	simm.s32 $0x10;
	[tilespmem:s16+$0xA880] =	vst v6  }
.LBB2_230:
0x4c5: {  	p1 =	sne.s32 s1, $0x3F0  }
.Ltmp120:
0x4c6: {  	_ = 	snop;
	(pc) =	sbr.rel @p1 .LBB2_230-.Ltmp120, $4  }
0x4c7: {  	s0 =	sadd.s32 $0x80, s0  }
0x4c8: {  	s16 =	sand.u32 $0x70, s1;
	s17 =	sand.u32 $0x1C00, s0  }
0x4c9: {  	s16 =	sor.u32 s16, s17  }
0x4ca: {  	s1 =	sadd.s32 $0x10, s1;
	[tilespmem:s16+$0xA880] =	vst v6  }
0x4cb: {  	s0 =	simm.s32 $0x0  }
0x4cc: {  	v6 =	vbroadcast v5, $0xE;
	s1 =	sand.u32 $0x70, s0;
	s16 =	sand.u32 $0x1C00, s0  }
0x4cd: {  	s16 =	sor.u32 s1, s16  }
0x4ce: {  	s1 =	simm.s32 $0x10;
	[tilespmem:s16+$0xA900] =	vst v6  }
.LBB2_232:
0x4cf: {  	p1 =	sne.s32 s1, $0x3F0  }
.Ltmp121:
0x4d0: {  	_ = 	snop;
	(pc) =	sbr.rel @p1 .LBB2_232-.Ltmp121, $4  }
0x4d1: {  	s0 =	sadd.s32 $0x80, s0  }
0x4d2: {  	s16 =	sand.u32 $0x70, s1;
	s17 =	sand.u32 $0x1C00, s0  }
0x4d3: {  	s16 =	sor.u32 s16, s17  }
0x4d4: {  	s1 =	sadd.s32 $0x10, s1;
	[tilespmem:s16+$0xA900] =	vst v6  }
0x4d5: {  	s0 =	simm.s32 $0x0  }
0x4d6: {  	v5 =	vbroadcast v5, $0xF;
	s1 =	sand.u32 $0x70, s0;
	s16 =	sand.u32 $0x1C00, s0  }
0x4d7: {  	s16 =	sor.u32 s1, s16  }
0x4d8: {  	s1 =	simm.s32 $0x10;
	[tilespmem:s16+$0xA980] =	vst v5  }
.LBB2_234:
0x4d9: {  	p1 =	sne.s32 s1, $0x3F0  }
.Ltmp122:
0x4da: {  	_ = 	snop;
	(pc) =	sbr.rel @p1 .LBB2_234-.Ltmp122, $4  }
0x4db: {  	s0 =	sadd.s32 $0x80, s0  }
0x4dc: {  	s16 =	sand.u32 $0x70, s1;
	s17 =	sand.u32 $0x1C00, s0  }
0x4dd: {  	s16 =	sor.u32 s16, s17  }
0x4de: {  	s1 =	sadd.s32 $0x10, s1;
	[tilespmem:s16+$0xA980] =	vst v5  }
0x4df: {  	v4 =	vadd.s32 v3, v4;
	_ =	sdelay $0x3  }
0x4e0: {  	s0 =	simm.s32 $0x0  }
0x4e1: {  	v4 =	vld.idx.msk [tilespmem:v4+s0+$0x0], $0xffff;
	_ =	sdelay $0x4  }
0x4e2: {  	s1 =	sand.u32 $0x70, s0;
	s16 =	sand.u32 $0x1C00, s0;
	v5 =	vbroadcast v4, $0x0  }
0x4e3: {  	s16 =	sor.u32 s1, s16  }
0x4e4: {  	s1 =	simm.s32 $0x10;
	[tilespmem:s16+$0xC600] =	vst v5  }
.LBB2_236:
0x4e5: {  	p1 =	sne.s32 s1, $0x3F0  }
.Ltmp123:
0x4e6: {  	_ = 	snop;
	(pc) =	sbr.rel @p1 .LBB2_236-.Ltmp123, $4  }
0x4e7: {  	s0 =	sadd.s32 $0x80, s0  }
0x4e8: {  	s16 =	sand.u32 $0x70, s1;
	s17 =	sand.u32 $0x1C00, s0  }
0x4e9: {  	s16 =	sor.u32 s16, s17  }
0x4ea: {  	s1 =	sadd.s32 $0x10, s1;
	[tilespmem:s16+$0xC600] =	vst v5  }
0x4eb: {  	s0 =	simm.s32 $0x0  }
0x4ec: {  	v5 =	vbroadcast v4, $0x1;
	s1 =	sand.u32 $0x70, s0;
	s16 =	sand.u32 $0x1C00, s0  }
0x4ed: {  	s16 =	sor.u32 s1, s16  }
0x4ee: {  	s1 =	simm.s32 $0x10;
	[tilespmem:s16+$0xC680] =	vst v5  }
.LBB2_238:
0x4ef: {  	p1 =	sne.s32 s1, $0x3F0  }
.Ltmp124:
0x4f0: {  	_ = 	snop;
	(pc) =	sbr.rel @p1 .LBB2_238-.Ltmp124, $4  }
0x4f1: {  	s0 =	sadd.s32 $0x80, s0  }
0x4f2: {  	s16 =	sand.u32 $0x70, s1;
	s17 =	sand.u32 $0x1C00, s0  }
0x4f3: {  	s16 =	sor.u32 s16, s17  }
0x4f4: {  	s1 =	sadd.s32 $0x10, s1;
	[tilespmem:s16+$0xC680] =	vst v5  }
0x4f5: {  	s0 =	simm.s32 $0x0  }
0x4f6: {  	v5 =	vbroadcast v4, $0x2;
	s1 =	sand.u32 $0x70, s0;
	s16 =	sand.u32 $0x1C00, s0  }
0x4f7: {  	s16 =	sor.u32 s1, s16  }
0x4f8: {  	s1 =	simm.s32 $0x10;
	[tilespmem:s16+$0xC700] =	vst v5  }
.LBB2_240:
0x4f9: {  	p1 =	sne.s32 s1, $0x3F0  }
.Ltmp125:
0x4fa: {  	_ = 	snop;
	(pc) =	sbr.rel @p1 .LBB2_240-.Ltmp125, $4  }
0x4fb: {  	s0 =	sadd.s32 $0x80, s0  }
0x4fc: {  	s16 =	sand.u32 $0x70, s1;
	s17 =	sand.u32 $0x1C00, s0  }
0x4fd: {  	s16 =	sor.u32 s16, s17  }
0x4fe: {  	s1 =	sadd.s32 $0x10, s1;
	[tilespmem:s16+$0xC700] =	vst v5  }
0x4ff: {  	s0 =	simm.s32 $0x0  }
0x500: {  	v5 =	vbroadcast v4, $0x3;
	s1 =	sand.u32 $0x70, s0;
	s16 =	sand.u32 $0x1C00, s0  }
0x501: {  	s16 =	sor.u32 s1, s16  }
0x502: {  	s1 =	simm.s32 $0x10;
	[tilespmem:s16+$0xC780] =	vst v5  }
.LBB2_242:
0x503: {  	p1 =	sne.s32 s1, $0x3F0  }
.Ltmp126:
0x504: {  	_ = 	snop;
	(pc) =	sbr.rel @p1 .LBB2_242-.Ltmp126, $4  }
0x505: {  	s0 =	sadd.s32 $0x80, s0  }
0x506: {  	s16 =	sand.u32 $0x70, s1;
	s17 =	sand.u32 $0x1C00, s0  }
0x507: {  	s16 =	sor.u32 s16, s17  }
0x508: {  	s1 =	sadd.s32 $0x10, s1;
	[tilespmem:s16+$0xC780] =	vst v5  }
0x509: {  	s0 =	simm.s32 $0x0  }
0x50a: {  	v5 =	vbroadcast v4, $0x4;
	s1 =	sand.u32 $0x70, s0;
	s16 =	sand.u32 $0x1C00, s0  }
0x50b: {  	s16 =	sor.u32 s1, s16  }
0x50c: {  	s1 =	simm.s32 $0x10;
	[tilespmem:s16+$0xC800] =	vst v5  }
.LBB2_244:
0x50d: {  	p1 =	sne.s32 s1, $0x3F0  }
.Ltmp127:
0x50e: {  	_ = 	snop;
	(pc) =	sbr.rel @p1 .LBB2_244-.Ltmp127, $4  }
0x50f: {  	s0 =	sadd.s32 $0x80, s0  }
0x510: {  	s16 =	sand.u32 $0x70, s1;
	s17 =	sand.u32 $0x1C00, s0  }
0x511: {  	s16 =	sor.u32 s16, s17  }
0x512: {  	s1 =	sadd.s32 $0x10, s1;
	[tilespmem:s16+$0xC800] =	vst v5  }
0x513: {  	s0 =	simm.s32 $0x0  }
0x514: {  	v5 =	vbroadcast v4, $0x5;
	s1 =	sand.u32 $0x70, s0;
	s16 =	sand.u32 $0x1C00, s0  }
0x515: {  	s16 =	sor.u32 s1, s16  }
0x516: {  	s1 =	simm.s32 $0x10;
	[tilespmem:s16+$0xC880] =	vst v5  }
.LBB2_246:
0x517: {  	p1 =	sne.s32 s1, $0x3F0  }
.Ltmp128:
0x518: {  	_ = 	snop;
	(pc) =	sbr.rel @p1 .LBB2_246-.Ltmp128, $4  }
0x519: {  	s0 =	sadd.s32 $0x80, s0  }
0x51a: {  	s16 =	sand.u32 $0x70, s1;
	s17 =	sand.u32 $0x1C00, s0  }
0x51b: {  	s16 =	sor.u32 s16, s17  }
0x51c: {  	s1 =	sadd.s32 $0x10, s1;
	[tilespmem:s16+$0xC880] =	vst v5  }
0x51d: {  	s0 =	simm.s32 $0x0  }
0x51e: {  	v5 =	vbroadcast v4, $0x6;
	s1 =	sand.u32 $0x70, s0;
	s16 =	sand.u32 $0x1C00, s0  }
0x51f: {  	s16 =	sor.u32 s1, s16  }
0x520: {  	s1 =	simm.s32 $0x10;
	[tilespmem:s16+$0xC900] =	vst v5  }
.LBB2_248:
0x521: {  	p1 =	sne.s32 s1, $0x3F0  }
.Ltmp129:
0x522: {  	_ = 	snop;
	(pc) =	sbr.rel @p1 .LBB2_248-.Ltmp129, $4  }
0x523: {  	s0 =	sadd.s32 $0x80, s0  }
0x524: {  	s16 =	sand.u32 $0x70, s1;
	s17 =	sand.u32 $0x1C00, s0  }
0x525: {  	s16 =	sor.u32 s16, s17  }
0x526: {  	s1 =	sadd.s32 $0x10, s1;
	[tilespmem:s16+$0xC900] =	vst v5  }
0x527: {  	s0 =	simm.s32 $0x0  }
0x528: {  	v5 =	vbroadcast v4, $0x7;
	s1 =	sand.u32 $0x70, s0;
	s16 =	sand.u32 $0x1C00, s0  }
0x529: {  	s16 =	sor.u32 s1, s16  }
0x52a: {  	s1 =	simm.s32 $0x10;
	[tilespmem:s16+$0xC980] =	vst v5  }
.LBB2_250:
0x52b: {  	p1 =	sne.s32 s1, $0x3F0  }
.Ltmp130:
0x52c: {  	_ = 	snop;
	(pc) =	sbr.rel @p1 .LBB2_250-.Ltmp130, $4  }
0x52d: {  	s0 =	sadd.s32 $0x80, s0  }
0x52e: {  	s16 =	sand.u32 $0x70, s1;
	s17 =	sand.u32 $0x1C00, s0  }
0x52f: {  	s16 =	sor.u32 s16, s17  }
0x530: {  	s1 =	sadd.s32 $0x10, s1;
	[tilespmem:s16+$0xC980] =	vst v5  }
0x531: {  	s0 =	simm.s32 $0x0  }
0x532: {  	v5 =	vbroadcast v4, $0x8;
	s1 =	sand.u32 $0x70, s0;
	s16 =	sand.u32 $0x1C00, s0  }
0x533: {  	s16 =	sor.u32 s1, s16  }
0x534: {  	s1 =	simm.s32 $0x10;
	[tilespmem:s16+$0xE600] =	vst v5  }
.LBB2_252:
0x535: {  	p1 =	sne.s32 s1, $0x3F0  }
.Ltmp131:
0x536: {  	_ = 	snop;
	(pc) =	sbr.rel @p1 .LBB2_252-.Ltmp131, $4  }
0x537: {  	s0 =	sadd.s32 $0x80, s0  }
0x538: {  	s16 =	sand.u32 $0x70, s1;
	s17 =	sand.u32 $0x1C00, s0  }
0x539: {  	s16 =	sor.u32 s16, s17  }
0x53a: {  	s1 =	sadd.s32 $0x10, s1;
	[tilespmem:s16+$0xE600] =	vst v5  }
0x53b: {  	s0 =	simm.s32 $0x0  }
0x53c: {  	v5 =	vbroadcast v4, $0x9;
	s1 =	sand.u32 $0x70, s0;
	s16 =	sand.u32 $0x1C00, s0  }
0x53d: {  	s16 =	sor.u32 s1, s16  }
0x53e: {  	s1 =	simm.s32 $0x10;
	[tilespmem:s16+$0xE680] =	vst v5  }
.LBB2_254:
0x53f: {  	p1 =	sne.s32 s1, $0x3F0  }
.Ltmp132:
0x540: {  	_ = 	snop;
	(pc) =	sbr.rel @p1 .LBB2_254-.Ltmp132, $4  }
0x541: {  	s0 =	sadd.s32 $0x80, s0  }
0x542: {  	s16 =	sand.u32 $0x70, s1;
	s17 =	sand.u32 $0x1C00, s0  }
0x543: {  	s16 =	sor.u32 s16, s17  }
0x544: {  	s1 =	sadd.s32 $0x10, s1;
	[tilespmem:s16+$0xE680] =	vst v5  }
0x545: {  	s0 =	simm.s32 $0x0  }
0x546: {  	v5 =	vbroadcast v4, $0xA;
	s1 =	sand.u32 $0x70, s0;
	s16 =	sand.u32 $0x1C00, s0  }
0x547: {  	s16 =	sor.u32 s1, s16  }
0x548: {  	s1 =	simm.s32 $0x10;
	[tilespmem:s16+$0xE700] =	vst v5  }
.LBB2_256:
0x549: {  	p1 =	sne.s32 s1, $0x3F0  }
.Ltmp133:
0x54a: {  	_ = 	snop;
	(pc) =	sbr.rel @p1 .LBB2_256-.Ltmp133, $4  }
0x54b: {  	s0 =	sadd.s32 $0x80, s0  }
0x54c: {  	s16 =	sand.u32 $0x70, s1;
	s17 =	sand.u32 $0x1C00, s0  }
0x54d: {  	s16 =	sor.u32 s16, s17  }
0x54e: {  	s1 =	sadd.s32 $0x10, s1;
	[tilespmem:s16+$0xE700] =	vst v5  }
0x54f: {  	s0 =	simm.s32 $0x0  }
0x550: {  	v5 =	vbroadcast v4, $0xB;
	s1 =	sand.u32 $0x70, s0;
	s16 =	sand.u32 $0x1C00, s0  }
0x551: {  	s16 =	sor.u32 s1, s16  }
0x552: {  	s1 =	simm.s32 $0x10;
	[tilespmem:s16+$0xE780] =	vst v5  }
.LBB2_258:
0x553: {  	p1 =	sne.s32 s1, $0x3F0  }
.Ltmp134:
0x554: {  	_ = 	snop;
	(pc) =	sbr.rel @p1 .LBB2_258-.Ltmp134, $4  }
0x555: {  	s0 =	sadd.s32 $0x80, s0  }
0x556: {  	s16 =	sand.u32 $0x70, s1;
	s17 =	sand.u32 $0x1C00, s0  }
0x557: {  	s16 =	sor.u32 s16, s17  }
0x558: {  	s1 =	sadd.s32 $0x10, s1;
	[tilespmem:s16+$0xE780] =	vst v5  }
0x559: {  	s0 =	simm.s32 $0x0  }
0x55a: {  	v5 =	vbroadcast v4, $0xC;
	s1 =	sand.u32 $0x70, s0;
	s16 =	sand.u32 $0x1C00, s0  }
0x55b: {  	s16 =	sor.u32 s1, s16  }
0x55c: {  	s1 =	simm.s32 $0x10;
	[tilespmem:s16+$0xE800] =	vst v5  }
.LBB2_260:
0x55d: {  	p1 =	sne.s32 s1, $0x3F0  }
.Ltmp135:
0x55e: {  	_ = 	snop;
	(pc) =	sbr.rel @p1 .LBB2_260-.Ltmp135, $4  }
0x55f: {  	s0 =	sadd.s32 $0x80, s0  }
0x560: {  	s16 =	sand.u32 $0x70, s1;
	s17 =	sand.u32 $0x1C00, s0  }
0x561: {  	s16 =	sor.u32 s16, s17  }
0x562: {  	s1 =	sadd.s32 $0x10, s1;
	[tilespmem:s16+$0xE800] =	vst v5  }
0x563: {  	s0 =	simm.s32 $0x0  }
0x564: {  	v5 =	vbroadcast v4, $0xD;
	s1 =	sand.u32 $0x70, s0;
	s16 =	sand.u32 $0x1C00, s0  }
0x565: {  	s16 =	sor.u32 s1, s16  }
0x566: {  	s1 =	simm.s32 $0x10;
	[tilespmem:s16+$0xE880] =	vst v5  }
.LBB2_262:
0x567: {  	p1 =	sne.s32 s1, $0x3F0  }
.Ltmp136:
0x568: {  	_ = 	snop;
	(pc) =	sbr.rel @p1 .LBB2_262-.Ltmp136, $4  }
0x569: {  	s0 =	sadd.s32 $0x80, s0  }
0x56a: {  	s16 =	sand.u32 $0x70, s1;
	s17 =	sand.u32 $0x1C00, s0  }
0x56b: {  	s16 =	sor.u32 s16, s17  }
0x56c: {  	s1 =	sadd.s32 $0x10, s1;
	[tilespmem:s16+$0xE880] =	vst v5  }
0x56d: {  	s0 =	simm.s32 $0x0  }
0x56e: {  	v5 =	vbroadcast v4, $0xE;
	s1 =	sand.u32 $0x70, s0;
	s16 =	sand.u32 $0x1C00, s0  }
0x56f: {  	s16 =	sor.u32 s1, s16  }
0x570: {  	s1 =	simm.s32 $0x10;
	[tilespmem:s16+$0xE900] =	vst v5  }
.LBB2_264:
0x571: {  	p1 =	sne.s32 s1, $0x3F0  }
.Ltmp137:
0x572: {  	_ = 	snop;
	(pc) =	sbr.rel @p1 .LBB2_264-.Ltmp137, $4  }
0x573: {  	s0 =	sadd.s32 $0x80, s0  }
0x574: {  	s16 =	sand.u32 $0x70, s1;
	s17 =	sand.u32 $0x1C00, s0  }
0x575: {  	s16 =	sor.u32 s16, s17  }
0x576: {  	s1 =	sadd.s32 $0x10, s1;
	[tilespmem:s16+$0xE900] =	vst v5  }
0x577: {  	s0 =	simm.s32 $0x0  }
0x578: {  	v4 =	vbroadcast v4, $0xF;
	s1 =	sand.u32 $0x70, s0;
	s16 =	sand.u32 $0x1C00, s0  }
0x579: {  	s16 =	sor.u32 s1, s16  }
0x57a: {  	s1 =	simm.s32 $0x10;
	[tilespmem:s16+$0xE980] =	vst v4  }
.LBB2_266:
0x57b: {  	p1 =	sne.s32 s1, $0x3F0  }
.Ltmp138:
0x57c: {  	_ = 	snop;
	(pc) =	sbr.rel @p1 .LBB2_266-.Ltmp138, $4  }
0x57d: {  	s0 =	sadd.s32 $0x80, s0  }
0x57e: {  	s16 =	sand.u32 $0x70, s1;
	s17 =	sand.u32 $0x1C00, s0  }
0x57f: {  	s16 =	sor.u32 s16, s17  }
0x580: {  	s1 =	sadd.s32 $0x10, s1;
	[tilespmem:s16+$0xE980] =	vst v4  }
.LBB2_267:
0x581: {  	p1 =	seq.s32 s24, s25  }
.Ltmp139:
0x582: {  	_ = 	snop;
	(pc) =	sbr.rel @p1 .LBB2_271-.Ltmp139, $2  }
0x583: {  	_ =	sdelay $0x2  }
0x584: {  	s24 =	simm.s32 $0x0;
	s25 =	simm.s32 $0x0  }
.LBB2_268:
0x585: {  	s0 =	sshll.u32 s25, $0x4  }
0x586: {  	v6 =	vld [tilespmem:s0+$0x200];
	_ =	sdelay $0x6  }
0x587: {  	s0 =	sand.u32 $0x70, s0  }
0x588: {  	s1 =	sshll.u32 s25, $0x7;
	v4 =	vmov s0;
	v5 =	vadd.s32 $0x8, v6;
	v6 =	vld.idx.msk [tilespmem:v6+s3+$0x0], $0xffff  }
0x589: {  	s26 =	sand.u32 $0xC00, s1;
	v7 =	vadd.s32 s24, v5  }
0x58a: {  	s30 =	sand.u32 $0xE000, s24;
	s26 =	sadd.s32 $0x600, s26  }
0x58b: {  	s31 =	sand.u32 $0x380, s24;
	s0 =	sor.u32 s30, s26  }
0x58c: {  	s0 =	sadd.s32 s31, s0  }
0x58d: {  	s29 =	simm.s32 $0x8;
	[tilespmem:v4+s0+$0x0 ss:$0x1] =	vst.idx.msk $0xffff, v6  }
0x58e: {  	s28 =	simm.s32 $0x0;
	s1 =	simm.s32 $0x10;
	s0 =	simm.s32 $0x0;
	v6 =	vld.idx.msk [tilespmem:v7+s3+$0x0], $0xffff  }
.LBB2_269:
0x58f: {  	p1 =	sne.s32 s1, $0x1F8  }
0x590: {  	v7 =	vadd.s32 s29, v5;
	s0 =	sadd.s32 $0x400, s0;
	s29 =	smov.u32 s1  }
.Ltmp140:
0x591: {  	s28 =	sadd.s32 $0x80, s28;
	s16 =	sand.u32 $0xE000, s0;
	(pc) =	sbr.rel @p1 .LBB2_269-.Ltmp140, $4  }
0x592: {  	s17 =	sand.u32 $0x380, s28;
	s16 =	sor.u32 s16, s26  }
0x593: {  	s16 =	sadd.s32 s17, s16  }
0x594: {  	[tilespmem:v4+s16+$0x0 ss:$0x1] =	vst.idx.msk $0xffff, v6  }
0x595: {  	s1 =	sadd.s32 $0x8, s1;
	v6 =	vld.idx.msk [tilespmem:v7+s3+$0x0], $0xffff  }
0x596: {  	s25 =	sadd.s32 $0x1, s25  }
0x597: {  	p1 =	sne.s32 s25, $0x20  }
.Ltmp141:
0x598: {  	s0 =	sadd.s32 $0x400, s0;
	(pc) =	sbr.rel @p1 .LBB2_268-.Ltmp141, $4  }
.Ltmp142:
0x599: {  	s1 =	sadd.s32 $0x80, s28;
	s0 =	sand.u32 $0xE000, s0;
	(pc) =	sbr.rel @!p1 .LBB2_271-.Ltmp142, $4  }
0x59a: {  	s1 =	sand.u32 $0x380, s1;
	s0 =	sor.u32 s0, s26  }
0x59b: {  	s0 =	sadd.s32 s1, s0  }
0x59c: {  	[tilespmem:v4+s0+$0x0 ss:$0x1] =	vst.idx.msk $0xffff, v6  }
0x59d: {  	_ = 	snop  }
.LBB2_273:
0x59e: {  	_ =	sfence.sel $0x180000  }
0x59f: {  	[bflag:$0x0] =	sbarrier.arrive $0xFFFF  }
0x5a0: {  	_ =	strace $0x90000047  }
0x5a1: {  	s0 =	stileid.u32;
	[bflag:$0x2] =	sbarrier.arrive $0xFFFF  }
0x5a2: {  	p0 =	sne.s32 s0, $0x0;
	s0 =	rddreg [dreg:$0x2]  }
0x5a3: {  	s0 =	sadd.s32 @!p0 $0x100000, s0  }
0x5a4: {  	[sflag:s0] =	ssyncadd.tile.s32 @!p0 $0x1;
	_ =	shalt  }
.Lfunc_end2:
_tile_overlayer_lowered:
.L_overlay_start_2:
0x5a5: {  	(tag) =	ssettag $0x2  }
0x5a6: {  	s0 =	rddreg [dreg:$0x0];
	s2 =	stileid.u32  }
0x5a7: {  	s1 =	rddreg [dreg:$0x1];
	p0 =	sne.s32 s2, $0x0  }
0x5a8: {  	s3 =	rddreg [dreg:$0x2];
	[bflag:$0x3] =	sbarrier.arrive $0xFFFF;
	s2 =	simm.s32 @!p0 $0x1C01  }
0x5a9: {  	[timem:s3], [sflag:s2] =	dma.local @!p0 [hbm:s0], s1  }
0x5aa: {  	s0 =	simm.s32 @!p0 $0x1  }
0x5ab: {  	_ =	swait.ge @!p0 [sflag:s0], s1  }
0x5ac: {  	s1 =	ssub.s32 @!p0 $0x0, s1;
	[sflag:s0] =	ssyncset.done @!p0 $0x0  }
0x5ad: {  	[sflag:s0] =	ssyncadd.s32 @!p0 s1  }
0x5ae: {  	[bflag:$0x3] =	sbarrier.arrive $0xFFFF  }
0x5af: {  	_ =	shalt  }

</sc_bundles>
